<compile_context>
chip_gen: v7x
topology: tpu7x:2x2x1
jax: 0.10.2.dev20260603
libtpu: 0.0.44.dev20260713+nightly
codegen_flags: <defaults>
</compile_context>

<pallas_src>
import jax
import jax.numpy as jnp
from jax import lax
from jax.experimental import pallas as pl
from jax.experimental.pallas import tpu as pltpu
from jax.experimental.pallas import tpu_sc as plsc

N_NODES = 10000
N_EDGES = 160000
IN_DIM = 256
HID_DIM = 512
OUT_DIM = 128

NC = 2
NS = 16
NW = NC * NS
EPW = N_EDGES // NW
EB = 50
NBLK = EPW // EB
NPAD = 10240
RPT = NPAD // NS
ZR = 128

_mesh = plsc.VectorSubcoreMesh(
    core_axis_name="c", subcore_axis_name="s", num_cores=NC, num_subcores=NS)



def _deg_body(dst_hbm, out_hbm, didx, ones, acc):
    c = lax.axis_index("c")
    s = lax.axis_index("s")
    wid = s * NC + c

    one16 = jnp.ones((16,), jnp.float32)
    zero16 = jnp.zeros((16,), jnp.float32)

    def fillz(i, carry):
        for k in range(8):
            ones[i, pl.ds(16 * k, 16)] = zero16
        return carry
    lax.fori_loop(0, EB, fillz, 0)
    for k in range(RPT // EB):
        pltpu.sync_copy(ones, acc.at[pl.ds(s * RPT + k * EB, EB)])
    pltpu.sync_copy(ones.at[pl.ds(0, RPT % EB)],
                    acc.at[pl.ds(s * RPT + (RPT // EB) * EB, RPT % EB)])

    def fill(i, carry):
        for k in range(8):
            ones[i, pl.ds(16 * k, 16)] = one16
        return carry
    lax.fori_loop(0, EB, fill, 0)
    plsc.subcore_barrier()

    pltpu.sync_copy(dst_hbm.at[wid], didx)

    def step(j, carry):
        pltpu.sync_copy(ones, acc.at[didx.at[j]], add=True)
        return carry
    lax.fori_loop(0, NBLK, step, 0)
    plsc.subcore_barrier()

    pltpu.sync_copy(acc.at[pl.ds(s * RPT, RPT)],
                    out_hbm.at[pl.ds(c * NPAD + s * RPT, RPT)])


_deg_call = pl.kernel(
    _deg_body,
    out_type=jax.ShapeDtypeStruct((NC * NPAD, 128), jnp.float32),
    mesh=_mesh,
    scratch_types=[
        pltpu.VMEM((NBLK, EB), jnp.int32),
        pltpu.VMEM((EB, 128), jnp.float32),
        pltpu.VMEM_SHARED((NPAD, 128), jnp.float32),
    ],
)


def _make_agg(P):

    def body(*refs):
        tabs = refs[:P]
        src_hbm, dst_hbm = refs[P], refs[P + 1]
        out_hbm = refs[P + 2]
        sidx, didx = refs[P + 3], refs[P + 4]
        rows0, rows1 = refs[P + 5], refs[P + 6]
        acc = refs[P + 7]
        sem0, sem1 = refs[P + 8], refs[P + 9]

        c = lax.axis_index("c")
        s = lax.axis_index("s")
        wid = s * NC + c

        zero16 = jnp.zeros((16,), jnp.float32)

        pltpu.sync_copy(src_hbm.at[wid], sidx)
        pltpu.sync_copy(dst_hbm.at[wid], didx)

        for p in range(P):
            def fillz(i, carry):
                for k in range(8):
                    rows0[i, pl.ds(16 * k, 16)] = zero16
                return carry
            lax.fori_loop(0, EB, fillz, 0)
            for k in range(RPT // EB):
                pltpu.sync_copy(rows0, acc.at[pl.ds(s * RPT + k * EB, EB)])
            pltpu.sync_copy(rows0.at[pl.ds(0, RPT % EB)],
                            acc.at[pl.ds(s * RPT + (RPT // EB) * EB, RPT % EB)])
            plsc.subcore_barrier()

            pltpu.async_copy(tabs[p].at[sidx.at[0]], rows0, sem0)

            def step(i, carry):
                j = 2 * i
                pltpu.async_copy(tabs[p].at[sidx.at[j + 1]], rows1, sem1)
                pltpu.make_async_copy(tabs[p].at[sidx.at[j]], rows0, sem0).wait()
                pltpu.sync_copy(rows0, acc.at[didx.at[j]], add=True)

                @pl.when(j + 2 < NBLK)
                def _():
                    pltpu.async_copy(tabs[p].at[sidx.at[j + 2]], rows0, sem0)
                pltpu.make_async_copy(tabs[p].at[sidx.at[j + 1]], rows1, sem1).wait()
                pltpu.sync_copy(rows1, acc.at[didx.at[j + 1]], add=True)
                return carry
            lax.fori_loop(0, NBLK // 2, step, 0)
            plsc.subcore_barrier()

            pltpu.sync_copy(
                acc.at[pl.ds(s * RPT, RPT)],
                out_hbm.at[pl.ds((c * P + p) * NPAD + s * RPT, RPT)])

    return pl.kernel(
        body,
        out_type=jax.ShapeDtypeStruct((NC * P * NPAD, 128), jnp.float32),
        mesh=_mesh,
        scratch_types=[
            pltpu.VMEM((NBLK, EB), jnp.int32),
            pltpu.VMEM((NBLK, EB), jnp.int32),
            pltpu.VMEM((EB, 128), jnp.float32),
            pltpu.VMEM((EB, 128), jnp.float32),
            pltpu.VMEM_SHARED((NPAD, 128), jnp.float32),
            pltpu.SemaphoreType.DMA,
            pltpu.SemaphoreType.DMA,
        ],
    )


_agg2_call = _make_agg(2)
_agg4_call = _make_agg(4)



BN = 1000


def _k0_body(p3, x, xs0, xs1):
    dinv = lax.rsqrt(1.0 + p3[0][:, 0:1] + p3[1][:, 0:1])
    xs0[...] = x[:, :128] * dinv
    xs1[...] = x[:, 128:] * dinv


_k0_call = pl.pallas_call(
    _k0_body,
    grid=(N_NODES // BN,),
    in_specs=[
        pl.BlockSpec((2, BN, 128), lambda i: (0, i, 0)),
        pl.BlockSpec((BN, IN_DIM), lambda i: (i, 0)),
    ],
    out_specs=[pl.BlockSpec((BN, 128), lambda i: (i, 0))] * 2,
    out_shape=[jax.ShapeDtypeStruct((N_NODES, 128), jnp.float32)] * 2,
)


def _k1_body(y, xs0, xs1, p3, w1, b1, *hs):
    dinv = lax.rsqrt(1.0 + p3[0][:, 0:1] + p3[1][:, 0:1])
    zl = dinv * (y[0] + y[2] + xs0[...])
    zr = dinv * (y[1] + y[3] + xs1[...])
    z = jnp.concatenate([zl, zr], axis=1)
    h = jnp.dot(z, w1[...],
                preferred_element_type=jnp.float32) + b1[...]
    h = dinv * jnp.maximum(h, 0.0)
    for p in range(4):
        hs[p][...] = h[:, 128 * p:128 * (p + 1)]


_k1_call = pl.pallas_call(
    _k1_body,
    grid=(N_NODES // BN,),
    in_specs=[
        pl.BlockSpec((4, BN, 128), lambda i: (0, i, 0)),
        pl.BlockSpec((BN, 128), lambda i: (i, 0)),
        pl.BlockSpec((BN, 128), lambda i: (i, 0)),
        pl.BlockSpec((2, BN, 128), lambda i: (0, i, 0)),
        pl.BlockSpec((IN_DIM, HID_DIM), lambda i: (0, 0)),
        pl.BlockSpec((1, HID_DIM), lambda i: (0, 0)),
    ],
    out_specs=[pl.BlockSpec((BN, 128), lambda i: (i, 0))] * 4,
    out_shape=[jax.ShapeDtypeStruct((N_NODES, 128), jnp.float32)] * 4,
)


def _k2_body(y, hs0, hs1, hs2, hs3, p3, w2, b2, wfc, bfc, out):
    dinv = lax.rsqrt(1.0 + p3[0][:, 0:1] + p3[1][:, 0:1])
    hs = (hs0, hs1, hs2, hs3)
    zs = [dinv * (y[p] + y[4 + p] + hs[p][...]) for p in range(4)]
    z = jnp.concatenate(zs, axis=1)
    h = jnp.dot(z, w2[...],
                preferred_element_type=jnp.float32) + b2[...]
    h = jnp.maximum(h, 0.0)
    out[...] = jnp.dot(h, wfc[...],
                       preferred_element_type=jnp.float32) + bfc[...]


_k2_call = pl.pallas_call(
    _k2_body,
    grid=(N_NODES // BN,),
    in_specs=[
        pl.BlockSpec((8, BN, 128), lambda i: (0, i, 0)),
        pl.BlockSpec((BN, 128), lambda i: (i, 0)),
        pl.BlockSpec((BN, 128), lambda i: (i, 0)),
        pl.BlockSpec((BN, 128), lambda i: (i, 0)),
        pl.BlockSpec((BN, 128), lambda i: (i, 0)),
        pl.BlockSpec((2, BN, 128), lambda i: (0, i, 0)),
        pl.BlockSpec((HID_DIM, HID_DIM), lambda i: (0, 0)),
        pl.BlockSpec((1, HID_DIM), lambda i: (0, 0)),
        pl.BlockSpec((HID_DIM, OUT_DIM), lambda i: (0, 0)),
        pl.BlockSpec((1, OUT_DIM), lambda i: (0, 0)),
    ],
    out_specs=pl.BlockSpec((BN, OUT_DIM), lambda i: (i, 0)),
    out_shape=jax.ShapeDtypeStruct((N_NODES, OUT_DIM), jnp.float32),
)



def kernel(x, edge_index, output_size, W1, b1, W2, b2, Wfc, bfc):
    ei = edge_index.astype(jnp.int32)
    src3 = ei[0].reshape(NW, NBLK, EB)
    dst3 = ei[1].reshape(NW, NBLK, EB)

    p3 = _deg_call(dst3).reshape(NC, NPAD, 128)

    xs0, xs1 = _k0_call(p3, x)
    y1 = _agg2_call(xs0, xs1, src3, dst3)
    hs = _k1_call(y1.reshape(4, NPAD, 128), xs0, xs1, p3,
                  W1, b1.reshape(1, HID_DIM))
    y2 = _agg4_call(hs[0], hs[1], hs[2], hs[3], src3, dst3)
    return _k2_call(y2.reshape(8, NPAD, 128), hs[0], hs[1], hs[2], hs[3], p3,
                    W2, b2.reshape(1, HID_DIM), Wfc, bfc.reshape(1, OUT_DIM))

# --- scband reference (transcript-rebuilt; emitter-appended) ---
"""Pipeline reference for scband-dynamic-gcn-38800734552217 (READ-ONLY COPY).

The authoritative reference and input builder live on the scoring server;
editing this copy changes nothing except your own understanding.
"""

import jax, jax.numpy as jnp
import numpy as np

N_NODES = 10000
N_EDGES = 160000
IN_DIM = 256
HID_DIM = 512
OUT_SIZE = 128


def gcn_layer(x, edge_index, W, b):
    N = x.shape[0]
    h = x @ W
    # add self-loops (PyG GCNConv default)
    loop = jnp.arange(N, dtype=edge_index.dtype)
    src = jnp.concatenate([edge_index[0], loop])
    dst = jnp.concatenate([edge_index[1], loop])
    ones = jnp.ones(src.shape[0], dtype=h.dtype)
    deg = jax.ops.segment_sum(ones, dst, num_segments=N)
    dinv = jnp.where(deg > 0, 1.0 / jnp.sqrt(deg), 0.0)
    norm = dinv[src] * dinv[dst]
    msgs = jnp.take(h, src, axis=0) * norm[:, None]
    out = jax.ops.segment_sum(msgs, dst, num_segments=N)
    return out + b


def setup_inputs(seed: int = 0) -> dict:
    key = jax.random.key(seed)
    ks = jax.random.split(key, 8)
    x = jax.random.normal(ks[0], (N_NODES, IN_DIM), dtype=jnp.float32)
    edge_index = jax.random.randint(ks[1], (2, N_EDGES), 0, N_NODES, dtype=jnp.int64)
    W1 = jax.random.normal(ks[2], (IN_DIM, HID_DIM), dtype=jnp.float32) * 0.05
    b1 = jnp.zeros((HID_DIM,), dtype=jnp.float32)
    W2 = jax.random.normal(ks[3], (HID_DIM, HID_DIM), dtype=jnp.float32) * 0.05
    b2 = jnp.zeros((HID_DIM,), dtype=jnp.float32)
    Wfc = jax.random.normal(ks[4], (HID_DIM, OUT_SIZE), dtype=jnp.float32) * 0.05
    bfc = jnp.zeros((OUT_SIZE,), dtype=jnp.float32)
    return {"x": x, "edge_index": edge_index, "output_size": OUT_SIZE,
            "W1": W1, "b1": b1, "W2": W2, "b2": b2, "Wfc": Wfc, "bfc": bfc}


def reference(x, edge_index, output_size, W1, b1, W2, b2, Wfc, bfc):
    h = jax.nn.relu(gcn_layer(x, edge_index, W1, b1))
    h = jax.nn.relu(gcn_layer(h, edge_index, W2, b2))
    # fc is (re)created each forward in the torch code; here its weights are
    # materialized in setup_inputs with shape [hidden_dim, output_size]
    return h @ Wfc + bfc

if __name__ == "__main__":
    import jax
    _d = setup_inputs()
    print(jax.jit(kernel)(*tuple(_d.values())))

</pallas_src>

<mosaic_0001>
#map = affine_map<(d0, d1) -> (0, 0, 0)>
#map1 = affine_map<(d0, d1) -> (0, 0)>
module attributes {stable_mosaic.version = 14 : i64} {
  func.func @_deg_body(%arg0: i32, %arg1: i32, %arg2: memref<32x100x50xi32, #tpu.memory_space<hbm>>, %arg3: memref<20480x128xf32, #tpu.memory_space<hbm>>, %arg4: memref<100x50xi32, #tpu.memory_space<vmem>>, %arg5: memref<50x128xf32, #tpu.memory_space<vmem>>, %arg6: memref<10240x128xf32, #tpu.memory_space<vmem_shared>>) attributes {dimension_semantics = [#tpu.dimension_semantics<core_parallel>, #tpu.dimension_semantics<subcore_parallel>], iteration_bounds = array<i64: 2, 16>, scalar_prefetch = 0 : i64, scratch_operands = 3 : i64, tpu.core_type = #tpu.core_type<sc_vector_subcore>, window_params = [{transform_indices = #map}, {transform_indices = #map1}]} {
    %mul3A = arith.constant 2 : i32
    %mul3A_0 = arith.muli %arg1, %mul3A : i32
    %add3A = arith.addi %mul3A_0, %arg0 : i32
    %broadcast_in_dim3A = arith.constant 1.000000e+00 : f32
    %broadcast_in_dim3A_1 = vector.broadcast %broadcast_in_dim3A : f32 to vector<16xf32>
    %broadcast_in_dim3A_2 = arith.constant 0.000000e+00 : f32
    %broadcast_in_dim3A_3 = vector.broadcast %broadcast_in_dim3A_2 : f32 to vector<16xf32>
    %scan3A = arith.constant 0 : i32
    %scan3A_4 = arith.constant 0 : i32
    %scan3A_5 = arith.constant 50 : i32
    %scan3A_6 = arith.addi %scan3A_4, %scan3A_5 : i32
    %scan3A_7 = arith.constant 1 : i32
    scf.for %scan3A_81 = %scan3A_4 to %scan3A_6 step %scan3A_7  : i32 {
      %swap3A = arith.index_cast %scan3A_81 : i32 to index
      %swap3A_82 = arith.constant 0 : index
      %swap3A_83 = tpu.vector_load %arg5[%swap3A, %swap3A_82] {strides = array<i32>} : memref<50x128xf32, #tpu.memory_space<vmem>>, vector<1x16xf32>,
      %swap3A_84 = vector.shape_cast %swap3A_83 : vector<1x16xf32> to vector<16xf32>
      %swap3A_85 = vector.shape_cast %broadcast_in_dim3A_3 : vector<16xf32> to vector<1x16xf32>
      tpu.vector_store %arg5[%swap3A, %swap3A_82], %swap3A_85 {strides = array<i32>} : memref<50x128xf32, #tpu.memory_space<vmem>>, vector<1x16xf32>,
      %swap3A_86 = arith.index_cast %scan3A_81 : i32 to index
      %swap3A_87 = arith.constant 16 : index
      %swap3A_88 = tpu.vector_load %arg5[%swap3A_86, %swap3A_87] {strides = array<i32>} : memref<50x128xf32, #tpu.memory_space<vmem>>, vector<1x16xf32>,
      %swap3A_89 = vector.shape_cast %swap3A_88 : vector<1x16xf32> to vector<16xf32>
      %swap3A_90 = vector.shape_cast %broadcast_in_dim3A_3 : vector<16xf32> to vector<1x16xf32>
      tpu.vector_store %arg5[%swap3A_86, %swap3A_87], %swap3A_90 {strides = array<i32>} : memref<50x128xf32, #tpu.memory_space<vmem>>, vector<1x16xf32>,
      %swap3A_91 = arith.index_cast %scan3A_81 : i32 to index
      %swap3A_92 = arith.constant 32 : index
      %swap3A_93 = tpu.vector_load %arg5[%swap3A_91, %swap3A_92] {strides = array<i32>} : memref<50x128xf32, #tpu.memory_space<vmem>>, vector<1x16xf32>,
      %swap3A_94 = vector.shape_cast %swap3A_93 : vector<1x16xf32> to vector<16xf32>
      %swap3A_95 = vector.shape_cast %broadcast_in_dim3A_3 : vector<16xf32> to vector<1x16xf32>
      tpu.vector_store %arg5[%swap3A_91, %swap3A_92], %swap3A_95 {strides = array<i32>} : memref<50x128xf32, #tpu.memory_space<vmem>>, vector<1x16xf32>,
      %swap3A_96 = arith.index_cast %scan3A_81 : i32 to index
      %swap3A_97 = arith.constant 48 : index
      %swap3A_98 = tpu.vector_load %arg5[%swap3A_96, %swap3A_97] {strides = array<i32>} : memref<50x128xf32, #tpu.memory_space<vmem>>, vector<1x16xf32>,
      %swap3A_99 = vector.shape_cast %swap3A_98 : vector<1x16xf32> to vector<16xf32>
      %swap3A_100 = vector.shape_cast %broadcast_in_dim3A_3 : vector<16xf32> to vector<1x16xf32>
      tpu.vector_store %arg5[%swap3A_96, %swap3A_97], %swap3A_100 {strides = array<i32>} : memref<50x128xf32, #tpu.memory_space<vmem>>, vector<1x16xf32>,
      %swap3A_101 = arith.index_cast %scan3A_81 : i32 to index
      %swap3A_102 = arith.constant 64 : index
      %swap3A_103 = tpu.vector_load %arg5[%swap3A_101, %swap3A_102] {strides = array<i32>} : memref<50x128xf32, #tpu.memory_space<vmem>>, vector<1x16xf32>,
      %swap3A_104 = vector.shape_cast %swap3A_103 : vector<1x16xf32> to vector<16xf32>
      %swap3A_105 = vector.shape_cast %broadcast_in_dim3A_3 : vector<16xf32> to vector<1x16xf32>
      tpu.vector_store %arg5[%swap3A_101, %swap3A_102], %swap3A_105 {strides = array<i32>} : memref<50x128xf32, #tpu.memory_space<vmem>>, vector<1x16xf32>,
      %swap3A_106 = arith.index_cast %scan3A_81 : i32 to index
      %swap3A_107 = arith.constant 80 : index
      %swap3A_108 = tpu.vector_load %arg5[%swap3A_106, %swap3A_107] {strides = array<i32>} : memref<50x128xf32, #tpu.memory_space<vmem>>, vector<1x16xf32>,
      %swap3A_109 = vector.shape_cast %swap3A_108 : vector<1x16xf32> to vector<16xf32>
      %swap3A_110 = vector.shape_cast %broadcast_in_dim3A_3 : vector<16xf32> to vector<1x16xf32>
      tpu.vector_store %arg5[%swap3A_106, %swap3A_107], %swap3A_110 {strides = array<i32>} : memref<50x128xf32, #tpu.memory_space<vmem>>, vector<1x16xf32>,
      %swap3A_111 = arith.index_cast %scan3A_81 : i32 to index
      %swap3A_112 = arith.constant 96 : index
      %swap3A_113 = tpu.vector_load %arg5[%swap3A_111, %swap3A_112] {strides = array<i32>} : memref<50x128xf32, #tpu.memory_space<vmem>>, vector<1x16xf32>,
      %swap3A_114 = vector.shape_cast %swap3A_113 : vector<1x16xf32> to vector<16xf32>
      %swap3A_115 = vector.shape_cast %broadcast_in_dim3A_3 : vector<16xf32> to vector<1x16xf32>
      tpu.vector_store %arg5[%swap3A_111, %swap3A_112], %swap3A_115 {strides = array<i32>} : memref<50x128xf32, #tpu.memory_space<vmem>>, vector<1x16xf32>,
      %swap3A_116 = arith.index_cast %scan3A_81 : i32 to index
      %swap3A_117 = arith.constant 112 : index
      %swap3A_118 = tpu.vector_load %arg5[%swap3A_116, %swap3A_117] {strides = array<i32>} : memref<50x128xf32, #tpu.memory_space<vmem>>, vector<1x16xf32>,
      %swap3A_119 = vector.shape_cast %swap3A_118 : vector<1x16xf32> to vector<16xf32>
      %swap3A_120 = vector.shape_cast %broadcast_in_dim3A_3 : vector<16xf32> to vector<1x16xf32>
      tpu.vector_store %arg5[%swap3A_116, %swap3A_117], %swap3A_120 {strides = array<i32>} : memref<50x128xf32, #tpu.memory_space<vmem>>, vector<1x16xf32>,
    }
    %scan3A_8 = arith.constant 50 : i32
    %mul3A_9 = arith.constant 640 : i32
    %mul3A_10 = arith.muli %arg1, %mul3A_9 : i32
    %add3A_11 = arith.constant 0 : i32
    %add3A_12 = arith.addi %mul3A_10, %add3A_11 : i32
    "tpu.region"() ({
      %run_scoped3A = tpu.sem_alloc : memref<!tpu.dma_semaphore, #tpu.memory_space<semaphore_mem>>
      %dma_start3A = arith.constant 0 : i32
      %dma_start3A_81 = tpu.memref_slice %arg6[%add3A_12, %dma_start3A] : memref<10240x128xf32, #tpu.memory_space<vmem_shared>> -> memref<50x128xf32, #tpu.memory_space<vmem_shared>>
      %dma_start3A_82 = arith.constant 0 : i32
      %dma_start3A_83 = tpu.memref_slice %arg6[%add3A_12, %dma_start3A_82] : memref<10240x128xf32, #tpu.memory_space<vmem_shared>> -> memref<50x128xf32, #tpu.memory_space<vmem_shared>>
      tpu.enqueue_dma source(%arg5 : memref<50x128xf32, #tpu.memory_space<vmem>>) target(%dma_start3A_83 : memref<50x128xf32, #tpu.memory_space<vmem_shared>>) target_semaphore(%run_scoped3A : memref<!tpu.dma_semaphore, #tpu.memory_space<semaphore_mem>>)
      %dma_wait3A = arith.constant 0 : i32
      %dma_wait3A_84 = tpu.memref_slice %arg6[%add3A_12, %dma_wait3A] : memref<10240x128xf32, #tpu.memory_space<vmem_shared>> -> memref<50x128xf32, #tpu.memory_space<vmem_shared>>
      %dma_wait3A_85 = arith.constant 0 : i32
      %dma_wait3A_86 = tpu.memref_slice %arg6[%add3A_12, %dma_wait3A_85] : memref<10240x128xf32, #tpu.memory_space<vmem_shared>> -> memref<50x128xf32, #tpu.memory_space<vmem_shared>>
      tpu.wait_dma2 semaphore(%run_scoped3A : memref<!tpu.dma_semaphore, #tpu.memory_space<semaphore_mem>>) src(%arg5 : memref<50x128xf32, #tpu.memory_space<vmem>>) dst(%dma_wait3A_86 : memref<50x128xf32, #tpu.memory_space<vmem_shared>>)
      tpu.yield
    }) : () -> ()
    %mul3A_13 = arith.constant 640 : i32
    %mul3A_14 = arith.muli %arg1, %mul3A_13 : i32
    %add3A_15 = arith.constant 50 : i32
    %add3A_16 = arith.addi %mul3A_14, %add3A_15 : i32
    "tpu.region"() ({
      %run_scoped3A = tpu.sem_alloc : memref<!tpu.dma_semaphore, #tpu.memory_space<semaphore_mem>>
      %dma_start3A = arith.constant 0 : i32
      %dma_start3A_81 = tpu.memref_slice %arg6[%add3A_16, %dma_start3A] : memref<10240x128xf32, #tpu.memory_space<vmem_shared>> -> memref<50x128xf32, #tpu.memory_space<vmem_shared>>
      %dma_start3A_82 = arith.constant 0 : i32
      %dma_start3A_83 = tpu.memref_slice %arg6[%add3A_16, %dma_start3A_82] : memref<10240x128xf32, #tpu.memory_space<vmem_shared>> -> memref<50x128xf32, #tpu.memory_space<vmem_shared>>
      tpu.enqueue_dma source(%arg5 : memref<50x128xf32, #tpu.memory_space<vmem>>) target(%dma_start3A_83 : memref<50x128xf32, #tpu.memory_space<vmem_shared>>) target_semaphore(%run_scoped3A : memref<!tpu.dma_semaphore, #tpu.memory_space<semaphore_mem>>)
      %dma_wait3A = arith.constant 0 : i32
      %dma_wait3A_84 = tpu.memref_slice %arg6[%add3A_16, %dma_wait3A] : memref<10240x128xf32, #tpu.memory_space<vmem_shared>> -> memref<50x128xf32, #tpu.memory_space<vmem_shared>>
      %dma_wait3A_85 = arith.constant 0 : i32
      %dma_wait3A_86 = tpu.memref_slice %arg6[%add3A_16, %dma_wait3A_85] : memref<10240x128xf32, #tpu.memory_space<vmem_shared>> -> memref<50x128xf32, #tpu.memory_space<vmem_shared>>
      tpu.wait_dma2 semaphore(%run_scoped3A : memref<!tpu.dma_semaphore, #tpu.memory_space<semaphore_mem>>) src(%arg5 : memref<50x128xf32, #tpu.memory_space<vmem>>) dst(%dma_wait3A_86 : memref<50x128xf32, #tpu.memory_space<vmem_shared>>)
      tpu.yield
    }) : () -> ()
    %mul3A_17 = arith.constant 640 : i32
    %mul3A_18 = arith.muli %arg1, %mul3A_17 : i32
    %add3A_19 = arith.constant 100 : i32
    %add3A_20 = arith.addi %mul3A_18, %add3A_19 : i32
    "tpu.region"() ({
      %run_scoped3A = tpu.sem_alloc : memref<!tpu.dma_semaphore, #tpu.memory_space<semaphore_mem>>
      %dma_start3A = arith.constant 0 : i32
      %dma_start3A_81 = tpu.memref_slice %arg6[%add3A_20, %dma_start3A] : memref<10240x128xf32, #tpu.memory_space<vmem_shared>> -> memref<50x128xf32, #tpu.memory_space<vmem_shared>>
      %dma_start3A_82 = arith.constant 0 : i32
      %dma_start3A_83 = tpu.memref_slice %arg6[%add3A_20, %dma_start3A_82] : memref<10240x128xf32, #tpu.memory_space<vmem_shared>> -> memref<50x128xf32, #tpu.memory_space<vmem_shared>>
      tpu.enqueue_dma source(%arg5 : memref<50x128xf32, #tpu.memory_space<vmem>>) target(%dma_start3A_83 : memref<50x128xf32, #tpu.memory_space<vmem_shared>>) target_semaphore(%run_scoped3A : memref<!tpu.dma_semaphore, #tpu.memory_space<semaphore_mem>>)
      %dma_wait3A = arith.constant 0 : i32
      %dma_wait3A_84 = tpu.memref_slice %arg6[%add3A_20, %dma_wait3A] : memref<10240x128xf32, #tpu.memory_space<vmem_shared>> -> memref<50x128xf32, #tpu.memory_space<vmem_shared>>
      %dma_wait3A_85 = arith.constant 0 : i32
      %dma_wait3A_86 = tpu.memref_slice %arg6[%add3A_20, %dma_wait3A_85] : memref<10240x128xf32, #tpu.memory_space<vmem_shared>> -> memref<50x128xf32, #tpu.memory_space<vmem_shared>>
      tpu.wait_dma2 semaphore(%run_scoped3A : memref<!tpu.dma_semaphore, #tpu.memory_space<semaphore_mem>>) src(%arg5 : memref<50x128xf32, #tpu.memory_space<vmem>>) dst(%dma_wait3A_86 : memref<50x128xf32, #tpu.memory_space<vmem_shared>>)
      tpu.yield
    }) : () -> ()
    %mul3A_21 = arith.constant 640 : i32
    %mul3A_22 = arith.muli %arg1, %mul3A_21 : i32
    %add3A_23 = arith.constant 150 : i32
    %add3A_24 = arith.addi %mul3A_22, %add3A_23 : i32
    "tpu.region"() ({
      %run_scoped3A = tpu.sem_alloc : memref<!tpu.dma_semaphore, #tpu.memory_space<semaphore_mem>>
      %dma_start3A = arith.constant 0 : i32
      %dma_start3A_81 = tpu.memref_slice %arg6[%add3A_24, %dma_start3A] : memref<10240x128xf32, #tpu.memory_space<vmem_shared>> -> memref<50x128xf32, #tpu.memory_space<vmem_shared>>
      %dma_start3A_82 = arith.constant 0 : i32
      %dma_start3A_83 = tpu.memref_slice %arg6[%add3A_24, %dma_start3A_82] : memref<10240x128xf32, #tpu.memory_space<vmem_shared>> -> memref<50x128xf32, #tpu.memory_space<vmem_shared>>
      tpu.enqueue_dma source(%arg5 : memref<50x128xf32, #tpu.memory_space<vmem>>) target(%dma_start3A_83 : memref<50x128xf32, #tpu.memory_space<vmem_shared>>) target_semaphore(%run_scoped3A : memref<!tpu.dma_semaphore, #tpu.memory_space<semaphore_mem>>)
      %dma_wait3A = arith.constant 0 : i32
      %dma_wait3A_84 = tpu.memref_slice %arg6[%add3A_24, %dma_wait3A] : memref<10240x128xf32, #tpu.memory_space<vmem_shared>> -> memref<50x128xf32, #tpu.memory_space<vmem_shared>>
      %dma_wait3A_85 = arith.constant 0 : i32
      %dma_wait3A_86 = tpu.memref_slice %arg6[%add3A_24, %dma_wait3A_85] : memref<10240x128xf32, #tpu.memory_space<vmem_shared>> -> memref<50x128xf32, #tpu.memory_space<vmem_shared>>
      tpu.wait_dma2 semaphore(%run_scoped3A : memref<!tpu.dma_semaphore, #tpu.memory_space<semaphore_mem>>) src(%arg5 : memref<50x128xf32, #tpu.memory_space<vmem>>) dst(%dma_wait3A_86 : memref<50x128xf32, #tpu.memory_space<vmem_shared>>)
      tpu.yield
    }) : () -> ()
    %mul3A_25 = arith.constant 640 : i32
    %mul3A_26 = arith.muli %arg1, %mul3A_25 : i32
    %add3A_27 = arith.constant 200 : i32
    %add3A_28 = arith.addi %mul3A_26, %add3A_27 : i32
    "tpu.region"() ({
      %run_scoped3A = tpu.sem_alloc : memref<!tpu.dma_semaphore, #tpu.memory_space<semaphore_mem>>
      %dma_start3A = arith.constant 0 : i32
      %dma_start3A_81 = tpu.memref_slice %arg6[%add3A_28, %dma_start3A] : memref<10240x128xf32, #tpu.memory_space<vmem_shared>> -> memref<50x128xf32, #tpu.memory_space<vmem_shared>>
      %dma_start3A_82 = arith.constant 0 : i32
      %dma_start3A_83 = tpu.memref_slice %arg6[%add3A_28, %dma_start3A_82] : memref<10240x128xf32, #tpu.memory_space<vmem_shared>> -> memref<50x128xf32, #tpu.memory_space<vmem_shared>>
      tpu.enqueue_dma source(%arg5 : memref<50x128xf32, #tpu.memory_space<vmem>>) target(%dma_start3A_83 : memref<50x128xf32, #tpu.memory_space<vmem_shared>>) target_semaphore(%run_scoped3A : memref<!tpu.dma_semaphore, #tpu.memory_space<semaphore_mem>>)
      %dma_wait3A = arith.constant 0 : i32
      %dma_wait3A_84 = tpu.memref_slice %arg6[%add3A_28, %dma_wait3A] : memref<10240x128xf32, #tpu.memory_space<vmem_shared>> -> memref<50x128xf32, #tpu.memory_space<vmem_shared>>
      %dma_wait3A_85 = arith.constant 0 : i32
      %dma_wait3A_86 = tpu.memref_slice %arg6[%add3A_28, %dma_wait3A_85] : memref<10240x128xf32, #tpu.memory_space<vmem_shared>> -> memref<50x128xf32, #tpu.memory_space<vmem_shared>>
      tpu.wait_dma2 semaphore(%run_scoped3A : memref<!tpu.dma_semaphore, #tpu.memory_space<semaphore_mem>>) src(%arg5 : memref<50x128xf32, #tpu.memory_space<vmem>>) dst(%dma_wait3A_86 : memref<50x128xf32, #tpu.memory_space<vmem_shared>>)
      tpu.yield
    }) : () -> ()
    %mul3A_29 = arith.constant 640 : i32
    %mul3A_30 = arith.muli %arg1, %mul3A_29 : i32
    %add3A_31 = arith.constant 250 : i32
    %add3A_32 = arith.addi %mul3A_30, %add3A_31 : i32
    "tpu.region"() ({
      %run_scoped3A = tpu.sem_alloc : memref<!tpu.dma_semaphore, #tpu.memory_space<semaphore_mem>>
      %dma_start3A = arith.constant 0 : i32
      %dma_start3A_81 = tpu.memref_slice %arg6[%add3A_32, %dma_start3A] : memref<10240x128xf32, #tpu.memory_space<vmem_shared>> -> memref<50x128xf32, #tpu.memory_space<vmem_shared>>
      %dma_start3A_82 = arith.constant 0 : i32
      %dma_start3A_83 = tpu.memref_slice %arg6[%add3A_32, %dma_start3A_82] : memref<10240x128xf32, #tpu.memory_space<vmem_shared>> -> memref<50x128xf32, #tpu.memory_space<vmem_shared>>
      tpu.enqueue_dma source(%arg5 : memref<50x128xf32, #tpu.memory_space<vmem>>) target(%dma_start3A_83 : memref<50x128xf32, #tpu.memory_space<vmem_shared>>) target_semaphore(%run_scoped3A : memref<!tpu.dma_semaphore, #tpu.memory_space<semaphore_mem>>)
      %dma_wait3A = arith.constant 0 : i32
      %dma_wait3A_84 = tpu.memref_slice %arg6[%add3A_32, %dma_wait3A] : memref<10240x128xf32, #tpu.memory_space<vmem_shared>> -> memref<50x128xf32, #tpu.memory_space<vmem_shared>>
      %dma_wait3A_85 = arith.constant 0 : i32
      %dma_wait3A_86 = tpu.memref_slice %arg6[%add3A_32, %dma_wait3A_85] : memref<10240x128xf32, #tpu.memory_space<vmem_shared>> -> memref<50x128xf32, #tpu.memory_space<vmem_shared>>
      tpu.wait_dma2 semaphore(%run_scoped3A : memref<!tpu.dma_semaphore, #tpu.memory_space<semaphore_mem>>) src(%arg5 : memref<50x128xf32, #tpu.memory_space<vmem>>) dst(%dma_wait3A_86 : memref<50x128xf32, #tpu.memory_space<vmem_shared>>)
      tpu.yield
    }) : () -> ()
    %mul3A_33 = arith.constant 640 : i32
    %mul3A_34 = arith.muli %arg1, %mul3A_33 : i32
    %add3A_35 = arith.constant 300 : i32
    %add3A_36 = arith.addi %mul3A_34, %add3A_35 : i32
    "tpu.region"() ({
      %run_scoped3A = tpu.sem_alloc : memref<!tpu.dma_semaphore, #tpu.memory_space<semaphore_mem>>
      %dma_start3A = arith.constant 0 : i32
      %dma_start3A_81 = tpu.memref_slice %arg6[%add3A_36, %dma_start3A] : memref<10240x128xf32, #tpu.memory_space<vmem_shared>> -> memref<50x128xf32, #tpu.memory_space<vmem_shared>>
      %dma_start3A_82 = arith.constant 0 : i32
      %dma_start3A_83 = tpu.memref_slice %arg6[%add3A_36, %dma_start3A_82] : memref<10240x128xf32, #tpu.memory_space<vmem_shared>> -> memref<50x128xf32, #tpu.memory_space<vmem_shared>>
      tpu.enqueue_dma source(%arg5 : memref<50x128xf32, #tpu.memory_space<vmem>>) target(%dma_start3A_83 : memref<50x128xf32, #tpu.memory_space<vmem_shared>>) target_semaphore(%run_scoped3A : memref<!tpu.dma_semaphore, #tpu.memory_space<semaphore_mem>>)
      %dma_wait3A = arith.constant 0 : i32
      %dma_wait3A_84 = tpu.memref_slice %arg6[%add3A_36, %dma_wait3A] : memref<10240x128xf32, #tpu.memory_space<vmem_shared>> -> memref<50x128xf32, #tpu.memory_space<vmem_shared>>
      %dma_wait3A_85 = arith.constant 0 : i32
      %dma_wait3A_86 = tpu.memref_slice %arg6[%add3A_36, %dma_wait3A_85] : memref<10240x128xf32, #tpu.memory_space<vmem_shared>> -> memref<50x128xf32, #tpu.memory_space<vmem_shared>>
      tpu.wait_dma2 semaphore(%run_scoped3A : memref<!tpu.dma_semaphore, #tpu.memory_space<semaphore_mem>>) src(%arg5 : memref<50x128xf32, #tpu.memory_space<vmem>>) dst(%dma_wait3A_86 : memref<50x128xf32, #tpu.memory_space<vmem_shared>>)
      tpu.yield
    }) : () -> ()
    %mul3A_37 = arith.constant 640 : i32
    %mul3A_38 = arith.muli %arg1, %mul3A_37 : i32
    %add3A_39 = arith.constant 350 : i32
    %add3A_40 = arith.addi %mul3A_38, %add3A_39 : i32
    "tpu.region"() ({
      %run_scoped3A = tpu.sem_alloc : memref<!tpu.dma_semaphore, #tpu.memory_space<semaphore_mem>>
      %dma_start3A = arith.constant 0 : i32
      %dma_start3A_81 = tpu.memref_slice %arg6[%add3A_40, %dma_start3A] : memref<10240x128xf32, #tpu.memory_space<vmem_shared>> -> memref<50x128xf32, #tpu.memory_space<vmem_shared>>
      %dma_start3A_82 = arith.constant 0 : i32
      %dma_start3A_83 = tpu.memref_slice %arg6[%add3A_40, %dma_start3A_82] : memref<10240x128xf32, #tpu.memory_space<vmem_shared>> -> memref<50x128xf32, #tpu.memory_space<vmem_shared>>
      tpu.enqueue_dma source(%arg5 : memref<50x128xf32, #tpu.memory_space<vmem>>) target(%dma_start3A_83 : memref<50x128xf32, #tpu.memory_space<vmem_shared>>) target_semaphore(%run_scoped3A : memref<!tpu.dma_semaphore, #tpu.memory_space<semaphore_mem>>)
      %dma_wait3A = arith.constant 0 : i32
      %dma_wait3A_84 = tpu.memref_slice %arg6[%add3A_40, %dma_wait3A] : memref<10240x128xf32, #tpu.memory_space<vmem_shared>> -> memref<50x128xf32, #tpu.memory_space<vmem_shared>>
      %dma_wait3A_85 = arith.constant 0 : i32
      %dma_wait3A_86 = tpu.memref_slice %arg6[%add3A_40, %dma_wait3A_85] : memref<10240x128xf32, #tpu.memory_space<vmem_shared>> -> memref<50x128xf32, #tpu.memory_space<vmem_shared>>
      tpu.wait_dma2 semaphore(%run_scoped3A : memref<!tpu.dma_semaphore, #tpu.memory_space<semaphore_mem>>) src(%arg5 : memref<50x128xf32, #tpu.memory_space<vmem>>) dst(%dma_wait3A_86 : memref<50x128xf32, #tpu.memory_space<vmem_shared>>)
      tpu.yield
    }) : () -> ()
    %mul3A_41 = arith.constant 640 : i32
    %mul3A_42 = arith.muli %arg1, %mul3A_41 : i32
    %add3A_43 = arith.constant 400 : i32
    %add3A_44 = arith.addi %mul3A_42, %add3A_43 : i32
    "tpu.region"() ({
      %run_scoped3A = tpu.sem_alloc : memref<!tpu.dma_semaphore, #tpu.memory_space<semaphore_mem>>
      %dma_start3A = arith.constant 0 : i32
      %dma_start3A_81 = tpu.memref_slice %arg6[%add3A_44, %dma_start3A] : memref<10240x128xf32, #tpu.memory_space<vmem_shared>> -> memref<50x128xf32, #tpu.memory_space<vmem_shared>>
      %dma_start3A_82 = arith.constant 0 : i32
      %dma_start3A_83 = tpu.memref_slice %arg6[%add3A_44, %dma_start3A_82] : memref<10240x128xf32, #tpu.memory_space<vmem_shared>> -> memref<50x128xf32, #tpu.memory_space<vmem_shared>>
      tpu.enqueue_dma source(%arg5 : memref<50x128xf32, #tpu.memory_space<vmem>>) target(%dma_start3A_83 : memref<50x128xf32, #tpu.memory_space<vmem_shared>>) target_semaphore(%run_scoped3A : memref<!tpu.dma_semaphore, #tpu.memory_space<semaphore_mem>>)
      %dma_wait3A = arith.constant 0 : i32
      %dma_wait3A_84 = tpu.memref_slice %arg6[%add3A_44, %dma_wait3A] : memref<10240x128xf32, #tpu.memory_space<vmem_shared>> -> memref<50x128xf32, #tpu.memory_space<vmem_shared>>
      %dma_wait3A_85 = arith.constant 0 : i32
      %dma_wait3A_86 = tpu.memref_slice %arg6[%add3A_44, %dma_wait3A_85] : memref<10240x128xf32, #tpu.memory_space<vmem_shared>> -> memref<50x128xf32, #tpu.memory_space<vmem_shared>>
      tpu.wait_dma2 semaphore(%run_scoped3A : memref<!tpu.dma_semaphore, #tpu.memory_space<semaphore_mem>>) src(%arg5 : memref<50x128xf32, #tpu.memory_space<vmem>>) dst(%dma_wait3A_86 : memref<50x128xf32, #tpu.memory_space<vmem_shared>>)
      tpu.yield
    }) : () -> ()
    %mul3A_45 = arith.constant 640 : i32
    %mul3A_46 = arith.muli %arg1, %mul3A_45 : i32
    %add3A_47 = arith.constant 450 : i32
    %add3A_48 = arith.addi %mul3A_46, %add3A_47 : i32
    "tpu.region"() ({
      %run_scoped3A = tpu.sem_alloc : memref<!tpu.dma_semaphore, #tpu.memory_space<semaphore_mem>>
      %dma_start3A = arith.constant 0 : i32
      %dma_start3A_81 = tpu.memref_slice %arg6[%add3A_48, %dma_start3A] : memref<10240x128xf32, #tpu.memory_space<vmem_shared>> -> memref<50x128xf32, #tpu.memory_space<vmem_shared>>
      %dma_start3A_82 = arith.constant 0 : i32
      %dma_start3A_83 = tpu.memref_slice %arg6[%add3A_48, %dma_start3A_82] : memref<10240x128xf32, #tpu.memory_space<vmem_shared>> -> memref<50x128xf32, #tpu.memory_space<vmem_shared>>
      tpu.enqueue_dma source(%arg5 : memref<50x128xf32, #tpu.memory_space<vmem>>) target(%dma_start3A_83 : memref<50x128xf32, #tpu.memory_space<vmem_shared>>) target_semaphore(%run_scoped3A : memref<!tpu.dma_semaphore, #tpu.memory_space<semaphore_mem>>)
      %dma_wait3A = arith.constant 0 : i32
      %dma_wait3A_84 = tpu.memref_slice %arg6[%add3A_48, %dma_wait3A] : memref<10240x128xf32, #tpu.memory_space<vmem_shared>> -> memref<50x128xf32, #tpu.memory_space<vmem_shared>>
      %dma_wait3A_85 = arith.constant 0 : i32
      %dma_wait3A_86 = tpu.memref_slice %arg6[%add3A_48, %dma_wait3A_85] : memref<10240x128xf32, #tpu.memory_space<vmem_shared>> -> memref<50x128xf32, #tpu.memory_space<vmem_shared>>
      tpu.wait_dma2 semaphore(%run_scoped3A : memref<!tpu.dma_semaphore, #tpu.memory_space<semaphore_mem>>) src(%arg5 : memref<50x128xf32, #tpu.memory_space<vmem>>) dst(%dma_wait3A_86 : memref<50x128xf32, #tpu.memory_space<vmem_shared>>)
      tpu.yield
    }) : () -> ()
    %mul3A_49 = arith.constant 640 : i32
    %mul3A_50 = arith.muli %arg1, %mul3A_49 : i32
    %add3A_51 = arith.constant 500 : i32
    %add3A_52 = arith.addi %mul3A_50, %add3A_51 : i32
    "tpu.region"() ({
      %run_scoped3A = tpu.sem_alloc : memref<!tpu.dma_semaphore, #tpu.memory_space<semaphore_mem>>
      %dma_start3A = arith.constant 0 : i32
      %dma_start3A_81 = tpu.memref_slice %arg6[%add3A_52, %dma_start3A] : memref<10240x128xf32, #tpu.memory_space<vmem_shared>> -> memref<50x128xf32, #tpu.memory_space<vmem_shared>>
      %dma_start3A_82 = arith.constant 0 : i32
      %dma_start3A_83 = tpu.memref_slice %arg6[%add3A_52, %dma_start3A_82] : memref<10240x128xf32, #tpu.memory_space<vmem_shared>> -> memref<50x128xf32, #tpu.memory_space<vmem_shared>>
      tpu.enqueue_dma source(%arg5 : memref<50x128xf32, #tpu.memory_space<vmem>>) target(%dma_start3A_83 : memref<50x128xf32, #tpu.memory_space<vmem_shared>>) target_semaphore(%run_scoped3A : memref<!tpu.dma_semaphore, #tpu.memory_space<semaphore_mem>>)
      %dma_wait3A = arith.constant 0 : i32
      %dma_wait3A_84 = tpu.memref_slice %arg6[%add3A_52, %dma_wait3A] : memref<10240x128xf32, #tpu.memory_space<vmem_shared>> -> memref<50x128xf32, #tpu.memory_space<vmem_shared>>
      %dma_wait3A_85 = arith.constant 0 : i32
      %dma_wait3A_86 = tpu.memref_slice %arg6[%add3A_52, %dma_wait3A_85] : memref<10240x128xf32, #tpu.memory_space<vmem_shared>> -> memref<50x128xf32, #tpu.memory_space<vmem_shared>>
      tpu.wait_dma2 semaphore(%run_scoped3A : memref<!tpu.dma_semaphore, #tpu.memory_space<semaphore_mem>>) src(%arg5 : memref<50x128xf32, #tpu.memory_space<vmem>>) dst(%dma_wait3A_86 : memref<50x128xf32, #tpu.memory_space<vmem_shared>>)
      tpu.yield
    }) : () -> ()
    %mul3A_53 = arith.constant 640 : i32
    %mul3A_54 = arith.muli %arg1, %mul3A_53 : i32
    %add3A_55 = arith.constant 550 : i32
    %add3A_56 = arith.addi %mul3A_54, %add3A_55 : i32
    "tpu.region"() ({
      %run_scoped3A = tpu.sem_alloc : memref<!tpu.dma_semaphore, #tpu.memory_space<semaphore_mem>>
      %dma_start3A = arith.constant 0 : i32
      %dma_start3A_81 = tpu.memref_slice %arg6[%add3A_56, %dma_start3A] : memref<10240x128xf32, #tpu.memory_space<vmem_shared>> -> memref<50x128xf32, #tpu.memory_space<vmem_shared>>
      %dma_start3A_82 = arith.constant 0 : i32
      %dma_start3A_83 = tpu.memref_slice %arg6[%add3A_56, %dma_start3A_82] : memref<10240x128xf32, #tpu.memory_space<vmem_shared>> -> memref<50x128xf32, #tpu.memory_space<vmem_shared>>
      tpu.enqueue_dma source(%arg5 : memref<50x128xf32, #tpu.memory_space<vmem>>) target(%dma_start3A_83 : memref<50x128xf32, #tpu.memory_space<vmem_shared>>) target_semaphore(%run_scoped3A : memref<!tpu.dma_semaphore, #tpu.memory_space<semaphore_mem>>)
      %dma_wait3A = arith.constant 0 : i32
      %dma_wait3A_84 = tpu.memref_slice %arg6[%add3A_56, %dma_wait3A] : memref<10240x128xf32, #tpu.memory_space<vmem_shared>> -> memref<50x128xf32, #tpu.memory_space<vmem_shared>>
      %dma_wait3A_85 = arith.constant 0 : i32
      %dma_wait3A_86 = tpu.memref_slice %arg6[%add3A_56, %dma_wait3A_85] : memref<10240x128xf32, #tpu.memory_space<vmem_shared>> -> memref<50x128xf32, #tpu.memory_space<vmem_shared>>
      tpu.wait_dma2 semaphore(%run_scoped3A : memref<!tpu.dma_semaphore, #tpu.memory_space<semaphore_mem>>) src(%arg5 : memref<50x128xf32, #tpu.memory_space<vmem>>) dst(%dma_wait3A_86 : memref<50x128xf32, #tpu.memory_space<vmem_shared>>)
      tpu.yield
    }) : () -> ()
    %mul3A_57 = arith.constant 640 : i32
    %mul3A_58 = arith.muli %arg1, %mul3A_57 : i32
    %add3A_59 = arith.constant 600 : i32
    %add3A_60 = arith.addi %mul3A_58, %add3A_59 : i32
    "tpu.region"() ({
      %run_scoped3A = tpu.sem_alloc : memref<!tpu.dma_semaphore, #tpu.memory_space<semaphore_mem>>
      %dma_start3A = arith.constant 0 : i32
      %dma_start3A_81 = arith.constant 0 : i32
      %dma_start3A_82 = tpu.memref_slice %arg5[%dma_start3A, %dma_start3A_81] : memref<50x128xf32, #tpu.memory_space<vmem>> -> memref<40x128xf32, #tpu.memory_space<vmem>>
      %dma_start3A_83 = arith.constant 0 : i32
      %dma_start3A_84 = tpu.memref_slice %arg6[%add3A_60, %dma_start3A_83] : memref<10240x128xf32, #tpu.memory_space<vmem_shared>> -> memref<40x128xf32, #tpu.memory_space<vmem_shared>>
      %dma_start3A_85 = arith.constant 0 : i32
      %dma_start3A_86 = tpu.memref_slice %arg6[%add3A_60, %dma_start3A_85] : memref<10240x128xf32, #tpu.memory_space<vmem_shared>> -> memref<40x128xf32, #tpu.memory_space<vmem_shared>>
      %dma_start3A_87 = arith.constant 0 : i32
      %dma_start3A_88 = arith.constant 0 : i32
      %dma_start3A_89 = tpu.memref_slice %arg5[%dma_start3A_87, %dma_start3A_88] : memref<50x128xf32, #tpu.memory_space<vmem>> -> memref<40x128xf32, #tpu.memory_space<vmem>>
      tpu.enqueue_dma source(%dma_start3A_89 : memref<40x128xf32, #tpu.memory_space<vmem>>) target(%dma_start3A_86 : memref<40x128xf32, #tpu.memory_space<vmem_shared>>) target_semaphore(%run_scoped3A : memref<!tpu.dma_semaphore, #tpu.memory_space<semaphore_mem>>)
      %dma_wait3A = arith.constant 0 : i32
      %dma_wait3A_90 = arith.constant 0 : i32
      %dma_wait3A_91 = tpu.memref_slice %arg5[%dma_wait3A, %dma_wait3A_90] : memref<50x128xf32, #tpu.memory_space<vmem>> -> memref<40x128xf32, #tpu.memory_space<vmem>>
      %dma_wait3A_92 = arith.constant 0 : i32
      %dma_wait3A_93 = tpu.memref_slice %arg6[%add3A_60, %dma_wait3A_92] : memref<10240x128xf32, #tpu.memory_space<vmem_shared>> -> memref<40x128xf32, #tpu.memory_space<vmem_shared>>
      %dma_wait3A_94 = arith.constant 0 : i32
      %dma_wait3A_95 = tpu.memref_slice %arg6[%add3A_60, %dma_wait3A_94] : memref<10240x128xf32, #tpu.memory_space<vmem_shared>> -> memref<40x128xf32, #tpu.memory_space<vmem_shared>>
      %dma_wait3A_96 = arith.constant 0 : i32
      %dma_wait3A_97 = arith.constant 0 : i32
      %dma_wait3A_98 = tpu.memref_slice %arg5[%dma_wait3A_96, %dma_wait3A_97] : memref<50x128xf32, #tpu.memory_space<vmem>> -> memref<40x128xf32, #tpu.memory_space<vmem>>
      tpu.wait_dma2 semaphore(%run_scoped3A : memref<!tpu.dma_semaphore, #tpu.memory_space<semaphore_mem>>) src(%dma_wait3A_98 : memref<40x128xf32, #tpu.memory_space<vmem>>) dst(%dma_wait3A_95 : memref<40x128xf32, #tpu.memory_space<vmem_shared>>)
      tpu.yield
    }) : () -> ()
    %scan3A_61 = arith.constant 0 : i32
    %scan3A_62 = arith.constant 0 : i32
    %scan3A_63 = arith.constant 50 : i32
    %scan3A_64 = arith.addi %scan3A_62, %scan3A_63 : i32
    %scan3A_65 = arith.constant 1 : i32
    scf.for %scan3A_81 = %scan3A_62 to %scan3A_64 step %scan3A_65  : i32 {
      %swap3A = arith.index_cast %scan3A_81 : i32 to index
      %swap3A_82 = arith.constant 0 : index
      %swap3A_83 = tpu.vector_load %arg5[%swap3A, %swap3A_82] {strides = array<i32>} : memref<50x128xf32, #tpu.memory_space<vmem>>, vector<1x16xf32>,
      %swap3A_84 = vector.shape_cast %swap3A_83 : vector<1x16xf32> to vector<16xf32>
      %swap3A_85 = vector.shape_cast %broadcast_in_dim3A_1 : vector<16xf32> to vector<1x16xf32>
      tpu.vector_store %arg5[%swap3A, %swap3A_82], %swap3A_85 {strides = array<i32>} : memref<50x128xf32, #tpu.memory_space<vmem>>, vector<1x16xf32>,
      %swap3A_86 = arith.index_cast %scan3A_81 : i32 to index
      %swap3A_87 = arith.constant 16 : index
      %swap3A_88 = tpu.vector_load %arg5[%swap3A_86, %swap3A_87] {strides = array<i32>} : memref<50x128xf32, #tpu.memory_space<vmem>>, vector<1x16xf32>,
      %swap3A_89 = vector.shape_cast %swap3A_88 : vector<1x16xf32> to vector<16xf32>
      %swap3A_90 = vector.shape_cast %broadcast_in_dim3A_1 : vector<16xf32> to vector<1x16xf32>
      tpu.vector_store %arg5[%swap3A_86, %swap3A_87], %swap3A_90 {strides = array<i32>} : memref<50x128xf32, #tpu.memory_space<vmem>>, vector<1x16xf32>,
      %swap3A_91 = arith.index_cast %scan3A_81 : i32 to index
      %swap3A_92 = arith.constant 32 : index
      %swap3A_93 = tpu.vector_load %arg5[%swap3A_91, %swap3A_92] {strides = array<i32>} : memref<50x128xf32, #tpu.memory_space<vmem>>, vector<1x16xf32>,
      %swap3A_94 = vector.shape_cast %swap3A_93 : vector<1x16xf32> to vector<16xf32>
      %swap3A_95 = vector.shape_cast %broadcast_in_dim3A_1 : vector<16xf32> to vector<1x16xf32>
      tpu.vector_store %arg5[%swap3A_91, %swap3A_92], %swap3A_95 {strides = array<i32>} : memref<50x128xf32, #tpu.memory_space<vmem>>, vector<1x16xf32>,
      %swap3A_96 = arith.index_cast %scan3A_81 : i32 to index
      %swap3A_97 = arith.constant 48 : index
      %swap3A_98 = tpu.vector_load %arg5[%swap3A_96, %swap3A_97] {strides = array<i32>} : memref<50x128xf32, #tpu.memory_space<vmem>>, vector<1x16xf32>,
      %swap3A_99 = vector.shape_cast %swap3A_98 : vector<1x16xf32> to vector<16xf32>
      %swap3A_100 = vector.shape_cast %broadcast_in_dim3A_1 : vector<16xf32> to vector<1x16xf32>
      tpu.vector_store %arg5[%swap3A_96, %swap3A_97], %swap3A_100 {strides = array<i32>} : memref<50x128xf32, #tpu.memory_space<vmem>>, vector<1x16xf32>,
      %swap3A_101 = arith.index_cast %scan3A_81 : i32 to index
      %swap3A_102 = arith.constant 64 : index
      %swap3A_103 = tpu.vector_load %arg5[%swap3A_101, %swap3A_102] {strides = array<i32>} : memref<50x128xf32, #tpu.memory_space<vmem>>, vector<1x16xf32>,
      %swap3A_104 = vector.shape_cast %swap3A_103 : vector<1x16xf32> to vector<16xf32>
      %swap3A_105 = vector.shape_cast %broadcast_in_dim3A_1 : vector<16xf32> to vector<1x16xf32>
      tpu.vector_store %arg5[%swap3A_101, %swap3A_102], %swap3A_105 {strides = array<i32>} : memref<50x128xf32, #tpu.memory_space<vmem>>, vector<1x16xf32>,
      %swap3A_106 = arith.index_cast %scan3A_81 : i32 to index
      %swap3A_107 = arith.constant 80 : index
      %swap3A_108 = tpu.vector_load %arg5[%swap3A_106, %swap3A_107] {strides = array<i32>} : memref<50x128xf32, #tpu.memory_space<vmem>>, vector<1x16xf32>,
      %swap3A_109 = vector.shape_cast %swap3A_108 : vector<1x16xf32> to vector<16xf32>
      %swap3A_110 = vector.shape_cast %broadcast_in_dim3A_1 : vector<16xf32> to vector<1x16xf32>
      tpu.vector_store %arg5[%swap3A_106, %swap3A_107], %swap3A_110 {strides = array<i32>} : memref<50x128xf32, #tpu.memory_space<vmem>>, vector<1x16xf32>,
      %swap3A_111 = arith.index_cast %scan3A_81 : i32 to index
      %swap3A_112 = arith.constant 96 : index
      %swap3A_113 = tpu.vector_load %arg5[%swap3A_111, %swap3A_112] {strides = array<i32>} : memref<50x128xf32, #tpu.memory_space<vmem>>, vector<1x16xf32>,
      %swap3A_114 = vector.shape_cast %swap3A_113 : vector<1x16xf32> to vector<16xf32>
      %swap3A_115 = vector.shape_cast %broadcast_in_dim3A_1 : vector<16xf32> to vector<1x16xf32>
      tpu.vector_store %arg5[%swap3A_111, %swap3A_112], %swap3A_115 {strides = array<i32>} : memref<50x128xf32, #tpu.memory_space<vmem>>, vector<1x16xf32>,
      %swap3A_116 = arith.index_cast %scan3A_81 : i32 to index
      %swap3A_117 = arith.constant 112 : index
      %swap3A_118 = tpu.vector_load %arg5[%swap3A_116, %swap3A_117] {strides = array<i32>} : memref<50x128xf32, #tpu.memory_space<vmem>>, vector<1x16xf32>,
      %swap3A_119 = vector.shape_cast %swap3A_118 : vector<1x16xf32> to vector<16xf32>
      %swap3A_120 = vector.shape_cast %broadcast_in_dim3A_1 : vector<16xf32> to vector<1x16xf32>
      tpu.vector_store %arg5[%swap3A_116, %swap3A_117], %swap3A_120 {strides = array<i32>} : memref<50x128xf32, #tpu.memory_space<vmem>>, vector<1x16xf32>,
    }
    %scan3A_66 = arith.constant 50 : i32
    %barrier3A = arith.constant 0 : index
    tpu.barrier barrier_id(%barrier3A)
    "tpu.region"() ({
      %run_scoped3A = tpu.sem_alloc : memref<!tpu.dma_semaphore, #tpu.memory_space<semaphore_mem>>
      %dma_start3A = arith.constant 0 : i32
      %dma_start3A_81 = arith.constant 0 : i32
      %dma_start3A_82 = tpu.memref_slice %arg2[%add3A, %dma_start3A, %dma_start3A_81] : memref<32x100x50xi32, #tpu.memory_space<hbm>> -> memref<1x100x50xi32, #tpu.memory_space<hbm>>
      %dma_start3A_83 = tpu.memref_squeeze %dma_start3A_82 : memref<1x100x50xi32, #tpu.memory_space<hbm>> -> memref<100x50xi32, #tpu.memory_space<hbm>>
      %dma_start3A_84 = arith.constant 0 : i32
      %dma_start3A_85 = arith.constant 0 : i32
      %dma_start3A_86 = tpu.memref_slice %arg2[%add3A, %dma_start3A_84, %dma_start3A_85] : memref<32x100x50xi32, #tpu.memory_space<hbm>> -> memref<1x100x50xi32, #tpu.memory_space<hbm>>
      %dma_start3A_87 = tpu.memref_squeeze %dma_start3A_86 : memref<1x100x50xi32, #tpu.memory_space<hbm>> -> memref<100x50xi32, #tpu.memory_space<hbm>>
      tpu.enqueue_dma source(%dma_start3A_87 : memref<100x50xi32, #tpu.memory_space<hbm>>) target(%arg4 : memref<100x50xi32, #tpu.memory_space<vmem>>) target_semaphore(%run_scoped3A : memref<!tpu.dma_semaphore, #tpu.memory_space<semaphore_mem>>)
      %dma_wait3A = arith.constant 0 : i32
      %dma_wait3A_88 = arith.constant 0 : i32
      %dma_wait3A_89 = tpu.memref_slice %arg2[%add3A, %dma_wait3A, %dma_wait3A_88] : memref<32x100x50xi32, #tpu.memory_space<hbm>> -> memref<1x100x50xi32, #tpu.memory_space<hbm>>
      %dma_wait3A_90 = tpu.memref_squeeze %dma_wait3A_89 : memref<1x100x50xi32, #tpu.memory_space<hbm>> -> memref<100x50xi32, #tpu.memory_space<hbm>>
      %dma_wait3A_91 = arith.constant 0 : i32
      %dma_wait3A_92 = arith.constant 0 : i32
      %dma_wait3A_93 = tpu.memref_slice %arg2[%add3A, %dma_wait3A_91, %dma_wait3A_92] : memref<32x100x50xi32, #tpu.memory_space<hbm>> -> memref<1x100x50xi32, #tpu.memory_space<hbm>>
      %dma_wait3A_94 = tpu.memref_squeeze %dma_wait3A_93 : memref<1x100x50xi32, #tpu.memory_space<hbm>> -> memref<100x50xi32, #tpu.memory_space<hbm>>
      tpu.wait_dma2 semaphore(%run_scoped3A : memref<!tpu.dma_semaphore, #tpu.memory_space<semaphore_mem>>) src(%dma_wait3A_94 : memref<100x50xi32, #tpu.memory_space<hbm>>) dst(%arg4 : memref<100x50xi32, #tpu.memory_space<vmem>>)
      tpu.yield
    }) : () -> ()
    %scan3A_67 = arith.constant 0 : i32
    %scan3A_68 = arith.constant 0 : i32
    %scan3A_69 = arith.constant 100 : i32
    %scan3A_70 = arith.addi %scan3A_68, %scan3A_69 : i32
    %scan3A_71 = arith.constant 1 : i32
    scf.for %scan3A_81 = %scan3A_68 to %scan3A_70 step %scan3A_71  : i32 {
      "tpu.region"() ({
        %run_scoped3A = tpu.sem_alloc : memref<!tpu.dma_semaphore, #tpu.memory_space<semaphore_mem>>
        %dma_start3A = arith.constant 0 : i32
        %dma_start3A_82 = tpu.memref_slice %arg4[%scan3A_81, %dma_start3A] : memref<100x50xi32, #tpu.memory_space<vmem>> -> memref<1x50xi32, #tpu.memory_space<vmem>>
        %dma_start3A_83 = tpu.memref_squeeze %dma_start3A_82 : memref<1x50xi32, #tpu.memory_space<vmem>> -> memref<50xi32, #tpu.memory_space<vmem>>
        %dma_start3A_84 = arith.constant 0 : i32
        %dma_start3A_85 = arith.constant 0 : i32
        %dma_start3A_86 = tpu.memref_slice %arg6[%dma_start3A_84, %dma_start3A_85] : memref<10240x128xf32, #tpu.memory_space<vmem_shared>> -> memref<10240x128xf32, #tpu.memory_space<vmem_shared>>
        tpu.enqueue_indirect_dma source(%arg5 : memref<50x128xf32, #tpu.memory_space<vmem>>) target(%dma_start3A_86 : memref<10240x128xf32, #tpu.memory_space<vmem_shared>>) offsets(%dma_start3A_83 : memref<50xi32, #tpu.memory_space<vmem>>) semaphore(%run_scoped3A : memref<!tpu.dma_semaphore, #tpu.memory_space<semaphore_mem>>) {add = true}
        %dma_wait3A = arith.constant 0 : i32
        %dma_wait3A_87 = tpu.memref_slice %arg4[%scan3A_81, %dma_wait3A] : memref<100x50xi32, #tpu.memory_space<vmem>> -> memref<1x50xi32, #tpu.memory_space<vmem>>
        %dma_wait3A_88 = tpu.memref_squeeze %dma_wait3A_87 : memref<1x50xi32, #tpu.memory_space<vmem>> -> memref<50xi32, #tpu.memory_space<vmem>>
        %dma_wait3A_89 = arith.constant 0 : i32
        %dma_wait3A_90 = arith.constant 0 : i32
        %dma_wait3A_91 = tpu.memref_slice %arg6[%dma_wait3A_89, %dma_wait3A_90] : memref<10240x128xf32, #tpu.memory_space<vmem_shared>> -> memref<10240x128xf32, #tpu.memory_space<vmem_shared>>
        tpu.wait_indirect_dma semaphore(%run_scoped3A : memref<!tpu.dma_semaphore, #tpu.memory_space<semaphore_mem>>) src(%arg5 : memref<50x128xf32, #tpu.memory_space<vmem>>) dst(%dma_wait3A_91 : memref<10240x128xf32, #tpu.memory_space<vmem_shared>>)
        tpu.yield
      }) : () -> ()
    }
    %scan3A_72 = arith.constant 100 : i32
    %barrier3A_73 = arith.constant 0 : index
    tpu.barrier barrier_id(%barrier3A_73)
    %mul3A_74 = arith.constant 640 : i32
    %mul3A_75 = arith.muli %arg1, %mul3A_74 : i32
    %mul3A_76 = arith.constant 10240 : i32
    %mul3A_77 = arith.muli %arg0, %mul3A_76 : i32
    %mul3A_78 = arith.constant 640 : i32
    %mul3A_79 = arith.muli %arg1, %mul3A_78 : i32
    %add3A_80 = arith.addi %mul3A_77, %mul3A_79 : i32
    "tpu.region"() ({
      %run_scoped3A = tpu.sem_alloc : memref<!tpu.dma_semaphore, #tpu.memory_space<semaphore_mem>>
      %dma_start3A = arith.constant 0 : i32
      %dma_start3A_81 = tpu.memref_slice %arg3[%add3A_80, %dma_start3A] : memref<20480x128xf32, #tpu.memory_space<hbm>> -> memref<640x128xf32, #tpu.memory_space<hbm>>
      %dma_start3A_82 = arith.constant 0 : i32
      %dma_start3A_83 = tpu.memref_slice %arg6[%mul3A_75, %dma_start3A_82] : memref<10240x128xf32, #tpu.memory_space<vmem_shared>> -> memref<640x128xf32, #tpu.memory_space<vmem_shared>>
      tpu.enqueue_dma source(%dma_start3A_83 : memref<640x128xf32, #tpu.memory_space<vmem_shared>>) target(%dma_start3A_81 : memref<640x128xf32, #tpu.memory_space<hbm>>) target_semaphore(%run_scoped3A : memref<!tpu.dma_semaphore, #tpu.memory_space<semaphore_mem>>)
      %dma_wait3A = arith.constant 0 : i32
      %dma_wait3A_84 = tpu.memref_slice %arg3[%add3A_80, %dma_wait3A] : memref<20480x128xf32, #tpu.memory_space<hbm>> -> memref<640x128xf32, #tpu.memory_space<hbm>>
      %dma_wait3A_85 = arith.constant 0 : i32
      %dma_wait3A_86 = tpu.memref_slice %arg6[%mul3A_75, %dma_wait3A_85] : memref<10240x128xf32, #tpu.memory_space<vmem_shared>> -> memref<640x128xf32, #tpu.memory_space<vmem_shared>>
      tpu.wait_dma2 semaphore(%run_scoped3A : memref<!tpu.dma_semaphore, #tpu.memory_space<semaphore_mem>>) src(%dma_wait3A_86 : memref<640x128xf32, #tpu.memory_space<vmem_shared>>) dst(%dma_wait3A_84 : memref<640x128xf32, #tpu.memory_space<hbm>>)
      tpu.yield
    }) : () -> ()
    return
  }
}

#map = affine_map<(d0, d1) -> (0, 0)>
#map1 = affine_map<(d0, d1) -> (0, 0, 0)>
module attributes {stable_mosaic.version = 14 : i64} {
  func.func @body(%arg0: i32, %arg1: i32, %arg2: memref<10000x128xf32, #tpu.memory_space<hbm>>, %arg3: memref<10000x128xf32, #tpu.memory_space<hbm>>, %arg4: memref<32x100x50xi32, #tpu.memory_space<hbm>>, %arg5: memref<32x100x50xi32, #tpu.memory_space<hbm>>, %arg6: memref<40960x128xf32, #tpu.memory_space<hbm>>, %arg7: memref<100x50xi32, #tpu.memory_space<vmem>>, %arg8: memref<100x50xi32, #tpu.memory_space<vmem>>, %arg9: memref<50x128xf32, #tpu.memory_space<vmem>>, %arg10: memref<50x128xf32, #tpu.memory_space<vmem>>, %arg11: memref<10240x128xf32, #tpu.memory_space<vmem_shared>>, %arg12: memref<!tpu.dma_semaphore, #tpu.memory_space<semaphore_mem>>, %arg13: memref<!tpu.dma_semaphore, #tpu.memory_space<semaphore_mem>>) attributes {dimension_semantics = [#tpu.dimension_semantics<core_parallel>, #tpu.dimension_semantics<subcore_parallel>], iteration_bounds = array<i64: 2, 16>, scalar_prefetch = 0 : i64, scratch_operands = 7 : i64, tpu.core_type = #tpu.core_type<sc_vector_subcore>, window_params = [{transform_indices = #map}, {transform_indices = #map}, {transform_indices = #map1}, {transform_indices = #map1}, {transform_indices = #map}]} {
    %mul3A = arith.constant 2 : i32
    %mul3A_0 = arith.muli %arg1, %mul3A : i32
    %add3A = arith.addi %mul3A_0, %arg0 : i32
    %broadcast_in_dim3A = arith.constant 0.000000e+00 : f32
    %broadcast_in_dim3A_1 = vector.broadcast %broadcast_in_dim3A : f32 to vector<16xf32>
    "tpu.region"() ({
      %run_scoped3A = tpu.sem_alloc : memref<!tpu.dma_semaphore, #tpu.memory_space<semaphore_mem>>
      %dma_start3A_167 = arith.constant 0 : i32
      %dma_start3A_168 = arith.constant 0 : i32
      %dma_start3A_169 = tpu.memref_slice %arg4[%add3A, %dma_start3A_167, %dma_start3A_168] : memref<32x100x50xi32, #tpu.memory_space<hbm>> -> memref<1x100x50xi32, #tpu.memory_space<hbm>>
      %dma_start3A_170 = tpu.memref_squeeze %dma_start3A_169 : memref<1x100x50xi32, #tpu.memory_space<hbm>> -> memref<100x50xi32, #tpu.memory_space<hbm>>
      %dma_start3A_171 = arith.constant 0 : i32
      %dma_start3A_172 = arith.constant 0 : i32
      %dma_start3A_173 = tpu.memref_slice %arg4[%add3A, %dma_start3A_171, %dma_start3A_172] : memref<32x100x50xi32, #tpu.memory_space<hbm>> -> memref<1x100x50xi32, #tpu.memory_space<hbm>>
      %dma_start3A_174 = tpu.memref_squeeze %dma_start3A_173 : memref<1x100x50xi32, #tpu.memory_space<hbm>> -> memref<100x50xi32, #tpu.memory_space<hbm>>
      tpu.enqueue_dma source(%dma_start3A_174 : memref<100x50xi32, #tpu.memory_space<hbm>>) target(%arg7 : memref<100x50xi32, #tpu.memory_space<vmem>>) target_semaphore(%run_scoped3A : memref<!tpu.dma_semaphore, #tpu.memory_space<semaphore_mem>>)
      %dma_wait3A = arith.constant 0 : i32
      %dma_wait3A_175 = arith.constant 0 : i32
      %dma_wait3A_176 = tpu.memref_slice %arg4[%add3A, %dma_wait3A, %dma_wait3A_175] : memref<32x100x50xi32, #tpu.memory_space<hbm>> -> memref<1x100x50xi32, #tpu.memory_space<hbm>>
      %dma_wait3A_177 = tpu.memref_squeeze %dma_wait3A_176 : memref<1x100x50xi32, #tpu.memory_space<hbm>> -> memref<100x50xi32, #tpu.memory_space<hbm>>
      %dma_wait3A_178 = arith.constant 0 : i32
      %dma_wait3A_179 = arith.constant 0 : i32
      %dma_wait3A_180 = tpu.memref_slice %arg4[%add3A, %dma_wait3A_178, %dma_wait3A_179] : memref<32x100x50xi32, #tpu.memory_space<hbm>> -> memref<1x100x50xi32, #tpu.memory_space<hbm>>
      %dma_wait3A_181 = tpu.memref_squeeze %dma_wait3A_180 : memref<1x100x50xi32, #tpu.memory_space<hbm>> -> memref<100x50xi32, #tpu.memory_space<hbm>>
      tpu.wait_dma2 semaphore(%run_scoped3A : memref<!tpu.dma_semaphore, #tpu.memory_space<semaphore_mem>>) src(%dma_wait3A_181 : memref<100x50xi32, #tpu.memory_space<hbm>>) dst(%arg7 : memref<100x50xi32, #tpu.memory_space<vmem>>)
      tpu.yield
    }) : () -> ()
    "tpu.region"() ({
      %run_scoped3A = tpu.sem_alloc : memref<!tpu.dma_semaphore, #tpu.memory_space<semaphore_mem>>
      %dma_start3A_167 = arith.constant 0 : i32
      %dma_start3A_168 = arith.constant 0 : i32
      %dma_start3A_169 = tpu.memref_slice %arg5[%add3A, %dma_start3A_167, %dma_start3A_168] : memref<32x100x50xi32, #tpu.memory_space<hbm>> -> memref<1x100x50xi32, #tpu.memory_space<hbm>>
      %dma_start3A_170 = tpu.memref_squeeze %dma_start3A_169 : memref<1x100x50xi32, #tpu.memory_space<hbm>> -> memref<100x50xi32, #tpu.memory_space<hbm>>
      %dma_start3A_171 = arith.constant 0 : i32
      %dma_start3A_172 = arith.constant 0 : i32
      %dma_start3A_173 = tpu.memref_slice %arg5[%add3A, %dma_start3A_171, %dma_start3A_172] : memref<32x100x50xi32, #tpu.memory_space<hbm>> -> memref<1x100x50xi32, #tpu.memory_space<hbm>>
      %dma_start3A_174 = tpu.memref_squeeze %dma_start3A_173 : memref<1x100x50xi32, #tpu.memory_space<hbm>> -> memref<100x50xi32, #tpu.memory_space<hbm>>
      tpu.enqueue_dma source(%dma_start3A_174 : memref<100x50xi32, #tpu.memory_space<hbm>>) target(%arg8 : memref<100x50xi32, #tpu.memory_space<vmem>>) target_semaphore(%run_scoped3A : memref<!tpu.dma_semaphore, #tpu.memory_space<semaphore_mem>>)
      %dma_wait3A = arith.constant 0 : i32
      %dma_wait3A_175 = arith.constant 0 : i32
      %dma_wait3A_176 = tpu.memref_slice %arg5[%add3A, %dma_wait3A, %dma_wait3A_175] : memref<32x100x50xi32, #tpu.memory_space<hbm>> -> memref<1x100x50xi32, #tpu.memory_space<hbm>>
      %dma_wait3A_177 = tpu.memref_squeeze %dma_wait3A_176 : memref<1x100x50xi32, #tpu.memory_space<hbm>> -> memref<100x50xi32, #tpu.memory_space<hbm>>
      %dma_wait3A_178 = arith.constant 0 : i32
      %dma_wait3A_179 = arith.constant 0 : i32
      %dma_wait3A_180 = tpu.memref_slice %arg5[%add3A, %dma_wait3A_178, %dma_wait3A_179] : memref<32x100x50xi32, #tpu.memory_space<hbm>> -> memref<1x100x50xi32, #tpu.memory_space<hbm>>
      %dma_wait3A_181 = tpu.memref_squeeze %dma_wait3A_180 : memref<1x100x50xi32, #tpu.memory_space<hbm>> -> memref<100x50xi32, #tpu.memory_space<hbm>>
      tpu.wait_dma2 semaphore(%run_scoped3A : memref<!tpu.dma_semaphore, #tpu.memory_space<semaphore_mem>>) src(%dma_wait3A_181 : memref<100x50xi32, #tpu.memory_space<hbm>>) dst(%arg8 : memref<100x50xi32, #tpu.memory_space<vmem>>)
      tpu.yield
    }) : () -> ()
    %scan3A = arith.constant 0 : i32
    %scan3A_2 = arith.constant 0 : i32
    %scan3A_3 = arith.constant 50 : i32
    %scan3A_4 = arith.addi %scan3A_2, %scan3A_3 : i32
    %scan3A_5 = arith.constant 1 : i32
    scf.for %scan3A_167 = %scan3A_2 to %scan3A_4 step %scan3A_5  : i32 {
      %swap3A = arith.index_cast %scan3A_167 : i32 to index
      %swap3A_168 = arith.constant 0 : index
      %swap3A_169 = tpu.vector_load %arg9[%swap3A, %swap3A_168] {strides = array<i32>} : memref<50x128xf32, #tpu.memory_space<vmem>>, vector<1x16xf32>,
      %swap3A_170 = vector.shape_cast %swap3A_169 : vector<1x16xf32> to vector<16xf32>
      %swap3A_171 = vector.shape_cast %broadcast_in_dim3A_1 : vector<16xf32> to vector<1x16xf32>
      tpu.vector_store %arg9[%swap3A, %swap3A_168], %swap3A_171 {strides = array<i32>} : memref<50x128xf32, #tpu.memory_space<vmem>>, vector<1x16xf32>,
      %swap3A_172 = arith.index_cast %scan3A_167 : i32 to index
      %swap3A_173 = arith.constant 16 : index
      %swap3A_174 = tpu.vector_load %arg9[%swap3A_172, %swap3A_173] {strides = array<i32>} : memref<50x128xf32, #tpu.memory_space<vmem>>, vector<1x16xf32>,
      %swap3A_175 = vector.shape_cast %swap3A_174 : vector<1x16xf32> to vector<16xf32>
      %swap3A_176 = vector.shape_cast %broadcast_in_dim3A_1 : vector<16xf32> to vector<1x16xf32>
      tpu.vector_store %arg9[%swap3A_172, %swap3A_173], %swap3A_176 {strides = array<i32>} : memref<50x128xf32, #tpu.memory_space<vmem>>, vector<1x16xf32>,
      %swap3A_177 = arith.index_cast %scan3A_167 : i32 to index
      %swap3A_178 = arith.constant 32 : index
      %swap3A_179 = tpu.vector_load %arg9[%swap3A_177, %swap3A_178] {strides = array<i32>} : memref<50x128xf32, #tpu.memory_space<vmem>>, vector<1x16xf32>,
      %swap3A_180 = vector.shape_cast %swap3A_179 : vector<1x16xf32> to vector<16xf32>
      %swap3A_181 = vector.shape_cast %broadcast_in_dim3A_1 : vector<16xf32> to vector<1x16xf32>
      tpu.vector_store %arg9[%swap3A_177, %swap3A_178], %swap3A_181 {strides = array<i32>} : memref<50x128xf32, #tpu.memory_space<vmem>>, vector<1x16xf32>,
      %swap3A_182 = arith.index_cast %scan3A_167 : i32 to index
      %swap3A_183 = arith.constant 48 : index
      %swap3A_184 = tpu.vector_load %arg9[%swap3A_182, %swap3A_183] {strides = array<i32>} : memref<50x128xf32, #tpu.memory_space<vmem>>, vector<1x16xf32>,
      %swap3A_185 = vector.shape_cast %swap3A_184 : vector<1x16xf32> to vector<16xf32>
      %swap3A_186 = vector.shape_cast %broadcast_in_dim3A_1 : vector<16xf32> to vector<1x16xf32>
      tpu.vector_store %arg9[%swap3A_182, %swap3A_183], %swap3A_186 {strides = array<i32>} : memref<50x128xf32, #tpu.memory_space<vmem>>, vector<1x16xf32>,
      %swap3A_187 = arith.index_cast %scan3A_167 : i32 to index
      %swap3A_188 = arith.constant 64 : index
      %swap3A_189 = tpu.vector_load %arg9[%swap3A_187, %swap3A_188] {strides = array<i32>} : memref<50x128xf32, #tpu.memory_space<vmem>>, vector<1x16xf32>,
      %swap3A_190 = vector.shape_cast %swap3A_189 : vector<1x16xf32> to vector<16xf32>
      %swap3A_191 = vector.shape_cast %broadcast_in_dim3A_1 : vector<16xf32> to vector<1x16xf32>
      tpu.vector_store %arg9[%swap3A_187, %swap3A_188], %swap3A_191 {strides = array<i32>} : memref<50x128xf32, #tpu.memory_space<vmem>>, vector<1x16xf32>,
      %swap3A_192 = arith.index_cast %scan3A_167 : i32 to index
      %swap3A_193 = arith.constant 80 : index
      %swap3A_194 = tpu.vector_load %arg9[%swap3A_192, %swap3A_193] {strides = array<i32>} : memref<50x128xf32, #tpu.memory_space<vmem>>, vector<1x16xf32>,
      %swap3A_195 = vector.shape_cast %swap3A_194 : vector<1x16xf32> to vector<16xf32>
      %swap3A_196 = vector.shape_cast %broadcast_in_dim3A_1 : vector<16xf32> to vector<1x16xf32>
      tpu.vector_store %arg9[%swap3A_192, %swap3A_193], %swap3A_196 {strides = array<i32>} : memref<50x128xf32, #tpu.memory_space<vmem>>, vector<1x16xf32>,
      %swap3A_197 = arith.index_cast %scan3A_167 : i32 to index
      %swap3A_198 = arith.constant 96 : index
      %swap3A_199 = tpu.vector_load %arg9[%swap3A_197, %swap3A_198] {strides = array<i32>} : memref<50x128xf32, #tpu.memory_space<vmem>>, vector<1x16xf32>,
      %swap3A_200 = vector.shape_cast %swap3A_199 : vector<1x16xf32> to vector<16xf32>
      %swap3A_201 = vector.shape_cast %broadcast_in_dim3A_1 : vector<16xf32> to vector<1x16xf32>
      tpu.vector_store %arg9[%swap3A_197, %swap3A_198], %swap3A_201 {strides = array<i32>} : memref<50x128xf32, #tpu.memory_space<vmem>>, vector<1x16xf32>,
      %swap3A_202 = arith.index_cast %scan3A_167 : i32 to index
      %swap3A_203 = arith.constant 112 : index
      %swap3A_204 = tpu.vector_load %arg9[%swap3A_202, %swap3A_203] {strides = array<i32>} : memref<50x128xf32, #tpu.memory_space<vmem>>, vector<1x16xf32>,
      %swap3A_205 = vector.shape_cast %swap3A_204 : vector<1x16xf32> to vector<16xf32>
      %swap3A_206 = vector.shape_cast %broadcast_in_dim3A_1 : vector<16xf32> to vector<1x16xf32>
      tpu.vector_store %arg9[%swap3A_202, %swap3A_203], %swap3A_206 {strides = array<i32>} : memref<50x128xf32, #tpu.memory_space<vmem>>, vector<1x16xf32>,
    }
    %scan3A_6 = arith.constant 50 : i32
    %mul3A_7 = arith.constant 640 : i32
    %mul3A_8 = arith.muli %arg1, %mul3A_7 : i32
    %add3A_9 = arith.constant 0 : i32
    %add3A_10 = arith.addi %mul3A_8, %add3A_9 : i32
    "tpu.region"() ({
      %run_scoped3A = tpu.sem_alloc : memref<!tpu.dma_semaphore, #tpu.memory_space<semaphore_mem>>
      %dma_start3A_167 = arith.constant 0 : i32
      %dma_start3A_168 = tpu.memref_slice %arg11[%add3A_10, %dma_start3A_167] : memref<10240x128xf32, #tpu.memory_space<vmem_shared>> -> memref<50x128xf32, #tpu.memory_space<vmem_shared>>
      %dma_start3A_169 = arith.constant 0 : i32
      %dma_start3A_170 = tpu.memref_slice %arg11[%add3A_10, %dma_start3A_169] : memref<10240x128xf32, #tpu.memory_space<vmem_shared>> -> memref<50x128xf32, #tpu.memory_space<vmem_shared>>
      tpu.enqueue_dma source(%arg9 : memref<50x128xf32, #tpu.memory_space<vmem>>) target(%dma_start3A_170 : memref<50x128xf32, #tpu.memory_space<vmem_shared>>) target_semaphore(%run_scoped3A : memref<!tpu.dma_semaphore, #tpu.memory_space<semaphore_mem>>)
      %dma_wait3A = arith.constant 0 : i32
      %dma_wait3A_171 = tpu.memref_slice %arg11[%add3A_10, %dma_wait3A] : memref<10240x128xf32, #tpu.memory_space<vmem_shared>> -> memref<50x128xf32, #tpu.memory_space<vmem_shared>>
      %dma_wait3A_172 = arith.constant 0 : i32
      %dma_wait3A_173 = tpu.memref_slice %arg11[%add3A_10, %dma_wait3A_172] : memref<10240x128xf32, #tpu.memory_space<vmem_shared>> -> memref<50x128xf32, #tpu.memory_space<vmem_shared>>
      tpu.wait_dma2 semaphore(%run_scoped3A : memref<!tpu.dma_semaphore, #tpu.memory_space<semaphore_mem>>) src(%arg9 : memref<50x128xf32, #tpu.memory_space<vmem>>) dst(%dma_wait3A_173 : memref<50x128xf32, #tpu.memory_space<vmem_shared>>)
      tpu.yield
    }) : () -> ()
    %mul3A_11 = arith.constant 640 : i32
    %mul3A_12 = arith.muli %arg1, %mul3A_11 : i32
    %add3A_13 = arith.constant 50 : i32
    %add3A_14 = arith.addi %mul3A_12, %add3A_13 : i32
    "tpu.region"() ({
      %run_scoped3A = tpu.sem_alloc : memref<!tpu.dma_semaphore, #tpu.memory_space<semaphore_mem>>
      %dma_start3A_167 = arith.constant 0 : i32
      %dma_start3A_168 = tpu.memref_slice %arg11[%add3A_14, %dma_start3A_167] : memref<10240x128xf32, #tpu.memory_space<vmem_shared>> -> memref<50x128xf32, #tpu.memory_space<vmem_shared>>
      %dma_start3A_169 = arith.constant 0 : i32
      %dma_start3A_170 = tpu.memref_slice %arg11[%add3A_14, %dma_start3A_169] : memref<10240x128xf32, #tpu.memory_space<vmem_shared>> -> memref<50x128xf32, #tpu.memory_space<vmem_shared>>
      tpu.enqueue_dma source(%arg9 : memref<50x128xf32, #tpu.memory_space<vmem>>) target(%dma_start3A_170 : memref<50x128xf32, #tpu.memory_space<vmem_shared>>) target_semaphore(%run_scoped3A : memref<!tpu.dma_semaphore, #tpu.memory_space<semaphore_mem>>)
      %dma_wait3A = arith.constant 0 : i32
      %dma_wait3A_171 = tpu.memref_slice %arg11[%add3A_14, %dma_wait3A] : memref<10240x128xf32, #tpu.memory_space<vmem_shared>> -> memref<50x128xf32, #tpu.memory_space<vmem_shared>>
      %dma_wait3A_172 = arith.constant 0 : i32
      %dma_wait3A_173 = tpu.memref_slice %arg11[%add3A_14, %dma_wait3A_172] : memref<10240x128xf32, #tpu.memory_space<vmem_shared>> -> memref<50x128xf32, #tpu.memory_space<vmem_shared>>
      tpu.wait_dma2 semaphore(%run_scoped3A : memref<!tpu.dma_semaphore, #tpu.memory_space<semaphore_mem>>) src(%arg9 : memref<50x128xf32, #tpu.memory_space<vmem>>) dst(%dma_wait3A_173 : memref<50x128xf32, #tpu.memory_space<vmem_shared>>)
      tpu.yield
    }) : () -> ()
    %mul3A_15 = arith.constant 640 : i32
    %mul3A_16 = arith.muli %arg1, %mul3A_15 : i32
    %add3A_17 = arith.constant 100 : i32
    %add3A_18 = arith.addi %mul3A_16, %add3A_17 : i32
    "tpu.region"() ({
      %run_scoped3A = tpu.sem_alloc : memref<!tpu.dma_semaphore, #tpu.memory_space<semaphore_mem>>
      %dma_start3A_167 = arith.constant 0 : i32
      %dma_start3A_168 = tpu.memref_slice %arg11[%add3A_18, %dma_start3A_167] : memref<10240x128xf32, #tpu.memory_space<vmem_shared>> -> memref<50x128xf32, #tpu.memory_space<vmem_shared>>
      %dma_start3A_169 = arith.constant 0 : i32
      %dma_start3A_170 = tpu.memref_slice %arg11[%add3A_18, %dma_start3A_169] : memref<10240x128xf32, #tpu.memory_space<vmem_shared>> -> memref<50x128xf32, #tpu.memory_space<vmem_shared>>
      tpu.enqueue_dma source(%arg9 : memref<50x128xf32, #tpu.memory_space<vmem>>) target(%dma_start3A_170 : memref<50x128xf32, #tpu.memory_space<vmem_shared>>) target_semaphore(%run_scoped3A : memref<!tpu.dma_semaphore, #tpu.memory_space<semaphore_mem>>)
      %dma_wait3A = arith.constant 0 : i32
      %dma_wait3A_171 = tpu.memref_slice %arg11[%add3A_18, %dma_wait3A] : memref<10240x128xf32, #tpu.memory_space<vmem_shared>> -> memref<50x128xf32, #tpu.memory_space<vmem_shared>>
      %dma_wait3A_172 = arith.constant 0 : i32
      %dma_wait3A_173 = tpu.memref_slice %arg11[%add3A_18, %dma_wait3A_172] : memref<10240x128xf32, #tpu.memory_space<vmem_shared>> -> memref<50x128xf32, #tpu.memory_space<vmem_shared>>
      tpu.wait_dma2 semaphore(%run_scoped3A : memref<!tpu.dma_semaphore, #tpu.memory_space<semaphore_mem>>) src(%arg9 : memref<50x128xf32, #tpu.memory_space<vmem>>) dst(%dma_wait3A_173 : memref<50x128xf32, #tpu.memory_space<vmem_shared>>)
      tpu.yield
    }) : () -> ()
    %mul3A_19 = arith.constant 640 : i32
    %mul3A_20 = arith.muli %arg1, %mul3A_19 : i32
    %add3A_21 = arith.constant 150 : i32
    %add3A_22 = arith.addi %mul3A_20, %add3A_21 : i32
    "tpu.region"() ({
      %run_scoped3A = tpu.sem_alloc : memref<!tpu.dma_semaphore, #tpu.memory_space<semaphore_mem>>
      %dma_start3A_167 = arith.constant 0 : i32
      %dma_start3A_168 = tpu.memref_slice %arg11[%add3A_22, %dma_start3A_167] : memref<10240x128xf32, #tpu.memory_space<vmem_shared>> -> memref<50x128xf32, #tpu.memory_space<vmem_shared>>
      %dma_start3A_169 = arith.constant 0 : i32
      %dma_start3A_170 = tpu.memref_slice %arg11[%add3A_22, %dma_start3A_169] : memref<10240x128xf32, #tpu.memory_space<vmem_shared>> -> memref<50x128xf32, #tpu.memory_space<vmem_shared>>
      tpu.enqueue_dma source(%arg9 : memref<50x128xf32, #tpu.memory_space<vmem>>) target(%dma_start3A_170 : memref<50x128xf32, #tpu.memory_space<vmem_shared>>) target_semaphore(%run_scoped3A : memref<!tpu.dma_semaphore, #tpu.memory_space<semaphore_mem>>)
      %dma_wait3A = arith.constant 0 : i32
      %dma_wait3A_171 = tpu.memref_slice %arg11[%add3A_22, %dma_wait3A] : memref<10240x128xf32, #tpu.memory_space<vmem_shared>> -> memref<50x128xf32, #tpu.memory_space<vmem_shared>>
      %dma_wait3A_172 = arith.constant 0 : i32
      %dma_wait3A_173 = tpu.memref_slice %arg11[%add3A_22, %dma_wait3A_172] : memref<10240x128xf32, #tpu.memory_space<vmem_shared>> -> memref<50x128xf32, #tpu.memory_space<vmem_shared>>
      tpu.wait_dma2 semaphore(%run_scoped3A : memref<!tpu.dma_semaphore, #tpu.memory_space<semaphore_mem>>) src(%arg9 : memref<50x128xf32, #tpu.memory_space<vmem>>) dst(%dma_wait3A_173 : memref<50x128xf32, #tpu.memory_space<vmem_shared>>)
      tpu.yield
    }) : () -> ()
    %mul3A_23 = arith.constant 640 : i32
    %mul3A_24 = arith.muli %arg1, %mul3A_23 : i32
    %add3A_25 = arith.constant 200 : i32
    %add3A_26 = arith.addi %mul3A_24, %add3A_25 : i32
    "tpu.region"() ({
      %run_scoped3A = tpu.sem_alloc : memref<!tpu.dma_semaphore, #tpu.memory_space<semaphore_mem>>
      %dma_start3A_167 = arith.constant 0 : i32
      %dma_start3A_168 = tpu.memref_slice %arg11[%add3A_26, %dma_start3A_167] : memref<10240x128xf32, #tpu.memory_space<vmem_shared>> -> memref<50x128xf32, #tpu.memory_space<vmem_shared>>
      %dma_start3A_169 = arith.constant 0 : i32
      %dma_start3A_170 = tpu.memref_slice %arg11[%add3A_26, %dma_start3A_169] : memref<10240x128xf32, #tpu.memory_space<vmem_shared>> -> memref<50x128xf32, #tpu.memory_space<vmem_shared>>
      tpu.enqueue_dma source(%arg9 : memref<50x128xf32, #tpu.memory_space<vmem>>) target(%dma_start3A_170 : memref<50x128xf32, #tpu.memory_space<vmem_shared>>) target_semaphore(%run_scoped3A : memref<!tpu.dma_semaphore, #tpu.memory_space<semaphore_mem>>)
      %dma_wait3A = arith.constant 0 : i32
      %dma_wait3A_171 = tpu.memref_slice %arg11[%add3A_26, %dma_wait3A] : memref<10240x128xf32, #tpu.memory_space<vmem_shared>> -> memref<50x128xf32, #tpu.memory_space<vmem_shared>>
      %dma_wait3A_172 = arith.constant 0 : i32
      %dma_wait3A_173 = tpu.memref_slice %arg11[%add3A_26, %dma_wait3A_172] : memref<10240x128xf32, #tpu.memory_space<vmem_shared>> -> memref<50x128xf32, #tpu.memory_space<vmem_shared>>
      tpu.wait_dma2 semaphore(%run_scoped3A : memref<!tpu.dma_semaphore, #tpu.memory_space<semaphore_mem>>) src(%arg9 : memref<50x128xf32, #tpu.memory_space<vmem>>) dst(%dma_wait3A_173 : memref<50x128xf32, #tpu.memory_space<vmem_shared>>)
      tpu.yield
    }) : () -> ()
    %mul3A_27 = arith.constant 640 : i32
    %mul3A_28 = arith.muli %arg1, %mul3A_27 : i32
    %add3A_29 = arith.constant 250 : i32
    %add3A_30 = arith.addi %mul3A_28, %add3A_29 : i32
    "tpu.region"() ({
      %run_scoped3A = tpu.sem_alloc : memref<!tpu.dma_semaphore, #tpu.memory_space<semaphore_mem>>
      %dma_start3A_167 = arith.constant 0 : i32
      %dma_start3A_168 = tpu.memref_slice %arg11[%add3A_30, %dma_start3A_167] : memref<10240x128xf32, #tpu.memory_space<vmem_shared>> -> memref<50x128xf32, #tpu.memory_space<vmem_shared>>
      %dma_start3A_169 = arith.constant 0 : i32
      %dma_start3A_170 = tpu.memref_slice %arg11[%add3A_30, %dma_start3A_169] : memref<10240x128xf32, #tpu.memory_space<vmem_shared>> -> memref<50x128xf32, #tpu.memory_space<vmem_shared>>
      tpu.enqueue_dma source(%arg9 : memref<50x128xf32, #tpu.memory_space<vmem>>) target(%dma_start3A_170 : memref<50x128xf32, #tpu.memory_space<vmem_shared>>) target_semaphore(%run_scoped3A : memref<!tpu.dma_semaphore, #tpu.memory_space<semaphore_mem>>)
      %dma_wait3A = arith.constant 0 : i32
      %dma_wait3A_171 = tpu.memref_slice %arg11[%add3A_30, %dma_wait3A] : memref<10240x128xf32, #tpu.memory_space<vmem_shared>> -> memref<50x128xf32, #tpu.memory_space<vmem_shared>>
      %dma_wait3A_172 = arith.constant 0 : i32
      %dma_wait3A_173 = tpu.memref_slice %arg11[%add3A_30, %dma_wait3A_172] : memref<10240x128xf32, #tpu.memory_space<vmem_shared>> -> memref<50x128xf32, #tpu.memory_space<vmem_shared>>
      tpu.wait_dma2 semaphore(%run_scoped3A : memref<!tpu.dma_semaphore, #tpu.memory_space<semaphore_mem>>) src(%arg9 : memref<50x128xf32, #tpu.memory_space<vmem>>) dst(%dma_wait3A_173 : memref<50x128xf32, #tpu.memory_space<vmem_shared>>)
      tpu.yield
    }) : () -> ()
    %mul3A_31 = arith.constant 640 : i32
    %mul3A_32 = arith.muli %arg1, %mul3A_31 : i32
    %add3A_33 = arith.constant 300 : i32
    %add3A_34 = arith.addi %mul3A_32, %add3A_33 : i32
    "tpu.region"() ({
      %run_scoped3A = tpu.sem_alloc : memref<!tpu.dma_semaphore, #tpu.memory_space<semaphore_mem>>
      %dma_start3A_167 = arith.constant 0 : i32
      %dma_start3A_168 = tpu.memref_slice %arg11[%add3A_34, %dma_start3A_167] : memref<10240x128xf32, #tpu.memory_space<vmem_shared>> -> memref<50x128xf32, #tpu.memory_space<vmem_shared>>
      %dma_start3A_169 = arith.constant 0 : i32
      %dma_start3A_170 = tpu.memref_slice %arg11[%add3A_34, %dma_start3A_169] : memref<10240x128xf32, #tpu.memory_space<vmem_shared>> -> memref<50x128xf32, #tpu.memory_space<vmem_shared>>
      tpu.enqueue_dma source(%arg9 : memref<50x128xf32, #tpu.memory_space<vmem>>) target(%dma_start3A_170 : memref<50x128xf32, #tpu.memory_space<vmem_shared>>) target_semaphore(%run_scoped3A : memref<!tpu.dma_semaphore, #tpu.memory_space<semaphore_mem>>)
      %dma_wait3A = arith.constant 0 : i32
      %dma_wait3A_171 = tpu.memref_slice %arg11[%add3A_34, %dma_wait3A] : memref<10240x128xf32, #tpu.memory_space<vmem_shared>> -> memref<50x128xf32, #tpu.memory_space<vmem_shared>>
      %dma_wait3A_172 = arith.constant 0 : i32
      %dma_wait3A_173 = tpu.memref_slice %arg11[%add3A_34, %dma_wait3A_172] : memref<10240x128xf32, #tpu.memory_space<vmem_shared>> -> memref<50x128xf32, #tpu.memory_space<vmem_shared>>
      tpu.wait_dma2 semaphore(%run_scoped3A : memref<!tpu.dma_semaphore, #tpu.memory_space<semaphore_mem>>) src(%arg9 : memref<50x128xf32, #tpu.memory_space<vmem>>) dst(%dma_wait3A_173 : memref<50x128xf32, #tpu.memory_space<vmem_shared>>)
      tpu.yield
    }) : () -> ()
    %mul3A_35 = arith.constant 640 : i32
    %mul3A_36 = arith.muli %arg1, %mul3A_35 : i32
    %add3A_37 = arith.constant 350 : i32
    %add3A_38 = arith.addi %mul3A_36, %add3A_37 : i32
    "tpu.region"() ({
      %run_scoped3A = tpu.sem_alloc : memref<!tpu.dma_semaphore, #tpu.memory_space<semaphore_mem>>
      %dma_start3A_167 = arith.constant 0 : i32
      %dma_start3A_168 = tpu.memref_slice %arg11[%add3A_38, %dma_start3A_167] : memref<10240x128xf32, #tpu.memory_space<vmem_shared>> -> memref<50x128xf32, #tpu.memory_space<vmem_shared>>
      %dma_start3A_169 = arith.constant 0 : i32
      %dma_start3A_170 = tpu.memref_slice %arg11[%add3A_38, %dma_start3A_169] : memref<10240x128xf32, #tpu.memory_space<vmem_shared>> -> memref<50x128xf32, #tpu.memory_space<vmem_shared>>
      tpu.enqueue_dma source(%arg9 : memref<50x128xf32, #tpu.memory_space<vmem>>) target(%dma_start3A_170 : memref<50x128xf32, #tpu.memory_space<vmem_shared>>) target_semaphore(%run_scoped3A : memref<!tpu.dma_semaphore, #tpu.memory_space<semaphore_mem>>)
      %dma_wait3A = arith.constant 0 : i32
      %dma_wait3A_171 = tpu.memref_slice %arg11[%add3A_38, %dma_wait3A] : memref<10240x128xf32, #tpu.memory_space<vmem_shared>> -> memref<50x128xf32, #tpu.memory_space<vmem_shared>>
      %dma_wait3A_172 = arith.constant 0 : i32
      %dma_wait3A_173 = tpu.memref_slice %arg11[%add3A_38, %dma_wait3A_172] : memref<10240x128xf32, #tpu.memory_space<vmem_shared>> -> memref<50x128xf32, #tpu.memory_space<vmem_shared>>
      tpu.wait_dma2 semaphore(%run_scoped3A : memref<!tpu.dma_semaphore, #tpu.memory_space<semaphore_mem>>) src(%arg9 : memref<50x128xf32, #tpu.memory_space<vmem>>) dst(%dma_wait3A_173 : memref<50x128xf32, #tpu.memory_space<vmem_shared>>)
      tpu.yield
    }) : () -> ()
    %mul3A_39 = arith.constant 640 : i32
    %mul3A_40 = arith.muli %arg1, %mul3A_39 : i32
    %add3A_41 = arith.constant 400 : i32
    %add3A_42 = arith.addi %mul3A_40, %add3A_41 : i32
    "tpu.region"() ({
      %run_scoped3A = tpu.sem_alloc : memref<!tpu.dma_semaphore, #tpu.memory_space<semaphore_mem>>
      %dma_start3A_167 = arith.constant 0 : i32
      %dma_start3A_168 = tpu.memref_slice %arg11[%add3A_42, %dma_start3A_167] : memref<10240x128xf32, #tpu.memory_space<vmem_shared>> -> memref<50x128xf32, #tpu.memory_space<vmem_shared>>
      %dma_start3A_169 = arith.constant 0 : i32
      %dma_start3A_170 = tpu.memref_slice %arg11[%add3A_42, %dma_start3A_169] : memref<10240x128xf32, #tpu.memory_space<vmem_shared>> -> memref<50x128xf32, #tpu.memory_space<vmem_shared>>
      tpu.enqueue_dma source(%arg9 : memref<50x128xf32, #tpu.memory_space<vmem>>) target(%dma_start3A_170 : memref<50x128xf32, #tpu.memory_space<vmem_shared>>) target_semaphore(%run_scoped3A : memref<!tpu.dma_semaphore, #tpu.memory_space<semaphore_mem>>)
      %dma_wait3A = arith.constant 0 : i32
      %dma_wait3A_171 = tpu.memref_slice %arg11[%add3A_42, %dma_wait3A] : memref<10240x128xf32, #tpu.memory_space<vmem_shared>> -> memref<50x128xf32, #tpu.memory_space<vmem_shared>>
      %dma_wait3A_172 = arith.constant 0 : i32
      %dma_wait3A_173 = tpu.memref_slice %arg11[%add3A_42, %dma_wait3A_172] : memref<10240x128xf32, #tpu.memory_space<vmem_shared>> -> memref<50x128xf32, #tpu.memory_space<vmem_shared>>
      tpu.wait_dma2 semaphore(%run_scoped3A : memref<!tpu.dma_semaphore, #tpu.memory_space<semaphore_mem>>) src(%arg9 : memref<50x128xf32, #tpu.memory_space<vmem>>) dst(%dma_wait3A_173 : memref<50x128xf32, #tpu.memory_space<vmem_shared>>)
      tpu.yield
    }) : () -> ()
    %mul3A_43 = arith.constant 640 : i32
    %mul3A_44 = arith.muli %arg1, %mul3A_43 : i32
    %add3A_45 = arith.constant 450 : i32
    %add3A_46 = arith.addi %mul3A_44, %add3A_45 : i32
    "tpu.region"() ({
      %run_scoped3A = tpu.sem_alloc : memref<!tpu.dma_semaphore, #tpu.memory_space<semaphore_mem>>
      %dma_start3A_167 = arith.constant 0 : i32
      %dma_start3A_168 = tpu.memref_slice %arg11[%add3A_46, %dma_start3A_167] : memref<10240x128xf32, #tpu.memory_space<vmem_shared>> -> memref<50x128xf32, #tpu.memory_space<vmem_shared>>
      %dma_start3A_169 = arith.constant 0 : i32
      %dma_start3A_170 = tpu.memref_slice %arg11[%add3A_46, %dma_start3A_169] : memref<10240x128xf32, #tpu.memory_space<vmem_shared>> -> memref<50x128xf32, #tpu.memory_space<vmem_shared>>
      tpu.enqueue_dma source(%arg9 : memref<50x128xf32, #tpu.memory_space<vmem>>) target(%dma_start3A_170 : memref<50x128xf32, #tpu.memory_space<vmem_shared>>) target_semaphore(%run_scoped3A : memref<!tpu.dma_semaphore, #tpu.memory_space<semaphore_mem>>)
      %dma_wait3A = arith.constant 0 : i32
      %dma_wait3A_171 = tpu.memref_slice %arg11[%add3A_46, %dma_wait3A] : memref<10240x128xf32, #tpu.memory_space<vmem_shared>> -> memref<50x128xf32, #tpu.memory_space<vmem_shared>>
      %dma_wait3A_172 = arith.constant 0 : i32
      %dma_wait3A_173 = tpu.memref_slice %arg11[%add3A_46, %dma_wait3A_172] : memref<10240x128xf32, #tpu.memory_space<vmem_shared>> -> memref<50x128xf32, #tpu.memory_space<vmem_shared>>
      tpu.wait_dma2 semaphore(%run_scoped3A : memref<!tpu.dma_semaphore, #tpu.memory_space<semaphore_mem>>) src(%arg9 : memref<50x128xf32, #tpu.memory_space<vmem>>) dst(%dma_wait3A_173 : memref<50x128xf32, #tpu.memory_space<vmem_shared>>)
      tpu.yield
    }) : () -> ()
    %mul3A_47 = arith.constant 640 : i32
    %mul3A_48 = arith.muli %arg1, %mul3A_47 : i32
    %add3A_49 = arith.constant 500 : i32
    %add3A_50 = arith.addi %mul3A_48, %add3A_49 : i32
    "tpu.region"() ({
      %run_scoped3A = tpu.sem_alloc : memref<!tpu.dma_semaphore, #tpu.memory_space<semaphore_mem>>
      %dma_start3A_167 = arith.constant 0 : i32
      %dma_start3A_168 = tpu.memref_slice %arg11[%add3A_50, %dma_start3A_167] : memref<10240x128xf32, #tpu.memory_space<vmem_shared>> -> memref<50x128xf32, #tpu.memory_space<vmem_shared>>
      %dma_start3A_169 = arith.constant 0 : i32
      %dma_start3A_170 = tpu.memref_slice %arg11[%add3A_50, %dma_start3A_169] : memref<10240x128xf32, #tpu.memory_space<vmem_shared>> -> memref<50x128xf32, #tpu.memory_space<vmem_shared>>
      tpu.enqueue_dma source(%arg9 : memref<50x128xf32, #tpu.memory_space<vmem>>) target(%dma_start3A_170 : memref<50x128xf32, #tpu.memory_space<vmem_shared>>) target_semaphore(%run_scoped3A : memref<!tpu.dma_semaphore, #tpu.memory_space<semaphore_mem>>)
      %dma_wait3A = arith.constant 0 : i32
      %dma_wait3A_171 = tpu.memref_slice %arg11[%add3A_50, %dma_wait3A] : memref<10240x128xf32, #tpu.memory_space<vmem_shared>> -> memref<50x128xf32, #tpu.memory_space<vmem_shared>>
      %dma_wait3A_172 = arith.constant 0 : i32
      %dma_wait3A_173 = tpu.memref_slice %arg11[%add3A_50, %dma_wait3A_172] : memref<10240x128xf32, #tpu.memory_space<vmem_shared>> -> memref<50x128xf32, #tpu.memory_space<vmem_shared>>
      tpu.wait_dma2 semaphore(%run_scoped3A : memref<!tpu.dma_semaphore, #tpu.memory_space<semaphore_mem>>) src(%arg9 : memref<50x128xf32, #tpu.memory_space<vmem>>) dst(%dma_wait3A_173 : memref<50x128xf32, #tpu.memory_space<vmem_shared>>)
      tpu.yield
    }) : () -> ()
    %mul3A_51 = arith.constant 640 : i32
    %mul3A_52 = arith.muli %arg1, %mul3A_51 : i32
    %add3A_53 = arith.constant 550 : i32
    %add3A_54 = arith.addi %mul3A_52, %add3A_53 : i32
    "tpu.region"() ({
      %run_scoped3A = tpu.sem_alloc : memref<!tpu.dma_semaphore, #tpu.memory_space<semaphore_mem>>
      %dma_start3A_167 = arith.constant 0 : i32
      %dma_start3A_168 = tpu.memref_slice %arg11[%add3A_54, %dma_start3A_167] : memref<10240x128xf32, #tpu.memory_space<vmem_shared>> -> memref<50x128xf32, #tpu.memory_space<vmem_shared>>
      %dma_start3A_169 = arith.constant 0 : i32
      %dma_start3A_170 = tpu.memref_slice %arg11[%add3A_54, %dma_start3A_169] : memref<10240x128xf32, #tpu.memory_space<vmem_shared>> -> memref<50x128xf32, #tpu.memory_space<vmem_shared>>
      tpu.enqueue_dma source(%arg9 : memref<50x128xf32, #tpu.memory_space<vmem>>) target(%dma_start3A_170 : memref<50x128xf32, #tpu.memory_space<vmem_shared>>) target_semaphore(%run_scoped3A : memref<!tpu.dma_semaphore, #tpu.memory_space<semaphore_mem>>)
      %dma_wait3A = arith.constant 0 : i32
      %dma_wait3A_171 = tpu.memref_slice %arg11[%add3A_54, %dma_wait3A] : memref<10240x128xf32, #tpu.memory_space<vmem_shared>> -> memref<50x128xf32, #tpu.memory_space<vmem_shared>>
      %dma_wait3A_172 = arith.constant 0 : i32
      %dma_wait3A_173 = tpu.memref_slice %arg11[%add3A_54, %dma_wait3A_172] : memref<10240x128xf32, #tpu.memory_space<vmem_shared>> -> memref<50x128xf32, #tpu.memory_space<vmem_shared>>
      tpu.wait_dma2 semaphore(%run_scoped3A : memref<!tpu.dma_semaphore, #tpu.memory_space<semaphore_mem>>) src(%arg9 : memref<50x128xf32, #tpu.memory_space<vmem>>) dst(%dma_wait3A_173 : memref<50x128xf32, #tpu.memory_space<vmem_shared>>)
      tpu.yield
    }) : () -> ()
    %mul3A_55 = arith.constant 640 : i32
    %mul3A_56 = arith.muli %arg1, %mul3A_55 : i32
    %add3A_57 = arith.constant 600 : i32
    %add3A_58 = arith.addi %mul3A_56, %add3A_57 : i32
    "tpu.region"() ({
      %run_scoped3A = tpu.sem_alloc : memref<!tpu.dma_semaphore, #tpu.memory_space<semaphore_mem>>
      %dma_start3A_167 = arith.constant 0 : i32
      %dma_start3A_168 = arith.constant 0 : i32
      %dma_start3A_169 = tpu.memref_slice %arg9[%dma_start3A_167, %dma_start3A_168] : memref<50x128xf32, #tpu.memory_space<vmem>> -> memref<40x128xf32, #tpu.memory_space<vmem>>
      %dma_start3A_170 = arith.constant 0 : i32
      %dma_start3A_171 = tpu.memref_slice %arg11[%add3A_58, %dma_start3A_170] : memref<10240x128xf32, #tpu.memory_space<vmem_shared>> -> memref<40x128xf32, #tpu.memory_space<vmem_shared>>
      %dma_start3A_172 = arith.constant 0 : i32
      %dma_start3A_173 = tpu.memref_slice %arg11[%add3A_58, %dma_start3A_172] : memref<10240x128xf32, #tpu.memory_space<vmem_shared>> -> memref<40x128xf32, #tpu.memory_space<vmem_shared>>
      %dma_start3A_174 = arith.constant 0 : i32
      %dma_start3A_175 = arith.constant 0 : i32
      %dma_start3A_176 = tpu.memref_slice %arg9[%dma_start3A_174, %dma_start3A_175] : memref<50x128xf32, #tpu.memory_space<vmem>> -> memref<40x128xf32, #tpu.memory_space<vmem>>
      tpu.enqueue_dma source(%dma_start3A_176 : memref<40x128xf32, #tpu.memory_space<vmem>>) target(%dma_start3A_173 : memref<40x128xf32, #tpu.memory_space<vmem_shared>>) target_semaphore(%run_scoped3A : memref<!tpu.dma_semaphore, #tpu.memory_space<semaphore_mem>>)
      %dma_wait3A = arith.constant 0 : i32
      %dma_wait3A_177 = arith.constant 0 : i32
      %dma_wait3A_178 = tpu.memref_slice %arg9[%dma_wait3A, %dma_wait3A_177] : memref<50x128xf32, #tpu.memory_space<vmem>> -> memref<40x128xf32, #tpu.memory_space<vmem>>
      %dma_wait3A_179 = arith.constant 0 : i32
      %dma_wait3A_180 = tpu.memref_slice %arg11[%add3A_58, %dma_wait3A_179] : memref<10240x128xf32, #tpu.memory_space<vmem_shared>> -> memref<40x128xf32, #tpu.memory_space<vmem_shared>>
      %dma_wait3A_181 = arith.constant 0 : i32
      %dma_wait3A_182 = tpu.memref_slice %arg11[%add3A_58, %dma_wait3A_181] : memref<10240x128xf32, #tpu.memory_space<vmem_shared>> -> memref<40x128xf32, #tpu.memory_space<vmem_shared>>
      %dma_wait3A_183 = arith.constant 0 : i32
      %dma_wait3A_184 = arith.constant 0 : i32
      %dma_wait3A_185 = tpu.memref_slice %arg9[%dma_wait3A_183, %dma_wait3A_184] : memref<50x128xf32, #tpu.memory_space<vmem>> -> memref<40x128xf32, #tpu.memory_space<vmem>>
      tpu.wait_dma2 semaphore(%run_scoped3A : memref<!tpu.dma_semaphore, #tpu.memory_space<semaphore_mem>>) src(%dma_wait3A_185 : memref<40x128xf32, #tpu.memory_space<vmem>>) dst(%dma_wait3A_182 : memref<40x128xf32, #tpu.memory_space<vmem_shared>>)
      tpu.yield
    }) : () -> ()
    %barrier3A = arith.constant 0 : index
    tpu.barrier barrier_id(%barrier3A)
    %dma_start3A = arith.constant 0 : i32
    %dma_start3A_59 = arith.constant 0 : i32
    %dma_start3A_60 = tpu.memref_slice %arg7[%dma_start3A, %dma_start3A_59] : memref<100x50xi32, #tpu.memory_space<vmem>> -> memref<1x50xi32, #tpu.memory_space<vmem>>
    %dma_start3A_61 = tpu.memref_squeeze %dma_start3A_60 : memref<1x50xi32, #tpu.memory_space<vmem>> -> memref<50xi32, #tpu.memory_space<vmem>>
    %dma_start3A_62 = arith.constant 0 : i32
    %dma_start3A_63 = arith.constant 0 : i32
    %dma_start3A_64 = tpu.memref_slice %arg2[%dma_start3A_62, %dma_start3A_63] : memref<10000x128xf32, #tpu.memory_space<hbm>> -> memref<10000x128xf32, #tpu.memory_space<hbm>>
    tpu.enqueue_indirect_dma source(%dma_start3A_64 : memref<10000x128xf32, #tpu.memory_space<hbm>>) target(%arg9 : memref<50x128xf32, #tpu.memory_space<vmem>>) offsets(%dma_start3A_61 : memref<50xi32, #tpu.memory_space<vmem>>) semaphore(%arg12 : memref<!tpu.dma_semaphore, #tpu.memory_space<semaphore_mem>>)
    %scan3A_65 = arith.constant 0 : i32
    %scan3A_66 = arith.constant 0 : i32
    %scan3A_67 = arith.constant 50 : i32
    %scan3A_68 = arith.addi %scan3A_66, %scan3A_67 : i32
    %scan3A_69 = arith.constant 1 : i32
    scf.for %scan3A_167 = %scan3A_66 to %scan3A_68 step %scan3A_69  : i32 {
      %mul3A_168 = arith.constant 2 : i32
      %mul3A_169 = arith.muli %mul3A_168, %scan3A_167 : i32
      %add3A_170 = arith.constant 1 : i32
      %add3A_171 = arith.addi %mul3A_169, %add3A_170 : i32
      %dma_start3A_172 = arith.constant 0 : i32
      %dma_start3A_173 = tpu.memref_slice %arg7[%add3A_171, %dma_start3A_172] : memref<100x50xi32, #tpu.memory_space<vmem>> -> memref<1x50xi32, #tpu.memory_space<vmem>>
      %dma_start3A_174 = tpu.memref_squeeze %dma_start3A_173 : memref<1x50xi32, #tpu.memory_space<vmem>> -> memref<50xi32, #tpu.memory_space<vmem>>
      %dma_start3A_175 = arith.constant 0 : i32
      %dma_start3A_176 = arith.constant 0 : i32
      %dma_start3A_177 = tpu.memref_slice %arg2[%dma_start3A_175, %dma_start3A_176] : memref<10000x128xf32, #tpu.memory_space<hbm>> -> memref<10000x128xf32, #tpu.memory_space<hbm>>
      tpu.enqueue_indirect_dma source(%dma_start3A_177 : memref<10000x128xf32, #tpu.memory_space<hbm>>) target(%arg10 : memref<50x128xf32, #tpu.memory_space<vmem>>) offsets(%dma_start3A_174 : memref<50xi32, #tpu.memory_space<vmem>>) semaphore(%arg13 : memref<!tpu.dma_semaphore, #tpu.memory_space<semaphore_mem>>)
      %dma_wait3A = arith.constant 0 : i32
      %dma_wait3A_178 = tpu.memref_slice %arg7[%mul3A_169, %dma_wait3A] : memref<100x50xi32, #tpu.memory_space<vmem>> -> memref<1x50xi32, #tpu.memory_space<vmem>>
      %dma_wait3A_179 = tpu.memref_squeeze %dma_wait3A_178 : memref<1x50xi32, #tpu.memory_space<vmem>> -> memref<50xi32, #tpu.memory_space<vmem>>
      %dma_wait3A_180 = arith.constant 0 : i32
      %dma_wait3A_181 = arith.constant 0 : i32
      %dma_wait3A_182 = tpu.memref_slice %arg2[%dma_wait3A_180, %dma_wait3A_181] : memref<10000x128xf32, #tpu.memory_space<hbm>> -> memref<10000x128xf32, #tpu.memory_space<hbm>>
      tpu.wait_indirect_dma semaphore(%arg12 : memref<!tpu.dma_semaphore, #tpu.memory_space<semaphore_mem>>) src(%dma_wait3A_182 : memref<10000x128xf32, #tpu.memory_space<hbm>>) dst(%arg9 : memref<50x128xf32, #tpu.memory_space<vmem>>)
      "tpu.region"() ({
        %run_scoped3A = tpu.sem_alloc : memref<!tpu.dma_semaphore, #tpu.memory_space<semaphore_mem>>
        %dma_start3A_197 = arith.constant 0 : i32
        %dma_start3A_198 = tpu.memref_slice %arg8[%mul3A_169, %dma_start3A_197] : memref<100x50xi32, #tpu.memory_space<vmem>> -> memref<1x50xi32, #tpu.memory_space<vmem>>
        %dma_start3A_199 = tpu.memref_squeeze %dma_start3A_198 : memref<1x50xi32, #tpu.memory_space<vmem>> -> memref<50xi32, #tpu.memory_space<vmem>>
        %dma_start3A_200 = arith.constant 0 : i32
        %dma_start3A_201 = arith.constant 0 : i32
        %dma_start3A_202 = tpu.memref_slice %arg11[%dma_start3A_200, %dma_start3A_201] : memref<10240x128xf32, #tpu.memory_space<vmem_shared>> -> memref<10240x128xf32, #tpu.memory_space<vmem_shared>>
        tpu.enqueue_indirect_dma source(%arg9 : memref<50x128xf32, #tpu.memory_space<vmem>>) target(%dma_start3A_202 : memref<10240x128xf32, #tpu.memory_space<vmem_shared>>) offsets(%dma_start3A_199 : memref<50xi32, #tpu.memory_space<vmem>>) semaphore(%run_scoped3A : memref<!tpu.dma_semaphore, #tpu.memory_space<semaphore_mem>>) {add = true}
        %dma_wait3A_203 = arith.constant 0 : i32
        %dma_wait3A_204 = tpu.memref_slice %arg8[%mul3A_169, %dma_wait3A_203] : memref<100x50xi32, #tpu.memory_space<vmem>> -> memref<1x50xi32, #tpu.memory_space<vmem>>
        %dma_wait3A_205 = tpu.memref_squeeze %dma_wait3A_204 : memref<1x50xi32, #tpu.memory_space<vmem>> -> memref<50xi32, #tpu.memory_space<vmem>>
        %dma_wait3A_206 = arith.constant 0 : i32
        %dma_wait3A_207 = arith.constant 0 : i32
        %dma_wait3A_208 = tpu.memref_slice %arg11[%dma_wait3A_206, %dma_wait3A_207] : memref<10240x128xf32, #tpu.memory_space<vmem_shared>> -> memref<10240x128xf32, #tpu.memory_space<vmem_shared>>
        tpu.wait_indirect_dma semaphore(%run_scoped3A : memref<!tpu.dma_semaphore, #tpu.memory_space<semaphore_mem>>) src(%arg9 : memref<50x128xf32, #tpu.memory_space<vmem>>) dst(%dma_wait3A_208 : memref<10240x128xf32, #tpu.memory_space<vmem_shared>>)
        tpu.yield
      }) : () -> ()
      %add3A_183 = arith.constant 2 : i32
      %add3A_184 = arith.addi %mul3A_169, %add3A_183 : i32
      %lt3A = arith.constant 100 : i32
      %lt3A_185 = arith.cmpi slt, %add3A_184, %lt3A : i32
      %convert_element_type3A = arith.extui %lt3A_185 : i1 to i32
      %cond3A = arith.constant 0 : i32
      %cond3A_186 = arith.cmpi ne, %convert_element_type3A, %cond3A : i32
      scf.if %cond3A_186 {
        %add3A_197 = arith.constant 2 : i32
        %add3A_198 = arith.addi %mul3A_169, %add3A_197 : i32
        %dma_start3A_199 = arith.constant 0 : i32
        %dma_start3A_200 = tpu.memref_slice %arg7[%add3A_198, %dma_start3A_199] : memref<100x50xi32, #tpu.memory_space<vmem>> -> memref<1x50xi32, #tpu.memory_space<vmem>>
        %dma_start3A_201 = tpu.memref_squeeze %dma_start3A_200 : memref<1x50xi32, #tpu.memory_space<vmem>> -> memref<50xi32, #tpu.memory_space<vmem>>
        %dma_start3A_202 = arith.constant 0 : i32
        %dma_start3A_203 = arith.constant 0 : i32
        %dma_start3A_204 = tpu.memref_slice %arg2[%dma_start3A_202, %dma_start3A_203] : memref<10000x128xf32, #tpu.memory_space<hbm>> -> memref<10000x128xf32, #tpu.memory_space<hbm>>
        tpu.enqueue_indirect_dma source(%dma_start3A_204 : memref<10000x128xf32, #tpu.memory_space<hbm>>) target(%arg9 : memref<50x128xf32, #tpu.memory_space<vmem>>) offsets(%dma_start3A_201 : memref<50xi32, #tpu.memory_space<vmem>>) semaphore(%arg12 : memref<!tpu.dma_semaphore, #tpu.memory_space<semaphore_mem>>)
      } else {
      }
      %add3A_187 = arith.constant 1 : i32
      %add3A_188 = arith.addi %mul3A_169, %add3A_187 : i32
      %dma_wait3A_189 = arith.constant 0 : i32
      %dma_wait3A_190 = tpu.memref_slice %arg7[%add3A_188, %dma_wait3A_189] : memref<100x50xi32, #tpu.memory_space<vmem>> -> memref<1x50xi32, #tpu.memory_space<vmem>>
      %dma_wait3A_191 = tpu.memref_squeeze %dma_wait3A_190 : memref<1x50xi32, #tpu.memory_space<vmem>> -> memref<50xi32, #tpu.memory_space<vmem>>
      %dma_wait3A_192 = arith.constant 0 : i32
      %dma_wait3A_193 = arith.constant 0 : i32
      %dma_wait3A_194 = tpu.memref_slice %arg2[%dma_wait3A_192, %dma_wait3A_193] : memref<10000x128xf32, #tpu.memory_space<hbm>> -> memref<10000x128xf32, #tpu.memory_space<hbm>>
      tpu.wait_indirect_dma semaphore(%arg13 : memref<!tpu.dma_semaphore, #tpu.memory_space<semaphore_mem>>) src(%dma_wait3A_194 : memref<10000x128xf32, #tpu.memory_space<hbm>>) dst(%arg10 : memref<50x128xf32, #tpu.memory_space<vmem>>)
      %add3A_195 = arith.constant 1 : i32
      %add3A_196 = arith.addi %mul3A_169, %add3A_195 : i32
      "tpu.region"() ({
        %run_scoped3A = tpu.sem_alloc : memref<!tpu.dma_semaphore, #tpu.memory_space<semaphore_mem>>
        %dma_start3A_197 = arith.constant 0 : i32
        %dma_start3A_198 = tpu.memref_slice %arg8[%add3A_196, %dma_start3A_197] : memref<100x50xi32, #tpu.memory_space<vmem>> -> memref<1x50xi32, #tpu.memory_space<vmem>>
        %dma_start3A_199 = tpu.memref_squeeze %dma_start3A_198 : memref<1x50xi32, #tpu.memory_space<vmem>> -> memref<50xi32, #tpu.memory_space<vmem>>
        %dma_start3A_200 = arith.constant 0 : i32
        %dma_start3A_201 = arith.constant 0 : i32
        %dma_start3A_202 = tpu.memref_slice %arg11[%dma_start3A_200, %dma_start3A_201] : memref<10240x128xf32, #tpu.memory_space<vmem_shared>> -> memref<10240x128xf32, #tpu.memory_space<vmem_shared>>
        tpu.enqueue_indirect_dma source(%arg10 : memref<50x128xf32, #tpu.memory_space<vmem>>) target(%dma_start3A_202 : memref<10240x128xf32, #tpu.memory_space<vmem_shared>>) offsets(%dma_start3A_199 : memref<50xi32, #tpu.memory_space<vmem>>) semaphore(%run_scoped3A : memref<!tpu.dma_semaphore, #tpu.memory_space<semaphore_mem>>) {add = true}
        %dma_wait3A_203 = arith.constant 0 : i32
        %dma_wait3A_204 = tpu.memref_slice %arg8[%add3A_196, %dma_wait3A_203] : memref<100x50xi32, #tpu.memory_space<vmem>> -> memref<1x50xi32, #tpu.memory_space<vmem>>
        %dma_wait3A_205 = tpu.memref_squeeze %dma_wait3A_204 : memref<1x50xi32, #tpu.memory_space<vmem>> -> memref<50xi32, #tpu.memory_space<vmem>>
        %dma_wait3A_206 = arith.constant 0 : i32
        %dma_wait3A_207 = arith.constant 0 : i32
        %dma_wait3A_208 = tpu.memref_slice %arg11[%dma_wait3A_206, %dma_wait3A_207] : memref<10240x128xf32, #tpu.memory_space<vmem_shared>> -> memref<10240x128xf32, #tpu.memory_space<vmem_shared>>
        tpu.wait_indirect_dma semaphore(%run_scoped3A : memref<!tpu.dma_semaphore, #tpu.memory_space<semaphore_mem>>) src(%arg10 : memref<50x128xf32, #tpu.memory_space<vmem>>) dst(%dma_wait3A_208 : memref<10240x128xf32, #tpu.memory_space<vmem_shared>>)
        tpu.yield
      }) : () -> ()
    }
    %scan3A_70 = arith.constant 50 : i32
    %barrier3A_71 = arith.constant 0 : index
    tpu.barrier barrier_id(%barrier3A_71)
    %mul3A_72 = arith.constant 640 : i32
    %mul3A_73 = arith.muli %arg1, %mul3A_72 : i32
    %mul3A_74 = arith.constant 2 : i32
    %mul3A_75 = arith.muli %arg0, %mul3A_74 : i32
    %add3A_76 = arith.constant 0 : i32
    %add3A_77 = arith.addi %mul3A_75, %add3A_76 : i32
    %mul3A_78 = arith.constant 10240 : i32
    %mul3A_79 = arith.muli %add3A_77, %mul3A_78 : i32
    %mul3A_80 = arith.constant 640 : i32
    %mul3A_81 = arith.muli %arg1, %mul3A_80 : i32
    %add3A_82 = arith.addi %mul3A_79, %mul3A_81 : i32
    "tpu.region"() ({
      %run_scoped3A = tpu.sem_alloc : memref<!tpu.dma_semaphore, #tpu.memory_space<semaphore_mem>>
      %dma_start3A_167 = arith.constant 0 : i32
      %dma_start3A_168 = tpu.memref_slice %arg6[%add3A_82, %dma_start3A_167] : memref<40960x128xf32, #tpu.memory_space<hbm>> -> memref<640x128xf32, #tpu.memory_space<hbm>>
      %dma_start3A_169 = arith.constant 0 : i32
      %dma_start3A_170 = tpu.memref_slice %arg11[%mul3A_73, %dma_start3A_169] : memref<10240x128xf32, #tpu.memory_space<vmem_shared>> -> memref<640x128xf32, #tpu.memory_space<vmem_shared>>
      tpu.enqueue_dma source(%dma_start3A_170 : memref<640x128xf32, #tpu.memory_space<vmem_shared>>) target(%dma_start3A_168 : memref<640x128xf32, #tpu.memory_space<hbm>>) target_semaphore(%run_scoped3A : memref<!tpu.dma_semaphore, #tpu.memory_space<semaphore_mem>>)
      %dma_wait3A = arith.constant 0 : i32
      %dma_wait3A_171 = tpu.memref_slice %arg6[%add3A_82, %dma_wait3A] : memref<40960x128xf32, #tpu.memory_space<hbm>> -> memref<640x128xf32, #tpu.memory_space<hbm>>
      %dma_wait3A_172 = arith.constant 0 : i32
      %dma_wait3A_173 = tpu.memref_slice %arg11[%mul3A_73, %dma_wait3A_172] : memref<10240x128xf32, #tpu.memory_space<vmem_shared>> -> memref<640x128xf32, #tpu.memory_space<vmem_shared>>
      tpu.wait_dma2 semaphore(%run_scoped3A : memref<!tpu.dma_semaphore, #tpu.memory_space<semaphore_mem>>) src(%dma_wait3A_173 : memref<640x128xf32, #tpu.memory_space<vmem_shared>>) dst(%dma_wait3A_171 : memref<640x128xf32, #tpu.memory_space<hbm>>)
      tpu.yield
    }) : () -> ()
    %scan3A_83 = arith.constant 0 : i32
    %scan3A_84 = arith.constant 0 : i32
    %scan3A_85 = arith.constant 50 : i32
    %scan3A_86 = arith.addi %scan3A_84, %scan3A_85 : i32
    %scan3A_87 = arith.constant 1 : i32
    scf.for %scan3A_167 = %scan3A_84 to %scan3A_86 step %scan3A_87  : i32 {
      %swap3A = arith.index_cast %scan3A_167 : i32 to index
      %swap3A_168 = arith.constant 0 : index
      %swap3A_169 = tpu.vector_load %arg9[%swap3A, %swap3A_168] {strides = array<i32>} : memref<50x128xf32, #tpu.memory_space<vmem>>, vector<1x16xf32>,
      %swap3A_170 = vector.shape_cast %swap3A_169 : vector<1x16xf32> to vector<16xf32>
      %swap3A_171 = vector.shape_cast %broadcast_in_dim3A_1 : vector<16xf32> to vector<1x16xf32>
      tpu.vector_store %arg9[%swap3A, %swap3A_168], %swap3A_171 {strides = array<i32>} : memref<50x128xf32, #tpu.memory_space<vmem>>, vector<1x16xf32>,
      %swap3A_172 = arith.index_cast %scan3A_167 : i32 to index
      %swap3A_173 = arith.constant 16 : index
      %swap3A_174 = tpu.vector_load %arg9[%swap3A_172, %swap3A_173] {strides = array<i32>} : memref<50x128xf32, #tpu.memory_space<vmem>>, vector<1x16xf32>,
      %swap3A_175 = vector.shape_cast %swap3A_174 : vector<1x16xf32> to vector<16xf32>
      %swap3A_176 = vector.shape_cast %broadcast_in_dim3A_1 : vector<16xf32> to vector<1x16xf32>
      tpu.vector_store %arg9[%swap3A_172, %swap3A_173], %swap3A_176 {strides = array<i32>} : memref<50x128xf32, #tpu.memory_space<vmem>>, vector<1x16xf32>,
      %swap3A_177 = arith.index_cast %scan3A_167 : i32 to index
      %swap3A_178 = arith.constant 32 : index
      %swap3A_179 = tpu.vector_load %arg9[%swap3A_177, %swap3A_178] {strides = array<i32>} : memref<50x128xf32, #tpu.memory_space<vmem>>, vector<1x16xf32>,
      %swap3A_180 = vector.shape_cast %swap3A_179 : vector<1x16xf32> to vector<16xf32>
      %swap3A_181 = vector.shape_cast %broadcast_in_dim3A_1 : vector<16xf32> to vector<1x16xf32>
      tpu.vector_store %arg9[%swap3A_177, %swap3A_178], %swap3A_181 {strides = array<i32>} : memref<50x128xf32, #tpu.memory_space<vmem>>, vector<1x16xf32>,
      %swap3A_182 = arith.index_cast %scan3A_167 : i32 to index
      %swap3A_183 = arith.constant 48 : index
      %swap3A_184 = tpu.vector_load %arg9[%swap3A_182, %swap3A_183] {strides = array<i32>} : memref<50x128xf32, #tpu.memory_space<vmem>>, vector<1x16xf32>,
      %swap3A_185 = vector.shape_cast %swap3A_184 : vector<1x16xf32> to vector<16xf32>
      %swap3A_186 = vector.shape_cast %broadcast_in_dim3A_1 : vector<16xf32> to vector<1x16xf32>
      tpu.vector_store %arg9[%swap3A_182, %swap3A_183], %swap3A_186 {strides = array<i32>} : memref<50x128xf32, #tpu.memory_space<vmem>>, vector<1x16xf32>,
      %swap3A_187 = arith.index_cast %scan3A_167 : i32 to index
      %swap3A_188 = arith.constant 64 : index
      %swap3A_189 = tpu.vector_load %arg9[%swap3A_187, %swap3A_188] {strides = array<i32>} : memref<50x128xf32, #tpu.memory_space<vmem>>, vector<1x16xf32>,
      %swap3A_190 = vector.shape_cast %swap3A_189 : vector<1x16xf32> to vector<16xf32>
      %swap3A_191 = vector.shape_cast %broadcast_in_dim3A_1 : vector<16xf32> to vector<1x16xf32>
      tpu.vector_store %arg9[%swap3A_187, %swap3A_188], %swap3A_191 {strides = array<i32>} : memref<50x128xf32, #tpu.memory_space<vmem>>, vector<1x16xf32>,
      %swap3A_192 = arith.index_cast %scan3A_167 : i32 to index
      %swap3A_193 = arith.constant 80 : index
      %swap3A_194 = tpu.vector_load %arg9[%swap3A_192, %swap3A_193] {strides = array<i32>} : memref<50x128xf32, #tpu.memory_space<vmem>>, vector<1x16xf32>,
      %swap3A_195 = vector.shape_cast %swap3A_194 : vector<1x16xf32> to vector<16xf32>
      %swap3A_196 = vector.shape_cast %broadcast_in_dim3A_1 : vector<16xf32> to vector<1x16xf32>
      tpu.vector_store %arg9[%swap3A_192, %swap3A_193], %swap3A_196 {strides = array<i32>} : memref<50x128xf32, #tpu.memory_space<vmem>>, vector<1x16xf32>,
      %swap3A_197 = arith.index_cast %scan3A_167 : i32 to index
      %swap3A_198 = arith.constant 96 : index
      %swap3A_199 = tpu.vector_load %arg9[%swap3A_197, %swap3A_198] {strides = array<i32>} : memref<50x128xf32, #tpu.memory_space<vmem>>, vector<1x16xf32>,
      %swap3A_200 = vector.shape_cast %swap3A_199 : vector<1x16xf32> to vector<16xf32>
      %swap3A_201 = vector.shape_cast %broadcast_in_dim3A_1 : vector<16xf32> to vector<1x16xf32>
      tpu.vector_store %arg9[%swap3A_197, %swap3A_198], %swap3A_201 {strides = array<i32>} : memref<50x128xf32, #tpu.memory_space<vmem>>, vector<1x16xf32>,
      %swap3A_202 = arith.index_cast %scan3A_167 : i32 to index
      %swap3A_203 = arith.constant 112 : index
      %swap3A_204 = tpu.vector_load %arg9[%swap3A_202, %swap3A_203] {strides = array<i32>} : memref<50x128xf32, #tpu.memory_space<vmem>>, vector<1x16xf32>,
      %swap3A_205 = vector.shape_cast %swap3A_204 : vector<1x16xf32> to vector<16xf32>
      %swap3A_206 = vector.shape_cast %broadcast_in_dim3A_1 : vector<16xf32> to vector<1x16xf32>
      tpu.vector_store %arg9[%swap3A_202, %swap3A_203], %swap3A_206 {strides = array<i32>} : memref<50x128xf32, #tpu.memory_space<vmem>>, vector<1x16xf32>,
    }
    %scan3A_88 = arith.constant 50 : i32
    %mul3A_89 = arith.constant 640 : i32
    %mul3A_90 = arith.muli %arg1, %mul3A_89 : i32
    %add3A_91 = arith.constant 0 : i32
    %add3A_92 = arith.addi %mul3A_90, %add3A_91 : i32
    "tpu.region"() ({
      %run_scoped3A = tpu.sem_alloc : memref<!tpu.dma_semaphore, #tpu.memory_space<semaphore_mem>>
      %dma_start3A_167 = arith.constant 0 : i32
      %dma_start3A_168 = tpu.memref_slice %arg11[%add3A_92, %dma_start3A_167] : memref<10240x128xf32, #tpu.memory_space<vmem_shared>> -> memref<50x128xf32, #tpu.memory_space<vmem_shared>>
      %dma_start3A_169 = arith.constant 0 : i32
      %dma_start3A_170 = tpu.memref_slice %arg11[%add3A_92, %dma_start3A_169] : memref<10240x128xf32, #tpu.memory_space<vmem_shared>> -> memref<50x128xf32, #tpu.memory_space<vmem_shared>>
      tpu.enqueue_dma source(%arg9 : memref<50x128xf32, #tpu.memory_space<vmem>>) target(%dma_start3A_170 : memref<50x128xf32, #tpu.memory_space<vmem_shared>>) target_semaphore(%run_scoped3A : memref<!tpu.dma_semaphore, #tpu.memory_space<semaphore_mem>>)
      %dma_wait3A = arith.constant 0 : i32
      %dma_wait3A_171 = tpu.memref_slice %arg11[%add3A_92, %dma_wait3A] : memref<10240x128xf32, #tpu.memory_space<vmem_shared>> -> memref<50x128xf32, #tpu.memory_space<vmem_shared>>
      %dma_wait3A_172 = arith.constant 0 : i32
      %dma_wait3A_173 = tpu.memref_slice %arg11[%add3A_92, %dma_wait3A_172] : memref<10240x128xf32, #tpu.memory_space<vmem_shared>> -> memref<50x128xf32, #tpu.memory_space<vmem_shared>>
      tpu.wait_dma2 semaphore(%run_scoped3A : memref<!tpu.dma_semaphore, #tpu.memory_space<semaphore_mem>>) src(%arg9 : memref<50x128xf32, #tpu.memory_space<vmem>>) dst(%dma_wait3A_173 : memref<50x128xf32, #tpu.memory_space<vmem_shared>>)
      tpu.yield
    }) : () -> ()
    %mul3A_93 = arith.constant 640 : i32
    %mul3A_94 = arith.muli %arg1, %mul3A_93 : i32
    %add3A_95 = arith.constant 50 : i32
    %add3A_96 = arith.addi %mul3A_94, %add3A_95 : i32
    "tpu.region"() ({
      %run_scoped3A = tpu.sem_alloc : memref<!tpu.dma_semaphore, #tpu.memory_space<semaphore_mem>>
      %dma_start3A_167 = arith.constant 0 : i32
      %dma_start3A_168 = tpu.memref_slice %arg11[%add3A_96, %dma_start3A_167] : memref<10240x128xf32, #tpu.memory_space<vmem_shared>> -> memref<50x128xf32, #tpu.memory_space<vmem_shared>>
      %dma_start3A_169 = arith.constant 0 : i32
      %dma_start3A_170 = tpu.memref_slice %arg11[%add3A_96, %dma_start3A_169] : memref<10240x128xf32, #tpu.memory_space<vmem_shared>> -> memref<50x128xf32, #tpu.memory_space<vmem_shared>>
      tpu.enqueue_dma source(%arg9 : memref<50x128xf32, #tpu.memory_space<vmem>>) target(%dma_start3A_170 : memref<50x128xf32, #tpu.memory_space<vmem_shared>>) target_semaphore(%run_scoped3A : memref<!tpu.dma_semaphore, #tpu.memory_space<semaphore_mem>>)
      %dma_wait3A = arith.constant 0 : i32
      %dma_wait3A_171 = tpu.memref_slice %arg11[%add3A_96, %dma_wait3A] : memref<10240x128xf32, #tpu.memory_space<vmem_shared>> -> memref<50x128xf32, #tpu.memory_space<vmem_shared>>
      %dma_wait3A_172 = arith.constant 0 : i32
      %dma_wait3A_173 = tpu.memref_slice %arg11[%add3A_96, %dma_wait3A_172] : memref<10240x128xf32, #tpu.memory_space<vmem_shared>> -> memref<50x128xf32, #tpu.memory_space<vmem_shared>>
      tpu.wait_dma2 semaphore(%run_scoped3A : memref<!tpu.dma_semaphore, #tpu.memory_space<semaphore_mem>>) src(%arg9 : memref<50x128xf32, #tpu.memory_space<vmem>>) dst(%dma_wait3A_173 : memref<50x128xf32, #tpu.memory_space<vmem_shared>>)
      tpu.yield
    }) : () -> ()
    %mul3A_97 = arith.constant 640 : i32
    %mul3A_98 = arith.muli %arg1, %mul3A_97 : i32
    %add3A_99 = arith.constant 100 : i32
    %add3A_100 = arith.addi %mul3A_98, %add3A_99 : i32
    "tpu.region"() ({
      %run_scoped3A = tpu.sem_alloc : memref<!tpu.dma_semaphore, #tpu.memory_space<semaphore_mem>>
      %dma_start3A_167 = arith.constant 0 : i32
      %dma_start3A_168 = tpu.memref_slice %arg11[%add3A_100, %dma_start3A_167] : memref<10240x128xf32, #tpu.memory_space<vmem_shared>> -> memref<50x128xf32, #tpu.memory_space<vmem_shared>>
      %dma_start3A_169 = arith.constant 0 : i32
      %dma_start3A_170 = tpu.memref_slice %arg11[%add3A_100, %dma_start3A_169] : memref<10240x128xf32, #tpu.memory_space<vmem_shared>> -> memref<50x128xf32, #tpu.memory_space<vmem_shared>>
      tpu.enqueue_dma source(%arg9 : memref<50x128xf32, #tpu.memory_space<vmem>>) target(%dma_start3A_170 : memref<50x128xf32, #tpu.memory_space<vmem_shared>>) target_semaphore(%run_scoped3A : memref<!tpu.dma_semaphore, #tpu.memory_space<semaphore_mem>>)
      %dma_wait3A = arith.constant 0 : i32
      %dma_wait3A_171 = tpu.memref_slice %arg11[%add3A_100, %dma_wait3A] : memref<10240x128xf32, #tpu.memory_space<vmem_shared>> -> memref<50x128xf32, #tpu.memory_space<vmem_shared>>
      %dma_wait3A_172 = arith.constant 0 : i32
      %dma_wait3A_173 = tpu.memref_slice %arg11[%add3A_100, %dma_wait3A_172] : memref<10240x128xf32, #tpu.memory_space<vmem_shared>> -> memref<50x128xf32, #tpu.memory_space<vmem_shared>>
      tpu.wait_dma2 semaphore(%run_scoped3A : memref<!tpu.dma_semaphore, #tpu.memory_space<semaphore_mem>>) src(%arg9 : memref<50x128xf32, #tpu.memory_space<vmem>>) dst(%dma_wait3A_173 : memref<50x128xf32, #tpu.memory_space<vmem_shared>>)
      tpu.yield
    }) : () -> ()
    %mul3A_101 = arith.constant 640 : i32
    %mul3A_102 = arith.muli %arg1, %mul3A_101 : i32
    %add3A_103 = arith.constant 150 : i32
    %add3A_104 = arith.addi %mul3A_102, %add3A_103 : i32
    "tpu.region"() ({
      %run_scoped3A = tpu.sem_alloc : memref<!tpu.dma_semaphore, #tpu.memory_space<semaphore_mem>>
      %dma_start3A_167 = arith.constant 0 : i32
      %dma_start3A_168 = tpu.memref_slice %arg11[%add3A_104, %dma_start3A_167] : memref<10240x128xf32, #tpu.memory_space<vmem_shared>> -> memref<50x128xf32, #tpu.memory_space<vmem_shared>>
      %dma_start3A_169 = arith.constant 0 : i32
      %dma_start3A_170 = tpu.memref_slice %arg11[%add3A_104, %dma_start3A_169] : memref<10240x128xf32, #tpu.memory_space<vmem_shared>> -> memref<50x128xf32, #tpu.memory_space<vmem_shared>>
      tpu.enqueue_dma source(%arg9 : memref<50x128xf32, #tpu.memory_space<vmem>>) target(%dma_start3A_170 : memref<50x128xf32, #tpu.memory_space<vmem_shared>>) target_semaphore(%run_scoped3A : memref<!tpu.dma_semaphore, #tpu.memory_space<semaphore_mem>>)
      %dma_wait3A = arith.constant 0 : i32
      %dma_wait3A_171 = tpu.memref_slice %arg11[%add3A_104, %dma_wait3A] : memref<10240x128xf32, #tpu.memory_space<vmem_shared>> -> memref<50x128xf32, #tpu.memory_space<vmem_shared>>
      %dma_wait3A_172 = arith.constant 0 : i32
      %dma_wait3A_173 = tpu.memref_slice %arg11[%add3A_104, %dma_wait3A_172] : memref<10240x128xf32, #tpu.memory_space<vmem_shared>> -> memref<50x128xf32, #tpu.memory_space<vmem_shared>>
      tpu.wait_dma2 semaphore(%run_scoped3A : memref<!tpu.dma_semaphore, #tpu.memory_space<semaphore_mem>>) src(%arg9 : memref<50x128xf32, #tpu.memory_space<vmem>>) dst(%dma_wait3A_173 : memref<50x128xf32, #tpu.memory_space<vmem_shared>>)
      tpu.yield
    }) : () -> ()
    %mul3A_105 = arith.constant 640 : i32
    %mul3A_106 = arith.muli %arg1, %mul3A_105 : i32
    %add3A_107 = arith.constant 200 : i32
    %add3A_108 = arith.addi %mul3A_106, %add3A_107 : i32
    "tpu.region"() ({
      %run_scoped3A = tpu.sem_alloc : memref<!tpu.dma_semaphore, #tpu.memory_space<semaphore_mem>>
      %dma_start3A_167 = arith.constant 0 : i32
      %dma_start3A_168 = tpu.memref_slice %arg11[%add3A_108, %dma_start3A_167] : memref<10240x128xf32, #tpu.memory_space<vmem_shared>> -> memref<50x128xf32, #tpu.memory_space<vmem_shared>>
      %dma_start3A_169 = arith.constant 0 : i32
      %dma_start3A_170 = tpu.memref_slice %arg11[%add3A_108, %dma_start3A_169] : memref<10240x128xf32, #tpu.memory_space<vmem_shared>> -> memref<50x128xf32, #tpu.memory_space<vmem_shared>>
      tpu.enqueue_dma source(%arg9 : memref<50x128xf32, #tpu.memory_space<vmem>>) target(%dma_start3A_170 : memref<50x128xf32, #tpu.memory_space<vmem_shared>>) target_semaphore(%run_scoped3A : memref<!tpu.dma_semaphore, #tpu.memory_space<semaphore_mem>>)
      %dma_wait3A = arith.constant 0 : i32
      %dma_wait3A_171 = tpu.memref_slice %arg11[%add3A_108, %dma_wait3A] : memref<10240x128xf32, #tpu.memory_space<vmem_shared>> -> memref<50x128xf32, #tpu.memory_space<vmem_shared>>
      %dma_wait3A_172 = arith.constant 0 : i32
      %dma_wait3A_173 = tpu.memref_slice %arg11[%add3A_108, %dma_wait3A_172] : memref<10240x128xf32, #tpu.memory_space<vmem_shared>> -> memref<50x128xf32, #tpu.memory_space<vmem_shared>>
      tpu.wait_dma2 semaphore(%run_scoped3A : memref<!tpu.dma_semaphore, #tpu.memory_space<semaphore_mem>>) src(%arg9 : memref<50x128xf32, #tpu.memory_space<vmem>>) dst(%dma_wait3A_173 : memref<50x128xf32, #tpu.memory_space<vmem_shared>>)
      tpu.yield
    }) : () -> ()
    %mul3A_109 = arith.constant 640 : i32
    %mul3A_110 = arith.muli %arg1, %mul3A_109 : i32
    %add3A_111 = arith.constant 250 : i32
    %add3A_112 = arith.addi %mul3A_110, %add3A_111 : i32
    "tpu.region"() ({
      %run_scoped3A = tpu.sem_alloc : memref<!tpu.dma_semaphore, #tpu.memory_space<semaphore_mem>>
      %dma_start3A_167 = arith.constant 0 : i32
      %dma_start3A_168 = tpu.memref_slice %arg11[%add3A_112, %dma_start3A_167] : memref<10240x128xf32, #tpu.memory_space<vmem_shared>> -> memref<50x128xf32, #tpu.memory_space<vmem_shared>>
      %dma_start3A_169 = arith.constant 0 : i32
      %dma_start3A_170 = tpu.memref_slice %arg11[%add3A_112, %dma_start3A_169] : memref<10240x128xf32, #tpu.memory_space<vmem_shared>> -> memref<50x128xf32, #tpu.memory_space<vmem_shared>>
      tpu.enqueue_dma source(%arg9 : memref<50x128xf32, #tpu.memory_space<vmem>>) target(%dma_start3A_170 : memref<50x128xf32, #tpu.memory_space<vmem_shared>>) target_semaphore(%run_scoped3A : memref<!tpu.dma_semaphore, #tpu.memory_space<semaphore_mem>>)
      %dma_wait3A = arith.constant 0 : i32
      %dma_wait3A_171 = tpu.memref_slice %arg11[%add3A_112, %dma_wait3A] : memref<10240x128xf32, #tpu.memory_space<vmem_shared>> -> memref<50x128xf32, #tpu.memory_space<vmem_shared>>
      %dma_wait3A_172 = arith.constant 0 : i32
      %dma_wait3A_173 = tpu.memref_slice %arg11[%add3A_112, %dma_wait3A_172] : memref<10240x128xf32, #tpu.memory_space<vmem_shared>> -> memref<50x128xf32, #tpu.memory_space<vmem_shared>>
      tpu.wait_dma2 semaphore(%run_scoped3A : memref<!tpu.dma_semaphore, #tpu.memory_space<semaphore_mem>>) src(%arg9 : memref<50x128xf32, #tpu.memory_space<vmem>>) dst(%dma_wait3A_173 : memref<50x128xf32, #tpu.memory_space<vmem_shared>>)
      tpu.yield
    }) : () -> ()
    %mul3A_113 = arith.constant 640 : i32
    %mul3A_114 = arith.muli %arg1, %mul3A_113 : i32
    %add3A_115 = arith.constant 300 : i32
    %add3A_116 = arith.addi %mul3A_114, %add3A_115 : i32
    "tpu.region"() ({
      %run_scoped3A = tpu.sem_alloc : memref<!tpu.dma_semaphore, #tpu.memory_space<semaphore_mem>>
      %dma_start3A_167 = arith.constant 0 : i32
      %dma_start3A_168 = tpu.memref_slice %arg11[%add3A_116, %dma_start3A_167] : memref<10240x128xf32, #tpu.memory_space<vmem_shared>> -> memref<50x128xf32, #tpu.memory_space<vmem_shared>>
      %dma_start3A_169 = arith.constant 0 : i32
      %dma_start3A_170 = tpu.memref_slice %arg11[%add3A_116, %dma_start3A_169] : memref<10240x128xf32, #tpu.memory_space<vmem_shared>> -> memref<50x128xf32, #tpu.memory_space<vmem_shared>>
      tpu.enqueue_dma source(%arg9 : memref<50x128xf32, #tpu.memory_space<vmem>>) target(%dma_start3A_170 : memref<50x128xf32, #tpu.memory_space<vmem_shared>>) target_semaphore(%run_scoped3A : memref<!tpu.dma_semaphore, #tpu.memory_space<semaphore_mem>>)
      %dma_wait3A = arith.constant 0 : i32
      %dma_wait3A_171 = tpu.memref_slice %arg11[%add3A_116, %dma_wait3A] : memref<10240x128xf32, #tpu.memory_space<vmem_shared>> -> memref<50x128xf32, #tpu.memory_space<vmem_shared>>
      %dma_wait3A_172 = arith.constant 0 : i32
      %dma_wait3A_173 = tpu.memref_slice %arg11[%add3A_116, %dma_wait3A_172] : memref<10240x128xf32, #tpu.memory_space<vmem_shared>> -> memref<50x128xf32, #tpu.memory_space<vmem_shared>>
      tpu.wait_dma2 semaphore(%run_scoped3A : memref<!tpu.dma_semaphore, #tpu.memory_space<semaphore_mem>>) src(%arg9 : memref<50x128xf32, #tpu.memory_space<vmem>>) dst(%dma_wait3A_173 : memref<50x128xf32, #tpu.memory_space<vmem_shared>>)
      tpu.yield
    }) : () -> ()
    %mul3A_117 = arith.constant 640 : i32
    %mul3A_118 = arith.muli %arg1, %mul3A_117 : i32
    %add3A_119 = arith.constant 350 : i32
    %add3A_120 = arith.addi %mul3A_118, %add3A_119 : i32
    "tpu.region"() ({
      %run_scoped3A = tpu.sem_alloc : memref<!tpu.dma_semaphore, #tpu.memory_space<semaphore_mem>>
      %dma_start3A_167 = arith.constant 0 : i32
      %dma_start3A_168 = tpu.memref_slice %arg11[%add3A_120, %dma_start3A_167] : memref<10240x128xf32, #tpu.memory_space<vmem_shared>> -> memref<50x128xf32, #tpu.memory_space<vmem_shared>>
      %dma_start3A_169 = arith.constant 0 : i32
      %dma_start3A_170 = tpu.memref_slice %arg11[%add3A_120, %dma_start3A_169] : memref<10240x128xf32, #tpu.memory_space<vmem_shared>> -> memref<50x128xf32, #tpu.memory_space<vmem_shared>>
      tpu.enqueue_dma source(%arg9 : memref<50x128xf32, #tpu.memory_space<vmem>>) target(%dma_start3A_170 : memref<50x128xf32, #tpu.memory_space<vmem_shared>>) target_semaphore(%run_scoped3A : memref<!tpu.dma_semaphore, #tpu.memory_space<semaphore_mem>>)
      %dma_wait3A = arith.constant 0 : i32
      %dma_wait3A_171 = tpu.memref_slice %arg11[%add3A_120, %dma_wait3A] : memref<10240x128xf32, #tpu.memory_space<vmem_shared>> -> memref<50x128xf32, #tpu.memory_space<vmem_shared>>
      %dma_wait3A_172 = arith.constant 0 : i32
      %dma_wait3A_173 = tpu.memref_slice %arg11[%add3A_120, %dma_wait3A_172] : memref<10240x128xf32, #tpu.memory_space<vmem_shared>> -> memref<50x128xf32, #tpu.memory_space<vmem_shared>>
      tpu.wait_dma2 semaphore(%run_scoped3A : memref<!tpu.dma_semaphore, #tpu.memory_space<semaphore_mem>>) src(%arg9 : memref<50x128xf32, #tpu.memory_space<vmem>>) dst(%dma_wait3A_173 : memref<50x128xf32, #tpu.memory_space<vmem_shared>>)
      tpu.yield
    }) : () -> ()
    %mul3A_121 = arith.constant 640 : i32
    %mul3A_122 = arith.muli %arg1, %mul3A_121 : i32
    %add3A_123 = arith.constant 400 : i32
    %add3A_124 = arith.addi %mul3A_122, %add3A_123 : i32
    "tpu.region"() ({
      %run_scoped3A = tpu.sem_alloc : memref<!tpu.dma_semaphore, #tpu.memory_space<semaphore_mem>>
      %dma_start3A_167 = arith.constant 0 : i32
      %dma_start3A_168 = tpu.memref_slice %arg11[%add3A_124, %dma_start3A_167] : memref<10240x128xf32, #tpu.memory_space<vmem_shared>> -> memref<50x128xf32, #tpu.memory_space<vmem_shared>>
      %dma_start3A_169 = arith.constant 0 : i32
      %dma_start3A_170 = tpu.memref_slice %arg11[%add3A_124, %dma_start3A_169] : memref<10240x128xf32, #tpu.memory_space<vmem_shared>> -> memref<50x128xf32, #tpu.memory_space<vmem_shared>>
      tpu.enqueue_dma source(%arg9 : memref<50x128xf32, #tpu.memory_space<vmem>>) target(%dma_start3A_170 : memref<50x128xf32, #tpu.memory_space<vmem_shared>>) target_semaphore(%run_scoped3A : memref<!tpu.dma_semaphore, #tpu.memory_space<semaphore_mem>>)
      %dma_wait3A = arith.constant 0 : i32
      %dma_wait3A_171 = tpu.memref_slice %arg11[%add3A_124, %dma_wait3A] : memref<10240x128xf32, #tpu.memory_space<vmem_shared>> -> memref<50x128xf32, #tpu.memory_space<vmem_shared>>
      %dma_wait3A_172 = arith.constant 0 : i32
      %dma_wait3A_173 = tpu.memref_slice %arg11[%add3A_124, %dma_wait3A_172] : memref<10240x128xf32, #tpu.memory_space<vmem_shared>> -> memref<50x128xf32, #tpu.memory_space<vmem_shared>>
      tpu.wait_dma2 semaphore(%run_scoped3A : memref<!tpu.dma_semaphore, #tpu.memory_space<semaphore_mem>>) src(%arg9 : memref<50x128xf32, #tpu.memory_space<vmem>>) dst(%dma_wait3A_173 : memref<50x128xf32, #tpu.memory_space<vmem_shared>>)
      tpu.yield
    }) : () -> ()
    %mul3A_125 = arith.constant 640 : i32
    %mul3A_126 = arith.muli %arg1, %mul3A_125 : i32
    %add3A_127 = arith.constant 450 : i32
    %add3A_128 = arith.addi %mul3A_126, %add3A_127 : i32
    "tpu.region"() ({
      %run_scoped3A = tpu.sem_alloc : memref<!tpu.dma_semaphore, #tpu.memory_space<semaphore_mem>>
      %dma_start3A_167 = arith.constant 0 : i32
      %dma_start3A_168 = tpu.memref_slice %arg11[%add3A_128, %dma_start3A_167] : memref<10240x128xf32, #tpu.memory_space<vmem_shared>> -> memref<50x128xf32, #tpu.memory_space<vmem_shared>>
      %dma_start3A_169 = arith.constant 0 : i32
      %dma_start3A_170 = tpu.memref_slice %arg11[%add3A_128, %dma_start3A_169] : memref<10240x128xf32, #tpu.memory_space<vmem_shared>> -> memref<50x128xf32, #tpu.memory_space<vmem_shared>>
      tpu.enqueue_dma source(%arg9 : memref<50x128xf32, #tpu.memory_space<vmem>>) target(%dma_start3A_170 : memref<50x128xf32, #tpu.memory_space<vmem_shared>>) target_semaphore(%run_scoped3A : memref<!tpu.dma_semaphore, #tpu.memory_space<semaphore_mem>>)
      %dma_wait3A = arith.constant 0 : i32
      %dma_wait3A_171 = tpu.memref_slice %arg11[%add3A_128, %dma_wait3A] : memref<10240x128xf32, #tpu.memory_space<vmem_shared>> -> memref<50x128xf32, #tpu.memory_space<vmem_shared>>
      %dma_wait3A_172 = arith.constant 0 : i32
      %dma_wait3A_173 = tpu.memref_slice %arg11[%add3A_128, %dma_wait3A_172] : memref<10240x128xf32, #tpu.memory_space<vmem_shared>> -> memref<50x128xf32, #tpu.memory_space<vmem_shared>>
      tpu.wait_dma2 semaphore(%run_scoped3A : memref<!tpu.dma_semaphore, #tpu.memory_space<semaphore_mem>>) src(%arg9 : memref<50x128xf32, #tpu.memory_space<vmem>>) dst(%dma_wait3A_173 : memref<50x128xf32, #tpu.memory_space<vmem_shared>>)
      tpu.yield
    }) : () -> ()
    %mul3A_129 = arith.constant 640 : i32
    %mul3A_130 = arith.muli %arg1, %mul3A_129 : i32
    %add3A_131 = arith.constant 500 : i32
    %add3A_132 = arith.addi %mul3A_130, %add3A_131 : i32
    "tpu.region"() ({
      %run_scoped3A = tpu.sem_alloc : memref<!tpu.dma_semaphore, #tpu.memory_space<semaphore_mem>>
      %dma_start3A_167 = arith.constant 0 : i32
      %dma_start3A_168 = tpu.memref_slice %arg11[%add3A_132, %dma_start3A_167] : memref<10240x128xf32, #tpu.memory_space<vmem_shared>> -> memref<50x128xf32, #tpu.memory_space<vmem_shared>>
      %dma_start3A_169 = arith.constant 0 : i32
      %dma_start3A_170 = tpu.memref_slice %arg11[%add3A_132, %dma_start3A_169] : memref<10240x128xf32, #tpu.memory_space<vmem_shared>> -> memref<50x128xf32, #tpu.memory_space<vmem_shared>>
      tpu.enqueue_dma source(%arg9 : memref<50x128xf32, #tpu.memory_space<vmem>>) target(%dma_start3A_170 : memref<50x128xf32, #tpu.memory_space<vmem_shared>>) target_semaphore(%run_scoped3A : memref<!tpu.dma_semaphore, #tpu.memory_space<semaphore_mem>>)
      %dma_wait3A = arith.constant 0 : i32
      %dma_wait3A_171 = tpu.memref_slice %arg11[%add3A_132, %dma_wait3A] : memref<10240x128xf32, #tpu.memory_space<vmem_shared>> -> memref<50x128xf32, #tpu.memory_space<vmem_shared>>
      %dma_wait3A_172 = arith.constant 0 : i32
      %dma_wait3A_173 = tpu.memref_slice %arg11[%add3A_132, %dma_wait3A_172] : memref<10240x128xf32, #tpu.memory_space<vmem_shared>> -> memref<50x128xf32, #tpu.memory_space<vmem_shared>>
      tpu.wait_dma2 semaphore(%run_scoped3A : memref<!tpu.dma_semaphore, #tpu.memory_space<semaphore_mem>>) src(%arg9 : memref<50x128xf32, #tpu.memory_space<vmem>>) dst(%dma_wait3A_173 : memref<50x128xf32, #tpu.memory_space<vmem_shared>>)
      tpu.yield
    }) : () -> ()
    %mul3A_133 = arith.constant 640 : i32
    %mul3A_134 = arith.muli %arg1, %mul3A_133 : i32
    %add3A_135 = arith.constant 550 : i32
    %add3A_136 = arith.addi %mul3A_134, %add3A_135 : i32
    "tpu.region"() ({
      %run_scoped3A = tpu.sem_alloc : memref<!tpu.dma_semaphore, #tpu.memory_space<semaphore_mem>>
      %dma_start3A_167 = arith.constant 0 : i32
      %dma_start3A_168 = tpu.memref_slice %arg11[%add3A_136, %dma_start3A_167] : memref<10240x128xf32, #tpu.memory_space<vmem_shared>> -> memref<50x128xf32, #tpu.memory_space<vmem_shared>>
      %dma_start3A_169 = arith.constant 0 : i32
      %dma_start3A_170 = tpu.memref_slice %arg11[%add3A_136, %dma_start3A_169] : memref<10240x128xf32, #tpu.memory_space<vmem_shared>> -> memref<50x128xf32, #tpu.memory_space<vmem_shared>>
      tpu.enqueue_dma source(%arg9 : memref<50x128xf32, #tpu.memory_space<vmem>>) target(%dma_start3A_170 : memref<50x128xf32, #tpu.memory_space<vmem_shared>>) target_semaphore(%run_scoped3A : memref<!tpu.dma_semaphore, #tpu.memory_space<semaphore_mem>>)
      %dma_wait3A = arith.constant 0 : i32
      %dma_wait3A_171 = tpu.memref_slice %arg11[%add3A_136, %dma_wait3A] : memref<10240x128xf32, #tpu.memory_space<vmem_shared>> -> memref<50x128xf32, #tpu.memory_space<vmem_shared>>
      %dma_wait3A_172 = arith.constant 0 : i32
      %dma_wait3A_173 = tpu.memref_slice %arg11[%add3A_136, %dma_wait3A_172] : memref<10240x128xf32, #tpu.memory_space<vmem_shared>> -> memref<50x128xf32, #tpu.memory_space<vmem_shared>>
      tpu.wait_dma2 semaphore(%run_scoped3A : memref<!tpu.dma_semaphore, #tpu.memory_space<semaphore_mem>>) src(%arg9 : memref<50x128xf32, #tpu.memory_space<vmem>>) dst(%dma_wait3A_173 : memref<50x128xf32, #tpu.memory_space<vmem_shared>>)
      tpu.yield
    }) : () -> ()
    %mul3A_137 = arith.constant 640 : i32
    %mul3A_138 = arith.muli %arg1, %mul3A_137 : i32
    %add3A_139 = arith.constant 600 : i32
    %add3A_140 = arith.addi %mul3A_138, %add3A_139 : i32
    "tpu.region"() ({
      %run_scoped3A = tpu.sem_alloc : memref<!tpu.dma_semaphore, #tpu.memory_space<semaphore_mem>>
      %dma_start3A_167 = arith.constant 0 : i32
      %dma_start3A_168 = arith.constant 0 : i32
      %dma_start3A_169 = tpu.memref_slice %arg9[%dma_start3A_167, %dma_start3A_168] : memref<50x128xf32, #tpu.memory_space<vmem>> -> memref<40x128xf32, #tpu.memory_space<vmem>>
      %dma_start3A_170 = arith.constant 0 : i32
      %dma_start3A_171 = tpu.memref_slice %arg11[%add3A_140, %dma_start3A_170] : memref<10240x128xf32, #tpu.memory_space<vmem_shared>> -> memref<40x128xf32, #tpu.memory_space<vmem_shared>>
      %dma_start3A_172 = arith.constant 0 : i32
      %dma_start3A_173 = tpu.memref_slice %arg11[%add3A_140, %dma_start3A_172] : memref<10240x128xf32, #tpu.memory_space<vmem_shared>> -> memref<40x128xf32, #tpu.memory_space<vmem_shared>>
      %dma_start3A_174 = arith.constant 0 : i32
      %dma_start3A_175 = arith.constant 0 : i32
      %dma_start3A_176 = tpu.memref_slice %arg9[%dma_start3A_174, %dma_start3A_175] : memref<50x128xf32, #tpu.memory_space<vmem>> -> memref<40x128xf32, #tpu.memory_space<vmem>>
      tpu.enqueue_dma source(%dma_start3A_176 : memref<40x128xf32, #tpu.memory_space<vmem>>) target(%dma_start3A_173 : memref<40x128xf32, #tpu.memory_space<vmem_shared>>) target_semaphore(%run_scoped3A : memref<!tpu.dma_semaphore, #tpu.memory_space<semaphore_mem>>)
      %dma_wait3A = arith.constant 0 : i32
      %dma_wait3A_177 = arith.constant 0 : i32
      %dma_wait3A_178 = tpu.memref_slice %arg9[%dma_wait3A, %dma_wait3A_177] : memref<50x128xf32, #tpu.memory_space<vmem>> -> memref<40x128xf32, #tpu.memory_space<vmem>>
      %dma_wait3A_179 = arith.constant 0 : i32
      %dma_wait3A_180 = tpu.memref_slice %arg11[%add3A_140, %dma_wait3A_179] : memref<10240x128xf32, #tpu.memory_space<vmem_shared>> -> memref<40x128xf32, #tpu.memory_space<vmem_shared>>
      %dma_wait3A_181 = arith.constant 0 : i32
      %dma_wait3A_182 = tpu.memref_slice %arg11[%add3A_140, %dma_wait3A_181] : memref<10240x128xf32, #tpu.memory_space<vmem_shared>> -> memref<40x128xf32, #tpu.memory_space<vmem_shared>>
      %dma_wait3A_183 = arith.constant 0 : i32
      %dma_wait3A_184 = arith.constant 0 : i32
      %dma_wait3A_185 = tpu.memref_slice %arg9[%dma_wait3A_183, %dma_wait3A_184] : memref<50x128xf32, #tpu.memory_space<vmem>> -> memref<40x128xf32, #tpu.memory_space<vmem>>
      tpu.wait_dma2 semaphore(%run_scoped3A : memref<!tpu.dma_semaphore, #tpu.memory_space<semaphore_mem>>) src(%dma_wait3A_185 : memref<40x128xf32, #tpu.memory_space<vmem>>) dst(%dma_wait3A_182 : memref<40x128xf32, #tpu.memory_space<vmem_shared>>)
      tpu.yield
    }) : () -> ()
    %barrier3A_141 = arith.constant 0 : index
    tpu.barrier barrier_id(%barrier3A_141)
    %dma_start3A_142 = arith.constant 0 : i32
    %dma_start3A_143 = arith.constant 0 : i32
    %dma_start3A_144 = tpu.memref_slice %arg7[%dma_start3A_142, %dma_start3A_143] : memref<100x50xi32, #tpu.memory_space<vmem>> -> memref<1x50xi32, #tpu.memory_space<vmem>>
    %dma_start3A_145 = tpu.memref_squeeze %dma_start3A_144 : memref<1x50xi32, #tpu.memory_space<vmem>> -> memref<50xi32, #tpu.memory_space<vmem>>
    %dma_start3A_146 = arith.constant 0 : i32
    %dma_start3A_147 = arith.constant 0 : i32
    %dma_start3A_148 = tpu.memref_slice %arg3[%dma_start3A_146, %dma_start3A_147] : memref<10000x128xf32, #tpu.memory_space<hbm>> -> memref<10000x128xf32, #tpu.memory_space<hbm>>
    tpu.enqueue_indirect_dma source(%dma_start3A_148 : memref<10000x128xf32, #tpu.memory_space<hbm>>) target(%arg9 : memref<50x128xf32, #tpu.memory_space<vmem>>) offsets(%dma_start3A_145 : memref<50xi32, #tpu.memory_space<vmem>>) semaphore(%arg12 : memref<!tpu.dma_semaphore, #tpu.memory_space<semaphore_mem>>)
    %scan3A_149 = arith.constant 0 : i32
    %scan3A_150 = arith.constant 0 : i32
    %scan3A_151 = arith.constant 50 : i32
    %scan3A_152 = arith.addi %scan3A_150, %scan3A_151 : i32
    %scan3A_153 = arith.constant 1 : i32
    scf.for %scan3A_167 = %scan3A_150 to %scan3A_152 step %scan3A_153  : i32 {
      %mul3A_168 = arith.constant 2 : i32
      %mul3A_169 = arith.muli %mul3A_168, %scan3A_167 : i32
      %add3A_170 = arith.constant 1 : i32
      %add3A_171 = arith.addi %mul3A_169, %add3A_170 : i32
      %dma_start3A_172 = arith.constant 0 : i32
      %dma_start3A_173 = tpu.memref_slice %arg7[%add3A_171, %dma_start3A_172] : memref<100x50xi32, #tpu.memory_space<vmem>> -> memref<1x50xi32, #tpu.memory_space<vmem>>
      %dma_start3A_174 = tpu.memref_squeeze %dma_start3A_173 : memref<1x50xi32, #tpu.memory_space<vmem>> -> memref<50xi32, #tpu.memory_space<vmem>>
      %dma_start3A_175 = arith.constant 0 : i32
      %dma_start3A_176 = arith.constant 0 : i32
      %dma_start3A_177 = tpu.memref_slice %arg3[%dma_start3A_175, %dma_start3A_176] : memref<10000x128xf32, #tpu.memory_space<hbm>> -> memref<10000x128xf32, #tpu.memory_space<hbm>>
      tpu.enqueue_indirect_dma source(%dma_start3A_177 : memref<10000x128xf32, #tpu.memory_space<hbm>>) target(%arg10 : memref<50x128xf32, #tpu.memory_space<vmem>>) offsets(%dma_start3A_174 : memref<50xi32, #tpu.memory_space<vmem>>) semaphore(%arg13 : memref<!tpu.dma_semaphore, #tpu.memory_space<semaphore_mem>>)
      %dma_wait3A = arith.constant 0 : i32
      %dma_wait3A_178 = tpu.memref_slice %arg7[%mul3A_169, %dma_wait3A] : memref<100x50xi32, #tpu.memory_space<vmem>> -> memref<1x50xi32, #tpu.memory_space<vmem>>
      %dma_wait3A_179 = tpu.memref_squeeze %dma_wait3A_178 : memref<1x50xi32, #tpu.memory_space<vmem>> -> memref<50xi32, #tpu.memory_space<vmem>>
      %dma_wait3A_180 = arith.constant 0 : i32
      %dma_wait3A_181 = arith.constant 0 : i32
      %dma_wait3A_182 = tpu.memref_slice %arg3[%dma_wait3A_180, %dma_wait3A_181] : memref<10000x128xf32, #tpu.memory_space<hbm>> -> memref<10000x128xf32, #tpu.memory_space<hbm>>
      tpu.wait_indirect_dma semaphore(%arg12 : memref<!tpu.dma_semaphore, #tpu.memory_space<semaphore_mem>>) src(%dma_wait3A_182 : memref<10000x128xf32, #tpu.memory_space<hbm>>) dst(%arg9 : memref<50x128xf32, #tpu.memory_space<vmem>>)
      "tpu.region"() ({
        %run_scoped3A = tpu.sem_alloc : memref<!tpu.dma_semaphore, #tpu.memory_space<semaphore_mem>>
        %dma_start3A_197 = arith.constant 0 : i32
        %dma_start3A_198 = tpu.memref_slice %arg8[%mul3A_169, %dma_start3A_197] : memref<100x50xi32, #tpu.memory_space<vmem>> -> memref<1x50xi32, #tpu.memory_space<vmem>>
        %dma_start3A_199 = tpu.memref_squeeze %dma_start3A_198 : memref<1x50xi32, #tpu.memory_space<vmem>> -> memref<50xi32, #tpu.memory_space<vmem>>
        %dma_start3A_200 = arith.constant 0 : i32
        %dma_start3A_201 = arith.constant 0 : i32
        %dma_start3A_202 = tpu.memref_slice %arg11[%dma_start3A_200, %dma_start3A_201] : memref<10240x128xf32, #tpu.memory_space<vmem_shared>> -> memref<10240x128xf32, #tpu.memory_space<vmem_shared>>
        tpu.enqueue_indirect_dma source(%arg9 : memref<50x128xf32, #tpu.memory_space<vmem>>) target(%dma_start3A_202 : memref<10240x128xf32, #tpu.memory_space<vmem_shared>>) offsets(%dma_start3A_199 : memref<50xi32, #tpu.memory_space<vmem>>) semaphore(%run_scoped3A : memref<!tpu.dma_semaphore, #tpu.memory_space<semaphore_mem>>) {add = true}
        %dma_wait3A_203 = arith.constant 0 : i32
        %dma_wait3A_204 = tpu.memref_slice %arg8[%mul3A_169, %dma_wait3A_203] : memref<100x50xi32, #tpu.memory_space<vmem>> -> memref<1x50xi32, #tpu.memory_space<vmem>>
        %dma_wait3A_205 = tpu.memref_squeeze %dma_wait3A_204 : memref<1x50xi32, #tpu.memory_space<vmem>> -> memref<50xi32, #tpu.memory_space<vmem>>
        %dma_wait3A_206 = arith.constant 0 : i32
        %dma_wait3A_207 = arith.constant 0 : i32
        %dma_wait3A_208 = tpu.memref_slice %arg11[%dma_wait3A_206, %dma_wait3A_207] : memref<10240x128xf32, #tpu.memory_space<vmem_shared>> -> memref<10240x128xf32, #tpu.memory_space<vmem_shared>>
        tpu.wait_indirect_dma semaphore(%run_scoped3A : memref<!tpu.dma_semaphore, #tpu.memory_space<semaphore_mem>>) src(%arg9 : memref<50x128xf32, #tpu.memory_space<vmem>>) dst(%dma_wait3A_208 : memref<10240x128xf32, #tpu.memory_space<vmem_shared>>)
        tpu.yield
      }) : () -> ()
      %add3A_183 = arith.constant 2 : i32
      %add3A_184 = arith.addi %mul3A_169, %add3A_183 : i32
      %lt3A = arith.constant 100 : i32
      %lt3A_185 = arith.cmpi slt, %add3A_184, %lt3A : i32
      %convert_element_type3A = arith.extui %lt3A_185 : i1 to i32
      %cond3A = arith.constant 0 : i32
      %cond3A_186 = arith.cmpi ne, %convert_element_type3A, %cond3A : i32
      scf.if %cond3A_186 {
        %add3A_197 = arith.constant 2 : i32
        %add3A_198 = arith.addi %mul3A_169, %add3A_197 : i32
        %dma_start3A_199 = arith.constant 0 : i32
        %dma_start3A_200 = tpu.memref_slice %arg7[%add3A_198, %dma_start3A_199] : memref<100x50xi32, #tpu.memory_space<vmem>> -> memref<1x50xi32, #tpu.memory_space<vmem>>
        %dma_start3A_201 = tpu.memref_squeeze %dma_start3A_200 : memref<1x50xi32, #tpu.memory_space<vmem>> -> memref<50xi32, #tpu.memory_space<vmem>>
        %dma_start3A_202 = arith.constant 0 : i32
        %dma_start3A_203 = arith.constant 0 : i32
        %dma_start3A_204 = tpu.memref_slice %arg3[%dma_start3A_202, %dma_start3A_203] : memref<10000x128xf32, #tpu.memory_space<hbm>> -> memref<10000x128xf32, #tpu.memory_space<hbm>>
        tpu.enqueue_indirect_dma source(%dma_start3A_204 : memref<10000x128xf32, #tpu.memory_space<hbm>>) target(%arg9 : memref<50x128xf32, #tpu.memory_space<vmem>>) offsets(%dma_start3A_201 : memref<50xi32, #tpu.memory_space<vmem>>) semaphore(%arg12 : memref<!tpu.dma_semaphore, #tpu.memory_space<semaphore_mem>>)
      } else {
      }
      %add3A_187 = arith.constant 1 : i32
      %add3A_188 = arith.addi %mul3A_169, %add3A_187 : i32
      %dma_wait3A_189 = arith.constant 0 : i32
      %dma_wait3A_190 = tpu.memref_slice %arg7[%add3A_188, %dma_wait3A_189] : memref<100x50xi32, #tpu.memory_space<vmem>> -> memref<1x50xi32, #tpu.memory_space<vmem>>
      %dma_wait3A_191 = tpu.memref_squeeze %dma_wait3A_190 : memref<1x50xi32, #tpu.memory_space<vmem>> -> memref<50xi32, #tpu.memory_space<vmem>>
      %dma_wait3A_192 = arith.constant 0 : i32
      %dma_wait3A_193 = arith.constant 0 : i32
      %dma_wait3A_194 = tpu.memref_slice %arg3[%dma_wait3A_192, %dma_wait3A_193] : memref<10000x128xf32, #tpu.memory_space<hbm>> -> memref<10000x128xf32, #tpu.memory_space<hbm>>
      tpu.wait_indirect_dma semaphore(%arg13 : memref<!tpu.dma_semaphore, #tpu.memory_space<semaphore_mem>>) src(%dma_wait3A_194 : memref<10000x128xf32, #tpu.memory_space<hbm>>) dst(%arg10 : memref<50x128xf32, #tpu.memory_space<vmem>>)
      %add3A_195 = arith.constant 1 : i32
      %add3A_196 = arith.addi %mul3A_169, %add3A_195 : i32
      "tpu.region"() ({
        %run_scoped3A = tpu.sem_alloc : memref<!tpu.dma_semaphore, #tpu.memory_space<semaphore_mem>>
        %dma_start3A_197 = arith.constant 0 : i32
        %dma_start3A_198 = tpu.memref_slice %arg8[%add3A_196, %dma_start3A_197] : memref<100x50xi32, #tpu.memory_space<vmem>> -> memref<1x50xi32, #tpu.memory_space<vmem>>
        %dma_start3A_199 = tpu.memref_squeeze %dma_start3A_198 : memref<1x50xi32, #tpu.memory_space<vmem>> -> memref<50xi32, #tpu.memory_space<vmem>>
        %dma_start3A_200 = arith.constant 0 : i32
        %dma_start3A_201 = arith.constant 0 : i32
        %dma_start3A_202 = tpu.memref_slice %arg11[%dma_start3A_200, %dma_start3A_201] : memref<10240x128xf32, #tpu.memory_space<vmem_shared>> -> memref<10240x128xf32, #tpu.memory_space<vmem_shared>>
        tpu.enqueue_indirect_dma source(%arg10 : memref<50x128xf32, #tpu.memory_space<vmem>>) target(%dma_start3A_202 : memref<10240x128xf32, #tpu.memory_space<vmem_shared>>) offsets(%dma_start3A_199 : memref<50xi32, #tpu.memory_space<vmem>>) semaphore(%run_scoped3A : memref<!tpu.dma_semaphore, #tpu.memory_space<semaphore_mem>>) {add = true}
        %dma_wait3A_203 = arith.constant 0 : i32
        %dma_wait3A_204 = tpu.memref_slice %arg8[%add3A_196, %dma_wait3A_203] : memref<100x50xi32, #tpu.memory_space<vmem>> -> memref<1x50xi32, #tpu.memory_space<vmem>>
        %dma_wait3A_205 = tpu.memref_squeeze %dma_wait3A_204 : memref<1x50xi32, #tpu.memory_space<vmem>> -> memref<50xi32, #tpu.memory_space<vmem>>
        %dma_wait3A_206 = arith.constant 0 : i32
        %dma_wait3A_207 = arith.constant 0 : i32
        %dma_wait3A_208 = tpu.memref_slice %arg11[%dma_wait3A_206, %dma_wait3A_207] : memref<10240x128xf32, #tpu.memory_space<vmem_shared>> -> memref<10240x128xf32, #tpu.memory_space<vmem_shared>>
        tpu.wait_indirect_dma semaphore(%run_scoped3A : memref<!tpu.dma_semaphore, #tpu.memory_space<semaphore_mem>>) src(%arg10 : memref<50x128xf32, #tpu.memory_space<vmem>>) dst(%dma_wait3A_208 : memref<10240x128xf32, #tpu.memory_space<vmem_shared>>)
        tpu.yield
      }) : () -> ()
    }
    %scan3A_154 = arith.constant 50 : i32
    %barrier3A_155 = arith.constant 0 : index
    tpu.barrier barrier_id(%barrier3A_155)
    %mul3A_156 = arith.constant 640 : i32
    %mul3A_157 = arith.muli %arg1, %mul3A_156 : i32
    %mul3A_158 = arith.constant 2 : i32
    %mul3A_159 = arith.muli %arg0, %mul3A_158 : i32
    %add3A_160 = arith.constant 1 : i32
    %add3A_161 = arith.addi %mul3A_159, %add3A_160 : i32
    %mul3A_162 = arith.constant 10240 : i32
    %mul3A_163 = arith.muli %add3A_161, %mul3A_162 : i32
    %mul3A_164 = arith.constant 640 : i32
    %mul3A_165 = arith.muli %arg1, %mul3A_164 : i32
    %add3A_166 = arith.addi %mul3A_163, %mul3A_165 : i32
    "tpu.region"() ({
      %run_scoped3A = tpu.sem_alloc : memref<!tpu.dma_semaphore, #tpu.memory_space<semaphore_mem>>
      %dma_start3A_167 = arith.constant 0 : i32
      %dma_start3A_168 = tpu.memref_slice %arg6[%add3A_166, %dma_start3A_167] : memref<40960x128xf32, #tpu.memory_space<hbm>> -> memref<640x128xf32, #tpu.memory_space<hbm>>
      %dma_start3A_169 = arith.constant 0 : i32
      %dma_start3A_170 = tpu.memref_slice %arg11[%mul3A_157, %dma_start3A_169] : memref<10240x128xf32, #tpu.memory_space<vmem_shared>> -> memref<640x128xf32, #tpu.memory_space<vmem_shared>>
      tpu.enqueue_dma source(%dma_start3A_170 : memref<640x128xf32, #tpu.memory_space<vmem_shared>>) target(%dma_start3A_168 : memref<640x128xf32, #tpu.memory_space<hbm>>) target_semaphore(%run_scoped3A : memref<!tpu.dma_semaphore, #tpu.memory_space<semaphore_mem>>)
      %dma_wait3A = arith.constant 0 : i32
      %dma_wait3A_171 = tpu.memref_slice %arg6[%add3A_166, %dma_wait3A] : memref<40960x128xf32, #tpu.memory_space<hbm>> -> memref<640x128xf32, #tpu.memory_space<hbm>>
      %dma_wait3A_172 = arith.constant 0 : i32
      %dma_wait3A_173 = tpu.memref_slice %arg11[%mul3A_157, %dma_wait3A_172] : memref<10240x128xf32, #tpu.memory_space<vmem_shared>> -> memref<640x128xf32, #tpu.memory_space<vmem_shared>>
      tpu.wait_dma2 semaphore(%run_scoped3A : memref<!tpu.dma_semaphore, #tpu.memory_space<semaphore_mem>>) src(%dma_wait3A_173 : memref<640x128xf32, #tpu.memory_space<vmem_shared>>) dst(%dma_wait3A_171 : memref<640x128xf32, #tpu.memory_space<hbm>>)
      tpu.yield
    }) : () -> ()
    return
  }
}

#map = affine_map<(d0, d1) -> (0, 0)>
#map1 = affine_map<(d0, d1) -> (0, 0, 0)>
module attributes {stable_mosaic.version = 14 : i64} {
  func.func @body(%arg0: i32, %arg1: i32, %arg2: memref<10000x128xf32, #tpu.memory_space<hbm>>, %arg3: memref<10000x128xf32, #tpu.memory_space<hbm>>, %arg4: memref<10000x128xf32, #tpu.memory_space<hbm>>, %arg5: memref<10000x128xf32, #tpu.memory_space<hbm>>, %arg6: memref<32x100x50xi32, #tpu.memory_space<hbm>>, %arg7: memref<32x100x50xi32, #tpu.memory_space<hbm>>, %arg8: memref<81920x128xf32, #tpu.memory_space<hbm>>, %arg9: memref<100x50xi32, #tpu.memory_space<vmem>>, %arg10: memref<100x50xi32, #tpu.memory_space<vmem>>, %arg11: memref<50x128xf32, #tpu.memory_space<vmem>>, %arg12: memref<50x128xf32, #tpu.memory_space<vmem>>, %arg13: memref<10240x128xf32, #tpu.memory_space<vmem_shared>>, %arg14: memref<!tpu.dma_semaphore, #tpu.memory_space<semaphore_mem>>, %arg15: memref<!tpu.dma_semaphore, #tpu.memory_space<semaphore_mem>>) attributes {dimension_semantics = [#tpu.dimension_semantics<core_parallel>, #tpu.dimension_semantics<subcore_parallel>], iteration_bounds = array<i64: 2, 16>, scalar_prefetch = 0 : i64, scratch_operands = 7 : i64, tpu.core_type = #tpu.core_type<sc_vector_subcore>, window_params = [{transform_indices = #map}, {transform_indices = #map}, {transform_indices = #map}, {transform_indices = #map}, {transform_indices = #map1}, {transform_indices = #map1}, {transform_indices = #map}]} {
    %mul3A = arith.constant 2 : i32
    %mul3A_0 = arith.muli %arg1, %mul3A : i32
    %add3A = arith.addi %mul3A_0, %arg0 : i32
    %broadcast_in_dim3A = arith.constant 0.000000e+00 : f32
    %broadcast_in_dim3A_1 = vector.broadcast %broadcast_in_dim3A : f32 to vector<16xf32>
    "tpu.region"() ({
      %run_scoped3A = tpu.sem_alloc : memref<!tpu.dma_semaphore, #tpu.memory_space<semaphore_mem>>
      %dma_start3A_335 = arith.constant 0 : i32
      %dma_start3A_336 = arith.constant 0 : i32
      %dma_start3A_337 = tpu.memref_slice %arg6[%add3A, %dma_start3A_335, %dma_start3A_336] : memref<32x100x50xi32, #tpu.memory_space<hbm>> -> memref<1x100x50xi32, #tpu.memory_space<hbm>>
      %dma_start3A_338 = tpu.memref_squeeze %dma_start3A_337 : memref<1x100x50xi32, #tpu.memory_space<hbm>> -> memref<100x50xi32, #tpu.memory_space<hbm>>
      %dma_start3A_339 = arith.constant 0 : i32
      %dma_start3A_340 = arith.constant 0 : i32
      %dma_start3A_341 = tpu.memref_slice %arg6[%add3A, %dma_start3A_339, %dma_start3A_340] : memref<32x100x50xi32, #tpu.memory_space<hbm>> -> memref<1x100x50xi32, #tpu.memory_space<hbm>>
      %dma_start3A_342 = tpu.memref_squeeze %dma_start3A_341 : memref<1x100x50xi32, #tpu.memory_space<hbm>> -> memref<100x50xi32, #tpu.memory_space<hbm>>
      tpu.enqueue_dma source(%dma_start3A_342 : memref<100x50xi32, #tpu.memory_space<hbm>>) target(%arg9 : memref<100x50xi32, #tpu.memory_space<vmem>>) target_semaphore(%run_scoped3A : memref<!tpu.dma_semaphore, #tpu.memory_space<semaphore_mem>>)
      %dma_wait3A = arith.constant 0 : i32
      %dma_wait3A_343 = arith.constant 0 : i32
      %dma_wait3A_344 = tpu.memref_slice %arg6[%add3A, %dma_wait3A, %dma_wait3A_343] : memref<32x100x50xi32, #tpu.memory_space<hbm>> -> memref<1x100x50xi32, #tpu.memory_space<hbm>>
      %dma_wait3A_345 = tpu.memref_squeeze %dma_wait3A_344 : memref<1x100x50xi32, #tpu.memory_space<hbm>> -> memref<100x50xi32, #tpu.memory_space<hbm>>
      %dma_wait3A_346 = arith.constant 0 : i32
      %dma_wait3A_347 = arith.constant 0 : i32
      %dma_wait3A_348 = tpu.memref_slice %arg6[%add3A, %dma_wait3A_346, %dma_wait3A_347] : memref<32x100x50xi32, #tpu.memory_space<hbm>> -> memref<1x100x50xi32, #tpu.memory_space<hbm>>
      %dma_wait3A_349 = tpu.memref_squeeze %dma_wait3A_348 : memref<1x100x50xi32, #tpu.memory_space<hbm>> -> memref<100x50xi32, #tpu.memory_space<hbm>>
      tpu.wait_dma2 semaphore(%run_scoped3A : memref<!tpu.dma_semaphore, #tpu.memory_space<semaphore_mem>>) src(%dma_wait3A_349 : memref<100x50xi32, #tpu.memory_space<hbm>>) dst(%arg9 : memref<100x50xi32, #tpu.memory_space<vmem>>)
      tpu.yield
    }) : () -> ()
    "tpu.region"() ({
      %run_scoped3A = tpu.sem_alloc : memref<!tpu.dma_semaphore, #tpu.memory_space<semaphore_mem>>
      %dma_start3A_335 = arith.constant 0 : i32
      %dma_start3A_336 = arith.constant 0 : i32
      %dma_start3A_337 = tpu.memref_slice %arg7[%add3A, %dma_start3A_335, %dma_start3A_336] : memref<32x100x50xi32, #tpu.memory_space<hbm>> -> memref<1x100x50xi32, #tpu.memory_space<hbm>>
      %dma_start3A_338 = tpu.memref_squeeze %dma_start3A_337 : memref<1x100x50xi32, #tpu.memory_space<hbm>> -> memref<100x50xi32, #tpu.memory_space<hbm>>
      %dma_start3A_339 = arith.constant 0 : i32
      %dma_start3A_340 = arith.constant 0 : i32
      %dma_start3A_341 = tpu.memref_slice %arg7[%add3A, %dma_start3A_339, %dma_start3A_340] : memref<32x100x50xi32, #tpu.memory_space<hbm>> -> memref<1x100x50xi32, #tpu.memory_space<hbm>>
      %dma_start3A_342 = tpu.memref_squeeze %dma_start3A_341 : memref<1x100x50xi32, #tpu.memory_space<hbm>> -> memref<100x50xi32, #tpu.memory_space<hbm>>
      tpu.enqueue_dma source(%dma_start3A_342 : memref<100x50xi32, #tpu.memory_space<hbm>>) target(%arg10 : memref<100x50xi32, #tpu.memory_space<vmem>>) target_semaphore(%run_scoped3A : memref<!tpu.dma_semaphore, #tpu.memory_space<semaphore_mem>>)
      %dma_wait3A = arith.constant 0 : i32
      %dma_wait3A_343 = arith.constant 0 : i32
      %dma_wait3A_344 = tpu.memref_slice %arg7[%add3A, %dma_wait3A, %dma_wait3A_343] : memref<32x100x50xi32, #tpu.memory_space<hbm>> -> memref<1x100x50xi32, #tpu.memory_space<hbm>>
      %dma_wait3A_345 = tpu.memref_squeeze %dma_wait3A_344 : memref<1x100x50xi32, #tpu.memory_space<hbm>> -> memref<100x50xi32, #tpu.memory_space<hbm>>
      %dma_wait3A_346 = arith.constant 0 : i32
      %dma_wait3A_347 = arith.constant 0 : i32
      %dma_wait3A_348 = tpu.memref_slice %arg7[%add3A, %dma_wait3A_346, %dma_wait3A_347] : memref<32x100x50xi32, #tpu.memory_space<hbm>> -> memref<1x100x50xi32, #tpu.memory_space<hbm>>
      %dma_wait3A_349 = tpu.memref_squeeze %dma_wait3A_348 : memref<1x100x50xi32, #tpu.memory_space<hbm>> -> memref<100x50xi32, #tpu.memory_space<hbm>>
      tpu.wait_dma2 semaphore(%run_scoped3A : memref<!tpu.dma_semaphore, #tpu.memory_space<semaphore_mem>>) src(%dma_wait3A_349 : memref<100x50xi32, #tpu.memory_space<hbm>>) dst(%arg10 : memref<100x50xi32, #tpu.memory_space<vmem>>)
      tpu.yield
    }) : () -> ()
    %scan3A = arith.constant 0 : i32
    %scan3A_2 = arith.constant 0 : i32
    %scan3A_3 = arith.constant 50 : i32
    %scan3A_4 = arith.addi %scan3A_2, %scan3A_3 : i32
    %scan3A_5 = arith.constant 1 : i32
    scf.for %scan3A_335 = %scan3A_2 to %scan3A_4 step %scan3A_5  : i32 {
      %swap3A = arith.index_cast %scan3A_335 : i32 to index
      %swap3A_336 = arith.constant 0 : index
      %swap3A_337 = tpu.vector_load %arg11[%swap3A, %swap3A_336] {strides = array<i32>} : memref<50x128xf32, #tpu.memory_space<vmem>>, vector<1x16xf32>,
      %swap3A_338 = vector.shape_cast %swap3A_337 : vector<1x16xf32> to vector<16xf32>
      %swap3A_339 = vector.shape_cast %broadcast_in_dim3A_1 : vector<16xf32> to vector<1x16xf32>
      tpu.vector_store %arg11[%swap3A, %swap3A_336], %swap3A_339 {strides = array<i32>} : memref<50x128xf32, #tpu.memory_space<vmem>>, vector<1x16xf32>,
      %swap3A_340 = arith.index_cast %scan3A_335 : i32 to index
      %swap3A_341 = arith.constant 16 : index
      %swap3A_342 = tpu.vector_load %arg11[%swap3A_340, %swap3A_341] {strides = array<i32>} : memref<50x128xf32, #tpu.memory_space<vmem>>, vector<1x16xf32>,
      %swap3A_343 = vector.shape_cast %swap3A_342 : vector<1x16xf32> to vector<16xf32>
      %swap3A_344 = vector.shape_cast %broadcast_in_dim3A_1 : vector<16xf32> to vector<1x16xf32>
      tpu.vector_store %arg11[%swap3A_340, %swap3A_341], %swap3A_344 {strides = array<i32>} : memref<50x128xf32, #tpu.memory_space<vmem>>, vector<1x16xf32>,
      %swap3A_345 = arith.index_cast %scan3A_335 : i32 to index
      %swap3A_346 = arith.constant 32 : index
      %swap3A_347 = tpu.vector_load %arg11[%swap3A_345, %swap3A_346] {strides = array<i32>} : memref<50x128xf32, #tpu.memory_space<vmem>>, vector<1x16xf32>,
      %swap3A_348 = vector.shape_cast %swap3A_347 : vector<1x16xf32> to vector<16xf32>
      %swap3A_349 = vector.shape_cast %broadcast_in_dim3A_1 : vector<16xf32> to vector<1x16xf32>
      tpu.vector_store %arg11[%swap3A_345, %swap3A_346], %swap3A_349 {strides = array<i32>} : memref<50x128xf32, #tpu.memory_space<vmem>>, vector<1x16xf32>,
      %swap3A_350 = arith.index_cast %scan3A_335 : i32 to index
      %swap3A_351 = arith.constant 48 : index
      %swap3A_352 = tpu.vector_load %arg11[%swap3A_350, %swap3A_351] {strides = array<i32>} : memref<50x128xf32, #tpu.memory_space<vmem>>, vector<1x16xf32>,
      %swap3A_353 = vector.shape_cast %swap3A_352 : vector<1x16xf32> to vector<16xf32>
      %swap3A_354 = vector.shape_cast %broadcast_in_dim3A_1 : vector<16xf32> to vector<1x16xf32>
      tpu.vector_store %arg11[%swap3A_350, %swap3A_351], %swap3A_354 {strides = array<i32>} : memref<50x128xf32, #tpu.memory_space<vmem>>, vector<1x16xf32>,
      %swap3A_355 = arith.index_cast %scan3A_335 : i32 to index
      %swap3A_356 = arith.constant 64 : index
      %swap3A_357 = tpu.vector_load %arg11[%swap3A_355, %swap3A_356] {strides = array<i32>} : memref<50x128xf32, #tpu.memory_space<vmem>>, vector<1x16xf32>,
      %swap3A_358 = vector.shape_cast %swap3A_357 : vector<1x16xf32> to vector<16xf32>
      %swap3A_359 = vector.shape_cast %broadcast_in_dim3A_1 : vector<16xf32> to vector<1x16xf32>
      tpu.vector_store %arg11[%swap3A_355, %swap3A_356], %swap3A_359 {strides = array<i32>} : memref<50x128xf32, #tpu.memory_space<vmem>>, vector<1x16xf32>,
      %swap3A_360 = arith.index_cast %scan3A_335 : i32 to index
      %swap3A_361 = arith.constant 80 : index
      %swap3A_362 = tpu.vector_load %arg11[%swap3A_360, %swap3A_361] {strides = array<i32>} : memref<50x128xf32, #tpu.memory_space<vmem>>, vector<1x16xf32>,
      %swap3A_363 = vector.shape_cast %swap3A_362 : vector<1x16xf32> to vector<16xf32>
      %swap3A_364 = vector.shape_cast %broadcast_in_dim3A_1 : vector<16xf32> to vector<1x16xf32>
      tpu.vector_store %arg11[%swap3A_360, %swap3A_361], %swap3A_364 {strides = array<i32>} : memref<50x128xf32, #tpu.memory_space<vmem>>, vector<1x16xf32>,
      %swap3A_365 = arith.index_cast %scan3A_335 : i32 to index
      %swap3A_366 = arith.constant 96 : index
      %swap3A_367 = tpu.vector_load %arg11[%swap3A_365, %swap3A_366] {strides = array<i32>} : memref<50x128xf32, #tpu.memory_space<vmem>>, vector<1x16xf32>,
      %swap3A_368 = vector.shape_cast %swap3A_367 : vector<1x16xf32> to vector<16xf32>
      %swap3A_369 = vector.shape_cast %broadcast_in_dim3A_1 : vector<16xf32> to vector<1x16xf32>
      tpu.vector_store %arg11[%swap3A_365, %swap3A_366], %swap3A_369 {strides = array<i32>} : memref<50x128xf32, #tpu.memory_space<vmem>>, vector<1x16xf32>,
      %swap3A_370 = arith.index_cast %scan3A_335 : i32 to index
      %swap3A_371 = arith.constant 112 : index
      %swap3A_372 = tpu.vector_load %arg11[%swap3A_370, %swap3A_371] {strides = array<i32>} : memref<50x128xf32, #tpu.memory_space<vmem>>, vector<1x16xf32>,
      %swap3A_373 = vector.shape_cast %swap3A_372 : vector<1x16xf32> to vector<16xf32>
      %swap3A_374 = vector.shape_cast %broadcast_in_dim3A_1 : vector<16xf32> to vector<1x16xf32>
      tpu.vector_store %arg11[%swap3A_370, %swap3A_371], %swap3A_374 {strides = array<i32>} : memref<50x128xf32, #tpu.memory_space<vmem>>, vector<1x16xf32>,
    }
    %scan3A_6 = arith.constant 50 : i32
    %mul3A_7 = arith.constant 640 : i32
    %mul3A_8 = arith.muli %arg1, %mul3A_7 : i32
    %add3A_9 = arith.constant 0 : i32
    %add3A_10 = arith.addi %mul3A_8, %add3A_9 : i32
    "tpu.region"() ({
      %run_scoped3A = tpu.sem_alloc : memref<!tpu.dma_semaphore, #tpu.memory_space<semaphore_mem>>
      %dma_start3A_335 = arith.constant 0 : i32
      %dma_start3A_336 = tpu.memref_slice %arg13[%add3A_10, %dma_start3A_335] : memref<10240x128xf32, #tpu.memory_space<vmem_shared>> -> memref<50x128xf32, #tpu.memory_space<vmem_shared>>
      %dma_start3A_337 = arith.constant 0 : i32
      %dma_start3A_338 = tpu.memref_slice %arg13[%add3A_10, %dma_start3A_337] : memref<10240x128xf32, #tpu.memory_space<vmem_shared>> -> memref<50x128xf32, #tpu.memory_space<vmem_shared>>
      tpu.enqueue_dma source(%arg11 : memref<50x128xf32, #tpu.memory_space<vmem>>) target(%dma_start3A_338 : memref<50x128xf32, #tpu.memory_space<vmem_shared>>) target_semaphore(%run_scoped3A : memref<!tpu.dma_semaphore, #tpu.memory_space<semaphore_mem>>)
      %dma_wait3A = arith.constant 0 : i32
      %dma_wait3A_339 = tpu.memref_slice %arg13[%add3A_10, %dma_wait3A] : memref<10240x128xf32, #tpu.memory_space<vmem_shared>> -> memref<50x128xf32, #tpu.memory_space<vmem_shared>>
      %dma_wait3A_340 = arith.constant 0 : i32
      %dma_wait3A_341 = tpu.memref_slice %arg13[%add3A_10, %dma_wait3A_340] : memref<10240x128xf32, #tpu.memory_space<vmem_shared>> -> memref<50x128xf32, #tpu.memory_space<vmem_shared>>
      tpu.wait_dma2 semaphore(%run_scoped3A : memref<!tpu.dma_semaphore, #tpu.memory_space<semaphore_mem>>) src(%arg11 : memref<50x128xf32, #tpu.memory_space<vmem>>) dst(%dma_wait3A_341 : memref<50x128xf32, #tpu.memory_space<vmem_shared>>)
      tpu.yield
    }) : () -> ()
    %mul3A_11 = arith.constant 640 : i32
    %mul3A_12 = arith.muli %arg1, %mul3A_11 : i32
    %add3A_13 = arith.constant 50 : i32
    %add3A_14 = arith.addi %mul3A_12, %add3A_13 : i32
    "tpu.region"() ({
      %run_scoped3A = tpu.sem_alloc : memref<!tpu.dma_semaphore, #tpu.memory_space<semaphore_mem>>
      %dma_start3A_335 = arith.constant 0 : i32
      %dma_start3A_336 = tpu.memref_slice %arg13[%add3A_14, %dma_start3A_335] : memref<10240x128xf32, #tpu.memory_space<vmem_shared>> -> memref<50x128xf32, #tpu.memory_space<vmem_shared>>
      %dma_start3A_337 = arith.constant 0 : i32
      %dma_start3A_338 = tpu.memref_slice %arg13[%add3A_14, %dma_start3A_337] : memref<10240x128xf32, #tpu.memory_space<vmem_shared>> -> memref<50x128xf32, #tpu.memory_space<vmem_shared>>
      tpu.enqueue_dma source(%arg11 : memref<50x128xf32, #tpu.memory_space<vmem>>) target(%dma_start3A_338 : memref<50x128xf32, #tpu.memory_space<vmem_shared>>) target_semaphore(%run_scoped3A : memref<!tpu.dma_semaphore, #tpu.memory_space<semaphore_mem>>)
      %dma_wait3A = arith.constant 0 : i32
      %dma_wait3A_339 = tpu.memref_slice %arg13[%add3A_14, %dma_wait3A] : memref<10240x128xf32, #tpu.memory_space<vmem_shared>> -> memref<50x128xf32, #tpu.memory_space<vmem_shared>>
      %dma_wait3A_340 = arith.constant 0 : i32
      %dma_wait3A_341 = tpu.memref_slice %arg13[%add3A_14, %dma_wait3A_340] : memref<10240x128xf32, #tpu.memory_space<vmem_shared>> -> memref<50x128xf32, #tpu.memory_space<vmem_shared>>
      tpu.wait_dma2 semaphore(%run_scoped3A : memref<!tpu.dma_semaphore, #tpu.memory_space<semaphore_mem>>) src(%arg11 : memref<50x128xf32, #tpu.memory_space<vmem>>) dst(%dma_wait3A_341 : memref<50x128xf32, #tpu.memory_space<vmem_shared>>)
      tpu.yield
    }) : () -> ()
    %mul3A_15 = arith.constant 640 : i32
    %mul3A_16 = arith.muli %arg1, %mul3A_15 : i32
    %add3A_17 = arith.constant 100 : i32
    %add3A_18 = arith.addi %mul3A_16, %add3A_17 : i32
    "tpu.region"() ({
      %run_scoped3A = tpu.sem_alloc : memref<!tpu.dma_semaphore, #tpu.memory_space<semaphore_mem>>
      %dma_start3A_335 = arith.constant 0 : i32
      %dma_start3A_336 = tpu.memref_slice %arg13[%add3A_18, %dma_start3A_335] : memref<10240x128xf32, #tpu.memory_space<vmem_shared>> -> memref<50x128xf32, #tpu.memory_space<vmem_shared>>
      %dma_start3A_337 = arith.constant 0 : i32
      %dma_start3A_338 = tpu.memref_slice %arg13[%add3A_18, %dma_start3A_337] : memref<10240x128xf32, #tpu.memory_space<vmem_shared>> -> memref<50x128xf32, #tpu.memory_space<vmem_shared>>
      tpu.enqueue_dma source(%arg11 : memref<50x128xf32, #tpu.memory_space<vmem>>) target(%dma_start3A_338 : memref<50x128xf32, #tpu.memory_space<vmem_shared>>) target_semaphore(%run_scoped3A : memref<!tpu.dma_semaphore, #tpu.memory_space<semaphore_mem>>)
      %dma_wait3A = arith.constant 0 : i32
      %dma_wait3A_339 = tpu.memref_slice %arg13[%add3A_18, %dma_wait3A] : memref<10240x128xf32, #tpu.memory_space<vmem_shared>> -> memref<50x128xf32, #tpu.memory_space<vmem_shared>>
      %dma_wait3A_340 = arith.constant 0 : i32
      %dma_wait3A_341 = tpu.memref_slice %arg13[%add3A_18, %dma_wait3A_340] : memref<10240x128xf32, #tpu.memory_space<vmem_shared>> -> memref<50x128xf32, #tpu.memory_space<vmem_shared>>
      tpu.wait_dma2 semaphore(%run_scoped3A : memref<!tpu.dma_semaphore, #tpu.memory_space<semaphore_mem>>) src(%arg11 : memref<50x128xf32, #tpu.memory_space<vmem>>) dst(%dma_wait3A_341 : memref<50x128xf32, #tpu.memory_space<vmem_shared>>)
      tpu.yield
    }) : () -> ()
    %mul3A_19 = arith.constant 640 : i32
    %mul3A_20 = arith.muli %arg1, %mul3A_19 : i32
    %add3A_21 = arith.constant 150 : i32
    %add3A_22 = arith.addi %mul3A_20, %add3A_21 : i32
    "tpu.region"() ({
      %run_scoped3A = tpu.sem_alloc : memref<!tpu.dma_semaphore, #tpu.memory_space<semaphore_mem>>
      %dma_start3A_335 = arith.constant 0 : i32
      %dma_start3A_336 = tpu.memref_slice %arg13[%add3A_22, %dma_start3A_335] : memref<10240x128xf32, #tpu.memory_space<vmem_shared>> -> memref<50x128xf32, #tpu.memory_space<vmem_shared>>
      %dma_start3A_337 = arith.constant 0 : i32
      %dma_start3A_338 = tpu.memref_slice %arg13[%add3A_22, %dma_start3A_337] : memref<10240x128xf32, #tpu.memory_space<vmem_shared>> -> memref<50x128xf32, #tpu.memory_space<vmem_shared>>
      tpu.enqueue_dma source(%arg11 : memref<50x128xf32, #tpu.memory_space<vmem>>) target(%dma_start3A_338 : memref<50x128xf32, #tpu.memory_space<vmem_shared>>) target_semaphore(%run_scoped3A : memref<!tpu.dma_semaphore, #tpu.memory_space<semaphore_mem>>)
      %dma_wait3A = arith.constant 0 : i32
      %dma_wait3A_339 = tpu.memref_slice %arg13[%add3A_22, %dma_wait3A] : memref<10240x128xf32, #tpu.memory_space<vmem_shared>> -> memref<50x128xf32, #tpu.memory_space<vmem_shared>>
      %dma_wait3A_340 = arith.constant 0 : i32
      %dma_wait3A_341 = tpu.memref_slice %arg13[%add3A_22, %dma_wait3A_340] : memref<10240x128xf32, #tpu.memory_space<vmem_shared>> -> memref<50x128xf32, #tpu.memory_space<vmem_shared>>
      tpu.wait_dma2 semaphore(%run_scoped3A : memref<!tpu.dma_semaphore, #tpu.memory_space<semaphore_mem>>) src(%arg11 : memref<50x128xf32, #tpu.memory_space<vmem>>) dst(%dma_wait3A_341 : memref<50x128xf32, #tpu.memory_space<vmem_shared>>)
      tpu.yield
    }) : () -> ()
    %mul3A_23 = arith.constant 640 : i32
    %mul3A_24 = arith.muli %arg1, %mul3A_23 : i32
    %add3A_25 = arith.constant 200 : i32
    %add3A_26 = arith.addi %mul3A_24, %add3A_25 : i32
    "tpu.region"() ({
      %run_scoped3A = tpu.sem_alloc : memref<!tpu.dma_semaphore, #tpu.memory_space<semaphore_mem>>
      %dma_start3A_335 = arith.constant 0 : i32
      %dma_start3A_336 = tpu.memref_slice %arg13[%add3A_26, %dma_start3A_335] : memref<10240x128xf32, #tpu.memory_space<vmem_shared>> -> memref<50x128xf32, #tpu.memory_space<vmem_shared>>
      %dma_start3A_337 = arith.constant 0 : i32
      %dma_start3A_338 = tpu.memref_slice %arg13[%add3A_26, %dma_start3A_337] : memref<10240x128xf32, #tpu.memory_space<vmem_shared>> -> memref<50x128xf32, #tpu.memory_space<vmem_shared>>
      tpu.enqueue_dma source(%arg11 : memref<50x128xf32, #tpu.memory_space<vmem>>) target(%dma_start3A_338 : memref<50x128xf32, #tpu.memory_space<vmem_shared>>) target_semaphore(%run_scoped3A : memref<!tpu.dma_semaphore, #tpu.memory_space<semaphore_mem>>)
      %dma_wait3A = arith.constant 0 : i32
      %dma_wait3A_339 = tpu.memref_slice %arg13[%add3A_26, %dma_wait3A] : memref<10240x128xf32, #tpu.memory_space<vmem_shared>> -> memref<50x128xf32, #tpu.memory_space<vmem_shared>>
      %dma_wait3A_340 = arith.constant 0 : i32
      %dma_wait3A_341 = tpu.memref_slice %arg13[%add3A_26, %dma_wait3A_340] : memref<10240x128xf32, #tpu.memory_space<vmem_shared>> -> memref<50x128xf32, #tpu.memory_space<vmem_shared>>
      tpu.wait_dma2 semaphore(%run_scoped3A : memref<!tpu.dma_semaphore, #tpu.memory_space<semaphore_mem>>) src(%arg11 : memref<50x128xf32, #tpu.memory_space<vmem>>) dst(%dma_wait3A_341 : memref<50x128xf32, #tpu.memory_space<vmem_shared>>)
      tpu.yield
    }) : () -> ()
    %mul3A_27 = arith.constant 640 : i32
    %mul3A_28 = arith.muli %arg1, %mul3A_27 : i32
    %add3A_29 = arith.constant 250 : i32
    %add3A_30 = arith.addi %mul3A_28, %add3A_29 : i32
    "tpu.region"() ({
      %run_scoped3A = tpu.sem_alloc : memref<!tpu.dma_semaphore, #tpu.memory_space<semaphore_mem>>
      %dma_start3A_335 = arith.constant 0 : i32
      %dma_start3A_336 = tpu.memref_slice %arg13[%add3A_30, %dma_start3A_335] : memref<10240x128xf32, #tpu.memory_space<vmem_shared>> -> memref<50x128xf32, #tpu.memory_space<vmem_shared>>
      %dma_start3A_337 = arith.constant 0 : i32
      %dma_start3A_338 = tpu.memref_slice %arg13[%add3A_30, %dma_start3A_337] : memref<10240x128xf32, #tpu.memory_space<vmem_shared>> -> memref<50x128xf32, #tpu.memory_space<vmem_shared>>
      tpu.enqueue_dma source(%arg11 : memref<50x128xf32, #tpu.memory_space<vmem>>) target(%dma_start3A_338 : memref<50x128xf32, #tpu.memory_space<vmem_shared>>) target_semaphore(%run_scoped3A : memref<!tpu.dma_semaphore, #tpu.memory_space<semaphore_mem>>)
      %dma_wait3A = arith.constant 0 : i32
      %dma_wait3A_339 = tpu.memref_slice %arg13[%add3A_30, %dma_wait3A] : memref<10240x128xf32, #tpu.memory_space<vmem_shared>> -> memref<50x128xf32, #tpu.memory_space<vmem_shared>>
      %dma_wait3A_340 = arith.constant 0 : i32
      %dma_wait3A_341 = tpu.memref_slice %arg13[%add3A_30, %dma_wait3A_340] : memref<10240x128xf32, #tpu.memory_space<vmem_shared>> -> memref<50x128xf32, #tpu.memory_space<vmem_shared>>
      tpu.wait_dma2 semaphore(%run_scoped3A : memref<!tpu.dma_semaphore, #tpu.memory_space<semaphore_mem>>) src(%arg11 : memref<50x128xf32, #tpu.memory_space<vmem>>) dst(%dma_wait3A_341 : memref<50x128xf32, #tpu.memory_space<vmem_shared>>)
      tpu.yield
    }) : () -> ()
    %mul3A_31 = arith.constant 640 : i32
    %mul3A_32 = arith.muli %arg1, %mul3A_31 : i32
    %add3A_33 = arith.constant 300 : i32
    %add3A_34 = arith.addi %mul3A_32, %add3A_33 : i32
    "tpu.region"() ({
      %run_scoped3A = tpu.sem_alloc : memref<!tpu.dma_semaphore, #tpu.memory_space<semaphore_mem>>
      %dma_start3A_335 = arith.constant 0 : i32
      %dma_start3A_336 = tpu.memref_slice %arg13[%add3A_34, %dma_start3A_335] : memref<10240x128xf32, #tpu.memory_space<vmem_shared>> -> memref<50x128xf32, #tpu.memory_space<vmem_shared>>
      %dma_start3A_337 = arith.constant 0 : i32
      %dma_start3A_338 = tpu.memref_slice %arg13[%add3A_34, %dma_start3A_337] : memref<10240x128xf32, #tpu.memory_space<vmem_shared>> -> memref<50x128xf32, #tpu.memory_space<vmem_shared>>
      tpu.enqueue_dma source(%arg11 : memref<50x128xf32, #tpu.memory_space<vmem>>) target(%dma_start3A_338 : memref<50x128xf32, #tpu.memory_space<vmem_shared>>) target_semaphore(%run_scoped3A : memref<!tpu.dma_semaphore, #tpu.memory_space<semaphore_mem>>)
      %dma_wait3A = arith.constant 0 : i32
      %dma_wait3A_339 = tpu.memref_slice %arg13[%add3A_34, %dma_wait3A] : memref<10240x128xf32, #tpu.memory_space<vmem_shared>> -> memref<50x128xf32, #tpu.memory_space<vmem_shared>>
      %dma_wait3A_340 = arith.constant 0 : i32
      %dma_wait3A_341 = tpu.memref_slice %arg13[%add3A_34, %dma_wait3A_340] : memref<10240x128xf32, #tpu.memory_space<vmem_shared>> -> memref<50x128xf32, #tpu.memory_space<vmem_shared>>
      tpu.wait_dma2 semaphore(%run_scoped3A : memref<!tpu.dma_semaphore, #tpu.memory_space<semaphore_mem>>) src(%arg11 : memref<50x128xf32, #tpu.memory_space<vmem>>) dst(%dma_wait3A_341 : memref<50x128xf32, #tpu.memory_space<vmem_shared>>)
      tpu.yield
    }) : () -> ()
    %mul3A_35 = arith.constant 640 : i32
    %mul3A_36 = arith.muli %arg1, %mul3A_35 : i32
    %add3A_37 = arith.constant 350 : i32
    %add3A_38 = arith.addi %mul3A_36, %add3A_37 : i32
    "tpu.region"() ({
      %run_scoped3A = tpu.sem_alloc : memref<!tpu.dma_semaphore, #tpu.memory_space<semaphore_mem>>
      %dma_start3A_335 = arith.constant 0 : i32
      %dma_start3A_336 = tpu.memref_slice %arg13[%add3A_38, %dma_start3A_335] : memref<10240x128xf32, #tpu.memory_space<vmem_shared>> -> memref<50x128xf32, #tpu.memory_space<vmem_shared>>
      %dma_start3A_337 = arith.constant 0 : i32
      %dma_start3A_338 = tpu.memref_slice %arg13[%add3A_38, %dma_start3A_337] : memref<10240x128xf32, #tpu.memory_space<vmem_shared>> -> memref<50x128xf32, #tpu.memory_space<vmem_shared>>
      tpu.enqueue_dma source(%arg11 : memref<50x128xf32, #tpu.memory_space<vmem>>) target(%dma_start3A_338 : memref<50x128xf32, #tpu.memory_space<vmem_shared>>) target_semaphore(%run_scoped3A : memref<!tpu.dma_semaphore, #tpu.memory_space<semaphore_mem>>)
      %dma_wait3A = arith.constant 0 : i32
      %dma_wait3A_339 = tpu.memref_slice %arg13[%add3A_38, %dma_wait3A] : memref<10240x128xf32, #tpu.memory_space<vmem_shared>> -> memref<50x128xf32, #tpu.memory_space<vmem_shared>>
      %dma_wait3A_340 = arith.constant 0 : i32
      %dma_wait3A_341 = tpu.memref_slice %arg13[%add3A_38, %dma_wait3A_340] : memref<10240x128xf32, #tpu.memory_space<vmem_shared>> -> memref<50x128xf32, #tpu.memory_space<vmem_shared>>
      tpu.wait_dma2 semaphore(%run_scoped3A : memref<!tpu.dma_semaphore, #tpu.memory_space<semaphore_mem>>) src(%arg11 : memref<50x128xf32, #tpu.memory_space<vmem>>) dst(%dma_wait3A_341 : memref<50x128xf32, #tpu.memory_space<vmem_shared>>)
      tpu.yield
    }) : () -> ()
    %mul3A_39 = arith.constant 640 : i32
    %mul3A_40 = arith.muli %arg1, %mul3A_39 : i32
    %add3A_41 = arith.constant 400 : i32
    %add3A_42 = arith.addi %mul3A_40, %add3A_41 : i32
    "tpu.region"() ({
      %run_scoped3A = tpu.sem_alloc : memref<!tpu.dma_semaphore, #tpu.memory_space<semaphore_mem>>
      %dma_start3A_335 = arith.constant 0 : i32
      %dma_start3A_336 = tpu.memref_slice %arg13[%add3A_42, %dma_start3A_335] : memref<10240x128xf32, #tpu.memory_space<vmem_shared>> -> memref<50x128xf32, #tpu.memory_space<vmem_shared>>
      %dma_start3A_337 = arith.constant 0 : i32
      %dma_start3A_338 = tpu.memref_slice %arg13[%add3A_42, %dma_start3A_337] : memref<10240x128xf32, #tpu.memory_space<vmem_shared>> -> memref<50x128xf32, #tpu.memory_space<vmem_shared>>
      tpu.enqueue_dma source(%arg11 : memref<50x128xf32, #tpu.memory_space<vmem>>) target(%dma_start3A_338 : memref<50x128xf32, #tpu.memory_space<vmem_shared>>) target_semaphore(%run_scoped3A : memref<!tpu.dma_semaphore, #tpu.memory_space<semaphore_mem>>)
      %dma_wait3A = arith.constant 0 : i32
      %dma_wait3A_339 = tpu.memref_slice %arg13[%add3A_42, %dma_wait3A] : memref<10240x128xf32, #tpu.memory_space<vmem_shared>> -> memref<50x128xf32, #tpu.memory_space<vmem_shared>>
      %dma_wait3A_340 = arith.constant 0 : i32
      %dma_wait3A_341 = tpu.memref_slice %arg13[%add3A_42, %dma_wait3A_340] : memref<10240x128xf32, #tpu.memory_space<vmem_shared>> -> memref<50x128xf32, #tpu.memory_space<vmem_shared>>
      tpu.wait_dma2 semaphore(%run_scoped3A : memref<!tpu.dma_semaphore, #tpu.memory_space<semaphore_mem>>) src(%arg11 : memref<50x128xf32, #tpu.memory_space<vmem>>) dst(%dma_wait3A_341 : memref<50x128xf32, #tpu.memory_space<vmem_shared>>)
      tpu.yield
    }) : () -> ()
    %mul3A_43 = arith.constant 640 : i32
    %mul3A_44 = arith.muli %arg1, %mul3A_43 : i32
    %add3A_45 = arith.constant 450 : i32
    %add3A_46 = arith.addi %mul3A_44, %add3A_45 : i32
    "tpu.region"() ({
      %run_scoped3A = tpu.sem_alloc : memref<!tpu.dma_semaphore, #tpu.memory_space<semaphore_mem>>
      %dma_start3A_335 = arith.constant 0 : i32
      %dma_start3A_336 = tpu.memref_slice %arg13[%add3A_46, %dma_start3A_335] : memref<10240x128xf32, #tpu.memory_space<vmem_shared>> -> memref<50x128xf32, #tpu.memory_space<vmem_shared>>
      %dma_start3A_337 = arith.constant 0 : i32
      %dma_start3A_338 = tpu.memref_slice %arg13[%add3A_46, %dma_start3A_337] : memref<10240x128xf32, #tpu.memory_space<vmem_shared>> -> memref<50x128xf32, #tpu.memory_space<vmem_shared>>
      tpu.enqueue_dma source(%arg11 : memref<50x128xf32, #tpu.memory_space<vmem>>) target(%dma_start3A_338 : memref<50x128xf32, #tpu.memory_space<vmem_shared>>) target_semaphore(%run_scoped3A : memref<!tpu.dma_semaphore, #tpu.memory_space<semaphore_mem>>)
      %dma_wait3A = arith.constant 0 : i32
      %dma_wait3A_339 = tpu.memref_slice %arg13[%add3A_46, %dma_wait3A] : memref<10240x128xf32, #tpu.memory_space<vmem_shared>> -> memref<50x128xf32, #tpu.memory_space<vmem_shared>>
      %dma_wait3A_340 = arith.constant 0 : i32
      %dma_wait3A_341 = tpu.memref_slice %arg13[%add3A_46, %dma_wait3A_340] : memref<10240x128xf32, #tpu.memory_space<vmem_shared>> -> memref<50x128xf32, #tpu.memory_space<vmem_shared>>
      tpu.wait_dma2 semaphore(%run_scoped3A : memref<!tpu.dma_semaphore, #tpu.memory_space<semaphore_mem>>) src(%arg11 : memref<50x128xf32, #tpu.memory_space<vmem>>) dst(%dma_wait3A_341 : memref<50x128xf32, #tpu.memory_space<vmem_shared>>)
      tpu.yield
    }) : () -> ()
    %mul3A_47 = arith.constant 640 : i32
    %mul3A_48 = arith.muli %arg1, %mul3A_47 : i32
    %add3A_49 = arith.constant 500 : i32
    %add3A_50 = arith.addi %mul3A_48, %add3A_49 : i32
    "tpu.region"() ({
      %run_scoped3A = tpu.sem_alloc : memref<!tpu.dma_semaphore, #tpu.memory_space<semaphore_mem>>
      %dma_start3A_335 = arith.constant 0 : i32
      %dma_start3A_336 = tpu.memref_slice %arg13[%add3A_50, %dma_start3A_335] : memref<10240x128xf32, #tpu.memory_space<vmem_shared>> -> memref<50x128xf32, #tpu.memory_space<vmem_shared>>
      %dma_start3A_337 = arith.constant 0 : i32
      %dma_start3A_338 = tpu.memref_slice %arg13[%add3A_50, %dma_start3A_337] : memref<10240x128xf32, #tpu.memory_space<vmem_shared>> -> memref<50x128xf32, #tpu.memory_space<vmem_shared>>
      tpu.enqueue_dma source(%arg11 : memref<50x128xf32, #tpu.memory_space<vmem>>) target(%dma_start3A_338 : memref<50x128xf32, #tpu.memory_space<vmem_shared>>) target_semaphore(%run_scoped3A : memref<!tpu.dma_semaphore, #tpu.memory_space<semaphore_mem>>)
      %dma_wait3A = arith.constant 0 : i32
      %dma_wait3A_339 = tpu.memref_slice %arg13[%add3A_50, %dma_wait3A] : memref<10240x128xf32, #tpu.memory_space<vmem_shared>> -> memref<50x128xf32, #tpu.memory_space<vmem_shared>>
      %dma_wait3A_340 = arith.constant 0 : i32
      %dma_wait3A_341 = tpu.memref_slice %arg13[%add3A_50, %dma_wait3A_340] : memref<10240x128xf32, #tpu.memory_space<vmem_shared>> -> memref<50x128xf32, #tpu.memory_space<vmem_shared>>
      tpu.wait_dma2 semaphore(%run_scoped3A : memref<!tpu.dma_semaphore, #tpu.memory_space<semaphore_mem>>) src(%arg11 : memref<50x128xf32, #tpu.memory_space<vmem>>) dst(%dma_wait3A_341 : memref<50x128xf32, #tpu.memory_space<vmem_shared>>)
      tpu.yield
    }) : () -> ()
    %mul3A_51 = arith.constant 640 : i32
    %mul3A_52 = arith.muli %arg1, %mul3A_51 : i32
    %add3A_53 = arith.constant 550 : i32
    %add3A_54 = arith.addi %mul3A_52, %add3A_53 : i32
    "tpu.region"() ({
      %run_scoped3A = tpu.sem_alloc : memref<!tpu.dma_semaphore, #tpu.memory_space<semaphore_mem>>
      %dma_start3A_335 = arith.constant 0 : i32
      %dma_start3A_336 = tpu.memref_slice %arg13[%add3A_54, %dma_start3A_335] : memref<10240x128xf32, #tpu.memory_space<vmem_shared>> -> memref<50x128xf32, #tpu.memory_space<vmem_shared>>
      %dma_start3A_337 = arith.constant 0 : i32
      %dma_start3A_338 = tpu.memref_slice %arg13[%add3A_54, %dma_start3A_337] : memref<10240x128xf32, #tpu.memory_space<vmem_shared>> -> memref<50x128xf32, #tpu.memory_space<vmem_shared>>
      tpu.enqueue_dma source(%arg11 : memref<50x128xf32, #tpu.memory_space<vmem>>) target(%dma_start3A_338 : memref<50x128xf32, #tpu.memory_space<vmem_shared>>) target_semaphore(%run_scoped3A : memref<!tpu.dma_semaphore, #tpu.memory_space<semaphore_mem>>)
      %dma_wait3A = arith.constant 0 : i32
      %dma_wait3A_339 = tpu.memref_slice %arg13[%add3A_54, %dma_wait3A] : memref<10240x128xf32, #tpu.memory_space<vmem_shared>> -> memref<50x128xf32, #tpu.memory_space<vmem_shared>>
      %dma_wait3A_340 = arith.constant 0 : i32
      %dma_wait3A_341 = tpu.memref_slice %arg13[%add3A_54, %dma_wait3A_340] : memref<10240x128xf32, #tpu.memory_space<vmem_shared>> -> memref<50x128xf32, #tpu.memory_space<vmem_shared>>
      tpu.wait_dma2 semaphore(%run_scoped3A : memref<!tpu.dma_semaphore, #tpu.memory_space<semaphore_mem>>) src(%arg11 : memref<50x128xf32, #tpu.memory_space<vmem>>) dst(%dma_wait3A_341 : memref<50x128xf32, #tpu.memory_space<vmem_shared>>)
      tpu.yield
    }) : () -> ()
    %mul3A_55 = arith.constant 640 : i32
    %mul3A_56 = arith.muli %arg1, %mul3A_55 : i32
    %add3A_57 = arith.constant 600 : i32
    %add3A_58 = arith.addi %mul3A_56, %add3A_57 : i32
    "tpu.region"() ({
      %run_scoped3A = tpu.sem_alloc : memref<!tpu.dma_semaphore, #tpu.memory_space<semaphore_mem>>
      %dma_start3A_335 = arith.constant 0 : i32
      %dma_start3A_336 = arith.constant 0 : i32
      %dma_start3A_337 = tpu.memref_slice %arg11[%dma_start3A_335, %dma_start3A_336] : memref<50x128xf32, #tpu.memory_space<vmem>> -> memref<40x128xf32, #tpu.memory_space<vmem>>
      %dma_start3A_338 = arith.constant 0 : i32
      %dma_start3A_339 = tpu.memref_slice %arg13[%add3A_58, %dma_start3A_338] : memref<10240x128xf32, #tpu.memory_space<vmem_shared>> -> memref<40x128xf32, #tpu.memory_space<vmem_shared>>
      %dma_start3A_340 = arith.constant 0 : i32
      %dma_start3A_341 = tpu.memref_slice %arg13[%add3A_58, %dma_start3A_340] : memref<10240x128xf32, #tpu.memory_space<vmem_shared>> -> memref<40x128xf32, #tpu.memory_space<vmem_shared>>
      %dma_start3A_342 = arith.constant 0 : i32
      %dma_start3A_343 = arith.constant 0 : i32
      %dma_start3A_344 = tpu.memref_slice %arg11[%dma_start3A_342, %dma_start3A_343] : memref<50x128xf32, #tpu.memory_space<vmem>> -> memref<40x128xf32, #tpu.memory_space<vmem>>
      tpu.enqueue_dma source(%dma_start3A_344 : memref<40x128xf32, #tpu.memory_space<vmem>>) target(%dma_start3A_341 : memref<40x128xf32, #tpu.memory_space<vmem_shared>>) target_semaphore(%run_scoped3A : memref<!tpu.dma_semaphore, #tpu.memory_space<semaphore_mem>>)
      %dma_wait3A = arith.constant 0 : i32
      %dma_wait3A_345 = arith.constant 0 : i32
      %dma_wait3A_346 = tpu.memref_slice %arg11[%dma_wait3A, %dma_wait3A_345] : memref<50x128xf32, #tpu.memory_space<vmem>> -> memref<40x128xf32, #tpu.memory_space<vmem>>
      %dma_wait3A_347 = arith.constant 0 : i32
      %dma_wait3A_348 = tpu.memref_slice %arg13[%add3A_58, %dma_wait3A_347] : memref<10240x128xf32, #tpu.memory_space<vmem_shared>> -> memref<40x128xf32, #tpu.memory_space<vmem_shared>>
      %dma_wait3A_349 = arith.constant 0 : i32
      %dma_wait3A_350 = tpu.memref_slice %arg13[%add3A_58, %dma_wait3A_349] : memref<10240x128xf32, #tpu.memory_space<vmem_shared>> -> memref<40x128xf32, #tpu.memory_space<vmem_shared>>
      %dma_wait3A_351 = arith.constant 0 : i32
      %dma_wait3A_352 = arith.constant 0 : i32
      %dma_wait3A_353 = tpu.memref_slice %arg11[%dma_wait3A_351, %dma_wait3A_352] : memref<50x128xf32, #tpu.memory_space<vmem>> -> memref<40x128xf32, #tpu.memory_space<vmem>>
      tpu.wait_dma2 semaphore(%run_scoped3A : memref<!tpu.dma_semaphore, #tpu.memory_space<semaphore_mem>>) src(%dma_wait3A_353 : memref<40x128xf32, #tpu.memory_space<vmem>>) dst(%dma_wait3A_350 : memref<40x128xf32, #tpu.memory_space<vmem_shared>>)
      tpu.yield
    }) : () -> ()
    %barrier3A = arith.constant 0 : index
    tpu.barrier barrier_id(%barrier3A)
    %dma_start3A = arith.constant 0 : i32
    %dma_start3A_59 = arith.constant 0 : i32
    %dma_start3A_60 = tpu.memref_slice %arg9[%dma_start3A, %dma_start3A_59] : memref<100x50xi32, #tpu.memory_space<vmem>> -> memref<1x50xi32, #tpu.memory_space<vmem>>
    %dma_start3A_61 = tpu.memref_squeeze %dma_start3A_60 : memref<1x50xi32, #tpu.memory_space<vmem>> -> memref<50xi32, #tpu.memory_space<vmem>>
    %dma_start3A_62 = arith.constant 0 : i32
    %dma_start3A_63 = arith.constant 0 : i32
    %dma_start3A_64 = tpu.memref_slice %arg2[%dma_start3A_62, %dma_start3A_63] : memref<10000x128xf32, #tpu.memory_space<hbm>> -> memref<10000x128xf32, #tpu.memory_space<hbm>>
    tpu.enqueue_indirect_dma source(%dma_start3A_64 : memref<10000x128xf32, #tpu.memory_space<hbm>>) target(%arg11 : memref<50x128xf32, #tpu.memory_space<vmem>>) offsets(%dma_start3A_61 : memref<50xi32, #tpu.memory_space<vmem>>) semaphore(%arg14 : memref<!tpu.dma_semaphore, #tpu.memory_space<semaphore_mem>>)
    %scan3A_65 = arith.constant 0 : i32
    %scan3A_66 = arith.constant 0 : i32
    %scan3A_67 = arith.constant 50 : i32
    %scan3A_68 = arith.addi %scan3A_66, %scan3A_67 : i32
    %scan3A_69 = arith.constant 1 : i32
    scf.for %scan3A_335 = %scan3A_66 to %scan3A_68 step %scan3A_69  : i32 {
      %mul3A_336 = arith.constant 2 : i32
      %mul3A_337 = arith.muli %mul3A_336, %scan3A_335 : i32
      %add3A_338 = arith.constant 1 : i32
      %add3A_339 = arith.addi %mul3A_337, %add3A_338 : i32
      %dma_start3A_340 = arith.constant 0 : i32
      %dma_start3A_341 = tpu.memref_slice %arg9[%add3A_339, %dma_start3A_340] : memref<100x50xi32, #tpu.memory_space<vmem>> -> memref<1x50xi32, #tpu.memory_space<vmem>>
      %dma_start3A_342 = tpu.memref_squeeze %dma_start3A_341 : memref<1x50xi32, #tpu.memory_space<vmem>> -> memref<50xi32, #tpu.memory_space<vmem>>
      %dma_start3A_343 = arith.constant 0 : i32
      %dma_start3A_344 = arith.constant 0 : i32
      %dma_start3A_345 = tpu.memref_slice %arg2[%dma_start3A_343, %dma_start3A_344] : memref<10000x128xf32, #tpu.memory_space<hbm>> -> memref<10000x128xf32, #tpu.memory_space<hbm>>
      tpu.enqueue_indirect_dma source(%dma_start3A_345 : memref<10000x128xf32, #tpu.memory_space<hbm>>) target(%arg12 : memref<50x128xf32, #tpu.memory_space<vmem>>) offsets(%dma_start3A_342 : memref<50xi32, #tpu.memory_space<vmem>>) semaphore(%arg15 : memref<!tpu.dma_semaphore, #tpu.memory_space<semaphore_mem>>)
      %dma_wait3A = arith.constant 0 : i32
      %dma_wait3A_346 = tpu.memref_slice %arg9[%mul3A_337, %dma_wait3A] : memref<100x50xi32, #tpu.memory_space<vmem>> -> memref<1x50xi32, #tpu.memory_space<vmem>>
      %dma_wait3A_347 = tpu.memref_squeeze %dma_wait3A_346 : memref<1x50xi32, #tpu.memory_space<vmem>> -> memref<50xi32, #tpu.memory_space<vmem>>
      %dma_wait3A_348 = arith.constant 0 : i32
      %dma_wait3A_349 = arith.constant 0 : i32
      %dma_wait3A_350 = tpu.memref_slice %arg2[%dma_wait3A_348, %dma_wait3A_349] : memref<10000x128xf32, #tpu.memory_space<hbm>> -> memref<10000x128xf32, #tpu.memory_space<hbm>>
      tpu.wait_indirect_dma semaphore(%arg14 : memref<!tpu.dma_semaphore, #tpu.memory_space<semaphore_mem>>) src(%dma_wait3A_350 : memref<10000x128xf32, #tpu.memory_space<hbm>>) dst(%arg11 : memref<50x128xf32, #tpu.memory_space<vmem>>)
      "tpu.region"() ({
        %run_scoped3A = tpu.sem_alloc : memref<!tpu.dma_semaphore, #tpu.memory_space<semaphore_mem>>
        %dma_start3A_365 = arith.constant 0 : i32
        %dma_start3A_366 = tpu.memref_slice %arg10[%mul3A_337, %dma_start3A_365] : memref<100x50xi32, #tpu.memory_space<vmem>> -> memref<1x50xi32, #tpu.memory_space<vmem>>
        %dma_start3A_367 = tpu.memref_squeeze %dma_start3A_366 : memref<1x50xi32, #tpu.memory_space<vmem>> -> memref<50xi32, #tpu.memory_space<vmem>>
        %dma_start3A_368 = arith.constant 0 : i32
        %dma_start3A_369 = arith.constant 0 : i32
        %dma_start3A_370 = tpu.memref_slice %arg13[%dma_start3A_368, %dma_start3A_369] : memref<10240x128xf32, #tpu.memory_space<vmem_shared>> -> memref<10240x128xf32, #tpu.memory_space<vmem_shared>>
        tpu.enqueue_indirect_dma source(%arg11 : memref<50x128xf32, #tpu.memory_space<vmem>>) target(%dma_start3A_370 : memref<10240x128xf32, #tpu.memory_space<vmem_shared>>) offsets(%dma_start3A_367 : memref<50xi32, #tpu.memory_space<vmem>>) semaphore(%run_scoped3A : memref<!tpu.dma_semaphore, #tpu.memory_space<semaphore_mem>>) {add = true}
        %dma_wait3A_371 = arith.constant 0 : i32
        %dma_wait3A_372 = tpu.memref_slice %arg10[%mul3A_337, %dma_wait3A_371] : memref<100x50xi32, #tpu.memory_space<vmem>> -> memref<1x50xi32, #tpu.memory_space<vmem>>
        %dma_wait3A_373 = tpu.memref_squeeze %dma_wait3A_372 : memref<1x50xi32, #tpu.memory_space<vmem>> -> memref<50xi32, #tpu.memory_space<vmem>>
        %dma_wait3A_374 = arith.constant 0 : i32
        %dma_wait3A_375 = arith.constant 0 : i32
        %dma_wait3A_376 = tpu.memref_slice %arg13[%dma_wait3A_374, %dma_wait3A_375] : memref<10240x128xf32, #tpu.memory_space<vmem_shared>> -> memref<10240x128xf32, #tpu.memory_space<vmem_shared>>
        tpu.wait_indirect_dma semaphore(%run_scoped3A : memref<!tpu.dma_semaphore, #tpu.memory_space<semaphore_mem>>) src(%arg11 : memref<50x128xf32, #tpu.memory_space<vmem>>) dst(%dma_wait3A_376 : memref<10240x128xf32, #tpu.memory_space<vmem_shared>>)
        tpu.yield
      }) : () -> ()
      %add3A_351 = arith.constant 2 : i32
      %add3A_352 = arith.addi %mul3A_337, %add3A_351 : i32
      %lt3A = arith.constant 100 : i32
      %lt3A_353 = arith.cmpi slt, %add3A_352, %lt3A : i32
      %convert_element_type3A = arith.extui %lt3A_353 : i1 to i32
      %cond3A = arith.constant 0 : i32
      %cond3A_354 = arith.cmpi ne, %convert_element_type3A, %cond3A : i32
      scf.if %cond3A_354 {
        %add3A_365 = arith.constant 2 : i32
        %add3A_366 = arith.addi %mul3A_337, %add3A_365 : i32
        %dma_start3A_367 = arith.constant 0 : i32
        %dma_start3A_368 = tpu.memref_slice %arg9[%add3A_366, %dma_start3A_367] : memref<100x50xi32, #tpu.memory_space<vmem>> -> memref<1x50xi32, #tpu.memory_space<vmem>>
        %dma_start3A_369 = tpu.memref_squeeze %dma_start3A_368 : memref<1x50xi32, #tpu.memory_space<vmem>> -> memref<50xi32, #tpu.memory_space<vmem>>
        %dma_start3A_370 = arith.constant 0 : i32
        %dma_start3A_371 = arith.constant 0 : i32
        %dma_start3A_372 = tpu.memref_slice %arg2[%dma_start3A_370, %dma_start3A_371] : memref<10000x128xf32, #tpu.memory_space<hbm>> -> memref<10000x128xf32, #tpu.memory_space<hbm>>
        tpu.enqueue_indirect_dma source(%dma_start3A_372 : memref<10000x128xf32, #tpu.memory_space<hbm>>) target(%arg11 : memref<50x128xf32, #tpu.memory_space<vmem>>) offsets(%dma_start3A_369 : memref<50xi32, #tpu.memory_space<vmem>>) semaphore(%arg14 : memref<!tpu.dma_semaphore, #tpu.memory_space<semaphore_mem>>)
      } else {
      }
      %add3A_355 = arith.constant 1 : i32
      %add3A_356 = arith.addi %mul3A_337, %add3A_355 : i32
      %dma_wait3A_357 = arith.constant 0 : i32
      %dma_wait3A_358 = tpu.memref_slice %arg9[%add3A_356, %dma_wait3A_357] : memref<100x50xi32, #tpu.memory_space<vmem>> -> memref<1x50xi32, #tpu.memory_space<vmem>>
      %dma_wait3A_359 = tpu.memref_squeeze %dma_wait3A_358 : memref<1x50xi32, #tpu.memory_space<vmem>> -> memref<50xi32, #tpu.memory_space<vmem>>
      %dma_wait3A_360 = arith.constant 0 : i32
      %dma_wait3A_361 = arith.constant 0 : i32
      %dma_wait3A_362 = tpu.memref_slice %arg2[%dma_wait3A_360, %dma_wait3A_361] : memref<10000x128xf32, #tpu.memory_space<hbm>> -> memref<10000x128xf32, #tpu.memory_space<hbm>>
      tpu.wait_indirect_dma semaphore(%arg15 : memref<!tpu.dma_semaphore, #tpu.memory_space<semaphore_mem>>) src(%dma_wait3A_362 : memref<10000x128xf32, #tpu.memory_space<hbm>>) dst(%arg12 : memref<50x128xf32, #tpu.memory_space<vmem>>)
      %add3A_363 = arith.constant 1 : i32
      %add3A_364 = arith.addi %mul3A_337, %add3A_363 : i32
      "tpu.region"() ({
        %run_scoped3A = tpu.sem_alloc : memref<!tpu.dma_semaphore, #tpu.memory_space<semaphore_mem>>
        %dma_start3A_365 = arith.constant 0 : i32
        %dma_start3A_366 = tpu.memref_slice %arg10[%add3A_364, %dma_start3A_365] : memref<100x50xi32, #tpu.memory_space<vmem>> -> memref<1x50xi32, #tpu.memory_space<vmem>>
        %dma_start3A_367 = tpu.memref_squeeze %dma_start3A_366 : memref<1x50xi32, #tpu.memory_space<vmem>> -> memref<50xi32, #tpu.memory_space<vmem>>
        %dma_start3A_368 = arith.constant 0 : i32
        %dma_start3A_369 = arith.constant 0 : i32
        %dma_start3A_370 = tpu.memref_slice %arg13[%dma_start3A_368, %dma_start3A_369] : memref<10240x128xf32, #tpu.memory_space<vmem_shared>> -> memref<10240x128xf32, #tpu.memory_space<vmem_shared>>
        tpu.enqueue_indirect_dma source(%arg12 : memref<50x128xf32, #tpu.memory_space<vmem>>) target(%dma_start3A_370 : memref<10240x128xf32, #tpu.memory_space<vmem_shared>>) offsets(%dma_start3A_367 : memref<50xi32, #tpu.memory_space<vmem>>) semaphore(%run_scoped3A : memref<!tpu.dma_semaphore, #tpu.memory_space<semaphore_mem>>) {add = true}
        %dma_wait3A_371 = arith.constant 0 : i32
        %dma_wait3A_372 = tpu.memref_slice %arg10[%add3A_364, %dma_wait3A_371] : memref<100x50xi32, #tpu.memory_space<vmem>> -> memref<1x50xi32, #tpu.memory_space<vmem>>
        %dma_wait3A_373 = tpu.memref_squeeze %dma_wait3A_372 : memref<1x50xi32, #tpu.memory_space<vmem>> -> memref<50xi32, #tpu.memory_space<vmem>>
        %dma_wait3A_374 = arith.constant 0 : i32
        %dma_wait3A_375 = arith.constant 0 : i32
        %dma_wait3A_376 = tpu.memref_slice %arg13[%dma_wait3A_374, %dma_wait3A_375] : memref<10240x128xf32, #tpu.memory_space<vmem_shared>> -> memref<10240x128xf32, #tpu.memory_space<vmem_shared>>
        tpu.wait_indirect_dma semaphore(%run_scoped3A : memref<!tpu.dma_semaphore, #tpu.memory_space<semaphore_mem>>) src(%arg12 : memref<50x128xf32, #tpu.memory_space<vmem>>) dst(%dma_wait3A_376 : memref<10240x128xf32, #tpu.memory_space<vmem_shared>>)
        tpu.yield
      }) : () -> ()
    }
    %scan3A_70 = arith.constant 50 : i32
    %barrier3A_71 = arith.constant 0 : index
    tpu.barrier barrier_id(%barrier3A_71)
    %mul3A_72 = arith.constant 640 : i32
    %mul3A_73 = arith.muli %arg1, %mul3A_72 : i32
    %mul3A_74 = arith.constant 4 : i32
    %mul3A_75 = arith.muli %arg0, %mul3A_74 : i32
    %add3A_76 = arith.constant 0 : i32
    %add3A_77 = arith.addi %mul3A_75, %add3A_76 : i32
    %mul3A_78 = arith.constant 10240 : i32
    %mul3A_79 = arith.muli %add3A_77, %mul3A_78 : i32
    %mul3A_80 = arith.constant 640 : i32
    %mul3A_81 = arith.muli %arg1, %mul3A_80 : i32
    %add3A_82 = arith.addi %mul3A_79, %mul3A_81 : i32
    "tpu.region"() ({
      %run_scoped3A = tpu.sem_alloc : memref<!tpu.dma_semaphore, #tpu.memory_space<semaphore_mem>>
      %dma_start3A_335 = arith.constant 0 : i32
      %dma_start3A_336 = tpu.memref_slice %arg8[%add3A_82, %dma_start3A_335] : memref<81920x128xf32, #tpu.memory_space<hbm>> -> memref<640x128xf32, #tpu.memory_space<hbm>>
      %dma_start3A_337 = arith.constant 0 : i32
      %dma_start3A_338 = tpu.memref_slice %arg13[%mul3A_73, %dma_start3A_337] : memref<10240x128xf32, #tpu.memory_space<vmem_shared>> -> memref<640x128xf32, #tpu.memory_space<vmem_shared>>
      tpu.enqueue_dma source(%dma_start3A_338 : memref<640x128xf32, #tpu.memory_space<vmem_shared>>) target(%dma_start3A_336 : memref<640x128xf32, #tpu.memory_space<hbm>>) target_semaphore(%run_scoped3A : memref<!tpu.dma_semaphore, #tpu.memory_space<semaphore_mem>>)
      %dma_wait3A = arith.constant 0 : i32
      %dma_wait3A_339 = tpu.memref_slice %arg8[%add3A_82, %dma_wait3A] : memref<81920x128xf32, #tpu.memory_space<hbm>> -> memref<640x128xf32, #tpu.memory_space<hbm>>
      %dma_wait3A_340 = arith.constant 0 : i32
      %dma_wait3A_341 = tpu.memref_slice %arg13[%mul3A_73, %dma_wait3A_340] : memref<10240x128xf32, #tpu.memory_space<vmem_shared>> -> memref<640x128xf32, #tpu.memory_space<vmem_shared>>
      tpu.wait_dma2 semaphore(%run_scoped3A : memref<!tpu.dma_semaphore, #tpu.memory_space<semaphore_mem>>) src(%dma_wait3A_341 : memref<640x128xf32, #tpu.memory_space<vmem_shared>>) dst(%dma_wait3A_339 : memref<640x128xf32, #tpu.memory_space<hbm>>)
      tpu.yield
    }) : () -> ()
    %scan3A_83 = arith.constant 0 : i32
    %scan3A_84 = arith.constant 0 : i32
    %scan3A_85 = arith.constant 50 : i32
    %scan3A_86 = arith.addi %scan3A_84, %scan3A_85 : i32
    %scan3A_87 = arith.constant 1 : i32
    scf.for %scan3A_335 = %scan3A_84 to %scan3A_86 step %scan3A_87  : i32 {
      %swap3A = arith.index_cast %scan3A_335 : i32 to index
      %swap3A_336 = arith.constant 0 : index
      %swap3A_337 = tpu.vector_load %arg11[%swap3A, %swap3A_336] {strides = array<i32>} : memref<50x128xf32, #tpu.memory_space<vmem>>, vector<1x16xf32>,
      %swap3A_338 = vector.shape_cast %swap3A_337 : vector<1x16xf32> to vector<16xf32>
      %swap3A_339 = vector.shape_cast %broadcast_in_dim3A_1 : vector<16xf32> to vector<1x16xf32>
      tpu.vector_store %arg11[%swap3A, %swap3A_336], %swap3A_339 {strides = array<i32>} : memref<50x128xf32, #tpu.memory_space<vmem>>, vector<1x16xf32>,
      %swap3A_340 = arith.index_cast %scan3A_335 : i32 to index
      %swap3A_341 = arith.constant 16 : index
      %swap3A_342 = tpu.vector_load %arg11[%swap3A_340, %swap3A_341] {strides = array<i32>} : memref<50x128xf32, #tpu.memory_space<vmem>>, vector<1x16xf32>,
      %swap3A_343 = vector.shape_cast %swap3A_342 : vector<1x16xf32> to vector<16xf32>
      %swap3A_344 = vector.shape_cast %broadcast_in_dim3A_1 : vector<16xf32> to vector<1x16xf32>
      tpu.vector_store %arg11[%swap3A_340, %swap3A_341], %swap3A_344 {strides = array<i32>} : memref<50x128xf32, #tpu.memory_space<vmem>>, vector<1x16xf32>,
      %swap3A_345 = arith.index_cast %scan3A_335 : i32 to index
      %swap3A_346 = arith.constant 32 : index
      %swap3A_347 = tpu.vector_load %arg11[%swap3A_345, %swap3A_346] {strides = array<i32>} : memref<50x128xf32, #tpu.memory_space<vmem>>, vector<1x16xf32>,
      %swap3A_348 = vector.shape_cast %swap3A_347 : vector<1x16xf32> to vector<16xf32>
      %swap3A_349 = vector.shape_cast %broadcast_in_dim3A_1 : vector<16xf32> to vector<1x16xf32>
      tpu.vector_store %arg11[%swap3A_345, %swap3A_346], %swap3A_349 {strides = array<i32>} : memref<50x128xf32, #tpu.memory_space<vmem>>, vector<1x16xf32>,
      %swap3A_350 = arith.index_cast %scan3A_335 : i32 to index
      %swap3A_351 = arith.constant 48 : index
      %swap3A_352 = tpu.vector_load %arg11[%swap3A_350, %swap3A_351] {strides = array<i32>} : memref<50x128xf32, #tpu.memory_space<vmem>>, vector<1x16xf32>,
      %swap3A_353 = vector.shape_cast %swap3A_352 : vector<1x16xf32> to vector<16xf32>
      %swap3A_354 = vector.shape_cast %broadcast_in_dim3A_1 : vector<16xf32> to vector<1x16xf32>
      tpu.vector_store %arg11[%swap3A_350, %swap3A_351], %swap3A_354 {strides = array<i32>} : memref<50x128xf32, #tpu.memory_space<vmem>>, vector<1x16xf32>,
      %swap3A_355 = arith.index_cast %scan3A_335 : i32 to index
      %swap3A_356 = arith.constant 64 : index
      %swap3A_357 = tpu.vector_load %arg11[%swap3A_355, %swap3A_356] {strides = array<i32>} : memref<50x128xf32, #tpu.memory_space<vmem>>, vector<1x16xf32>,
      %swap3A_358 = vector.shape_cast %swap3A_357 : vector<1x16xf32> to vector<16xf32>
      %swap3A_359 = vector.shape_cast %broadcast_in_dim3A_1 : vector<16xf32> to vector<1x16xf32>
      tpu.vector_store %arg11[%swap3A_355, %swap3A_356], %swap3A_359 {strides = array<i32>} : memref<50x128xf32, #tpu.memory_space<vmem>>, vector<1x16xf32>,
      %swap3A_360 = arith.index_cast %scan3A_335 : i32 to index
      %swap3A_361 = arith.constant 80 : index
      %swap3A_362 = tpu.vector_load %arg11[%swap3A_360, %swap3A_361] {strides = array<i32>} : memref<50x128xf32, #tpu.memory_space<vmem>>, vector<1x16xf32>,
      %swap3A_363 = vector.shape_cast %swap3A_362 : vector<1x16xf32> to vector<16xf32>
      %swap3A_364 = vector.shape_cast %broadcast_in_dim3A_1 : vector<16xf32> to vector<1x16xf32>
      tpu.vector_store %arg11[%swap3A_360, %swap3A_361], %swap3A_364 {strides = array<i32>} : memref<50x128xf32, #tpu.memory_space<vmem>>, vector<1x16xf32>,
      %swap3A_365 = arith.index_cast %scan3A_335 : i32 to index
      %swap3A_366 = arith.constant 96 : index
      %swap3A_367 = tpu.vector_load %arg11[%swap3A_365, %swap3A_366] {strides = array<i32>} : memref<50x128xf32, #tpu.memory_space<vmem>>, vector<1x16xf32>,
      %swap3A_368 = vector.shape_cast %swap3A_367 : vector<1x16xf32> to vector<16xf32>
      %swap3A_369 = vector.shape_cast %broadcast_in_dim3A_1 : vector<16xf32> to vector<1x16xf32>
      tpu.vector_store %arg11[%swap3A_365, %swap3A_366], %swap3A_369 {strides = array<i32>} : memref<50x128xf32, #tpu.memory_space<vmem>>, vector<1x16xf32>,
      %swap3A_370 = arith.index_cast %scan3A_335 : i32 to index
      %swap3A_371 = arith.constant 112 : index
      %swap3A_372 = tpu.vector_load %arg11[%swap3A_370, %swap3A_371] {strides = array<i32>} : memref<50x128xf32, #tpu.memory_space<vmem>>, vector<1x16xf32>,
      %swap3A_373 = vector.shape_cast %swap3A_372 : vector<1x16xf32> to vector<16xf32>
      %swap3A_374 = vector.shape_cast %broadcast_in_dim3A_1 : vector<16xf32> to vector<1x16xf32>
      tpu.vector_store %arg11[%swap3A_370, %swap3A_371], %swap3A_374 {strides = array<i32>} : memref<50x128xf32, #tpu.memory_space<vmem>>, vector<1x16xf32>,
    }
    %scan3A_88 = arith.constant 50 : i32
    %mul3A_89 = arith.constant 640 : i32
    %mul3A_90 = arith.muli %arg1, %mul3A_89 : i32
    %add3A_91 = arith.constant 0 : i32
    %add3A_92 = arith.addi %mul3A_90, %add3A_91 : i32
    "tpu.region"() ({
      %run_scoped3A = tpu.sem_alloc : memref<!tpu.dma_semaphore, #tpu.memory_space<semaphore_mem>>
      %dma_start3A_335 = arith.constant 0 : i32
      %dma_start3A_336 = tpu.memref_slice %arg13[%add3A_92, %dma_start3A_335] : memref<10240x128xf32, #tpu.memory_space<vmem_shared>> -> memref<50x128xf32, #tpu.memory_space<vmem_shared>>
      %dma_start3A_337 = arith.constant 0 : i32
      %dma_start3A_338 = tpu.memref_slice %arg13[%add3A_92, %dma_start3A_337] : memref<10240x128xf32, #tpu.memory_space<vmem_shared>> -> memref<50x128xf32, #tpu.memory_space<vmem_shared>>
      tpu.enqueue_dma source(%arg11 : memref<50x128xf32, #tpu.memory_space<vmem>>) target(%dma_start3A_338 : memref<50x128xf32, #tpu.memory_space<vmem_shared>>) target_semaphore(%run_scoped3A : memref<!tpu.dma_semaphore, #tpu.memory_space<semaphore_mem>>)
      %dma_wait3A = arith.constant 0 : i32
      %dma_wait3A_339 = tpu.memref_slice %arg13[%add3A_92, %dma_wait3A] : memref<10240x128xf32, #tpu.memory_space<vmem_shared>> -> memref<50x128xf32, #tpu.memory_space<vmem_shared>>
      %dma_wait3A_340 = arith.constant 0 : i32
      %dma_wait3A_341 = tpu.memref_slice %arg13[%add3A_92, %dma_wait3A_340] : memref<10240x128xf32, #tpu.memory_space<vmem_shared>> -> memref<50x128xf32, #tpu.memory_space<vmem_shared>>
      tpu.wait_dma2 semaphore(%run_scoped3A : memref<!tpu.dma_semaphore, #tpu.memory_space<semaphore_mem>>) src(%arg11 : memref<50x128xf32, #tpu.memory_space<vmem>>) dst(%dma_wait3A_341 : memref<50x128xf32, #tpu.memory_space<vmem_shared>>)
      tpu.yield
    }) : () -> ()
    %mul3A_93 = arith.constant 640 : i32
    %mul3A_94 = arith.muli %arg1, %mul3A_93 : i32
    %add3A_95 = arith.constant 50 : i32
    %add3A_96 = arith.addi %mul3A_94, %add3A_95 : i32
    "tpu.region"() ({
      %run_scoped3A = tpu.sem_alloc : memref<!tpu.dma_semaphore, #tpu.memory_space<semaphore_mem>>
      %dma_start3A_335 = arith.constant 0 : i32
      %dma_start3A_336 = tpu.memref_slice %arg13[%add3A_96, %dma_start3A_335] : memref<10240x128xf32, #tpu.memory_space<vmem_shared>> -> memref<50x128xf32, #tpu.memory_space<vmem_shared>>
      %dma_start3A_337 = arith.constant 0 : i32
      %dma_start3A_338 = tpu.memref_slice %arg13[%add3A_96, %dma_start3A_337] : memref<10240x128xf32, #tpu.memory_space<vmem_shared>> -> memref<50x128xf32, #tpu.memory_space<vmem_shared>>
      tpu.enqueue_dma source(%arg11 : memref<50x128xf32, #tpu.memory_space<vmem>>) target(%dma_start3A_338 : memref<50x128xf32, #tpu.memory_space<vmem_shared>>) target_semaphore(%run_scoped3A : memref<!tpu.dma_semaphore, #tpu.memory_space<semaphore_mem>>)
      %dma_wait3A = arith.constant 0 : i32
      %dma_wait3A_339 = tpu.memref_slice %arg13[%add3A_96, %dma_wait3A] : memref<10240x128xf32, #tpu.memory_space<vmem_shared>> -> memref<50x128xf32, #tpu.memory_space<vmem_shared>>
      %dma_wait3A_340 = arith.constant 0 : i32
      %dma_wait3A_341 = tpu.memref_slice %arg13[%add3A_96, %dma_wait3A_340] : memref<10240x128xf32, #tpu.memory_space<vmem_shared>> -> memref<50x128xf32, #tpu.memory_space<vmem_shared>>
      tpu.wait_dma2 semaphore(%run_scoped3A : memref<!tpu.dma_semaphore, #tpu.memory_space<semaphore_mem>>) src(%arg11 : memref<50x128xf32, #tpu.memory_space<vmem>>) dst(%dma_wait3A_341 : memref<50x128xf32, #tpu.memory_space<vmem_shared>>)
      tpu.yield
    }) : () -> ()
    %mul3A_97 = arith.constant 640 : i32
    %mul3A_98 = arith.muli %arg1, %mul3A_97 : i32
    %add3A_99 = arith.constant 100 : i32
    %add3A_100 = arith.addi %mul3A_98, %add3A_99 : i32
    "tpu.region"() ({
      %run_scoped3A = tpu.sem_alloc : memref<!tpu.dma_semaphore, #tpu.memory_space<semaphore_mem>>
      %dma_start3A_335 = arith.constant 0 : i32
      %dma_start3A_336 = tpu.memref_slice %arg13[%add3A_100, %dma_start3A_335] : memref<10240x128xf32, #tpu.memory_space<vmem_shared>> -> memref<50x128xf32, #tpu.memory_space<vmem_shared>>
      %dma_start3A_337 = arith.constant 0 : i32
      %dma_start3A_338 = tpu.memref_slice %arg13[%add3A_100, %dma_start3A_337] : memref<10240x128xf32, #tpu.memory_space<vmem_shared>> -> memref<50x128xf32, #tpu.memory_space<vmem_shared>>
      tpu.enqueue_dma source(%arg11 : memref<50x128xf32, #tpu.memory_space<vmem>>) target(%dma_start3A_338 : memref<50x128xf32, #tpu.memory_space<vmem_shared>>) target_semaphore(%run_scoped3A : memref<!tpu.dma_semaphore, #tpu.memory_space<semaphore_mem>>)
      %dma_wait3A = arith.constant 0 : i32
      %dma_wait3A_339 = tpu.memref_slice %arg13[%add3A_100, %dma_wait3A] : memref<10240x128xf32, #tpu.memory_space<vmem_shared>> -> memref<50x128xf32, #tpu.memory_space<vmem_shared>>
      %dma_wait3A_340 = arith.constant 0 : i32
      %dma_wait3A_341 = tpu.memref_slice %arg13[%add3A_100, %dma_wait3A_340] : memref<10240x128xf32, #tpu.memory_space<vmem_shared>> -> memref<50x128xf32, #tpu.memory_space<vmem_shared>>
      tpu.wait_dma2 semaphore(%run_scoped3A : memref<!tpu.dma_semaphore, #tpu.memory_space<semaphore_mem>>) src(%arg11 : memref<50x128xf32, #tpu.memory_space<vmem>>) dst(%dma_wait3A_341 : memref<50x128xf32, #tpu.memory_space<vmem_shared>>)
      tpu.yield
    }) : () -> ()
    %mul3A_101 = arith.constant 640 : i32
    %mul3A_102 = arith.muli %arg1, %mul3A_101 : i32
    %add3A_103 = arith.constant 150 : i32
    %add3A_104 = arith.addi %mul3A_102, %add3A_103 : i32
    "tpu.region"() ({
      %run_scoped3A = tpu.sem_alloc : memref<!tpu.dma_semaphore, #tpu.memory_space<semaphore_mem>>
      %dma_start3A_335 = arith.constant 0 : i32
      %dma_start3A_336 = tpu.memref_slice %arg13[%add3A_104, %dma_start3A_335] : memref<10240x128xf32, #tpu.memory_space<vmem_shared>> -> memref<50x128xf32, #tpu.memory_space<vmem_shared>>
      %dma_start3A_337 = arith.constant 0 : i32
      %dma_start3A_338 = tpu.memref_slice %arg13[%add3A_104, %dma_start3A_337] : memref<10240x128xf32, #tpu.memory_space<vmem_shared>> -> memref<50x128xf32, #tpu.memory_space<vmem_shared>>
      tpu.enqueue_dma source(%arg11 : memref<50x128xf32, #tpu.memory_space<vmem>>) target(%dma_start3A_338 : memref<50x128xf32, #tpu.memory_space<vmem_shared>>) target_semaphore(%run_scoped3A : memref<!tpu.dma_semaphore, #tpu.memory_space<semaphore_mem>>)
      %dma_wait3A = arith.constant 0 : i32
      %dma_wait3A_339 = tpu.memref_slice %arg13[%add3A_104, %dma_wait3A] : memref<10240x128xf32, #tpu.memory_space<vmem_shared>> -> memref<50x128xf32, #tpu.memory_space<vmem_shared>>
      %dma_wait3A_340 = arith.constant 0 : i32
      %dma_wait3A_341 = tpu.memref_slice %arg13[%add3A_104, %dma_wait3A_340] : memref<10240x128xf32, #tpu.memory_space<vmem_shared>> -> memref<50x128xf32, #tpu.memory_space<vmem_shared>>
      tpu.wait_dma2 semaphore(%run_scoped3A : memref<!tpu.dma_semaphore, #tpu.memory_space<semaphore_mem>>) src(%arg11 : memref<50x128xf32, #tpu.memory_space<vmem>>) dst(%dma_wait3A_341 : memref<50x128xf32, #tpu.memory_space<vmem_shared>>)
      tpu.yield
    }) : () -> ()
    %mul3A_105 = arith.constant 640 : i32
    %mul3A_106 = arith.muli %arg1, %mul3A_105 : i32
    %add3A_107 = arith.constant 200 : i32
    %add3A_108 = arith.addi %mul3A_106, %add3A_107 : i32
    "tpu.region"() ({
      %run_scoped3A = tpu.sem_alloc : memref<!tpu.dma_semaphore, #tpu.memory_space<semaphore_mem>>
      %dma_start3A_335 = arith.constant 0 : i32
      %dma_start3A_336 = tpu.memref_slice %arg13[%add3A_108, %dma_start3A_335] : memref<10240x128xf32, #tpu.memory_space<vmem_shared>> -> memref<50x128xf32, #tpu.memory_space<vmem_shared>>
      %dma_start3A_337 = arith.constant 0 : i32
      %dma_start3A_338 = tpu.memref_slice %arg13[%add3A_108, %dma_start3A_337] : memref<10240x128xf32, #tpu.memory_space<vmem_shared>> -> memref<50x128xf32, #tpu.memory_space<vmem_shared>>
      tpu.enqueue_dma source(%arg11 : memref<50x128xf32, #tpu.memory_space<vmem>>) target(%dma_start3A_338 : memref<50x128xf32, #tpu.memory_space<vmem_shared>>) target_semaphore(%run_scoped3A : memref<!tpu.dma_semaphore, #tpu.memory_space<semaphore_mem>>)
      %dma_wait3A = arith.constant 0 : i32
      %dma_wait3A_339 = tpu.memref_slice %arg13[%add3A_108, %dma_wait3A] : memref<10240x128xf32, #tpu.memory_space<vmem_shared>> -> memref<50x128xf32, #tpu.memory_space<vmem_shared>>
      %dma_wait3A_340 = arith.constant 0 : i32
      %dma_wait3A_341 = tpu.memref_slice %arg13[%add3A_108, %dma_wait3A_340] : memref<10240x128xf32, #tpu.memory_space<vmem_shared>> -> memref<50x128xf32, #tpu.memory_space<vmem_shared>>
      tpu.wait_dma2 semaphore(%run_scoped3A : memref<!tpu.dma_semaphore, #tpu.memory_space<semaphore_mem>>) src(%arg11 : memref<50x128xf32, #tpu.memory_space<vmem>>) dst(%dma_wait3A_341 : memref<50x128xf32, #tpu.memory_space<vmem_shared>>)
      tpu.yield
    }) : () -> ()
    %mul3A_109 = arith.constant 640 : i32
    %mul3A_110 = arith.muli %arg1, %mul3A_109 : i32
    %add3A_111 = arith.constant 250 : i32
    %add3A_112 = arith.addi %mul3A_110, %add3A_111 : i32
    "tpu.region"() ({
      %run_scoped3A = tpu.sem_alloc : memref<!tpu.dma_semaphore, #tpu.memory_space<semaphore_mem>>
      %dma_start3A_335 = arith.constant 0 : i32
      %dma_start3A_336 = tpu.memref_slice %arg13[%add3A_112, %dma_start3A_335] : memref<10240x128xf32, #tpu.memory_space<vmem_shared>> -> memref<50x128xf32, #tpu.memory_space<vmem_shared>>
      %dma_start3A_337 = arith.constant 0 : i32
      %dma_start3A_338 = tpu.memref_slice %arg13[%add3A_112, %dma_start3A_337] : memref<10240x128xf32, #tpu.memory_space<vmem_shared>> -> memref<50x128xf32, #tpu.memory_space<vmem_shared>>
      tpu.enqueue_dma source(%arg11 : memref<50x128xf32, #tpu.memory_space<vmem>>) target(%dma_start3A_338 : memref<50x128xf32, #tpu.memory_space<vmem_shared>>) target_semaphore(%run_scoped3A : memref<!tpu.dma_semaphore, #tpu.memory_space<semaphore_mem>>)
      %dma_wait3A = arith.constant 0 : i32
      %dma_wait3A_339 = tpu.memref_slice %arg13[%add3A_112, %dma_wait3A] : memref<10240x128xf32, #tpu.memory_space<vmem_shared>> -> memref<50x128xf32, #tpu.memory_space<vmem_shared>>
      %dma_wait3A_340 = arith.constant 0 : i32
      %dma_wait3A_341 = tpu.memref_slice %arg13[%add3A_112, %dma_wait3A_340] : memref<10240x128xf32, #tpu.memory_space<vmem_shared>> -> memref<50x128xf32, #tpu.memory_space<vmem_shared>>
      tpu.wait_dma2 semaphore(%run_scoped3A : memref<!tpu.dma_semaphore, #tpu.memory_space<semaphore_mem>>) src(%arg11 : memref<50x128xf32, #tpu.memory_space<vmem>>) dst(%dma_wait3A_341 : memref<50x128xf32, #tpu.memory_space<vmem_shared>>)
      tpu.yield
    }) : () -> ()
    %mul3A_113 = arith.constant 640 : i32
    %mul3A_114 = arith.muli %arg1, %mul3A_113 : i32
    %add3A_115 = arith.constant 300 : i32
    %add3A_116 = arith.addi %mul3A_114, %add3A_115 : i32
    "tpu.region"() ({
      %run_scoped3A = tpu.sem_alloc : memref<!tpu.dma_semaphore, #tpu.memory_space<semaphore_mem>>
      %dma_start3A_335 = arith.constant 0 : i32
      %dma_start3A_336 = tpu.memref_slice %arg13[%add3A_116, %dma_start3A_335] : memref<10240x128xf32, #tpu.memory_space<vmem_shared>> -> memref<50x128xf32, #tpu.memory_space<vmem_shared>>
      %dma_start3A_337 = arith.constant 0 : i32
      %dma_start3A_338 = tpu.memref_slice %arg13[%add3A_116, %dma_start3A_337] : memref<10240x128xf32, #tpu.memory_space<vmem_shared>> -> memref<50x128xf32, #tpu.memory_space<vmem_shared>>
      tpu.enqueue_dma source(%arg11 : memref<50x128xf32, #tpu.memory_space<vmem>>) target(%dma_start3A_338 : memref<50x128xf32, #tpu.memory_space<vmem_shared>>) target_semaphore(%run_scoped3A : memref<!tpu.dma_semaphore, #tpu.memory_space<semaphore_mem>>)
      %dma_wait3A = arith.constant 0 : i32
      %dma_wait3A_339 = tpu.memref_slice %arg13[%add3A_116, %dma_wait3A] : memref<10240x128xf32, #tpu.memory_space<vmem_shared>> -> memref<50x128xf32, #tpu.memory_space<vmem_shared>>
      %dma_wait3A_340 = arith.constant 0 : i32
      %dma_wait3A_341 = tpu.memref_slice %arg13[%add3A_116, %dma_wait3A_340] : memref<10240x128xf32, #tpu.memory_space<vmem_shared>> -> memref<50x128xf32, #tpu.memory_space<vmem_shared>>
      tpu.wait_dma2 semaphore(%run_scoped3A : memref<!tpu.dma_semaphore, #tpu.memory_space<semaphore_mem>>) src(%arg11 : memref<50x128xf32, #tpu.memory_space<vmem>>) dst(%dma_wait3A_341 : memref<50x128xf32, #tpu.memory_space<vmem_shared>>)
      tpu.yield
    }) : () -> ()
    %mul3A_117 = arith.constant 640 : i32
    %mul3A_118 = arith.muli %arg1, %mul3A_117 : i32
    %add3A_119 = arith.constant 350 : i32
    %add3A_120 = arith.addi %mul3A_118, %add3A_119 : i32
    "tpu.region"() ({
      %run_scoped3A = tpu.sem_alloc : memref<!tpu.dma_semaphore, #tpu.memory_space<semaphore_mem>>
      %dma_start3A_335 = arith.constant 0 : i32
      %dma_start3A_336 = tpu.memref_slice %arg13[%add3A_120, %dma_start3A_335] : memref<10240x128xf32, #tpu.memory_space<vmem_shared>> -> memref<50x128xf32, #tpu.memory_space<vmem_shared>>
      %dma_start3A_337 = arith.constant 0 : i32
      %dma_start3A_338 = tpu.memref_slice %arg13[%add3A_120, %dma_start3A_337] : memref<10240x128xf32, #tpu.memory_space<vmem_shared>> -> memref<50x128xf32, #tpu.memory_space<vmem_shared>>
      tpu.enqueue_dma source(%arg11 : memref<50x128xf32, #tpu.memory_space<vmem>>) target(%dma_start3A_338 : memref<50x128xf32, #tpu.memory_space<vmem_shared>>) target_semaphore(%run_scoped3A : memref<!tpu.dma_semaphore, #tpu.memory_space<semaphore_mem>>)
      %dma_wait3A = arith.constant 0 : i32
      %dma_wait3A_339 = tpu.memref_slice %arg13[%add3A_120, %dma_wait3A] : memref<10240x128xf32, #tpu.memory_space<vmem_shared>> -> memref<50x128xf32, #tpu.memory_space<vmem_shared>>
      %dma_wait3A_340 = arith.constant 0 : i32
      %dma_wait3A_341 = tpu.memref_slice %arg13[%add3A_120, %dma_wait3A_340] : memref<10240x128xf32, #tpu.memory_space<vmem_shared>> -> memref<50x128xf32, #tpu.memory_space<vmem_shared>>
      tpu.wait_dma2 semaphore(%run_scoped3A : memref<!tpu.dma_semaphore, #tpu.memory_space<semaphore_mem>>) src(%arg11 : memref<50x128xf32, #tpu.memory_space<vmem>>) dst(%dma_wait3A_341 : memref<50x128xf32, #tpu.memory_space<vmem_shared>>)
      tpu.yield
    }) : () -> ()
    %mul3A_121 = arith.constant 640 : i32
    %mul3A_122 = arith.muli %arg1, %mul3A_121 : i32
    %add3A_123 = arith.constant 400 : i32
    %add3A_124 = arith.addi %mul3A_122, %add3A_123 : i32
    "tpu.region"() ({
      %run_scoped3A = tpu.sem_alloc : memref<!tpu.dma_semaphore, #tpu.memory_space<semaphore_mem>>
      %dma_start3A_335 = arith.constant 0 : i32
      %dma_start3A_336 = tpu.memref_slice %arg13[%add3A_124, %dma_start3A_335] : memref<10240x128xf32, #tpu.memory_space<vmem_shared>> -> memref<50x128xf32, #tpu.memory_space<vmem_shared>>
      %dma_start3A_337 = arith.constant 0 : i32
      %dma_start3A_338 = tpu.memref_slice %arg13[%add3A_124, %dma_start3A_337] : memref<10240x128xf32, #tpu.memory_space<vmem_shared>> -> memref<50x128xf32, #tpu.memory_space<vmem_shared>>
      tpu.enqueue_dma source(%arg11 : memref<50x128xf32, #tpu.memory_space<vmem>>) target(%dma_start3A_338 : memref<50x128xf32, #tpu.memory_space<vmem_shared>>) target_semaphore(%run_scoped3A : memref<!tpu.dma_semaphore, #tpu.memory_space<semaphore_mem>>)
      %dma_wait3A = arith.constant 0 : i32
      %dma_wait3A_339 = tpu.memref_slice %arg13[%add3A_124, %dma_wait3A] : memref<10240x128xf32, #tpu.memory_space<vmem_shared>> -> memref<50x128xf32, #tpu.memory_space<vmem_shared>>
      %dma_wait3A_340 = arith.constant 0 : i32
      %dma_wait3A_341 = tpu.memref_slice %arg13[%add3A_124, %dma_wait3A_340] : memref<10240x128xf32, #tpu.memory_space<vmem_shared>> -> memref<50x128xf32, #tpu.memory_space<vmem_shared>>
      tpu.wait_dma2 semaphore(%run_scoped3A : memref<!tpu.dma_semaphore, #tpu.memory_space<semaphore_mem>>) src(%arg11 : memref<50x128xf32, #tpu.memory_space<vmem>>) dst(%dma_wait3A_341 : memref<50x128xf32, #tpu.memory_space<vmem_shared>>)
      tpu.yield
    }) : () -> ()
    %mul3A_125 = arith.constant 640 : i32
    %mul3A_126 = arith.muli %arg1, %mul3A_125 : i32
    %add3A_127 = arith.constant 450 : i32
    %add3A_128 = arith.addi %mul3A_126, %add3A_127 : i32
    "tpu.region"() ({
      %run_scoped3A = tpu.sem_alloc : memref<!tpu.dma_semaphore, #tpu.memory_space<semaphore_mem>>
      %dma_start3A_335 = arith.constant 0 : i32
      %dma_start3A_336 = tpu.memref_slice %arg13[%add3A_128, %dma_start3A_335] : memref<10240x128xf32, #tpu.memory_space<vmem_shared>> -> memref<50x128xf32, #tpu.memory_space<vmem_shared>>
      %dma_start3A_337 = arith.constant 0 : i32
      %dma_start3A_338 = tpu.memref_slice %arg13[%add3A_128, %dma_start3A_337] : memref<10240x128xf32, #tpu.memory_space<vmem_shared>> -> memref<50x128xf32, #tpu.memory_space<vmem_shared>>
      tpu.enqueue_dma source(%arg11 : memref<50x128xf32, #tpu.memory_space<vmem>>) target(%dma_start3A_338 : memref<50x128xf32, #tpu.memory_space<vmem_shared>>) target_semaphore(%run_scoped3A : memref<!tpu.dma_semaphore, #tpu.memory_space<semaphore_mem>>)
      %dma_wait3A = arith.constant 0 : i32
      %dma_wait3A_339 = tpu.memref_slice %arg13[%add3A_128, %dma_wait3A] : memref<10240x128xf32, #tpu.memory_space<vmem_shared>> -> memref<50x128xf32, #tpu.memory_space<vmem_shared>>
      %dma_wait3A_340 = arith.constant 0 : i32
      %dma_wait3A_341 = tpu.memref_slice %arg13[%add3A_128, %dma_wait3A_340] : memref<10240x128xf32, #tpu.memory_space<vmem_shared>> -> memref<50x128xf32, #tpu.memory_space<vmem_shared>>
      tpu.wait_dma2 semaphore(%run_scoped3A : memref<!tpu.dma_semaphore, #tpu.memory_space<semaphore_mem>>) src(%arg11 : memref<50x128xf32, #tpu.memory_space<vmem>>) dst(%dma_wait3A_341 : memref<50x128xf32, #tpu.memory_space<vmem_shared>>)
      tpu.yield
    }) : () -> ()
    %mul3A_129 = arith.constant 640 : i32
    %mul3A_130 = arith.muli %arg1, %mul3A_129 : i32
    %add3A_131 = arith.constant 500 : i32
    %add3A_132 = arith.addi %mul3A_130, %add3A_131 : i32
    "tpu.region"() ({
      %run_scoped3A = tpu.sem_alloc : memref<!tpu.dma_semaphore, #tpu.memory_space<semaphore_mem>>
      %dma_start3A_335 = arith.constant 0 : i32
      %dma_start3A_336 = tpu.memref_slice %arg13[%add3A_132, %dma_start3A_335] : memref<10240x128xf32, #tpu.memory_space<vmem_shared>> -> memref<50x128xf32, #tpu.memory_space<vmem_shared>>
      %dma_start3A_337 = arith.constant 0 : i32
      %dma_start3A_338 = tpu.memref_slice %arg13[%add3A_132, %dma_start3A_337] : memref<10240x128xf32, #tpu.memory_space<vmem_shared>> -> memref<50x128xf32, #tpu.memory_space<vmem_shared>>
      tpu.enqueue_dma source(%arg11 : memref<50x128xf32, #tpu.memory_space<vmem>>) target(%dma_start3A_338 : memref<50x128xf32, #tpu.memory_space<vmem_shared>>) target_semaphore(%run_scoped3A : memref<!tpu.dma_semaphore, #tpu.memory_space<semaphore_mem>>)
      %dma_wait3A = arith.constant 0 : i32
      %dma_wait3A_339 = tpu.memref_slice %arg13[%add3A_132, %dma_wait3A] : memref<10240x128xf32, #tpu.memory_space<vmem_shared>> -> memref<50x128xf32, #tpu.memory_space<vmem_shared>>
      %dma_wait3A_340 = arith.constant 0 : i32
      %dma_wait3A_341 = tpu.memref_slice %arg13[%add3A_132, %dma_wait3A_340] : memref<10240x128xf32, #tpu.memory_space<vmem_shared>> -> memref<50x128xf32, #tpu.memory_space<vmem_shared>>
      tpu.wait_dma2 semaphore(%run_scoped3A : memref<!tpu.dma_semaphore, #tpu.memory_space<semaphore_mem>>) src(%arg11 : memref<50x128xf32, #tpu.memory_space<vmem>>) dst(%dma_wait3A_341 : memref<50x128xf32, #tpu.memory_space<vmem_shared>>)
      tpu.yield
    }) : () -> ()
    %mul3A_133 = arith.constant 640 : i32
    %mul3A_134 = arith.muli %arg1, %mul3A_133 : i32
    %add3A_135 = arith.constant 550 : i32
    %add3A_136 = arith.addi %mul3A_134, %add3A_135 : i32
    "tpu.region"() ({
      %run_scoped3A = tpu.sem_alloc : memref<!tpu.dma_semaphore, #tpu.memory_space<semaphore_mem>>
      %dma_start3A_335 = arith.constant 0 : i32
      %dma_start3A_336 = tpu.memref_slice %arg13[%add3A_136, %dma_start3A_335] : memref<10240x128xf32, #tpu.memory_space<vmem_shared>> -> memref<50x128xf32, #tpu.memory_space<vmem_shared>>
      %dma_start3A_337 = arith.constant 0 : i32
      %dma_start3A_338 = tpu.memref_slice %arg13[%add3A_136, %dma_start3A_337] : memref<10240x128xf32, #tpu.memory_space<vmem_shared>> -> memref<50x128xf32, #tpu.memory_space<vmem_shared>>
      tpu.enqueue_dma source(%arg11 : memref<50x128xf32, #tpu.memory_space<vmem>>) target(%dma_start3A_338 : memref<50x128xf32, #tpu.memory_space<vmem_shared>>) target_semaphore(%run_scoped3A : memref<!tpu.dma_semaphore, #tpu.memory_space<semaphore_mem>>)
      %dma_wait3A = arith.constant 0 : i32
      %dma_wait3A_339 = tpu.memref_slice %arg13[%add3A_136, %dma_wait3A] : memref<10240x128xf32, #tpu.memory_space<vmem_shared>> -> memref<50x128xf32, #tpu.memory_space<vmem_shared>>
      %dma_wait3A_340 = arith.constant 0 : i32
      %dma_wait3A_341 = tpu.memref_slice %arg13[%add3A_136, %dma_wait3A_340] : memref<10240x128xf32, #tpu.memory_space<vmem_shared>> -> memref<50x128xf32, #tpu.memory_space<vmem_shared>>
      tpu.wait_dma2 semaphore(%run_scoped3A : memref<!tpu.dma_semaphore, #tpu.memory_space<semaphore_mem>>) src(%arg11 : memref<50x128xf32, #tpu.memory_space<vmem>>) dst(%dma_wait3A_341 : memref<50x128xf32, #tpu.memory_space<vmem_shared>>)
      tpu.yield
    }) : () -> ()
    %mul3A_137 = arith.constant 640 : i32
    %mul3A_138 = arith.muli %arg1, %mul3A_137 : i32
    %add3A_139 = arith.constant 600 : i32
    %add3A_140 = arith.addi %mul3A_138, %add3A_139 : i32
    "tpu.region"() ({
      %run_scoped3A = tpu.sem_alloc : memref<!tpu.dma_semaphore, #tpu.memory_space<semaphore_mem>>
      %dma_start3A_335 = arith.constant 0 : i32
      %dma_start3A_336 = arith.constant 0 : i32
      %dma_start3A_337 = tpu.memref_slice %arg11[%dma_start3A_335, %dma_start3A_336] : memref<50x128xf32, #tpu.memory_space<vmem>> -> memref<40x128xf32, #tpu.memory_space<vmem>>
      %dma_start3A_338 = arith.constant 0 : i32
      %dma_start3A_339 = tpu.memref_slice %arg13[%add3A_140, %dma_start3A_338] : memref<10240x128xf32, #tpu.memory_space<vmem_shared>> -> memref<40x128xf32, #tpu.memory_space<vmem_shared>>
      %dma_start3A_340 = arith.constant 0 : i32
      %dma_start3A_341 = tpu.memref_slice %arg13[%add3A_140, %dma_start3A_340] : memref<10240x128xf32, #tpu.memory_space<vmem_shared>> -> memref<40x128xf32, #tpu.memory_space<vmem_shared>>
      %dma_start3A_342 = arith.constant 0 : i32
      %dma_start3A_343 = arith.constant 0 : i32
      %dma_start3A_344 = tpu.memref_slice %arg11[%dma_start3A_342, %dma_start3A_343] : memref<50x128xf32, #tpu.memory_space<vmem>> -> memref<40x128xf32, #tpu.memory_space<vmem>>
      tpu.enqueue_dma source(%dma_start3A_344 : memref<40x128xf32, #tpu.memory_space<vmem>>) target(%dma_start3A_341 : memref<40x128xf32, #tpu.memory_space<vmem_shared>>) target_semaphore(%run_scoped3A : memref<!tpu.dma_semaphore, #tpu.memory_space<semaphore_mem>>)
      %dma_wait3A = arith.constant 0 : i32
      %dma_wait3A_345 = arith.constant 0 : i32
      %dma_wait3A_346 = tpu.memref_slice %arg11[%dma_wait3A, %dma_wait3A_345] : memref<50x128xf32, #tpu.memory_space<vmem>> -> memref<40x128xf32, #tpu.memory_space<vmem>>
      %dma_wait3A_347 = arith.constant 0 : i32
      %dma_wait3A_348 = tpu.memref_slice %arg13[%add3A_140, %dma_wait3A_347] : memref<10240x128xf32, #tpu.memory_space<vmem_shared>> -> memref<40x128xf32, #tpu.memory_space<vmem_shared>>
      %dma_wait3A_349 = arith.constant 0 : i32
      %dma_wait3A_350 = tpu.memref_slice %arg13[%add3A_140, %dma_wait3A_349] : memref<10240x128xf32, #tpu.memory_space<vmem_shared>> -> memref<40x128xf32, #tpu.memory_space<vmem_shared>>
      %dma_wait3A_351 = arith.constant 0 : i32
      %dma_wait3A_352 = arith.constant 0 : i32
      %dma_wait3A_353 = tpu.memref_slice %arg11[%dma_wait3A_351, %dma_wait3A_352] : memref<50x128xf32, #tpu.memory_space<vmem>> -> memref<40x128xf32, #tpu.memory_space<vmem>>
      tpu.wait_dma2 semaphore(%run_scoped3A : memref<!tpu.dma_semaphore, #tpu.memory_space<semaphore_mem>>) src(%dma_wait3A_353 : memref<40x128xf32, #tpu.memory_space<vmem>>) dst(%dma_wait3A_350 : memref<40x128xf32, #tpu.memory_space<vmem_shared>>)
      tpu.yield
    }) : () -> ()
    %barrier3A_141 = arith.constant 0 : index
    tpu.barrier barrier_id(%barrier3A_141)
    %dma_start3A_142 = arith.constant 0 : i32
    %dma_start3A_143 = arith.constant 0 : i32
    %dma_start3A_144 = tpu.memref_slice %arg9[%dma_start3A_142, %dma_start3A_143] : memref<100x50xi32, #tpu.memory_space<vmem>> -> memref<1x50xi32, #tpu.memory_space<vmem>>
    %dma_start3A_145 = tpu.memref_squeeze %dma_start3A_144 : memref<1x50xi32, #tpu.memory_space<vmem>> -> memref<50xi32, #tpu.memory_space<vmem>>
    %dma_start3A_146 = arith.constant 0 : i32
    %dma_start3A_147 = arith.constant 0 : i32
    %dma_start3A_148 = tpu.memref_slice %arg3[%dma_start3A_146, %dma_start3A_147] : memref<10000x128xf32, #tpu.memory_space<hbm>> -> memref<10000x128xf32, #tpu.memory_space<hbm>>
    tpu.enqueue_indirect_dma source(%dma_start3A_148 : memref<10000x128xf32, #tpu.memory_space<hbm>>) target(%arg11 : memref<50x128xf32, #tpu.memory_space<vmem>>) offsets(%dma_start3A_145 : memref<50xi32, #tpu.memory_space<vmem>>) semaphore(%arg14 : memref<!tpu.dma_semaphore, #tpu.memory_space<semaphore_mem>>)
    %scan3A_149 = arith.constant 0 : i32
    %scan3A_150 = arith.constant 0 : i32
    %scan3A_151 = arith.constant 50 : i32
    %scan3A_152 = arith.addi %scan3A_150, %scan3A_151 : i32
    %scan3A_153 = arith.constant 1 : i32
    scf.for %scan3A_335 = %scan3A_150 to %scan3A_152 step %scan3A_153  : i32 {
      %mul3A_336 = arith.constant 2 : i32
      %mul3A_337 = arith.muli %mul3A_336, %scan3A_335 : i32
      %add3A_338 = arith.constant 1 : i32
      %add3A_339 = arith.addi %mul3A_337, %add3A_338 : i32
      %dma_start3A_340 = arith.constant 0 : i32
      %dma_start3A_341 = tpu.memref_slice %arg9[%add3A_339, %dma_start3A_340] : memref<100x50xi32, #tpu.memory_space<vmem>> -> memref<1x50xi32, #tpu.memory_space<vmem>>
      %dma_start3A_342 = tpu.memref_squeeze %dma_start3A_341 : memref<1x50xi32, #tpu.memory_space<vmem>> -> memref<50xi32, #tpu.memory_space<vmem>>
      %dma_start3A_343 = arith.constant 0 : i32
      %dma_start3A_344 = arith.constant 0 : i32
      %dma_start3A_345 = tpu.memref_slice %arg3[%dma_start3A_343, %dma_start3A_344] : memref<10000x128xf32, #tpu.memory_space<hbm>> -> memref<10000x128xf32, #tpu.memory_space<hbm>>
      tpu.enqueue_indirect_dma source(%dma_start3A_345 : memref<10000x128xf32, #tpu.memory_space<hbm>>) target(%arg12 : memref<50x128xf32, #tpu.memory_space<vmem>>) offsets(%dma_start3A_342 : memref<50xi32, #tpu.memory_space<vmem>>) semaphore(%arg15 : memref<!tpu.dma_semaphore, #tpu.memory_space<semaphore_mem>>)
      %dma_wait3A = arith.constant 0 : i32
      %dma_wait3A_346 = tpu.memref_slice %arg9[%mul3A_337, %dma_wait3A] : memref<100x50xi32, #tpu.memory_space<vmem>> -> memref<1x50xi32, #tpu.memory_space<vmem>>
      %dma_wait3A_347 = tpu.memref_squeeze %dma_wait3A_346 : memref<1x50xi32, #tpu.memory_space<vmem>> -> memref<50xi32, #tpu.memory_space<vmem>>
      %dma_wait3A_348 = arith.constant 0 : i32
      %dma_wait3A_349 = arith.constant 0 : i32
      %dma_wait3A_350 = tpu.memref_slice %arg3[%dma_wait3A_348, %dma_wait3A_349] : memref<10000x128xf32, #tpu.memory_space<hbm>> -> memref<10000x128xf32, #tpu.memory_space<hbm>>
      tpu.wait_indirect_dma semaphore(%arg14 : memref<!tpu.dma_semaphore, #tpu.memory_space<semaphore_mem>>) src(%dma_wait3A_350 : memref<10000x128xf32, #tpu.memory_space<hbm>>) dst(%arg11 : memref<50x128xf32, #tpu.memory_space<vmem>>)
      "tpu.region"() ({
        %run_scoped3A = tpu.sem_alloc : memref<!tpu.dma_semaphore, #tpu.memory_space<semaphore_mem>>
        %dma_start3A_365 = arith.constant 0 : i32
        %dma_start3A_366 = tpu.memref_slice %arg10[%mul3A_337, %dma_start3A_365] : memref<100x50xi32, #tpu.memory_space<vmem>> -> memref<1x50xi32, #tpu.memory_space<vmem>>
        %dma_start3A_367 = tpu.memref_squeeze %dma_start3A_366 : memref<1x50xi32, #tpu.memory_space<vmem>> -> memref<50xi32, #tpu.memory_space<vmem>>
        %dma_start3A_368 = arith.constant 0 : i32
        %dma_start3A_369 = arith.constant 0 : i32
        %dma_start3A_370 = tpu.memref_slice %arg13[%dma_start3A_368, %dma_start3A_369] : memref<10240x128xf32, #tpu.memory_space<vmem_shared>> -> memref<10240x128xf32, #tpu.memory_space<vmem_shared>>
        tpu.enqueue_indirect_dma source(%arg11 : memref<50x128xf32, #tpu.memory_space<vmem>>) target(%dma_start3A_370 : memref<10240x128xf32, #tpu.memory_space<vmem_shared>>) offsets(%dma_start3A_367 : memref<50xi32, #tpu.memory_space<vmem>>) semaphore(%run_scoped3A : memref<!tpu.dma_semaphore, #tpu.memory_space<semaphore_mem>>) {add = true}
        %dma_wait3A_371 = arith.constant 0 : i32
        %dma_wait3A_372 = tpu.memref_slice %arg10[%mul3A_337, %dma_wait3A_371] : memref<100x50xi32, #tpu.memory_space<vmem>> -> memref<1x50xi32, #tpu.memory_space<vmem>>
        %dma_wait3A_373 = tpu.memref_squeeze %dma_wait3A_372 : memref<1x50xi32, #tpu.memory_space<vmem>> -> memref<50xi32, #tpu.memory_space<vmem>>
        %dma_wait3A_374 = arith.constant 0 : i32
        %dma_wait3A_375 = arith.constant 0 : i32
        %dma_wait3A_376 = tpu.memref_slice %arg13[%dma_wait3A_374, %dma_wait3A_375] : memref<10240x128xf32, #tpu.memory_space<vmem_shared>> -> memref<10240x128xf32, #tpu.memory_space<vmem_shared>>
        tpu.wait_indirect_dma semaphore(%run_scoped3A : memref<!tpu.dma_semaphore, #tpu.memory_space<semaphore_mem>>) src(%arg11 : memref<50x128xf32, #tpu.memory_space<vmem>>) dst(%dma_wait3A_376 : memref<10240x128xf32, #tpu.memory_space<vmem_shared>>)
        tpu.yield
      }) : () -> ()
      %add3A_351 = arith.constant 2 : i32
      %add3A_352 = arith.addi %mul3A_337, %add3A_351 : i32
      %lt3A = arith.constant 100 : i32
      %lt3A_353 = arith.cmpi slt, %add3A_352, %lt3A : i32
      %convert_element_type3A = arith.extui %lt3A_353 : i1 to i32
      %cond3A = arith.constant 0 : i32
      %cond3A_354 = arith.cmpi ne, %convert_element_type3A, %cond3A : i32
      scf.if %cond3A_354 {
        %add3A_365 = arith.constant 2 : i32
        %add3A_366 = arith.addi %mul3A_337, %add3A_365 : i32
        %dma_start3A_367 = arith.constant 0 : i32
        %dma_start3A_368 = tpu.memref_slice %arg9[%add3A_366, %dma_start3A_367] : memref<100x50xi32, #tpu.memory_space<vmem>> -> memref<1x50xi32, #tpu.memory_space<vmem>>
        %dma_start3A_369 = tpu.memref_squeeze %dma_start3A_368 : memref<1x50xi32, #tpu.memory_space<vmem>> -> memref<50xi32, #tpu.memory_space<vmem>>
        %dma_start3A_370 = arith.constant 0 : i32
        %dma_start3A_371 = arith.constant 0 : i32
        %dma_start3A_372 = tpu.memref_slice %arg3[%dma_start3A_370, %dma_start3A_371] : memref<10000x128xf32, #tpu.memory_space<hbm>> -> memref<10000x128xf32, #tpu.memory_space<hbm>>
        tpu.enqueue_indirect_dma source(%dma_start3A_372 : memref<10000x128xf32, #tpu.memory_space<hbm>>) target(%arg11 : memref<50x128xf32, #tpu.memory_space<vmem>>) offsets(%dma_start3A_369 : memref<50xi32, #tpu.memory_space<vmem>>) semaphore(%arg14 : memref<!tpu.dma_semaphore, #tpu.memory_space<semaphore_mem>>)
      } else {
      }
      %add3A_355 = arith.constant 1 : i32
      %add3A_356 = arith.addi %mul3A_337, %add3A_355 : i32
      %dma_wait3A_357 = arith.constant 0 : i32
      %dma_wait3A_358 = tpu.memref_slice %arg9[%add3A_356, %dma_wait3A_357] : memref<100x50xi32, #tpu.memory_space<vmem>> -> memref<1x50xi32, #tpu.memory_space<vmem>>
      %dma_wait3A_359 = tpu.memref_squeeze %dma_wait3A_358 : memref<1x50xi32, #tpu.memory_space<vmem>> -> memref<50xi32, #tpu.memory_space<vmem>>
      %dma_wait3A_360 = arith.constant 0 : i32
      %dma_wait3A_361 = arith.constant 0 : i32
      %dma_wait3A_362 = tpu.memref_slice %arg3[%dma_wait3A_360, %dma_wait3A_361] : memref<10000x128xf32, #tpu.memory_space<hbm>> -> memref<10000x128xf32, #tpu.memory_space<hbm>>
      tpu.wait_indirect_dma semaphore(%arg15 : memref<!tpu.dma_semaphore, #tpu.memory_space<semaphore_mem>>) src(%dma_wait3A_362 : memref<10000x128xf32, #tpu.memory_space<hbm>>) dst(%arg12 : memref<50x128xf32, #tpu.memory_space<vmem>>)
      %add3A_363 = arith.constant 1 : i32
      %add3A_364 = arith.addi %mul3A_337, %add3A_363 : i32
      "tpu.region"() ({
        %run_scoped3A = tpu.sem_alloc : memref<!tpu.dma_semaphore, #tpu.memory_space<semaphore_mem>>
        %dma_start3A_365 = arith.constant 0 : i32
        %dma_start3A_366 = tpu.memref_slice %arg10[%add3A_364, %dma_start3A_365] : memref<100x50xi32, #tpu.memory_space<vmem>> -> memref<1x50xi32, #tpu.memory_space<vmem>>
        %dma_start3A_367 = tpu.memref_squeeze %dma_start3A_366 : memref<1x50xi32, #tpu.memory_space<vmem>> -> memref<50xi32, #tpu.memory_space<vmem>>
        %dma_start3A_368 = arith.constant 0 : i32
        %dma_start3A_369 = arith.constant 0 : i32
        %dma_start3A_370 = tpu.memref_slice %arg13[%dma_start3A_368, %dma_start3A_369] : memref<10240x128xf32, #tpu.memory_space<vmem_shared>> -> memref<10240x128xf32, #tpu.memory_space<vmem_shared>>
        tpu.enqueue_indirect_dma source(%arg12 : memref<50x128xf32, #tpu.memory_space<vmem>>) target(%dma_start3A_370 : memref<10240x128xf32, #tpu.memory_space<vmem_shared>>) offsets(%dma_start3A_367 : memref<50xi32, #tpu.memory_space<vmem>>) semaphore(%run_scoped3A : memref<!tpu.dma_semaphore, #tpu.memory_space<semaphore_mem>>) {add = true}
        %dma_wait3A_371 = arith.constant 0 : i32
        %dma_wait3A_372 = tpu.memref_slice %arg10[%add3A_364, %dma_wait3A_371] : memref<100x50xi32, #tpu.memory_space<vmem>> -> memref<1x50xi32, #tpu.memory_space<vmem>>
        %dma_wait3A_373 = tpu.memref_squeeze %dma_wait3A_372 : memref<1x50xi32, #tpu.memory_space<vmem>> -> memref<50xi32, #tpu.memory_space<vmem>>
        %dma_wait3A_374 = arith.constant 0 : i32
        %dma_wait3A_375 = arith.constant 0 : i32
        %dma_wait3A_376 = tpu.memref_slice %arg13[%dma_wait3A_374, %dma_wait3A_375] : memref<10240x128xf32, #tpu.memory_space<vmem_shared>> -> memref<10240x128xf32, #tpu.memory_space<vmem_shared>>
        tpu.wait_indirect_dma semaphore(%run_scoped3A : memref<!tpu.dma_semaphore, #tpu.memory_space<semaphore_mem>>) src(%arg12 : memref<50x128xf32, #tpu.memory_space<vmem>>) dst(%dma_wait3A_376 : memref<10240x128xf32, #tpu.memory_space<vmem_shared>>)
        tpu.yield
      }) : () -> ()
    }
    %scan3A_154 = arith.constant 50 : i32
    %barrier3A_155 = arith.constant 0 : index
    tpu.barrier barrier_id(%barrier3A_155)
    %mul3A_156 = arith.constant 640 : i32
    %mul3A_157 = arith.muli %arg1, %mul3A_156 : i32
    %mul3A_158 = arith.constant 4 : i32
    %mul3A_159 = arith.muli %arg0, %mul3A_158 : i32
    %add3A_160 = arith.constant 1 : i32
    %add3A_161 = arith.addi %mul3A_159, %add3A_160 : i32
    %mul3A_162 = arith.constant 10240 : i32
    %mul3A_163 = arith.muli %add3A_161, %mul3A_162 : i32
    %mul3A_164 = arith.constant 640 : i32
    %mul3A_165 = arith.muli %arg1, %mul3A_164 : i32
    %add3A_166 = arith.addi %mul3A_163, %mul3A_165 : i32
    "tpu.region"() ({
      %run_scoped3A = tpu.sem_alloc : memref<!tpu.dma_semaphore, #tpu.memory_space<semaphore_mem>>
      %dma_start3A_335 = arith.constant 0 : i32
      %dma_start3A_336 = tpu.memref_slice %arg8[%add3A_166, %dma_start3A_335] : memref<81920x128xf32, #tpu.memory_space<hbm>> -> memref<640x128xf32, #tpu.memory_space<hbm>>
      %dma_start3A_337 = arith.constant 0 : i32
      %dma_start3A_338 = tpu.memref_slice %arg13[%mul3A_157, %dma_start3A_337] : memref<10240x128xf32, #tpu.memory_space<vmem_shared>> -> memref<640x128xf32, #tpu.memory_space<vmem_shared>>
      tpu.enqueue_dma source(%dma_start3A_338 : memref<640x128xf32, #tpu.memory_space<vmem_shared>>) target(%dma_start3A_336 : memref<640x128xf32, #tpu.memory_space<hbm>>) target_semaphore(%run_scoped3A : memref<!tpu.dma_semaphore, #tpu.memory_space<semaphore_mem>>)
      %dma_wait3A = arith.constant 0 : i32
      %dma_wait3A_339 = tpu.memref_slice %arg8[%add3A_166, %dma_wait3A] : memref<81920x128xf32, #tpu.memory_space<hbm>> -> memref<640x128xf32, #tpu.memory_space<hbm>>
      %dma_wait3A_340 = arith.constant 0 : i32
      %dma_wait3A_341 = tpu.memref_slice %arg13[%mul3A_157, %dma_wait3A_340] : memref<10240x128xf32, #tpu.memory_space<vmem_shared>> -> memref<640x128xf32, #tpu.memory_space<vmem_shared>>
      tpu.wait_dma2 semaphore(%run_scoped3A : memref<!tpu.dma_semaphore, #tpu.memory_space<semaphore_mem>>) src(%dma_wait3A_341 : memref<640x128xf32, #tpu.memory_space<vmem_shared>>) dst(%dma_wait3A_339 : memref<640x128xf32, #tpu.memory_space<hbm>>)
      tpu.yield
    }) : () -> ()
    %scan3A_167 = arith.constant 0 : i32
    %scan3A_168 = arith.constant 0 : i32
    %scan3A_169 = arith.constant 50 : i32
    %scan3A_170 = arith.addi %scan3A_168, %scan3A_169 : i32
    %scan3A_171 = arith.constant 1 : i32
    scf.for %scan3A_335 = %scan3A_168 to %scan3A_170 step %scan3A_171  : i32 {
      %swap3A = arith.index_cast %scan3A_335 : i32 to index
      %swap3A_336 = arith.constant 0 : index
      %swap3A_337 = tpu.vector_load %arg11[%swap3A, %swap3A_336] {strides = array<i32>} : memref<50x128xf32, #tpu.memory_space<vmem>>, vector<1x16xf32>,
      %swap3A_338 = vector.shape_cast %swap3A_337 : vector<1x16xf32> to vector<16xf32>
      %swap3A_339 = vector.shape_cast %broadcast_in_dim3A_1 : vector<16xf32> to vector<1x16xf32>
      tpu.vector_store %arg11[%swap3A, %swap3A_336], %swap3A_339 {strides = array<i32>} : memref<50x128xf32, #tpu.memory_space<vmem>>, vector<1x16xf32>,
      %swap3A_340 = arith.index_cast %scan3A_335 : i32 to index
      %swap3A_341 = arith.constant 16 : index
      %swap3A_342 = tpu.vector_load %arg11[%swap3A_340, %swap3A_341] {strides = array<i32>} : memref<50x128xf32, #tpu.memory_space<vmem>>, vector<1x16xf32>,
      %swap3A_343 = vector.shape_cast %swap3A_342 : vector<1x16xf32> to vector<16xf32>
      %swap3A_344 = vector.shape_cast %broadcast_in_dim3A_1 : vector<16xf32> to vector<1x16xf32>
      tpu.vector_store %arg11[%swap3A_340, %swap3A_341], %swap3A_344 {strides = array<i32>} : memref<50x128xf32, #tpu.memory_space<vmem>>, vector<1x16xf32>,
      %swap3A_345 = arith.index_cast %scan3A_335 : i32 to index
      %swap3A_346 = arith.constant 32 : index
      %swap3A_347 = tpu.vector_load %arg11[%swap3A_345, %swap3A_346] {strides = array<i32>} : memref<50x128xf32, #tpu.memory_space<vmem>>, vector<1x16xf32>,
      %swap3A_348 = vector.shape_cast %swap3A_347 : vector<1x16xf32> to vector<16xf32>
      %swap3A_349 = vector.shape_cast %broadcast_in_dim3A_1 : vector<16xf32> to vector<1x16xf32>
      tpu.vector_store %arg11[%swap3A_345, %swap3A_346], %swap3A_349 {strides = array<i32>} : memref<50x128xf32, #tpu.memory_space<vmem>>, vector<1x16xf32>,
      %swap3A_350 = arith.index_cast %scan3A_335 : i32 to index
      %swap3A_351 = arith.constant 48 : index
      %swap3A_352 = tpu.vector_load %arg11[%swap3A_350, %swap3A_351] {strides = array<i32>} : memref<50x128xf32, #tpu.memory_space<vmem>>, vector<1x16xf32>,
      %swap3A_353 = vector.shape_cast %swap3A_352 : vector<1x16xf32> to vector<16xf32>
      %swap3A_354 = vector.shape_cast %broadcast_in_dim3A_1 : vector<16xf32> to vector<1x16xf32>
      tpu.vector_store %arg11[%swap3A_350, %swap3A_351], %swap3A_354 {strides = array<i32>} : memref<50x128xf32, #tpu.memory_space<vmem>>, vector<1x16xf32>,
      %swap3A_355 = arith.index_cast %scan3A_335 : i32 to index
      %swap3A_356 = arith.constant 64 : index
      %swap3A_357 = tpu.vector_load %arg11[%swap3A_355, %swap3A_356] {strides = array<i32>} : memref<50x128xf32, #tpu.memory_space<vmem>>, vector<1x16xf32>,
      %swap3A_358 = vector.shape_cast %swap3A_357 : vector<1x16xf32> to vector<16xf32>
      %swap3A_359 = vector.shape_cast %broadcast_in_dim3A_1 : vector<16xf32> to vector<1x16xf32>
      tpu.vector_store %arg11[%swap3A_355, %swap3A_356], %swap3A_359 {strides = array<i32>} : memref<50x128xf32, #tpu.memory_space<vmem>>, vector<1x16xf32>,
      %swap3A_360 = arith.index_cast %scan3A_335 : i32 to index
      %swap3A_361 = arith.constant 80 : index
      %swap3A_362 = tpu.vector_load %arg11[%swap3A_360, %swap3A_361] {strides = array<i32>} : memref<50x128xf32, #tpu.memory_space<vmem>>, vector<1x16xf32>,
      %swap3A_363 = vector.shape_cast %swap3A_362 : vector<1x16xf32> to vector<16xf32>
      %swap3A_364 = vector.shape_cast %broadcast_in_dim3A_1 : vector<16xf32> to vector<1x16xf32>
      tpu.vector_store %arg11[%swap3A_360, %swap3A_361], %swap3A_364 {strides = array<i32>} : memref<50x128xf32, #tpu.memory_space<vmem>>, vector<1x16xf32>,
      %swap3A_365 = arith.index_cast %scan3A_335 : i32 to index
      %swap3A_366 = arith.constant 96 : index
      %swap3A_367 = tpu.vector_load %arg11[%swap3A_365, %swap3A_366] {strides = array<i32>} : memref<50x128xf32, #tpu.memory_space<vmem>>, vector<1x16xf32>,
      %swap3A_368 = vector.shape_cast %swap3A_367 : vector<1x16xf32> to vector<16xf32>
      %swap3A_369 = vector.shape_cast %broadcast_in_dim3A_1 : vector<16xf32> to vector<1x16xf32>
      tpu.vector_store %arg11[%swap3A_365, %swap3A_366], %swap3A_369 {strides = array<i32>} : memref<50x128xf32, #tpu.memory_space<vmem>>, vector<1x16xf32>,
      %swap3A_370 = arith.index_cast %scan3A_335 : i32 to index
      %swap3A_371 = arith.constant 112 : index
      %swap3A_372 = tpu.vector_load %arg11[%swap3A_370, %swap3A_371] {strides = array<i32>} : memref<50x128xf32, #tpu.memory_space<vmem>>, vector<1x16xf32>,
      %swap3A_373 = vector.shape_cast %swap3A_372 : vector<1x16xf32> to vector<16xf32>
      %swap3A_374 = vector.shape_cast %broadcast_in_dim3A_1 : vector<16xf32> to vector<1x16xf32>
      tpu.vector_store %arg11[%swap3A_370, %swap3A_371], %swap3A_374 {strides = array<i32>} : memref<50x128xf32, #tpu.memory_space<vmem>>, vector<1x16xf32>,
    }
    %scan3A_172 = arith.constant 50 : i32
    %mul3A_173 = arith.constant 640 : i32
    %mul3A_174 = arith.muli %arg1, %mul3A_173 : i32
    %add3A_175 = arith.constant 0 : i32
    %add3A_176 = arith.addi %mul3A_174, %add3A_175 : i32
    "tpu.region"() ({
      %run_scoped3A = tpu.sem_alloc : memref<!tpu.dma_semaphore, #tpu.memory_space<semaphore_mem>>
      %dma_start3A_335 = arith.constant 0 : i32
      %dma_start3A_336 = tpu.memref_slice %arg13[%add3A_176, %dma_start3A_335] : memref<10240x128xf32, #tpu.memory_space<vmem_shared>> -> memref<50x128xf32, #tpu.memory_space<vmem_shared>>
      %dma_start3A_337 = arith.constant 0 : i32
      %dma_start3A_338 = tpu.memref_slice %arg13[%add3A_176, %dma_start3A_337] : memref<10240x128xf32, #tpu.memory_space<vmem_shared>> -> memref<50x128xf32, #tpu.memory_space<vmem_shared>>
      tpu.enqueue_dma source(%arg11 : memref<50x128xf32, #tpu.memory_space<vmem>>) target(%dma_start3A_338 : memref<50x128xf32, #tpu.memory_space<vmem_shared>>) target_semaphore(%run_scoped3A : memref<!tpu.dma_semaphore, #tpu.memory_space<semaphore_mem>>)
      %dma_wait3A = arith.constant 0 : i32
      %dma_wait3A_339 = tpu.memref_slice %arg13[%add3A_176, %dma_wait3A] : memref<10240x128xf32, #tpu.memory_space<vmem_shared>> -> memref<50x128xf32, #tpu.memory_space<vmem_shared>>
      %dma_wait3A_340 = arith.constant 0 : i32
      %dma_wait3A_341 = tpu.memref_slice %arg13[%add3A_176, %dma_wait3A_340] : memref<10240x128xf32, #tpu.memory_space<vmem_shared>> -> memref<50x128xf32, #tpu.memory_space<vmem_shared>>
      tpu.wait_dma2 semaphore(%run_scoped3A : memref<!tpu.dma_semaphore, #tpu.memory_space<semaphore_mem>>) src(%arg11 : memref<50x128xf32, #tpu.memory_space<vmem>>) dst(%dma_wait3A_341 : memref<50x128xf32, #tpu.memory_space<vmem_shared>>)
      tpu.yield
    }) : () -> ()
    %mul3A_177 = arith.constant 640 : i32
    %mul3A_178 = arith.muli %arg1, %mul3A_177 : i32
    %add3A_179 = arith.constant 50 : i32
    %add3A_180 = arith.addi %mul3A_178, %add3A_179 : i32
    "tpu.region"() ({
      %run_scoped3A = tpu.sem_alloc : memref<!tpu.dma_semaphore, #tpu.memory_space<semaphore_mem>>
      %dma_start3A_335 = arith.constant 0 : i32
      %dma_start3A_336 = tpu.memref_slice %arg13[%add3A_180, %dma_start3A_335] : memref<10240x128xf32, #tpu.memory_space<vmem_shared>> -> memref<50x128xf32, #tpu.memory_space<vmem_shared>>
      %dma_start3A_337 = arith.constant 0 : i32
      %dma_start3A_338 = tpu.memref_slice %arg13[%add3A_180, %dma_start3A_337] : memref<10240x128xf32, #tpu.memory_space<vmem_shared>> -> memref<50x128xf32, #tpu.memory_space<vmem_shared>>
      tpu.enqueue_dma source(%arg11 : memref<50x128xf32, #tpu.memory_space<vmem>>) target(%dma_start3A_338 : memref<50x128xf32, #tpu.memory_space<vmem_shared>>) target_semaphore(%run_scoped3A : memref<!tpu.dma_semaphore, #tpu.memory_space<semaphore_mem>>)
      %dma_wait3A = arith.constant 0 : i32
      %dma_wait3A_339 = tpu.memref_slice %arg13[%add3A_180, %dma_wait3A] : memref<10240x128xf32, #tpu.memory_space<vmem_shared>> -> memref<50x128xf32, #tpu.memory_space<vmem_shared>>
      %dma_wait3A_340 = arith.constant 0 : i32
      %dma_wait3A_341 = tpu.memref_slice %arg13[%add3A_180, %dma_wait3A_340] : memref<10240x128xf32, #tpu.memory_space<vmem_shared>> -> memref<50x128xf32, #tpu.memory_space<vmem_shared>>
      tpu.wait_dma2 semaphore(%run_scoped3A : memref<!tpu.dma_semaphore, #tpu.memory_space<semaphore_mem>>) src(%arg11 : memref<50x128xf32, #tpu.memory_space<vmem>>) dst(%dma_wait3A_341 : memref<50x128xf32, #tpu.memory_space<vmem_shared>>)
      tpu.yield
    }) : () -> ()
    %mul3A_181 = arith.constant 640 : i32
    %mul3A_182 = arith.muli %arg1, %mul3A_181 : i32
    %add3A_183 = arith.constant 100 : i32
    %add3A_184 = arith.addi %mul3A_182, %add3A_183 : i32
    "tpu.region"() ({
      %run_scoped3A = tpu.sem_alloc : memref<!tpu.dma_semaphore, #tpu.memory_space<semaphore_mem>>
      %dma_start3A_335 = arith.constant 0 : i32
      %dma_start3A_336 = tpu.memref_slice %arg13[%add3A_184, %dma_start3A_335] : memref<10240x128xf32, #tpu.memory_space<vmem_shared>> -> memref<50x128xf32, #tpu.memory_space<vmem_shared>>
      %dma_start3A_337 = arith.constant 0 : i32
      %dma_start3A_338 = tpu.memref_slice %arg13[%add3A_184, %dma_start3A_337] : memref<10240x128xf32, #tpu.memory_space<vmem_shared>> -> memref<50x128xf32, #tpu.memory_space<vmem_shared>>
      tpu.enqueue_dma source(%arg11 : memref<50x128xf32, #tpu.memory_space<vmem>>) target(%dma_start3A_338 : memref<50x128xf32, #tpu.memory_space<vmem_shared>>) target_semaphore(%run_scoped3A : memref<!tpu.dma_semaphore, #tpu.memory_space<semaphore_mem>>)
      %dma_wait3A = arith.constant 0 : i32
      %dma_wait3A_339 = tpu.memref_slice %arg13[%add3A_184, %dma_wait3A] : memref<10240x128xf32, #tpu.memory_space<vmem_shared>> -> memref<50x128xf32, #tpu.memory_space<vmem_shared>>
      %dma_wait3A_340 = arith.constant 0 : i32
      %dma_wait3A_341 = tpu.memref_slice %arg13[%add3A_184, %dma_wait3A_340] : memref<10240x128xf32, #tpu.memory_space<vmem_shared>> -> memref<50x128xf32, #tpu.memory_space<vmem_shared>>
      tpu.wait_dma2 semaphore(%run_scoped3A : memref<!tpu.dma_semaphore, #tpu.memory_space<semaphore_mem>>) src(%arg11 : memref<50x128xf32, #tpu.memory_space<vmem>>) dst(%dma_wait3A_341 : memref<50x128xf32, #tpu.memory_space<vmem_shared>>)
      tpu.yield
    }) : () -> ()
    %mul3A_185 = arith.constant 640 : i32
    %mul3A_186 = arith.muli %arg1, %mul3A_185 : i32
    %add3A_187 = arith.constant 150 : i32
    %add3A_188 = arith.addi %mul3A_186, %add3A_187 : i32
    "tpu.region"() ({
      %run_scoped3A = tpu.sem_alloc : memref<!tpu.dma_semaphore, #tpu.memory_space<semaphore_mem>>
      %dma_start3A_335 = arith.constant 0 : i32
      %dma_start3A_336 = tpu.memref_slice %arg13[%add3A_188, %dma_start3A_335] : memref<10240x128xf32, #tpu.memory_space<vmem_shared>> -> memref<50x128xf32, #tpu.memory_space<vmem_shared>>
      %dma_start3A_337 = arith.constant 0 : i32
      %dma_start3A_338 = tpu.memref_slice %arg13[%add3A_188, %dma_start3A_337] : memref<10240x128xf32, #tpu.memory_space<vmem_shared>> -> memref<50x128xf32, #tpu.memory_space<vmem_shared>>
      tpu.enqueue_dma source(%arg11 : memref<50x128xf32, #tpu.memory_space<vmem>>) target(%dma_start3A_338 : memref<50x128xf32, #tpu.memory_space<vmem_shared>>) target_semaphore(%run_scoped3A : memref<!tpu.dma_semaphore, #tpu.memory_space<semaphore_mem>>)
      %dma_wait3A = arith.constant 0 : i32
      %dma_wait3A_339 = tpu.memref_slice %arg13[%add3A_188, %dma_wait3A] : memref<10240x128xf32, #tpu.memory_space<vmem_shared>> -> memref<50x128xf32, #tpu.memory_space<vmem_shared>>
      %dma_wait3A_340 = arith.constant 0 : i32
      %dma_wait3A_341 = tpu.memref_slice %arg13[%add3A_188, %dma_wait3A_340] : memref<10240x128xf32, #tpu.memory_space<vmem_shared>> -> memref<50x128xf32, #tpu.memory_space<vmem_shared>>
      tpu.wait_dma2 semaphore(%run_scoped3A : memref<!tpu.dma_semaphore, #tpu.memory_space<semaphore_mem>>) src(%arg11 : memref<50x128xf32, #tpu.memory_space<vmem>>) dst(%dma_wait3A_341 : memref<50x128xf32, #tpu.memory_space<vmem_shared>>)
      tpu.yield
    }) : () -> ()
    %mul3A_189 = arith.constant 640 : i32
    %mul3A_190 = arith.muli %arg1, %mul3A_189 : i32
    %add3A_191 = arith.constant 200 : i32
    %add3A_192 = arith.addi %mul3A_190, %add3A_191 : i32
    "tpu.region"() ({
      %run_scoped3A = tpu.sem_alloc : memref<!tpu.dma_semaphore, #tpu.memory_space<semaphore_mem>>
      %dma_start3A_335 = arith.constant 0 : i32
      %dma_start3A_336 = tpu.memref_slice %arg13[%add3A_192, %dma_start3A_335] : memref<10240x128xf32, #tpu.memory_space<vmem_shared>> -> memref<50x128xf32, #tpu.memory_space<vmem_shared>>
      %dma_start3A_337 = arith.constant 0 : i32
      %dma_start3A_338 = tpu.memref_slice %arg13[%add3A_192, %dma_start3A_337] : memref<10240x128xf32, #tpu.memory_space<vmem_shared>> -> memref<50x128xf32, #tpu.memory_space<vmem_shared>>
      tpu.enqueue_dma source(%arg11 : memref<50x128xf32, #tpu.memory_space<vmem>>) target(%dma_start3A_338 : memref<50x128xf32, #tpu.memory_space<vmem_shared>>) target_semaphore(%run_scoped3A : memref<!tpu.dma_semaphore, #tpu.memory_space<semaphore_mem>>)
      %dma_wait3A = arith.constant 0 : i32
      %dma_wait3A_339 = tpu.memref_slice %arg13[%add3A_192, %dma_wait3A] : memref<10240x128xf32, #tpu.memory_space<vmem_shared>> -> memref<50x128xf32, #tpu.memory_space<vmem_shared>>
      %dma_wait3A_340 = arith.constant 0 : i32
      %dma_wait3A_341 = tpu.memref_slice %arg13[%add3A_192, %dma_wait3A_340] : memref<10240x128xf32, #tpu.memory_space<vmem_shared>> -> memref<50x128xf32, #tpu.memory_space<vmem_shared>>
      tpu.wait_dma2 semaphore(%run_scoped3A : memref<!tpu.dma_semaphore, #tpu.memory_space<semaphore_mem>>) src(%arg11 : memref<50x128xf32, #tpu.memory_space<vmem>>) dst(%dma_wait3A_341 : memref<50x128xf32, #tpu.memory_space<vmem_shared>>)
      tpu.yield
    }) : () -> ()
    %mul3A_193 = arith.constant 640 : i32
    %mul3A_194 = arith.muli %arg1, %mul3A_193 : i32
    %add3A_195 = arith.constant 250 : i32
    %add3A_196 = arith.addi %mul3A_194, %add3A_195 : i32
    "tpu.region"() ({
      %run_scoped3A = tpu.sem_alloc : memref<!tpu.dma_semaphore, #tpu.memory_space<semaphore_mem>>
      %dma_start3A_335 = arith.constant 0 : i32
      %dma_start3A_336 = tpu.memref_slice %arg13[%add3A_196, %dma_start3A_335] : memref<10240x128xf32, #tpu.memory_space<vmem_shared>> -> memref<50x128xf32, #tpu.memory_space<vmem_shared>>
      %dma_start3A_337 = arith.constant 0 : i32
      %dma_start3A_338 = tpu.memref_slice %arg13[%add3A_196, %dma_start3A_337] : memref<10240x128xf32, #tpu.memory_space<vmem_shared>> -> memref<50x128xf32, #tpu.memory_space<vmem_shared>>
      tpu.enqueue_dma source(%arg11 : memref<50x128xf32, #tpu.memory_space<vmem>>) target(%dma_start3A_338 : memref<50x128xf32, #tpu.memory_space<vmem_shared>>) target_semaphore(%run_scoped3A : memref<!tpu.dma_semaphore, #tpu.memory_space<semaphore_mem>>)
      %dma_wait3A = arith.constant 0 : i32
      %dma_wait3A_339 = tpu.memref_slice %arg13[%add3A_196, %dma_wait3A] : memref<10240x128xf32, #tpu.memory_space<vmem_shared>> -> memref<50x128xf32, #tpu.memory_space<vmem_shared>>
      %dma_wait3A_340 = arith.constant 0 : i32
      %dma_wait3A_341 = tpu.memref_slice %arg13[%add3A_196, %dma_wait3A_340] : memref<10240x128xf32, #tpu.memory_space<vmem_shared>> -> memref<50x128xf32, #tpu.memory_space<vmem_shared>>
      tpu.wait_dma2 semaphore(%run_scoped3A : memref<!tpu.dma_semaphore, #tpu.memory_space<semaphore_mem>>) src(%arg11 : memref<50x128xf32, #tpu.memory_space<vmem>>) dst(%dma_wait3A_341 : memref<50x128xf32, #tpu.memory_space<vmem_shared>>)
      tpu.yield
    }) : () -> ()
    %mul3A_197 = arith.constant 640 : i32
    %mul3A_198 = arith.muli %arg1, %mul3A_197 : i32
    %add3A_199 = arith.constant 300 : i32
    %add3A_200 = arith.addi %mul3A_198, %add3A_199 : i32
    "tpu.region"() ({
      %run_scoped3A = tpu.sem_alloc : memref<!tpu.dma_semaphore, #tpu.memory_space<semaphore_mem>>
      %dma_start3A_335 = arith.constant 0 : i32
      %dma_start3A_336 = tpu.memref_slice %arg13[%add3A_200, %dma_start3A_335] : memref<10240x128xf32, #tpu.memory_space<vmem_shared>> -> memref<50x128xf32, #tpu.memory_space<vmem_shared>>
      %dma_start3A_337 = arith.constant 0 : i32
      %dma_start3A_338 = tpu.memref_slice %arg13[%add3A_200, %dma_start3A_337] : memref<10240x128xf32, #tpu.memory_space<vmem_shared>> -> memref<50x128xf32, #tpu.memory_space<vmem_shared>>
      tpu.enqueue_dma source(%arg11 : memref<50x128xf32, #tpu.memory_space<vmem>>) target(%dma_start3A_338 : memref<50x128xf32, #tpu.memory_space<vmem_shared>>) target_semaphore(%run_scoped3A : memref<!tpu.dma_semaphore, #tpu.memory_space<semaphore_mem>>)
      %dma_wait3A = arith.constant 0 : i32
      %dma_wait3A_339 = tpu.memref_slice %arg13[%add3A_200, %dma_wait3A] : memref<10240x128xf32, #tpu.memory_space<vmem_shared>> -> memref<50x128xf32, #tpu.memory_space<vmem_shared>>
      %dma_wait3A_340 = arith.constant 0 : i32
      %dma_wait3A_341 = tpu.memref_slice %arg13[%add3A_200, %dma_wait3A_340] : memref<10240x128xf32, #tpu.memory_space<vmem_shared>> -> memref<50x128xf32, #tpu.memory_space<vmem_shared>>
      tpu.wait_dma2 semaphore(%run_scoped3A : memref<!tpu.dma_semaphore, #tpu.memory_space<semaphore_mem>>) src(%arg11 : memref<50x128xf32, #tpu.memory_space<vmem>>) dst(%dma_wait3A_341 : memref<50x128xf32, #tpu.memory_space<vmem_shared>>)
      tpu.yield
    }) : () -> ()
    %mul3A_201 = arith.constant 640 : i32
    %mul3A_202 = arith.muli %arg1, %mul3A_201 : i32
    %add3A_203 = arith.constant 350 : i32
    %add3A_204 = arith.addi %mul3A_202, %add3A_203 : i32
    "tpu.region"() ({
      %run_scoped3A = tpu.sem_alloc : memref<!tpu.dma_semaphore, #tpu.memory_space<semaphore_mem>>
      %dma_start3A_335 = arith.constant 0 : i32
      %dma_start3A_336 = tpu.memref_slice %arg13[%add3A_204, %dma_start3A_335] : memref<10240x128xf32, #tpu.memory_space<vmem_shared>> -> memref<50x128xf32, #tpu.memory_space<vmem_shared>>
      %dma_start3A_337 = arith.constant 0 : i32
      %dma_start3A_338 = tpu.memref_slice %arg13[%add3A_204, %dma_start3A_337] : memref<10240x128xf32, #tpu.memory_space<vmem_shared>> -> memref<50x128xf32, #tpu.memory_space<vmem_shared>>
      tpu.enqueue_dma source(%arg11 : memref<50x128xf32, #tpu.memory_space<vmem>>) target(%dma_start3A_338 : memref<50x128xf32, #tpu.memory_space<vmem_shared>>) target_semaphore(%run_scoped3A : memref<!tpu.dma_semaphore, #tpu.memory_space<semaphore_mem>>)
      %dma_wait3A = arith.constant 0 : i32
      %dma_wait3A_339 = tpu.memref_slice %arg13[%add3A_204, %dma_wait3A] : memref<10240x128xf32, #tpu.memory_space<vmem_shared>> -> memref<50x128xf32, #tpu.memory_space<vmem_shared>>
      %dma_wait3A_340 = arith.constant 0 : i32
      %dma_wait3A_341 = tpu.memref_slice %arg13[%add3A_204, %dma_wait3A_340] : memref<10240x128xf32, #tpu.memory_space<vmem_shared>> -> memref<50x128xf32, #tpu.memory_space<vmem_shared>>
      tpu.wait_dma2 semaphore(%run_scoped3A : memref<!tpu.dma_semaphore, #tpu.memory_space<semaphore_mem>>) src(%arg11 : memref<50x128xf32, #tpu.memory_space<vmem>>) dst(%dma_wait3A_341 : memref<50x128xf32, #tpu.memory_space<vmem_shared>>)
      tpu.yield
    }) : () -> ()
    %mul3A_205 = arith.constant 640 : i32
    %mul3A_206 = arith.muli %arg1, %mul3A_205 : i32
    %add3A_207 = arith.constant 400 : i32
    %add3A_208 = arith.addi %mul3A_206, %add3A_207 : i32
    "tpu.region"() ({
      %run_scoped3A = tpu.sem_alloc : memref<!tpu.dma_semaphore, #tpu.memory_space<semaphore_mem>>
      %dma_start3A_335 = arith.constant 0 : i32
      %dma_start3A_336 = tpu.memref_slice %arg13[%add3A_208, %dma_start3A_335] : memref<10240x128xf32, #tpu.memory_space<vmem_shared>> -> memref<50x128xf32, #tpu.memory_space<vmem_shared>>
      %dma_start3A_337 = arith.constant 0 : i32
      %dma_start3A_338 = tpu.memref_slice %arg13[%add3A_208, %dma_start3A_337] : memref<10240x128xf32, #tpu.memory_space<vmem_shared>> -> memref<50x128xf32, #tpu.memory_space<vmem_shared>>
      tpu.enqueue_dma source(%arg11 : memref<50x128xf32, #tpu.memory_space<vmem>>) target(%dma_start3A_338 : memref<50x128xf32, #tpu.memory_space<vmem_shared>>) target_semaphore(%run_scoped3A : memref<!tpu.dma_semaphore, #tpu.memory_space<semaphore_mem>>)
      %dma_wait3A = arith.constant 0 : i32
      %dma_wait3A_339 = tpu.memref_slice %arg13[%add3A_208, %dma_wait3A] : memref<10240x128xf32, #tpu.memory_space<vmem_shared>> -> memref<50x128xf32, #tpu.memory_space<vmem_shared>>
      %dma_wait3A_340 = arith.constant 0 : i32
      %dma_wait3A_341 = tpu.memref_slice %arg13[%add3A_208, %dma_wait3A_340] : memref<10240x128xf32, #tpu.memory_space<vmem_shared>> -> memref<50x128xf32, #tpu.memory_space<vmem_shared>>
      tpu.wait_dma2 semaphore(%run_scoped3A : memref<!tpu.dma_semaphore, #tpu.memory_space<semaphore_mem>>) src(%arg11 : memref<50x128xf32, #tpu.memory_space<vmem>>) dst(%dma_wait3A_341 : memref<50x128xf32, #tpu.memory_space<vmem_shared>>)
      tpu.yield
    }) : () -> ()
    %mul3A_209 = arith.constant 640 : i32
    %mul3A_210 = arith.muli %arg1, %mul3A_209 : i32
    %add3A_211 = arith.constant 450 : i32
    %add3A_212 = arith.addi %mul3A_210, %add3A_211 : i32
    "tpu.region"() ({
      %run_scoped3A = tpu.sem_alloc : memref<!tpu.dma_semaphore, #tpu.memory_space<semaphore_mem>>
      %dma_start3A_335 = arith.constant 0 : i32
      %dma_start3A_336 = tpu.memref_slice %arg13[%add3A_212, %dma_start3A_335] : memref<10240x128xf32, #tpu.memory_space<vmem_shared>> -> memref<50x128xf32, #tpu.memory_space<vmem_shared>>
      %dma_start3A_337 = arith.constant 0 : i32
      %dma_start3A_338 = tpu.memref_slice %arg13[%add3A_212, %dma_start3A_337] : memref<10240x128xf32, #tpu.memory_space<vmem_shared>> -> memref<50x128xf32, #tpu.memory_space<vmem_shared>>
      tpu.enqueue_dma source(%arg11 : memref<50x128xf32, #tpu.memory_space<vmem>>) target(%dma_start3A_338 : memref<50x128xf32, #tpu.memory_space<vmem_shared>>) target_semaphore(%run_scoped3A : memref<!tpu.dma_semaphore, #tpu.memory_space<semaphore_mem>>)
      %dma_wait3A = arith.constant 0 : i32
      %dma_wait3A_339 = tpu.memref_slice %arg13[%add3A_212, %dma_wait3A] : memref<10240x128xf32, #tpu.memory_space<vmem_shared>> -> memref<50x128xf32, #tpu.memory_space<vmem_shared>>
      %dma_wait3A_340 = arith.constant 0 : i32
      %dma_wait3A_341 = tpu.memref_slice %arg13[%add3A_212, %dma_wait3A_340] : memref<10240x128xf32, #tpu.memory_space<vmem_shared>> -> memref<50x128xf32, #tpu.memory_space<vmem_shared>>
      tpu.wait_dma2 semaphore(%run_scoped3A : memref<!tpu.dma_semaphore, #tpu.memory_space<semaphore_mem>>) src(%arg11 : memref<50x128xf32, #tpu.memory_space<vmem>>) dst(%dma_wait3A_341 : memref<50x128xf32, #tpu.memory_space<vmem_shared>>)
      tpu.yield
    }) : () -> ()
    %mul3A_213 = arith.constant 640 : i32
    %mul3A_214 = arith.muli %arg1, %mul3A_213 : i32
    %add3A_215 = arith.constant 500 : i32
    %add3A_216 = arith.addi %mul3A_214, %add3A_215 : i32
    "tpu.region"() ({
      %run_scoped3A = tpu.sem_alloc : memref<!tpu.dma_semaphore, #tpu.memory_space<semaphore_mem>>
      %dma_start3A_335 = arith.constant 0 : i32
      %dma_start3A_336 = tpu.memref_slice %arg13[%add3A_216, %dma_start3A_335] : memref<10240x128xf32, #tpu.memory_space<vmem_shared>> -> memref<50x128xf32, #tpu.memory_space<vmem_shared>>
      %dma_start3A_337 = arith.constant 0 : i32
      %dma_start3A_338 = tpu.memref_slice %arg13[%add3A_216, %dma_start3A_337] : memref<10240x128xf32, #tpu.memory_space<vmem_shared>> -> memref<50x128xf32, #tpu.memory_space<vmem_shared>>
      tpu.enqueue_dma source(%arg11 : memref<50x128xf32, #tpu.memory_space<vmem>>) target(%dma_start3A_338 : memref<50x128xf32, #tpu.memory_space<vmem_shared>>) target_semaphore(%run_scoped3A : memref<!tpu.dma_semaphore, #tpu.memory_space<semaphore_mem>>)
      %dma_wait3A = arith.constant 0 : i32
      %dma_wait3A_339 = tpu.memref_slice %arg13[%add3A_216, %dma_wait3A] : memref<10240x128xf32, #tpu.memory_space<vmem_shared>> -> memref<50x128xf32, #tpu.memory_space<vmem_shared>>
      %dma_wait3A_340 = arith.constant 0 : i32
      %dma_wait3A_341 = tpu.memref_slice %arg13[%add3A_216, %dma_wait3A_340] : memref<10240x128xf32, #tpu.memory_space<vmem_shared>> -> memref<50x128xf32, #tpu.memory_space<vmem_shared>>
      tpu.wait_dma2 semaphore(%run_scoped3A : memref<!tpu.dma_semaphore, #tpu.memory_space<semaphore_mem>>) src(%arg11 : memref<50x128xf32, #tpu.memory_space<vmem>>) dst(%dma_wait3A_341 : memref<50x128xf32, #tpu.memory_space<vmem_shared>>)
      tpu.yield
    }) : () -> ()
    %mul3A_217 = arith.constant 640 : i32
    %mul3A_218 = arith.muli %arg1, %mul3A_217 : i32
    %add3A_219 = arith.constant 550 : i32
    %add3A_220 = arith.addi %mul3A_218, %add3A_219 : i32
    "tpu.region"() ({
      %run_scoped3A = tpu.sem_alloc : memref<!tpu.dma_semaphore, #tpu.memory_space<semaphore_mem>>
      %dma_start3A_335 = arith.constant 0 : i32
      %dma_start3A_336 = tpu.memref_slice %arg13[%add3A_220, %dma_start3A_335] : memref<10240x128xf32, #tpu.memory_space<vmem_shared>> -> memref<50x128xf32, #tpu.memory_space<vmem_shared>>
      %dma_start3A_337 = arith.constant 0 : i32
      %dma_start3A_338 = tpu.memref_slice %arg13[%add3A_220, %dma_start3A_337] : memref<10240x128xf32, #tpu.memory_space<vmem_shared>> -> memref<50x128xf32, #tpu.memory_space<vmem_shared>>
      tpu.enqueue_dma source(%arg11 : memref<50x128xf32, #tpu.memory_space<vmem>>) target(%dma_start3A_338 : memref<50x128xf32, #tpu.memory_space<vmem_shared>>) target_semaphore(%run_scoped3A : memref<!tpu.dma_semaphore, #tpu.memory_space<semaphore_mem>>)
      %dma_wait3A = arith.constant 0 : i32
      %dma_wait3A_339 = tpu.memref_slice %arg13[%add3A_220, %dma_wait3A] : memref<10240x128xf32, #tpu.memory_space<vmem_shared>> -> memref<50x128xf32, #tpu.memory_space<vmem_shared>>
      %dma_wait3A_340 = arith.constant 0 : i32
      %dma_wait3A_341 = tpu.memref_slice %arg13[%add3A_220, %dma_wait3A_340] : memref<10240x128xf32, #tpu.memory_space<vmem_shared>> -> memref<50x128xf32, #tpu.memory_space<vmem_shared>>
      tpu.wait_dma2 semaphore(%run_scoped3A : memref<!tpu.dma_semaphore, #tpu.memory_space<semaphore_mem>>) src(%arg11 : memref<50x128xf32, #tpu.memory_space<vmem>>) dst(%dma_wait3A_341 : memref<50x128xf32, #tpu.memory_space<vmem_shared>>)
      tpu.yield
    }) : () -> ()
    %mul3A_221 = arith.constant 640 : i32
    %mul3A_222 = arith.muli %arg1, %mul3A_221 : i32
    %add3A_223 = arith.constant 600 : i32
    %add3A_224 = arith.addi %mul3A_222, %add3A_223 : i32
    "tpu.region"() ({
      %run_scoped3A = tpu.sem_alloc : memref<!tpu.dma_semaphore, #tpu.memory_space<semaphore_mem>>
      %dma_start3A_335 = arith.constant 0 : i32
      %dma_start3A_336 = arith.constant 0 : i32
      %dma_start3A_337 = tpu.memref_slice %arg11[%dma_start3A_335, %dma_start3A_336] : memref<50x128xf32, #tpu.memory_space<vmem>> -> memref<40x128xf32, #tpu.memory_space<vmem>>
      %dma_start3A_338 = arith.constant 0 : i32
      %dma_start3A_339 = tpu.memref_slice %arg13[%add3A_224, %dma_start3A_338] : memref<10240x128xf32, #tpu.memory_space<vmem_shared>> -> memref<40x128xf32, #tpu.memory_space<vmem_shared>>
      %dma_start3A_340 = arith.constant 0 : i32
      %dma_start3A_341 = tpu.memref_slice %arg13[%add3A_224, %dma_start3A_340] : memref<10240x128xf32, #tpu.memory_space<vmem_shared>> -> memref<40x128xf32, #tpu.memory_space<vmem_shared>>
      %dma_start3A_342 = arith.constant 0 : i32
      %dma_start3A_343 = arith.constant 0 : i32
      %dma_start3A_344 = tpu.memref_slice %arg11[%dma_start3A_342, %dma_start3A_343] : memref<50x128xf32, #tpu.memory_space<vmem>> -> memref<40x128xf32, #tpu.memory_space<vmem>>
      tpu.enqueue_dma source(%dma_start3A_344 : memref<40x128xf32, #tpu.memory_space<vmem>>) target(%dma_start3A_341 : memref<40x128xf32, #tpu.memory_space<vmem_shared>>) target_semaphore(%run_scoped3A : memref<!tpu.dma_semaphore, #tpu.memory_space<semaphore_mem>>)
      %dma_wait3A = arith.constant 0 : i32
      %dma_wait3A_345 = arith.constant 0 : i32
      %dma_wait3A_346 = tpu.memref_slice %arg11[%dma_wait3A, %dma_wait3A_345] : memref<50x128xf32, #tpu.memory_space<vmem>> -> memref<40x128xf32, #tpu.memory_space<vmem>>
      %dma_wait3A_347 = arith.constant 0 : i32
      %dma_wait3A_348 = tpu.memref_slice %arg13[%add3A_224, %dma_wait3A_347] : memref<10240x128xf32, #tpu.memory_space<vmem_shared>> -> memref<40x128xf32, #tpu.memory_space<vmem_shared>>
      %dma_wait3A_349 = arith.constant 0 : i32
      %dma_wait3A_350 = tpu.memref_slice %arg13[%add3A_224, %dma_wait3A_349] : memref<10240x128xf32, #tpu.memory_space<vmem_shared>> -> memref<40x128xf32, #tpu.memory_space<vmem_shared>>
      %dma_wait3A_351 = arith.constant 0 : i32
      %dma_wait3A_352 = arith.constant 0 : i32
      %dma_wait3A_353 = tpu.memref_slice %arg11[%dma_wait3A_351, %dma_wait3A_352] : memref<50x128xf32, #tpu.memory_space<vmem>> -> memref<40x128xf32, #tpu.memory_space<vmem>>
      tpu.wait_dma2 semaphore(%run_scoped3A : memref<!tpu.dma_semaphore, #tpu.memory_space<semaphore_mem>>) src(%dma_wait3A_353 : memref<40x128xf32, #tpu.memory_space<vmem>>) dst(%dma_wait3A_350 : memref<40x128xf32, #tpu.memory_space<vmem_shared>>)
      tpu.yield
    }) : () -> ()
    %barrier3A_225 = arith.constant 0 : index
    tpu.barrier barrier_id(%barrier3A_225)
    %dma_start3A_226 = arith.constant 0 : i32
    %dma_start3A_227 = arith.constant 0 : i32
    %dma_start3A_228 = tpu.memref_slice %arg9[%dma_start3A_226, %dma_start3A_227] : memref<100x50xi32, #tpu.memory_space<vmem>> -> memref<1x50xi32, #tpu.memory_space<vmem>>
    %dma_start3A_229 = tpu.memref_squeeze %dma_start3A_228 : memref<1x50xi32, #tpu.memory_space<vmem>> -> memref<50xi32, #tpu.memory_space<vmem>>
    %dma_start3A_230 = arith.constant 0 : i32
    %dma_start3A_231 = arith.constant 0 : i32
    %dma_start3A_232 = tpu.memref_slice %arg4[%dma_start3A_230, %dma_start3A_231] : memref<10000x128xf32, #tpu.memory_space<hbm>> -> memref<10000x128xf32, #tpu.memory_space<hbm>>
    tpu.enqueue_indirect_dma source(%dma_start3A_232 : memref<10000x128xf32, #tpu.memory_space<hbm>>) target(%arg11 : memref<50x128xf32, #tpu.memory_space<vmem>>) offsets(%dma_start3A_229 : memref<50xi32, #tpu.memory_space<vmem>>) semaphore(%arg14 : memref<!tpu.dma_semaphore, #tpu.memory_space<semaphore_mem>>)
    %scan3A_233 = arith.constant 0 : i32
    %scan3A_234 = arith.constant 0 : i32
    %scan3A_235 = arith.constant 50 : i32
    %scan3A_236 = arith.addi %scan3A_234, %scan3A_235 : i32
    %scan3A_237 = arith.constant 1 : i32
    scf.for %scan3A_335 = %scan3A_234 to %scan3A_236 step %scan3A_237  : i32 {
      %mul3A_336 = arith.constant 2 : i32
      %mul3A_337 = arith.muli %mul3A_336, %scan3A_335 : i32
      %add3A_338 = arith.constant 1 : i32
      %add3A_339 = arith.addi %mul3A_337, %add3A_338 : i32
      %dma_start3A_340 = arith.constant 0 : i32
      %dma_start3A_341 = tpu.memref_slice %arg9[%add3A_339, %dma_start3A_340] : memref<100x50xi32, #tpu.memory_space<vmem>> -> memref<1x50xi32, #tpu.memory_space<vmem>>
      %dma_start3A_342 = tpu.memref_squeeze %dma_start3A_341 : memref<1x50xi32, #tpu.memory_space<vmem>> -> memref<50xi32, #tpu.memory_space<vmem>>
      %dma_start3A_343 = arith.constant 0 : i32
      %dma_start3A_344 = arith.constant 0 : i32
      %dma_start3A_345 = tpu.memref_slice %arg4[%dma_start3A_343, %dma_start3A_344] : memref<10000x128xf32, #tpu.memory_space<hbm>> -> memref<10000x128xf32, #tpu.memory_space<hbm>>
      tpu.enqueue_indirect_dma source(%dma_start3A_345 : memref<10000x128xf32, #tpu.memory_space<hbm>>) target(%arg12 : memref<50x128xf32, #tpu.memory_space<vmem>>) offsets(%dma_start3A_342 : memref<50xi32, #tpu.memory_space<vmem>>) semaphore(%arg15 : memref<!tpu.dma_semaphore, #tpu.memory_space<semaphore_mem>>)
      %dma_wait3A = arith.constant 0 : i32
      %dma_wait3A_346 = tpu.memref_slice %arg9[%mul3A_337, %dma_wait3A] : memref<100x50xi32, #tpu.memory_space<vmem>> -> memref<1x50xi32, #tpu.memory_space<vmem>>
      %dma_wait3A_347 = tpu.memref_squeeze %dma_wait3A_346 : memref<1x50xi32, #tpu.memory_space<vmem>> -> memref<50xi32, #tpu.memory_space<vmem>>
      %dma_wait3A_348 = arith.constant 0 : i32
      %dma_wait3A_349 = arith.constant 0 : i32
      %dma_wait3A_350 = tpu.memref_slice %arg4[%dma_wait3A_348, %dma_wait3A_349] : memref<10000x128xf32, #tpu.memory_space<hbm>> -> memref<10000x128xf32, #tpu.memory_space<hbm>>
      tpu.wait_indirect_dma semaphore(%arg14 : memref<!tpu.dma_semaphore, #tpu.memory_space<semaphore_mem>>) src(%dma_wait3A_350 : memref<10000x128xf32, #tpu.memory_space<hbm>>) dst(%arg11 : memref<50x128xf32, #tpu.memory_space<vmem>>)
      "tpu.region"() ({
        %run_scoped3A = tpu.sem_alloc : memref<!tpu.dma_semaphore, #tpu.memory_space<semaphore_mem>>
        %dma_start3A_365 = arith.constant 0 : i32
        %dma_start3A_366 = tpu.memref_slice %arg10[%mul3A_337, %dma_start3A_365] : memref<100x50xi32, #tpu.memory_space<vmem>> -> memref<1x50xi32, #tpu.memory_space<vmem>>
        %dma_start3A_367 = tpu.memref_squeeze %dma_start3A_366 : memref<1x50xi32, #tpu.memory_space<vmem>> -> memref<50xi32, #tpu.memory_space<vmem>>
        %dma_start3A_368 = arith.constant 0 : i32
        %dma_start3A_369 = arith.constant 0 : i32
        %dma_start3A_370 = tpu.memref_slice %arg13[%dma_start3A_368, %dma_start3A_369] : memref<10240x128xf32, #tpu.memory_space<vmem_shared>> -> memref<10240x128xf32, #tpu.memory_space<vmem_shared>>
        tpu.enqueue_indirect_dma source(%arg11 : memref<50x128xf32, #tpu.memory_space<vmem>>) target(%dma_start3A_370 : memref<10240x128xf32, #tpu.memory_space<vmem_shared>>) offsets(%dma_start3A_367 : memref<50xi32, #tpu.memory_space<vmem>>) semaphore(%run_scoped3A : memref<!tpu.dma_semaphore, #tpu.memory_space<semaphore_mem>>) {add = true}
        %dma_wait3A_371 = arith.constant 0 : i32
        %dma_wait3A_372 = tpu.memref_slice %arg10[%mul3A_337, %dma_wait3A_371] : memref<100x50xi32, #tpu.memory_space<vmem>> -> memref<1x50xi32, #tpu.memory_space<vmem>>
        %dma_wait3A_373 = tpu.memref_squeeze %dma_wait3A_372 : memref<1x50xi32, #tpu.memory_space<vmem>> -> memref<50xi32, #tpu.memory_space<vmem>>
        %dma_wait3A_374 = arith.constant 0 : i32
        %dma_wait3A_375 = arith.constant 0 : i32
        %dma_wait3A_376 = tpu.memref_slice %arg13[%dma_wait3A_374, %dma_wait3A_375] : memref<10240x128xf32, #tpu.memory_space<vmem_shared>> -> memref<10240x128xf32, #tpu.memory_space<vmem_shared>>
        tpu.wait_indirect_dma semaphore(%run_scoped3A : memref<!tpu.dma_semaphore, #tpu.memory_space<semaphore_mem>>) src(%arg11 : memref<50x128xf32, #tpu.memory_space<vmem>>) dst(%dma_wait3A_376 : memref<10240x128xf32, #tpu.memory_space<vmem_shared>>)
        tpu.yield
      }) : () -> ()
      %add3A_351 = arith.constant 2 : i32
      %add3A_352 = arith.addi %mul3A_337, %add3A_351 : i32
      %lt3A = arith.constant 100 : i32
      %lt3A_353 = arith.cmpi slt, %add3A_352, %lt3A : i32
      %convert_element_type3A = arith.extui %lt3A_353 : i1 to i32
      %cond3A = arith.constant 0 : i32
      %cond3A_354 = arith.cmpi ne, %convert_element_type3A, %cond3A : i32
      scf.if %cond3A_354 {
        %add3A_365 = arith.constant 2 : i32
        %add3A_366 = arith.addi %mul3A_337, %add3A_365 : i32
        %dma_start3A_367 = arith.constant 0 : i32
        %dma_start3A_368 = tpu.memref_slice %arg9[%add3A_366, %dma_start3A_367] : memref<100x50xi32, #tpu.memory_space<vmem>> -> memref<1x50xi32, #tpu.memory_space<vmem>>
        %dma_start3A_369 = tpu.memref_squeeze %dma_start3A_368 : memref<1x50xi32, #tpu.memory_space<vmem>> -> memref<50xi32, #tpu.memory_space<vmem>>
        %dma_start3A_370 = arith.constant 0 : i32
        %dma_start3A_371 = arith.constant 0 : i32
        %dma_start3A_372 = tpu.memref_slice %arg4[%dma_start3A_370, %dma_start3A_371] : memref<10000x128xf32, #tpu.memory_space<hbm>> -> memref<10000x128xf32, #tpu.memory_space<hbm>>
        tpu.enqueue_indirect_dma source(%dma_start3A_372 : memref<10000x128xf32, #tpu.memory_space<hbm>>) target(%arg11 : memref<50x128xf32, #tpu.memory_space<vmem>>) offsets(%dma_start3A_369 : memref<50xi32, #tpu.memory_space<vmem>>) semaphore(%arg14 : memref<!tpu.dma_semaphore, #tpu.memory_space<semaphore_mem>>)
      } else {
      }
      %add3A_355 = arith.constant 1 : i32
      %add3A_356 = arith.addi %mul3A_337, %add3A_355 : i32
      %dma_wait3A_357 = arith.constant 0 : i32
      %dma_wait3A_358 = tpu.memref_slice %arg9[%add3A_356, %dma_wait3A_357] : memref<100x50xi32, #tpu.memory_space<vmem>> -> memref<1x50xi32, #tpu.memory_space<vmem>>
      %dma_wait3A_359 = tpu.memref_squeeze %dma_wait3A_358 : memref<1x50xi32, #tpu.memory_space<vmem>> -> memref<50xi32, #tpu.memory_space<vmem>>
      %dma_wait3A_360 = arith.constant 0 : i32
      %dma_wait3A_361 = arith.constant 0 : i32
      %dma_wait3A_362 = tpu.memref_slice %arg4[%dma_wait3A_360, %dma_wait3A_361] : memref<10000x128xf32, #tpu.memory_space<hbm>> -> memref<10000x128xf32, #tpu.memory_space<hbm>>
      tpu.wait_indirect_dma semaphore(%arg15 : memref<!tpu.dma_semaphore, #tpu.memory_space<semaphore_mem>>) src(%dma_wait3A_362 : memref<10000x128xf32, #tpu.memory_space<hbm>>) dst(%arg12 : memref<50x128xf32, #tpu.memory_space<vmem>>)
      %add3A_363 = arith.constant 1 : i32
      %add3A_364 = arith.addi %mul3A_337, %add3A_363 : i32
      "tpu.region"() ({
        %run_scoped3A = tpu.sem_alloc : memref<!tpu.dma_semaphore, #tpu.memory_space<semaphore_mem>>
        %dma_start3A_365 = arith.constant 0 : i32
        %dma_start3A_366 = tpu.memref_slice %arg10[%add3A_364, %dma_start3A_365] : memref<100x50xi32, #tpu.memory_space<vmem>> -> memref<1x50xi32, #tpu.memory_space<vmem>>
        %dma_start3A_367 = tpu.memref_squeeze %dma_start3A_366 : memref<1x50xi32, #tpu.memory_space<vmem>> -> memref<50xi32, #tpu.memory_space<vmem>>
        %dma_start3A_368 = arith.constant 0 : i32
        %dma_start3A_369 = arith.constant 0 : i32
        %dma_start3A_370 = tpu.memref_slice %arg13[%dma_start3A_368, %dma_start3A_369] : memref<10240x128xf32, #tpu.memory_space<vmem_shared>> -> memref<10240x128xf32, #tpu.memory_space<vmem_shared>>
        tpu.enqueue_indirect_dma source(%arg12 : memref<50x128xf32, #tpu.memory_space<vmem>>) target(%dma_start3A_370 : memref<10240x128xf32, #tpu.memory_space<vmem_shared>>) offsets(%dma_start3A_367 : memref<50xi32, #tpu.memory_space<vmem>>) semaphore(%run_scoped3A : memref<!tpu.dma_semaphore, #tpu.memory_space<semaphore_mem>>) {add = true}
        %dma_wait3A_371 = arith.constant 0 : i32
        %dma_wait3A_372 = tpu.memref_slice %arg10[%add3A_364, %dma_wait3A_371] : memref<100x50xi32, #tpu.memory_space<vmem>> -> memref<1x50xi32, #tpu.memory_space<vmem>>
        %dma_wait3A_373 = tpu.memref_squeeze %dma_wait3A_372 : memref<1x50xi32, #tpu.memory_space<vmem>> -> memref<50xi32, #tpu.memory_space<vmem>>
        %dma_wait3A_374 = arith.constant 0 : i32
        %dma_wait3A_375 = arith.constant 0 : i32
        %dma_wait3A_376 = tpu.memref_slice %arg13[%dma_wait3A_374, %dma_wait3A_375] : memref<10240x128xf32, #tpu.memory_space<vmem_shared>> -> memref<10240x128xf32, #tpu.memory_space<vmem_shared>>
        tpu.wait_indirect_dma semaphore(%run_scoped3A : memref<!tpu.dma_semaphore, #tpu.memory_space<semaphore_mem>>) src(%arg12 : memref<50x128xf32, #tpu.memory_space<vmem>>) dst(%dma_wait3A_376 : memref<10240x128xf32, #tpu.memory_space<vmem_shared>>)
        tpu.yield
      }) : () -> ()
    }
    %scan3A_238 = arith.constant 50 : i32
    %barrier3A_239 = arith.constant 0 : index
    tpu.barrier barrier_id(%barrier3A_239)
    %mul3A_240 = arith.constant 640 : i32
    %mul3A_241 = arith.muli %arg1, %mul3A_240 : i32
    %mul3A_242 = arith.constant 4 : i32
    %mul3A_243 = arith.muli %arg0, %mul3A_242 : i32
    %add3A_244 = arith.constant 2 : i32
    %add3A_245 = arith.addi %mul3A_243, %add3A_244 : i32
    %mul3A_246 = arith.constant 10240 : i32
    %mul3A_247 = arith.muli %add3A_245, %mul3A_246 : i32
    %mul3A_248 = arith.constant 640 : i32
    %mul3A_249 = arith.muli %arg1, %mul3A_248 : i32
    %add3A_250 = arith.addi %mul3A_247, %mul3A_249 : i32
    "tpu.region"() ({
      %run_scoped3A = tpu.sem_alloc : memref<!tpu.dma_semaphore, #tpu.memory_space<semaphore_mem>>
      %dma_start3A_335 = arith.constant 0 : i32
      %dma_start3A_336 = tpu.memref_slice %arg8[%add3A_250, %dma_start3A_335] : memref<81920x128xf32, #tpu.memory_space<hbm>> -> memref<640x128xf32, #tpu.memory_space<hbm>>
      %dma_start3A_337 = arith.constant 0 : i32
      %dma_start3A_338 = tpu.memref_slice %arg13[%mul3A_241, %dma_start3A_337] : memref<10240x128xf32, #tpu.memory_space<vmem_shared>> -> memref<640x128xf32, #tpu.memory_space<vmem_shared>>
      tpu.enqueue_dma source(%dma_start3A_338 : memref<640x128xf32, #tpu.memory_space<vmem_shared>>) target(%dma_start3A_336 : memref<640x128xf32, #tpu.memory_space<hbm>>) target_semaphore(%run_scoped3A : memref<!tpu.dma_semaphore, #tpu.memory_space<semaphore_mem>>)
      %dma_wait3A = arith.constant 0 : i32
      %dma_wait3A_339 = tpu.memref_slice %arg8[%add3A_250, %dma_wait3A] : memref<81920x128xf32, #tpu.memory_space<hbm>> -> memref<640x128xf32, #tpu.memory_space<hbm>>
      %dma_wait3A_340 = arith.constant 0 : i32
      %dma_wait3A_341 = tpu.memref_slice %arg13[%mul3A_241, %dma_wait3A_340] : memref<10240x128xf32, #tpu.memory_space<vmem_shared>> -> memref<640x128xf32, #tpu.memory_space<vmem_shared>>
      tpu.wait_dma2 semaphore(%run_scoped3A : memref<!tpu.dma_semaphore, #tpu.memory_space<semaphore_mem>>) src(%dma_wait3A_341 : memref<640x128xf32, #tpu.memory_space<vmem_shared>>) dst(%dma_wait3A_339 : memref<640x128xf32, #tpu.memory_space<hbm>>)
      tpu.yield
    }) : () -> ()
    %scan3A_251 = arith.constant 0 : i32
    %scan3A_252 = arith.constant 0 : i32
    %scan3A_253 = arith.constant 50 : i32
    %scan3A_254 = arith.addi %scan3A_252, %scan3A_253 : i32
    %scan3A_255 = arith.constant 1 : i32
    scf.for %scan3A_335 = %scan3A_252 to %scan3A_254 step %scan3A_255  : i32 {
      %swap3A = arith.index_cast %scan3A_335 : i32 to index
      %swap3A_336 = arith.constant 0 : index
      %swap3A_337 = tpu.vector_load %arg11[%swap3A, %swap3A_336] {strides = array<i32>} : memref<50x128xf32, #tpu.memory_space<vmem>>, vector<1x16xf32>,
      %swap3A_338 = vector.shape_cast %swap3A_337 : vector<1x16xf32> to vector<16xf32>
      %swap3A_339 = vector.shape_cast %broadcast_in_dim3A_1 : vector<16xf32> to vector<1x16xf32>
      tpu.vector_store %arg11[%swap3A, %swap3A_336], %swap3A_339 {strides = array<i32>} : memref<50x128xf32, #tpu.memory_space<vmem>>, vector<1x16xf32>,
      %swap3A_340 = arith.index_cast %scan3A_335 : i32 to index
      %swap3A_341 = arith.constant 16 : index
      %swap3A_342 = tpu.vector_load %arg11[%swap3A_340, %swap3A_341] {strides = array<i32>} : memref<50x128xf32, #tpu.memory_space<vmem>>, vector<1x16xf32>,
      %swap3A_343 = vector.shape_cast %swap3A_342 : vector<1x16xf32> to vector<16xf32>
      %swap3A_344 = vector.shape_cast %broadcast_in_dim3A_1 : vector<16xf32> to vector<1x16xf32>
      tpu.vector_store %arg11[%swap3A_340, %swap3A_341], %swap3A_344 {strides = array<i32>} : memref<50x128xf32, #tpu.memory_space<vmem>>, vector<1x16xf32>,
      %swap3A_345 = arith.index_cast %scan3A_335 : i32 to index
      %swap3A_346 = arith.constant 32 : index
      %swap3A_347 = tpu.vector_load %arg11[%swap3A_345, %swap3A_346] {strides = array<i32>} : memref<50x128xf32, #tpu.memory_space<vmem>>, vector<1x16xf32>,
      %swap3A_348 = vector.shape_cast %swap3A_347 : vector<1x16xf32> to vector<16xf32>
      %swap3A_349 = vector.shape_cast %broadcast_in_dim3A_1 : vector<16xf32> to vector<1x16xf32>
      tpu.vector_store %arg11[%swap3A_345, %swap3A_346], %swap3A_349 {strides = array<i32>} : memref<50x128xf32, #tpu.memory_space<vmem>>, vector<1x16xf32>,
      %swap3A_350 = arith.index_cast %scan3A_335 : i32 to index
      %swap3A_351 = arith.constant 48 : index
      %swap3A_352 = tpu.vector_load %arg11[%swap3A_350, %swap3A_351] {strides = array<i32>} : memref<50x128xf32, #tpu.memory_space<vmem>>, vector<1x16xf32>,
      %swap3A_353 = vector.shape_cast %swap3A_352 : vector<1x16xf32> to vector<16xf32>
      %swap3A_354 = vector.shape_cast %broadcast_in_dim3A_1 : vector<16xf32> to vector<1x16xf32>
      tpu.vector_store %arg11[%swap3A_350, %swap3A_351], %swap3A_354 {strides = array<i32>} : memref<50x128xf32, #tpu.memory_space<vmem>>, vector<1x16xf32>,
      %swap3A_355 = arith.index_cast %scan3A_335 : i32 to index
      %swap3A_356 = arith.constant 64 : index
      %swap3A_357 = tpu.vector_load %arg11[%swap3A_355, %swap3A_356] {strides = array<i32>} : memref<50x128xf32, #tpu.memory_space<vmem>>, vector<1x16xf32>,
      %swap3A_358 = vector.shape_cast %swap3A_357 : vector<1x16xf32> to vector<16xf32>
      %swap3A_359 = vector.shape_cast %broadcast_in_dim3A_1 : vector<16xf32> to vector<1x16xf32>
      tpu.vector_store %arg11[%swap3A_355, %swap3A_356], %swap3A_359 {strides = array<i32>} : memref<50x128xf32, #tpu.memory_space<vmem>>, vector<1x16xf32>,
      %swap3A_360 = arith.index_cast %scan3A_335 : i32 to index
      %swap3A_361 = arith.constant 80 : index
      %swap3A_362 = tpu.vector_load %arg11[%swap3A_360, %swap3A_361] {strides = array<i32>} : memref<50x128xf32, #tpu.memory_space<vmem>>, vector<1x16xf32>,
      %swap3A_363 = vector.shape_cast %swap3A_362 : vector<1x16xf32> to vector<16xf32>
      %swap3A_364 = vector.shape_cast %broadcast_in_dim3A_1 : vector<16xf32> to vector<1x16xf32>
      tpu.vector_store %arg11[%swap3A_360, %swap3A_361], %swap3A_364 {strides = array<i32>} : memref<50x128xf32, #tpu.memory_space<vmem>>, vector<1x16xf32>,
      %swap3A_365 = arith.index_cast %scan3A_335 : i32 to index
      %swap3A_366 = arith.constant 96 : index
      %swap3A_367 = tpu.vector_load %arg11[%swap3A_365, %swap3A_366] {strides = array<i32>} : memref<50x128xf32, #tpu.memory_space<vmem>>, vector<1x16xf32>,
      %swap3A_368 = vector.shape_cast %swap3A_367 : vector<1x16xf32> to vector<16xf32>
      %swap3A_369 = vector.shape_cast %broadcast_in_dim3A_1 : vector<16xf32> to vector<1x16xf32>
      tpu.vector_store %arg11[%swap3A_365, %swap3A_366], %swap3A_369 {strides = array<i32>} : memref<50x128xf32, #tpu.memory_space<vmem>>, vector<1x16xf32>,
      %swap3A_370 = arith.index_cast %scan3A_335 : i32 to index
      %swap3A_371 = arith.constant 112 : index
      %swap3A_372 = tpu.vector_load %arg11[%swap3A_370, %swap3A_371] {strides = array<i32>} : memref<50x128xf32, #tpu.memory_space<vmem>>, vector<1x16xf32>,
      %swap3A_373 = vector.shape_cast %swap3A_372 : vector<1x16xf32> to vector<16xf32>
      %swap3A_374 = vector.shape_cast %broadcast_in_dim3A_1 : vector<16xf32> to vector<1x16xf32>
      tpu.vector_store %arg11[%swap3A_370, %swap3A_371], %swap3A_374 {strides = array<i32>} : memref<50x128xf32, #tpu.memory_space<vmem>>, vector<1x16xf32>,
    }
    %scan3A_256 = arith.constant 50 : i32
    %mul3A_257 = arith.constant 640 : i32
    %mul3A_258 = arith.muli %arg1, %mul3A_257 : i32
    %add3A_259 = arith.constant 0 : i32
    %add3A_260 = arith.addi %mul3A_258, %add3A_259 : i32
    "tpu.region"() ({
      %run_scoped3A = tpu.sem_alloc : memref<!tpu.dma_semaphore, #tpu.memory_space<semaphore_mem>>
      %dma_start3A_335 = arith.constant 0 : i32
      %dma_start3A_336 = tpu.memref_slice %arg13[%add3A_260, %dma_start3A_335] : memref<10240x128xf32, #tpu.memory_space<vmem_shared>> -> memref<50x128xf32, #tpu.memory_space<vmem_shared>>
      %dma_start3A_337 = arith.constant 0 : i32
      %dma_start3A_338 = tpu.memref_slice %arg13[%add3A_260, %dma_start3A_337] : memref<10240x128xf32, #tpu.memory_space<vmem_shared>> -> memref<50x128xf32, #tpu.memory_space<vmem_shared>>
      tpu.enqueue_dma source(%arg11 : memref<50x128xf32, #tpu.memory_space<vmem>>) target(%dma_start3A_338 : memref<50x128xf32, #tpu.memory_space<vmem_shared>>) target_semaphore(%run_scoped3A : memref<!tpu.dma_semaphore, #tpu.memory_space<semaphore_mem>>)
      %dma_wait3A = arith.constant 0 : i32
      %dma_wait3A_339 = tpu.memref_slice %arg13[%add3A_260, %dma_wait3A] : memref<10240x128xf32, #tpu.memory_space<vmem_shared>> -> memref<50x128xf32, #tpu.memory_space<vmem_shared>>
      %dma_wait3A_340 = arith.constant 0 : i32
      %dma_wait3A_341 = tpu.memref_slice %arg13[%add3A_260, %dma_wait3A_340] : memref<10240x128xf32, #tpu.memory_space<vmem_shared>> -> memref<50x128xf32, #tpu.memory_space<vmem_shared>>
      tpu.wait_dma2 semaphore(%run_scoped3A : memref<!tpu.dma_semaphore, #tpu.memory_space<semaphore_mem>>) src(%arg11 : memref<50x128xf32, #tpu.memory_space<vmem>>) dst(%dma_wait3A_341 : memref<50x128xf32, #tpu.memory_space<vmem_shared>>)
      tpu.yield
    }) : () -> ()
    %mul3A_261 = arith.constant 640 : i32
    %mul3A_262 = arith.muli %arg1, %mul3A_261 : i32
    %add3A_263 = arith.constant 50 : i32
    %add3A_264 = arith.addi %mul3A_262, %add3A_263 : i32
    "tpu.region"() ({
      %run_scoped3A = tpu.sem_alloc : memref<!tpu.dma_semaphore, #tpu.memory_space<semaphore_mem>>
      %dma_start3A_335 = arith.constant 0 : i32
      %dma_start3A_336 = tpu.memref_slice %arg13[%add3A_264, %dma_start3A_335] : memref<10240x128xf32, #tpu.memory_space<vmem_shared>> -> memref<50x128xf32, #tpu.memory_space<vmem_shared>>
      %dma_start3A_337 = arith.constant 0 : i32
      %dma_start3A_338 = tpu.memref_slice %arg13[%add3A_264, %dma_start3A_337] : memref<10240x128xf32, #tpu.memory_space<vmem_shared>> -> memref<50x128xf32, #tpu.memory_space<vmem_shared>>
      tpu.enqueue_dma source(%arg11 : memref<50x128xf32, #tpu.memory_space<vmem>>) target(%dma_start3A_338 : memref<50x128xf32, #tpu.memory_space<vmem_shared>>) target_semaphore(%run_scoped3A : memref<!tpu.dma_semaphore, #tpu.memory_space<semaphore_mem>>)
      %dma_wait3A = arith.constant 0 : i32
      %dma_wait3A_339 = tpu.memref_slice %arg13[%add3A_264, %dma_wait3A] : memref<10240x128xf32, #tpu.memory_space<vmem_shared>> -> memref<50x128xf32, #tpu.memory_space<vmem_shared>>
      %dma_wait3A_340 = arith.constant 0 : i32
      %dma_wait3A_341 = tpu.memref_slice %arg13[%add3A_264, %dma_wait3A_340] : memref<10240x128xf32, #tpu.memory_space<vmem_shared>> -> memref<50x128xf32, #tpu.memory_space<vmem_shared>>
      tpu.wait_dma2 semaphore(%run_scoped3A : memref<!tpu.dma_semaphore, #tpu.memory_space<semaphore_mem>>) src(%arg11 : memref<50x128xf32, #tpu.memory_space<vmem>>) dst(%dma_wait3A_341 : memref<50x128xf32, #tpu.memory_space<vmem_shared>>)
      tpu.yield
    }) : () -> ()
    %mul3A_265 = arith.constant 640 : i32
    %mul3A_266 = arith.muli %arg1, %mul3A_265 : i32
    %add3A_267 = arith.constant 100 : i32
    %add3A_268 = arith.addi %mul3A_266, %add3A_267 : i32
    "tpu.region"() ({
      %run_scoped3A = tpu.sem_alloc : memref<!tpu.dma_semaphore, #tpu.memory_space<semaphore_mem>>
      %dma_start3A_335 = arith.constant 0 : i32
      %dma_start3A_336 = tpu.memref_slice %arg13[%add3A_268, %dma_start3A_335] : memref<10240x128xf32, #tpu.memory_space<vmem_shared>> -> memref<50x128xf32, #tpu.memory_space<vmem_shared>>
      %dma_start3A_337 = arith.constant 0 : i32
      %dma_start3A_338 = tpu.memref_slice %arg13[%add3A_268, %dma_start3A_337] : memref<10240x128xf32, #tpu.memory_space<vmem_shared>> -> memref<50x128xf32, #tpu.memory_space<vmem_shared>>
      tpu.enqueue_dma source(%arg11 : memref<50x128xf32, #tpu.memory_space<vmem>>) target(%dma_start3A_338 : memref<50x128xf32, #tpu.memory_space<vmem_shared>>) target_semaphore(%run_scoped3A : memref<!tpu.dma_semaphore, #tpu.memory_space<semaphore_mem>>)
      %dma_wait3A = arith.constant 0 : i32
      %dma_wait3A_339 = tpu.memref_slice %arg13[%add3A_268, %dma_wait3A] : memref<10240x128xf32, #tpu.memory_space<vmem_shared>> -> memref<50x128xf32, #tpu.memory_space<vmem_shared>>
      %dma_wait3A_340 = arith.constant 0 : i32
      %dma_wait3A_341 = tpu.memref_slice %arg13[%add3A_268, %dma_wait3A_340] : memref<10240x128xf32, #tpu.memory_space<vmem_shared>> -> memref<50x128xf32, #tpu.memory_space<vmem_shared>>
      tpu.wait_dma2 semaphore(%run_scoped3A : memref<!tpu.dma_semaphore, #tpu.memory_space<semaphore_mem>>) src(%arg11 : memref<50x128xf32, #tpu.memory_space<vmem>>) dst(%dma_wait3A_341 : memref<50x128xf32, #tpu.memory_space<vmem_shared>>)
      tpu.yield
    }) : () -> ()
    %mul3A_269 = arith.constant 640 : i32
    %mul3A_270 = arith.muli %arg1, %mul3A_269 : i32
    %add3A_271 = arith.constant 150 : i32
    %add3A_272 = arith.addi %mul3A_270, %add3A_271 : i32
    "tpu.region"() ({
      %run_scoped3A = tpu.sem_alloc : memref<!tpu.dma_semaphore, #tpu.memory_space<semaphore_mem>>
      %dma_start3A_335 = arith.constant 0 : i32
      %dma_start3A_336 = tpu.memref_slice %arg13[%add3A_272, %dma_start3A_335] : memref<10240x128xf32, #tpu.memory_space<vmem_shared>> -> memref<50x128xf32, #tpu.memory_space<vmem_shared>>
      %dma_start3A_337 = arith.constant 0 : i32
      %dma_start3A_338 = tpu.memref_slice %arg13[%add3A_272, %dma_start3A_337] : memref<10240x128xf32, #tpu.memory_space<vmem_shared>> -> memref<50x128xf32, #tpu.memory_space<vmem_shared>>
      tpu.enqueue_dma source(%arg11 : memref<50x128xf32, #tpu.memory_space<vmem>>) target(%dma_start3A_338 : memref<50x128xf32, #tpu.memory_space<vmem_shared>>) target_semaphore(%run_scoped3A : memref<!tpu.dma_semaphore, #tpu.memory_space<semaphore_mem>>)
      %dma_wait3A = arith.constant 0 : i32
      %dma_wait3A_339 = tpu.memref_slice %arg13[%add3A_272, %dma_wait3A] : memref<10240x128xf32, #tpu.memory_space<vmem_shared>> -> memref<50x128xf32, #tpu.memory_space<vmem_shared>>
      %dma_wait3A_340 = arith.constant 0 : i32
      %dma_wait3A_341 = tpu.memref_slice %arg13[%add3A_272, %dma_wait3A_340] : memref<10240x128xf32, #tpu.memory_space<vmem_shared>> -> memref<50x128xf32, #tpu.memory_space<vmem_shared>>
      tpu.wait_dma2 semaphore(%run_scoped3A : memref<!tpu.dma_semaphore, #tpu.memory_space<semaphore_mem>>) src(%arg11 : memref<50x128xf32, #tpu.memory_space<vmem>>) dst(%dma_wait3A_341 : memref<50x128xf32, #tpu.memory_space<vmem_shared>>)
      tpu.yield
    }) : () -> ()
    %mul3A_273 = arith.constant 640 : i32
    %mul3A_274 = arith.muli %arg1, %mul3A_273 : i32
    %add3A_275 = arith.constant 200 : i32
    %add3A_276 = arith.addi %mul3A_274, %add3A_275 : i32
    "tpu.region"() ({
      %run_scoped3A = tpu.sem_alloc : memref<!tpu.dma_semaphore, #tpu.memory_space<semaphore_mem>>
      %dma_start3A_335 = arith.constant 0 : i32
      %dma_start3A_336 = tpu.memref_slice %arg13[%add3A_276, %dma_start3A_335] : memref<10240x128xf32, #tpu.memory_space<vmem_shared>> -> memref<50x128xf32, #tpu.memory_space<vmem_shared>>
      %dma_start3A_337 = arith.constant 0 : i32
      %dma_start3A_338 = tpu.memref_slice %arg13[%add3A_276, %dma_start3A_337] : memref<10240x128xf32, #tpu.memory_space<vmem_shared>> -> memref<50x128xf32, #tpu.memory_space<vmem_shared>>
      tpu.enqueue_dma source(%arg11 : memref<50x128xf32, #tpu.memory_space<vmem>>) target(%dma_start3A_338 : memref<50x128xf32, #tpu.memory_space<vmem_shared>>) target_semaphore(%run_scoped3A : memref<!tpu.dma_semaphore, #tpu.memory_space<semaphore_mem>>)
      %dma_wait3A = arith.constant 0 : i32
      %dma_wait3A_339 = tpu.memref_slice %arg13[%add3A_276, %dma_wait3A] : memref<10240x128xf32, #tpu.memory_space<vmem_shared>> -> memref<50x128xf32, #tpu.memory_space<vmem_shared>>
      %dma_wait3A_340 = arith.constant 0 : i32
      %dma_wait3A_341 = tpu.memref_slice %arg13[%add3A_276, %dma_wait3A_340] : memref<10240x128xf32, #tpu.memory_space<vmem_shared>> -> memref<50x128xf32, #tpu.memory_space<vmem_shared>>
      tpu.wait_dma2 semaphore(%run_scoped3A : memref<!tpu.dma_semaphore, #tpu.memory_space<semaphore_mem>>) src(%arg11 : memref<50x128xf32, #tpu.memory_space<vmem>>) dst(%dma_wait3A_341 : memref<50x128xf32, #tpu.memory_space<vmem_shared>>)
      tpu.yield
    }) : () -> ()
    %mul3A_277 = arith.constant 640 : i32
    %mul3A_278 = arith.muli %arg1, %mul3A_277 : i32
    %add3A_279 = arith.constant 250 : i32
    %add3A_280 = arith.addi %mul3A_278, %add3A_279 : i32
    "tpu.region"() ({
      %run_scoped3A = tpu.sem_alloc : memref<!tpu.dma_semaphore, #tpu.memory_space<semaphore_mem>>
      %dma_start3A_335 = arith.constant 0 : i32
      %dma_start3A_336 = tpu.memref_slice %arg13[%add3A_280, %dma_start3A_335] : memref<10240x128xf32, #tpu.memory_space<vmem_shared>> -> memref<50x128xf32, #tpu.memory_space<vmem_shared>>
      %dma_start3A_337 = arith.constant 0 : i32
      %dma_start3A_338 = tpu.memref_slice %arg13[%add3A_280, %dma_start3A_337] : memref<10240x128xf32, #tpu.memory_space<vmem_shared>> -> memref<50x128xf32, #tpu.memory_space<vmem_shared>>
      tpu.enqueue_dma source(%arg11 : memref<50x128xf32, #tpu.memory_space<vmem>>) target(%dma_start3A_338 : memref<50x128xf32, #tpu.memory_space<vmem_shared>>) target_semaphore(%run_scoped3A : memref<!tpu.dma_semaphore, #tpu.memory_space<semaphore_mem>>)
      %dma_wait3A = arith.constant 0 : i32
      %dma_wait3A_339 = tpu.memref_slice %arg13[%add3A_280, %dma_wait3A] : memref<10240x128xf32, #tpu.memory_space<vmem_shared>> -> memref<50x128xf32, #tpu.memory_space<vmem_shared>>
      %dma_wait3A_340 = arith.constant 0 : i32
      %dma_wait3A_341 = tpu.memref_slice %arg13[%add3A_280, %dma_wait3A_340] : memref<10240x128xf32, #tpu.memory_space<vmem_shared>> -> memref<50x128xf32, #tpu.memory_space<vmem_shared>>
      tpu.wait_dma2 semaphore(%run_scoped3A : memref<!tpu.dma_semaphore, #tpu.memory_space<semaphore_mem>>) src(%arg11 : memref<50x128xf32, #tpu.memory_space<vmem>>) dst(%dma_wait3A_341 : memref<50x128xf32, #tpu.memory_space<vmem_shared>>)
      tpu.yield
    }) : () -> ()
    %mul3A_281 = arith.constant 640 : i32
    %mul3A_282 = arith.muli %arg1, %mul3A_281 : i32
    %add3A_283 = arith.constant 300 : i32
    %add3A_284 = arith.addi %mul3A_282, %add3A_283 : i32
    "tpu.region"() ({
      %run_scoped3A = tpu.sem_alloc : memref<!tpu.dma_semaphore, #tpu.memory_space<semaphore_mem>>
      %dma_start3A_335 = arith.constant 0 : i32
      %dma_start3A_336 = tpu.memref_slice %arg13[%add3A_284, %dma_start3A_335] : memref<10240x128xf32, #tpu.memory_space<vmem_shared>> -> memref<50x128xf32, #tpu.memory_space<vmem_shared>>
      %dma_start3A_337 = arith.constant 0 : i32
      %dma_start3A_338 = tpu.memref_slice %arg13[%add3A_284, %dma_start3A_337] : memref<10240x128xf32, #tpu.memory_space<vmem_shared>> -> memref<50x128xf32, #tpu.memory_space<vmem_shared>>
      tpu.enqueue_dma source(%arg11 : memref<50x128xf32, #tpu.memory_space<vmem>>) target(%dma_start3A_338 : memref<50x128xf32, #tpu.memory_space<vmem_shared>>) target_semaphore(%run_scoped3A : memref<!tpu.dma_semaphore, #tpu.memory_space<semaphore_mem>>)
      %dma_wait3A = arith.constant 0 : i32
      %dma_wait3A_339 = tpu.memref_slice %arg13[%add3A_284, %dma_wait3A] : memref<10240x128xf32, #tpu.memory_space<vmem_shared>> -> memref<50x128xf32, #tpu.memory_space<vmem_shared>>
      %dma_wait3A_340 = arith.constant 0 : i32
      %dma_wait3A_341 = tpu.memref_slice %arg13[%add3A_284, %dma_wait3A_340] : memref<10240x128xf32, #tpu.memory_space<vmem_shared>> -> memref<50x128xf32, #tpu.memory_space<vmem_shared>>
      tpu.wait_dma2 semaphore(%run_scoped3A : memref<!tpu.dma_semaphore, #tpu.memory_space<semaphore_mem>>) src(%arg11 : memref<50x128xf32, #tpu.memory_space<vmem>>) dst(%dma_wait3A_341 : memref<50x128xf32, #tpu.memory_space<vmem_shared>>)
      tpu.yield
    }) : () -> ()
    %mul3A_285 = arith.constant 640 : i32
    %mul3A_286 = arith.muli %arg1, %mul3A_285 : i32
    %add3A_287 = arith.constant 350 : i32
    %add3A_288 = arith.addi %mul3A_286, %add3A_287 : i32
    "tpu.region"() ({
      %run_scoped3A = tpu.sem_alloc : memref<!tpu.dma_semaphore, #tpu.memory_space<semaphore_mem>>
      %dma_start3A_335 = arith.constant 0 : i32
      %dma_start3A_336 = tpu.memref_slice %arg13[%add3A_288, %dma_start3A_335] : memref<10240x128xf32, #tpu.memory_space<vmem_shared>> -> memref<50x128xf32, #tpu.memory_space<vmem_shared>>
      %dma_start3A_337 = arith.constant 0 : i32
      %dma_start3A_338 = tpu.memref_slice %arg13[%add3A_288, %dma_start3A_337] : memref<10240x128xf32, #tpu.memory_space<vmem_shared>> -> memref<50x128xf32, #tpu.memory_space<vmem_shared>>
      tpu.enqueue_dma source(%arg11 : memref<50x128xf32, #tpu.memory_space<vmem>>) target(%dma_start3A_338 : memref<50x128xf32, #tpu.memory_space<vmem_shared>>) target_semaphore(%run_scoped3A : memref<!tpu.dma_semaphore, #tpu.memory_space<semaphore_mem>>)
      %dma_wait3A = arith.constant 0 : i32
      %dma_wait3A_339 = tpu.memref_slice %arg13[%add3A_288, %dma_wait3A] : memref<10240x128xf32, #tpu.memory_space<vmem_shared>> -> memref<50x128xf32, #tpu.memory_space<vmem_shared>>
      %dma_wait3A_340 = arith.constant 0 : i32
      %dma_wait3A_341 = tpu.memref_slice %arg13[%add3A_288, %dma_wait3A_340] : memref<10240x128xf32, #tpu.memory_space<vmem_shared>> -> memref<50x128xf32, #tpu.memory_space<vmem_shared>>
      tpu.wait_dma2 semaphore(%run_scoped3A : memref<!tpu.dma_semaphore, #tpu.memory_space<semaphore_mem>>) src(%arg11 : memref<50x128xf32, #tpu.memory_space<vmem>>) dst(%dma_wait3A_341 : memref<50x128xf32, #tpu.memory_space<vmem_shared>>)
      tpu.yield
    }) : () -> ()
    %mul3A_289 = arith.constant 640 : i32
    %mul3A_290 = arith.muli %arg1, %mul3A_289 : i32
    %add3A_291 = arith.constant 400 : i32
    %add3A_292 = arith.addi %mul3A_290, %add3A_291 : i32
    "tpu.region"() ({
      %run_scoped3A = tpu.sem_alloc : memref<!tpu.dma_semaphore, #tpu.memory_space<semaphore_mem>>
      %dma_start3A_335 = arith.constant 0 : i32
      %dma_start3A_336 = tpu.memref_slice %arg13[%add3A_292, %dma_start3A_335] : memref<10240x128xf32, #tpu.memory_space<vmem_shared>> -> memref<50x128xf32, #tpu.memory_space<vmem_shared>>
      %dma_start3A_337 = arith.constant 0 : i32
      %dma_start3A_338 = tpu.memref_slice %arg13[%add3A_292, %dma_start3A_337] : memref<10240x128xf32, #tpu.memory_space<vmem_shared>> -> memref<50x128xf32, #tpu.memory_space<vmem_shared>>
      tpu.enqueue_dma source(%arg11 : memref<50x128xf32, #tpu.memory_space<vmem>>) target(%dma_start3A_338 : memref<50x128xf32, #tpu.memory_space<vmem_shared>>) target_semaphore(%run_scoped3A : memref<!tpu.dma_semaphore, #tpu.memory_space<semaphore_mem>>)
      %dma_wait3A = arith.constant 0 : i32
      %dma_wait3A_339 = tpu.memref_slice %arg13[%add3A_292, %dma_wait3A] : memref<10240x128xf32, #tpu.memory_space<vmem_shared>> -> memref<50x128xf32, #tpu.memory_space<vmem_shared>>
      %dma_wait3A_340 = arith.constant 0 : i32
      %dma_wait3A_341 = tpu.memref_slice %arg13[%add3A_292, %dma_wait3A_340] : memref<10240x128xf32, #tpu.memory_space<vmem_shared>> -> memref<50x128xf32, #tpu.memory_space<vmem_shared>>
      tpu.wait_dma2 semaphore(%run_scoped3A : memref<!tpu.dma_semaphore, #tpu.memory_space<semaphore_mem>>) src(%arg11 : memref<50x128xf32, #tpu.memory_space<vmem>>) dst(%dma_wait3A_341 : memref<50x128xf32, #tpu.memory_space<vmem_shared>>)
      tpu.yield
    }) : () -> ()
    %mul3A_293 = arith.constant 640 : i32
    %mul3A_294 = arith.muli %arg1, %mul3A_293 : i32
    %add3A_295 = arith.constant 450 : i32
    %add3A_296 = arith.addi %mul3A_294, %add3A_295 : i32
    "tpu.region"() ({
      %run_scoped3A = tpu.sem_alloc : memref<!tpu.dma_semaphore, #tpu.memory_space<semaphore_mem>>
      %dma_start3A_335 = arith.constant 0 : i32
      %dma_start3A_336 = tpu.memref_slice %arg13[%add3A_296, %dma_start3A_335] : memref<10240x128xf32, #tpu.memory_space<vmem_shared>> -> memref<50x128xf32, #tpu.memory_space<vmem_shared>>
      %dma_start3A_337 = arith.constant 0 : i32
      %dma_start3A_338 = tpu.memref_slice %arg13[%add3A_296, %dma_start3A_337] : memref<10240x128xf32, #tpu.memory_space<vmem_shared>> -> memref<50x128xf32, #tpu.memory_space<vmem_shared>>
      tpu.enqueue_dma source(%arg11 : memref<50x128xf32, #tpu.memory_space<vmem>>) target(%dma_start3A_338 : memref<50x128xf32, #tpu.memory_space<vmem_shared>>) target_semaphore(%run_scoped3A : memref<!tpu.dma_semaphore, #tpu.memory_space<semaphore_mem>>)
      %dma_wait3A = arith.constant 0 : i32
      %dma_wait3A_339 = tpu.memref_slice %arg13[%add3A_296, %dma_wait3A] : memref<10240x128xf32, #tpu.memory_space<vmem_shared>> -> memref<50x128xf32, #tpu.memory_space<vmem_shared>>
      %dma_wait3A_340 = arith.constant 0 : i32
      %dma_wait3A_341 = tpu.memref_slice %arg13[%add3A_296, %dma_wait3A_340] : memref<10240x128xf32, #tpu.memory_space<vmem_shared>> -> memref<50x128xf32, #tpu.memory_space<vmem_shared>>
      tpu.wait_dma2 semaphore(%run_scoped3A : memref<!tpu.dma_semaphore, #tpu.memory_space<semaphore_mem>>) src(%arg11 : memref<50x128xf32, #tpu.memory_space<vmem>>) dst(%dma_wait3A_341 : memref<50x128xf32, #tpu.memory_space<vmem_shared>>)
      tpu.yield
    }) : () -> ()
    %mul3A_297 = arith.constant 640 : i32
    %mul3A_298 = arith.muli %arg1, %mul3A_297 : i32
    %add3A_299 = arith.constant 500 : i32
    %add3A_300 = arith.addi %mul3A_298, %add3A_299 : i32
    "tpu.region"() ({
      %run_scoped3A = tpu.sem_alloc : memref<!tpu.dma_semaphore, #tpu.memory_space<semaphore_mem>>
      %dma_start3A_335 = arith.constant 0 : i32
      %dma_start3A_336 = tpu.memref_slice %arg13[%add3A_300, %dma_start3A_335] : memref<10240x128xf32, #tpu.memory_space<vmem_shared>> -> memref<50x128xf32, #tpu.memory_space<vmem_shared>>
      %dma_start3A_337 = arith.constant 0 : i32
      %dma_start3A_338 = tpu.memref_slice %arg13[%add3A_300, %dma_start3A_337] : memref<10240x128xf32, #tpu.memory_space<vmem_shared>> -> memref<50x128xf32, #tpu.memory_space<vmem_shared>>
      tpu.enqueue_dma source(%arg11 : memref<50x128xf32, #tpu.memory_space<vmem>>) target(%dma_start3A_338 : memref<50x128xf32, #tpu.memory_space<vmem_shared>>) target_semaphore(%run_scoped3A : memref<!tpu.dma_semaphore, #tpu.memory_space<semaphore_mem>>)
      %dma_wait3A = arith.constant 0 : i32
      %dma_wait3A_339 = tpu.memref_slice %arg13[%add3A_300, %dma_wait3A] : memref<10240x128xf32, #tpu.memory_space<vmem_shared>> -> memref<50x128xf32, #tpu.memory_space<vmem_shared>>
      %dma_wait3A_340 = arith.constant 0 : i32
      %dma_wait3A_341 = tpu.memref_slice %arg13[%add3A_300, %dma_wait3A_340] : memref<10240x128xf32, #tpu.memory_space<vmem_shared>> -> memref<50x128xf32, #tpu.memory_space<vmem_shared>>
      tpu.wait_dma2 semaphore(%run_scoped3A : memref<!tpu.dma_semaphore, #tpu.memory_space<semaphore_mem>>) src(%arg11 : memref<50x128xf32, #tpu.memory_space<vmem>>) dst(%dma_wait3A_341 : memref<50x128xf32, #tpu.memory_space<vmem_shared>>)
      tpu.yield
    }) : () -> ()
    %mul3A_301 = arith.constant 640 : i32
    %mul3A_302 = arith.muli %arg1, %mul3A_301 : i32
    %add3A_303 = arith.constant 550 : i32
    %add3A_304 = arith.addi %mul3A_302, %add3A_303 : i32
    "tpu.region"() ({
      %run_scoped3A = tpu.sem_alloc : memref<!tpu.dma_semaphore, #tpu.memory_space<semaphore_mem>>
      %dma_start3A_335 = arith.constant 0 : i32
      %dma_start3A_336 = tpu.memref_slice %arg13[%add3A_304, %dma_start3A_335] : memref<10240x128xf32, #tpu.memory_space<vmem_shared>> -> memref<50x128xf32, #tpu.memory_space<vmem_shared>>
      %dma_start3A_337 = arith.constant 0 : i32
      %dma_start3A_338 = tpu.memref_slice %arg13[%add3A_304, %dma_start3A_337] : memref<10240x128xf32, #tpu.memory_space<vmem_shared>> -> memref<50x128xf32, #tpu.memory_space<vmem_shared>>
      tpu.enqueue_dma source(%arg11 : memref<50x128xf32, #tpu.memory_space<vmem>>) target(%dma_start3A_338 : memref<50x128xf32, #tpu.memory_space<vmem_shared>>) target_semaphore(%run_scoped3A : memref<!tpu.dma_semaphore, #tpu.memory_space<semaphore_mem>>)
      %dma_wait3A = arith.constant 0 : i32
      %dma_wait3A_339 = tpu.memref_slice %arg13[%add3A_304, %dma_wait3A] : memref<10240x128xf32, #tpu.memory_space<vmem_shared>> -> memref<50x128xf32, #tpu.memory_space<vmem_shared>>
      %dma_wait3A_340 = arith.constant 0 : i32
      %dma_wait3A_341 = tpu.memref_slice %arg13[%add3A_304, %dma_wait3A_340] : memref<10240x128xf32, #tpu.memory_space<vmem_shared>> -> memref<50x128xf32, #tpu.memory_space<vmem_shared>>
      tpu.wait_dma2 semaphore(%run_scoped3A : memref<!tpu.dma_semaphore, #tpu.memory_space<semaphore_mem>>) src(%arg11 : memref<50x128xf32, #tpu.memory_space<vmem>>) dst(%dma_wait3A_341 : memref<50x128xf32, #tpu.memory_space<vmem_shared>>)
      tpu.yield
    }) : () -> ()
    %mul3A_305 = arith.constant 640 : i32
    %mul3A_306 = arith.muli %arg1, %mul3A_305 : i32
    %add3A_307 = arith.constant 600 : i32
    %add3A_308 = arith.addi %mul3A_306, %add3A_307 : i32
    "tpu.region"() ({
      %run_scoped3A = tpu.sem_alloc : memref<!tpu.dma_semaphore, #tpu.memory_space<semaphore_mem>>
      %dma_start3A_335 = arith.constant 0 : i32
      %dma_start3A_336 = arith.constant 0 : i32
      %dma_start3A_337 = tpu.memref_slice %arg11[%dma_start3A_335, %dma_start3A_336] : memref<50x128xf32, #tpu.memory_space<vmem>> -> memref<40x128xf32, #tpu.memory_space<vmem>>
      %dma_start3A_338 = arith.constant 0 : i32
      %dma_start3A_339 = tpu.memref_slice %arg13[%add3A_308, %dma_start3A_338] : memref<10240x128xf32, #tpu.memory_space<vmem_shared>> -> memref<40x128xf32, #tpu.memory_space<vmem_shared>>
      %dma_start3A_340 = arith.constant 0 : i32
      %dma_start3A_341 = tpu.memref_slice %arg13[%add3A_308, %dma_start3A_340] : memref<10240x128xf32, #tpu.memory_space<vmem_shared>> -> memref<40x128xf32, #tpu.memory_space<vmem_shared>>
      %dma_start3A_342 = arith.constant 0 : i32
      %dma_start3A_343 = arith.constant 0 : i32
      %dma_start3A_344 = tpu.memref_slice %arg11[%dma_start3A_342, %dma_start3A_343] : memref<50x128xf32, #tpu.memory_space<vmem>> -> memref<40x128xf32, #tpu.memory_space<vmem>>
      tpu.enqueue_dma source(%dma_start3A_344 : memref<40x128xf32, #tpu.memory_space<vmem>>) target(%dma_start3A_341 : memref<40x128xf32, #tpu.memory_space<vmem_shared>>) target_semaphore(%run_scoped3A : memref<!tpu.dma_semaphore, #tpu.memory_space<semaphore_mem>>)
      %dma_wait3A = arith.constant 0 : i32
      %dma_wait3A_345 = arith.constant 0 : i32
      %dma_wait3A_346 = tpu.memref_slice %arg11[%dma_wait3A, %dma_wait3A_345] : memref<50x128xf32, #tpu.memory_space<vmem>> -> memref<40x128xf32, #tpu.memory_space<vmem>>
      %dma_wait3A_347 = arith.constant 0 : i32
      %dma_wait3A_348 = tpu.memref_slice %arg13[%add3A_308, %dma_wait3A_347] : memref<10240x128xf32, #tpu.memory_space<vmem_shared>> -> memref<40x128xf32, #tpu.memory_space<vmem_shared>>
      %dma_wait3A_349 = arith.constant 0 : i32
      %dma_wait3A_350 = tpu.memref_slice %arg13[%add3A_308, %dma_wait3A_349] : memref<10240x128xf32, #tpu.memory_space<vmem_shared>> -> memref<40x128xf32, #tpu.memory_space<vmem_shared>>
      %dma_wait3A_351 = arith.constant 0 : i32
      %dma_wait3A_352 = arith.constant 0 : i32
      %dma_wait3A_353 = tpu.memref_slice %arg11[%dma_wait3A_351, %dma_wait3A_352] : memref<50x128xf32, #tpu.memory_space<vmem>> -> memref<40x128xf32, #tpu.memory_space<vmem>>
      tpu.wait_dma2 semaphore(%run_scoped3A : memref<!tpu.dma_semaphore, #tpu.memory_space<semaphore_mem>>) src(%dma_wait3A_353 : memref<40x128xf32, #tpu.memory_space<vmem>>) dst(%dma_wait3A_350 : memref<40x128xf32, #tpu.memory_space<vmem_shared>>)
      tpu.yield
    }) : () -> ()
    %barrier3A_309 = arith.constant 0 : index
    tpu.barrier barrier_id(%barrier3A_309)
    %dma_start3A_310 = arith.constant 0 : i32
    %dma_start3A_311 = arith.constant 0 : i32
    %dma_start3A_312 = tpu.memref_slice %arg9[%dma_start3A_310, %dma_start3A_311] : memref<100x50xi32, #tpu.memory_space<vmem>> -> memref<1x50xi32, #tpu.memory_space<vmem>>
    %dma_start3A_313 = tpu.memref_squeeze %dma_start3A_312 : memref<1x50xi32, #tpu.memory_space<vmem>> -> memref<50xi32, #tpu.memory_space<vmem>>
    %dma_start3A_314 = arith.constant 0 : i32
    %dma_start3A_315 = arith.constant 0 : i32
    %dma_start3A_316 = tpu.memref_slice %arg5[%dma_start3A_314, %dma_start3A_315] : memref<10000x128xf32, #tpu.memory_space<hbm>> -> memref<10000x128xf32, #tpu.memory_space<hbm>>
    tpu.enqueue_indirect_dma source(%dma_start3A_316 : memref<10000x128xf32, #tpu.memory_space<hbm>>) target(%arg11 : memref<50x128xf32, #tpu.memory_space<vmem>>) offsets(%dma_start3A_313 : memref<50xi32, #tpu.memory_space<vmem>>) semaphore(%arg14 : memref<!tpu.dma_semaphore, #tpu.memory_space<semaphore_mem>>)
    %scan3A_317 = arith.constant 0 : i32
    %scan3A_318 = arith.constant 0 : i32
    %scan3A_319 = arith.constant 50 : i32
    %scan3A_320 = arith.addi %scan3A_318, %scan3A_319 : i32
    %scan3A_321 = arith.constant 1 : i32
    scf.for %scan3A_335 = %scan3A_318 to %scan3A_320 step %scan3A_321  : i32 {
      %mul3A_336 = arith.constant 2 : i32
      %mul3A_337 = arith.muli %mul3A_336, %scan3A_335 : i32
      %add3A_338 = arith.constant 1 : i32
      %add3A_339 = arith.addi %mul3A_337, %add3A_338 : i32
      %dma_start3A_340 = arith.constant 0 : i32
      %dma_start3A_341 = tpu.memref_slice %arg9[%add3A_339, %dma_start3A_340] : memref<100x50xi32, #tpu.memory_space<vmem>> -> memref<1x50xi32, #tpu.memory_space<vmem>>
      %dma_start3A_342 = tpu.memref_squeeze %dma_start3A_341 : memref<1x50xi32, #tpu.memory_space<vmem>> -> memref<50xi32, #tpu.memory_space<vmem>>
      %dma_start3A_343 = arith.constant 0 : i32
      %dma_start3A_344 = arith.constant 0 : i32
      %dma_start3A_345 = tpu.memref_slice %arg5[%dma_start3A_343, %dma_start3A_344] : memref<10000x128xf32, #tpu.memory_space<hbm>> -> memref<10000x128xf32, #tpu.memory_space<hbm>>
      tpu.enqueue_indirect_dma source(%dma_start3A_345 : memref<10000x128xf32, #tpu.memory_space<hbm>>) target(%arg12 : memref<50x128xf32, #tpu.memory_space<vmem>>) offsets(%dma_start3A_342 : memref<50xi32, #tpu.memory_space<vmem>>) semaphore(%arg15 : memref<!tpu.dma_semaphore, #tpu.memory_space<semaphore_mem>>)
      %dma_wait3A = arith.constant 0 : i32
      %dma_wait3A_346 = tpu.memref_slice %arg9[%mul3A_337, %dma_wait3A] : memref<100x50xi32, #tpu.memory_space<vmem>> -> memref<1x50xi32, #tpu.memory_space<vmem>>
      %dma_wait3A_347 = tpu.memref_squeeze %dma_wait3A_346 : memref<1x50xi32, #tpu.memory_space<vmem>> -> memref<50xi32, #tpu.memory_space<vmem>>
      %dma_wait3A_348 = arith.constant 0 : i32
      %dma_wait3A_349 = arith.constant 0 : i32
      %dma_wait3A_350 = tpu.memref_slice %arg5[%dma_wait3A_348, %dma_wait3A_349] : memref<10000x128xf32, #tpu.memory_space<hbm>> -> memref<10000x128xf32, #tpu.memory_space<hbm>>
      tpu.wait_indirect_dma semaphore(%arg14 : memref<!tpu.dma_semaphore, #tpu.memory_space<semaphore_mem>>) src(%dma_wait3A_350 : memref<10000x128xf32, #tpu.memory_space<hbm>>) dst(%arg11 : memref<50x128xf32, #tpu.memory_space<vmem>>)
      "tpu.region"() ({
        %run_scoped3A = tpu.sem_alloc : memref<!tpu.dma_semaphore, #tpu.memory_space<semaphore_mem>>
        %dma_start3A_365 = arith.constant 0 : i32
        %dma_start3A_366 = tpu.memref_slice %arg10[%mul3A_337, %dma_start3A_365] : memref<100x50xi32, #tpu.memory_space<vmem>> -> memref<1x50xi32, #tpu.memory_space<vmem>>
        %dma_start3A_367 = tpu.memref_squeeze %dma_start3A_366 : memref<1x50xi32, #tpu.memory_space<vmem>> -> memref<50xi32, #tpu.memory_space<vmem>>
        %dma_start3A_368 = arith.constant 0 : i32
        %dma_start3A_369 = arith.constant 0 : i32
        %dma_start3A_370 = tpu.memref_slice %arg13[%dma_start3A_368, %dma_start3A_369] : memref<10240x128xf32, #tpu.memory_space<vmem_shared>> -> memref<10240x128xf32, #tpu.memory_space<vmem_shared>>
        tpu.enqueue_indirect_dma source(%arg11 : memref<50x128xf32, #tpu.memory_space<vmem>>) target(%dma_start3A_370 : memref<10240x128xf32, #tpu.memory_space<vmem_shared>>) offsets(%dma_start3A_367 : memref<50xi32, #tpu.memory_space<vmem>>) semaphore(%run_scoped3A : memref<!tpu.dma_semaphore, #tpu.memory_space<semaphore_mem>>) {add = true}
        %dma_wait3A_371 = arith.constant 0 : i32
        %dma_wait3A_372 = tpu.memref_slice %arg10[%mul3A_337, %dma_wait3A_371] : memref<100x50xi32, #tpu.memory_space<vmem>> -> memref<1x50xi32, #tpu.memory_space<vmem>>
        %dma_wait3A_373 = tpu.memref_squeeze %dma_wait3A_372 : memref<1x50xi32, #tpu.memory_space<vmem>> -> memref<50xi32, #tpu.memory_space<vmem>>
        %dma_wait3A_374 = arith.constant 0 : i32
        %dma_wait3A_375 = arith.constant 0 : i32
        %dma_wait3A_376 = tpu.memref_slice %arg13[%dma_wait3A_374, %dma_wait3A_375] : memref<10240x128xf32, #tpu.memory_space<vmem_shared>> -> memref<10240x128xf32, #tpu.memory_space<vmem_shared>>
        tpu.wait_indirect_dma semaphore(%run_scoped3A : memref<!tpu.dma_semaphore, #tpu.memory_space<semaphore_mem>>) src(%arg11 : memref<50x128xf32, #tpu.memory_space<vmem>>) dst(%dma_wait3A_376 : memref<10240x128xf32, #tpu.memory_space<vmem_shared>>)
        tpu.yield
      }) : () -> ()
      %add3A_351 = arith.constant 2 : i32
      %add3A_352 = arith.addi %mul3A_337, %add3A_351 : i32
      %lt3A = arith.constant 100 : i32
      %lt3A_353 = arith.cmpi slt, %add3A_352, %lt3A : i32
      %convert_element_type3A = arith.extui %lt3A_353 : i1 to i32
      %cond3A = arith.constant 0 : i32
      %cond3A_354 = arith.cmpi ne, %convert_element_type3A, %cond3A : i32
      scf.if %cond3A_354 {
        %add3A_365 = arith.constant 2 : i32
        %add3A_366 = arith.addi %mul3A_337, %add3A_365 : i32
        %dma_start3A_367 = arith.constant 0 : i32
        %dma_start3A_368 = tpu.memref_slice %arg9[%add3A_366, %dma_start3A_367] : memref<100x50xi32, #tpu.memory_space<vmem>> -> memref<1x50xi32, #tpu.memory_space<vmem>>
        %dma_start3A_369 = tpu.memref_squeeze %dma_start3A_368 : memref<1x50xi32, #tpu.memory_space<vmem>> -> memref<50xi32, #tpu.memory_space<vmem>>
        %dma_start3A_370 = arith.constant 0 : i32
        %dma_start3A_371 = arith.constant 0 : i32
        %dma_start3A_372 = tpu.memref_slice %arg5[%dma_start3A_370, %dma_start3A_371] : memref<10000x128xf32, #tpu.memory_space<hbm>> -> memref<10000x128xf32, #tpu.memory_space<hbm>>
        tpu.enqueue_indirect_dma source(%dma_start3A_372 : memref<10000x128xf32, #tpu.memory_space<hbm>>) target(%arg11 : memref<50x128xf32, #tpu.memory_space<vmem>>) offsets(%dma_start3A_369 : memref<50xi32, #tpu.memory_space<vmem>>) semaphore(%arg14 : memref<!tpu.dma_semaphore, #tpu.memory_space<semaphore_mem>>)
      } else {
      }
      %add3A_355 = arith.constant 1 : i32
      %add3A_356 = arith.addi %mul3A_337, %add3A_355 : i32
      %dma_wait3A_357 = arith.constant 0 : i32
      %dma_wait3A_358 = tpu.memref_slice %arg9[%add3A_356, %dma_wait3A_357] : memref<100x50xi32, #tpu.memory_space<vmem>> -> memref<1x50xi32, #tpu.memory_space<vmem>>
      %dma_wait3A_359 = tpu.memref_squeeze %dma_wait3A_358 : memref<1x50xi32, #tpu.memory_space<vmem>> -> memref<50xi32, #tpu.memory_space<vmem>>
      %dma_wait3A_360 = arith.constant 0 : i32
      %dma_wait3A_361 = arith.constant 0 : i32
      %dma_wait3A_362 = tpu.memref_slice %arg5[%dma_wait3A_360, %dma_wait3A_361] : memref<10000x128xf32, #tpu.memory_space<hbm>> -> memref<10000x128xf32, #tpu.memory_space<hbm>>
      tpu.wait_indirect_dma semaphore(%arg15 : memref<!tpu.dma_semaphore, #tpu.memory_space<semaphore_mem>>) src(%dma_wait3A_362 : memref<10000x128xf32, #tpu.memory_space<hbm>>) dst(%arg12 : memref<50x128xf32, #tpu.memory_space<vmem>>)
      %add3A_363 = arith.constant 1 : i32
      %add3A_364 = arith.addi %mul3A_337, %add3A_363 : i32
      "tpu.region"() ({
        %run_scoped3A = tpu.sem_alloc : memref<!tpu.dma_semaphore, #tpu.memory_space<semaphore_mem>>
        %dma_start3A_365 = arith.constant 0 : i32
        %dma_start3A_366 = tpu.memref_slice %arg10[%add3A_364, %dma_start3A_365] : memref<100x50xi32, #tpu.memory_space<vmem>> -> memref<1x50xi32, #tpu.memory_space<vmem>>
        %dma_start3A_367 = tpu.memref_squeeze %dma_start3A_366 : memref<1x50xi32, #tpu.memory_space<vmem>> -> memref<50xi32, #tpu.memory_space<vmem>>
        %dma_start3A_368 = arith.constant 0 : i32
        %dma_start3A_369 = arith.constant 0 : i32
        %dma_start3A_370 = tpu.memref_slice %arg13[%dma_start3A_368, %dma_start3A_369] : memref<10240x128xf32, #tpu.memory_space<vmem_shared>> -> memref<10240x128xf32, #tpu.memory_space<vmem_shared>>
        tpu.enqueue_indirect_dma source(%arg12 : memref<50x128xf32, #tpu.memory_space<vmem>>) target(%dma_start3A_370 : memref<10240x128xf32, #tpu.memory_space<vmem_shared>>) offsets(%dma_start3A_367 : memref<50xi32, #tpu.memory_space<vmem>>) semaphore(%run_scoped3A : memref<!tpu.dma_semaphore, #tpu.memory_space<semaphore_mem>>) {add = true}
        %dma_wait3A_371 = arith.constant 0 : i32
        %dma_wait3A_372 = tpu.memref_slice %arg10[%add3A_364, %dma_wait3A_371] : memref<100x50xi32, #tpu.memory_space<vmem>> -> memref<1x50xi32, #tpu.memory_space<vmem>>
        %dma_wait3A_373 = tpu.memref_squeeze %dma_wait3A_372 : memref<1x50xi32, #tpu.memory_space<vmem>> -> memref<50xi32, #tpu.memory_space<vmem>>
        %dma_wait3A_374 = arith.constant 0 : i32
        %dma_wait3A_375 = arith.constant 0 : i32
        %dma_wait3A_376 = tpu.memref_slice %arg13[%dma_wait3A_374, %dma_wait3A_375] : memref<10240x128xf32, #tpu.memory_space<vmem_shared>> -> memref<10240x128xf32, #tpu.memory_space<vmem_shared>>
        tpu.wait_indirect_dma semaphore(%run_scoped3A : memref<!tpu.dma_semaphore, #tpu.memory_space<semaphore_mem>>) src(%arg12 : memref<50x128xf32, #tpu.memory_space<vmem>>) dst(%dma_wait3A_376 : memref<10240x128xf32, #tpu.memory_space<vmem_shared>>)
        tpu.yield
      }) : () -> ()
    }
    %scan3A_322 = arith.constant 50 : i32
    %barrier3A_323 = arith.constant 0 : index
    tpu.barrier barrier_id(%barrier3A_323)
    %mul3A_324 = arith.constant 640 : i32
    %mul3A_325 = arith.muli %arg1, %mul3A_324 : i32
    %mul3A_326 = arith.constant 4 : i32
    %mul3A_327 = arith.muli %arg0, %mul3A_326 : i32
    %add3A_328 = arith.constant 3 : i32
    %add3A_329 = arith.addi %mul3A_327, %add3A_328 : i32
    %mul3A_330 = arith.constant 10240 : i32
    %mul3A_331 = arith.muli %add3A_329, %mul3A_330 : i32
    %mul3A_332 = arith.constant 640 : i32
    %mul3A_333 = arith.muli %arg1, %mul3A_332 : i32
    %add3A_334 = arith.addi %mul3A_331, %mul3A_333 : i32
    "tpu.region"() ({
      %run_scoped3A = tpu.sem_alloc : memref<!tpu.dma_semaphore, #tpu.memory_space<semaphore_mem>>
      %dma_start3A_335 = arith.constant 0 : i32
      %dma_start3A_336 = tpu.memref_slice %arg8[%add3A_334, %dma_start3A_335] : memref<81920x128xf32, #tpu.memory_space<hbm>> -> memref<640x128xf32, #tpu.memory_space<hbm>>
      %dma_start3A_337 = arith.constant 0 : i32
      %dma_start3A_338 = tpu.memref_slice %arg13[%mul3A_325, %dma_start3A_337] : memref<10240x128xf32, #tpu.memory_space<vmem_shared>> -> memref<640x128xf32, #tpu.memory_space<vmem_shared>>
      tpu.enqueue_dma source(%dma_start3A_338 : memref<640x128xf32, #tpu.memory_space<vmem_shared>>) target(%dma_start3A_336 : memref<640x128xf32, #tpu.memory_space<hbm>>) target_semaphore(%run_scoped3A : memref<!tpu.dma_semaphore, #tpu.memory_space<semaphore_mem>>)
      %dma_wait3A = arith.constant 0 : i32
      %dma_wait3A_339 = tpu.memref_slice %arg8[%add3A_334, %dma_wait3A] : memref<81920x128xf32, #tpu.memory_space<hbm>> -> memref<640x128xf32, #tpu.memory_space<hbm>>
      %dma_wait3A_340 = arith.constant 0 : i32
      %dma_wait3A_341 = tpu.memref_slice %arg13[%mul3A_325, %dma_wait3A_340] : memref<10240x128xf32, #tpu.memory_space<vmem_shared>> -> memref<640x128xf32, #tpu.memory_space<vmem_shared>>
      tpu.wait_dma2 semaphore(%run_scoped3A : memref<!tpu.dma_semaphore, #tpu.memory_space<semaphore_mem>>) src(%dma_wait3A_341 : memref<640x128xf32, #tpu.memory_space<vmem_shared>>) dst(%dma_wait3A_339 : memref<640x128xf32, #tpu.memory_space<hbm>>)
      tpu.yield
    }) : () -> ()
    return
  }
}

module attributes {stable_mosaic.version = 14 : i64} {
  func.func @_k0_body(%arg0: i32, %arg1: memref<2x1000x128xf32, #tpu.memory_space<vmem>>, %arg2: memref<1000x256xf32, #tpu.memory_space<vmem>>, %arg3: memref<1000x128xf32, #tpu.memory_space<vmem>>, %arg4: memref<1000x128xf32, #tpu.memory_space<vmem>>) attributes {dimension_semantics = [#tpu.dimension_semantics<arbitrary>], iteration_bounds = array<i64: 10>, scalar_prefetch = 0 : i64, scratch_operands = 0 : i64, tpu.core_type = #tpu.core_type<tc>, window_params = [{transform_indices = @transform_0, window_bounds = array<i64: 2, 1000, 128>}, {transform_indices = @transform_1, window_bounds = array<i64: 1000, 256>}, {transform_indices = @transform_2, window_bounds = array<i64: 1000, 128>}, {transform_indices = @transform_3, window_bounds = array<i64: 1000, 128>}]} {
    %get3A = arith.constant 0 : index
    %get3A_0 = arith.constant 0 : index
    %get3A_1 = arith.constant 0 : index
    %get3A_2 = vector.load %arg1[%get3A, %get3A_0, %get3A_1] : memref<2x1000x128xf32, #tpu.memory_space<vmem>>, vector<1x1000x128xf32>
    %get3A_3 = vector.shape_cast %get3A_2 : vector<1x1000x128xf32> to vector<1000x128xf32>
    %slice3A = vector.extract_strided_slice %get3A_3 {offsets = [0, 0], sizes = [1000, 1], strides = [1, 1]} : vector<1000x128xf32> to vector<1000x1xf32>
    %add3A = arith.constant 1.000000e+00 : f32
    %add3A_4 = vector.broadcast %add3A : f32 to vector<1000x1xf32>
    %add3A_5 = arith.addf %add3A_4, %slice3A : vector<1000x1xf32>
    %get3A_6 = arith.constant 1 : index
    %get3A_7 = arith.constant 0 : index
    %get3A_8 = arith.constant 0 : index
    %get3A_9 = vector.load %arg1[%get3A_6, %get3A_7, %get3A_8] : memref<2x1000x128xf32, #tpu.memory_space<vmem>>, vector<1x1000x128xf32>
    %get3A_10 = vector.shape_cast %get3A_9 : vector<1x1000x128xf32> to vector<1000x128xf32>
    %slice3A_11 = vector.extract_strided_slice %get3A_10 {offsets = [0, 0], sizes = [1000, 1], strides = [1, 1]} : vector<1000x128xf32> to vector<1000x1xf32>
    %add3A_12 = arith.addf %add3A_5, %slice3A_11 : vector<1000x1xf32>
    %rsqrt3A = math.rsqrt %add3A_12 : vector<1000x1xf32>
    %get3A_13 = arith.constant 0 : index
    %get3A_14 = arith.constant 0 : index
    %get3A_15 = vector.load %arg2[%get3A_13, %get3A_14] : memref<1000x256xf32, #tpu.memory_space<vmem>>, vector<1000x128xf32>
    %mul3A = vector.broadcast %rsqrt3A : vector<1000x1xf32> to vector<1000x128xf32>
    %mul3A_16 = arith.mulf %get3A_15, %mul3A : vector<1000x128xf32>
    %swap3A = arith.constant 0 : index
    %swap3A_17 = arith.constant 0 : index
    %swap3A_18 = vector.load %arg3[%swap3A, %swap3A_17] : memref<1000x128xf32, #tpu.memory_space<vmem>>, vector<1000x128xf32>
    tpu.vector_store %arg3[%swap3A, %swap3A_17], %mul3A_16 {strides = array<i32>} : memref<1000x128xf32, #tpu.memory_space<vmem>>, vector<1000x128xf32>,
    %get3A_19 = arith.constant 0 : index
    %get3A_20 = arith.constant 128 : index
    %get3A_21 = vector.load %arg2[%get3A_19, %get3A_20] : memref<1000x256xf32, #tpu.memory_space<vmem>>, vector<1000x128xf32>
    %mul3A_22 = vector.broadcast %rsqrt3A : vector<1000x1xf32> to vector<1000x128xf32>
    %mul3A_23 = arith.mulf %get3A_21, %mul3A_22 : vector<1000x128xf32>
    %swap3A_24 = arith.constant 0 : index
    %swap3A_25 = arith.constant 0 : index
    %swap3A_26 = vector.load %arg4[%swap3A_24, %swap3A_25] : memref<1000x128xf32, #tpu.memory_space<vmem>>, vector<1000x128xf32>
    tpu.vector_store %arg4[%swap3A_24, %swap3A_25], %mul3A_23 {strides = array<i32>} : memref<1000x128xf32, #tpu.memory_space<vmem>>, vector<1000x128xf32>,
    return
  }
  func.func @transform_0(%arg0: i32) -> (i32, i32, i32) {
    %c0_i32 = arith.constant 0 : i32
    %c0_i32_0 = arith.constant 0 : i32
    %c0_i32_1 = arith.constant 0 : i32
    return %c0_i32, %arg0, %c0_i32_0 : i32, i32, i32
  }
  func.func @transform_1(%arg0: i32) -> (i32, i32) {
    %c0_i32 = arith.constant 0 : i32
    %c0_i32_0 = arith.constant 0 : i32
    return %arg0, %c0_i32 : i32, i32
  }
  func.func @transform_2(%arg0: i32) -> (i32, i32) {
    %c0_i32 = arith.constant 0 : i32
    %c0_i32_0 = arith.constant 0 : i32
    return %arg0, %c0_i32 : i32, i32
  }
  func.func @transform_3(%arg0: i32) -> (i32, i32) {
    %c0_i32 = arith.constant 0 : i32
    %c0_i32_0 = arith.constant 0 : i32
    return %arg0, %c0_i32 : i32, i32
  }
}

module attributes {stable_mosaic.version = 14 : i64} {
  func.func @_k1_body(%arg0: i32, %arg1: memref<4x1000x128xf32, #tpu.memory_space<vmem>>, %arg2: memref<1000x128xf32, #tpu.memory_space<vmem>>, %arg3: memref<1000x128xf32, #tpu.memory_space<vmem>>, %arg4: memref<2x1000x128xf32, #tpu.memory_space<vmem>>, %arg5: memref<256x512xf32, #tpu.memory_space<vmem>>, %arg6: memref<1x512xf32, #tpu.memory_space<vmem>>, %arg7: memref<1000x128xf32, #tpu.memory_space<vmem>>, %arg8: memref<1000x128xf32, #tpu.memory_space<vmem>>, %arg9: memref<1000x128xf32, #tpu.memory_space<vmem>>, %arg10: memref<1000x128xf32, #tpu.memory_space<vmem>>) attributes {dimension_semantics = [#tpu.dimension_semantics<arbitrary>], iteration_bounds = array<i64: 10>, scalar_prefetch = 0 : i64, scratch_operands = 0 : i64, tpu.core_type = #tpu.core_type<tc>, window_params = [{transform_indices = @transform_0, window_bounds = array<i64: 4, 1000, 128>}, {transform_indices = @transform_1, window_bounds = array<i64: 1000, 128>}, {transform_indices = @transform_2, window_bounds = array<i64: 1000, 128>}, {transform_indices = @transform_3, window_bounds = array<i64: 2, 1000, 128>}, {pipeline_mode = #tpu.pipeline_mode<synchronous>, transform_indices = @transform_4, window_bounds = array<i64: 256, 512>}, {pipeline_mode = #tpu.pipeline_mode<synchronous>, transform_indices = @transform_5, window_bounds = array<i64: 1, 512>}, {transform_indices = @transform_6, window_bounds = array<i64: 1000, 128>}, {transform_indices = @transform_7, window_bounds = array<i64: 1000, 128>}, {transform_indices = @transform_8, window_bounds = array<i64: 1000, 128>}, {transform_indices = @transform_9, window_bounds = array<i64: 1000, 128>}]} {
    %get3A = arith.constant 0 : index
    %get3A_0 = arith.constant 0 : index
    %get3A_1 = arith.constant 0 : index
    %get3A_2 = vector.load %arg4[%get3A, %get3A_0, %get3A_1] : memref<2x1000x128xf32, #tpu.memory_space<vmem>>, vector<1x1000x128xf32>
    %get3A_3 = vector.shape_cast %get3A_2 : vector<1x1000x128xf32> to vector<1000x128xf32>
    %slice3A = vector.extract_strided_slice %get3A_3 {offsets = [0, 0], sizes = [1000, 1], strides = [1, 1]} : vector<1000x128xf32> to vector<1000x1xf32>
    %add3A = arith.constant 1.000000e+00 : f32
    %add3A_4 = vector.broadcast %add3A : f32 to vector<1000x1xf32>
    %add3A_5 = arith.addf %add3A_4, %slice3A : vector<1000x1xf32>
    %get3A_6 = arith.constant 1 : index
    %get3A_7 = arith.constant 0 : index
    %get3A_8 = arith.constant 0 : index
    %get3A_9 = vector.load %arg4[%get3A_6, %get3A_7, %get3A_8] : memref<2x1000x128xf32, #tpu.memory_space<vmem>>, vector<1x1000x128xf32>
    %get3A_10 = vector.shape_cast %get3A_9 : vector<1x1000x128xf32> to vector<1000x128xf32>
    %slice3A_11 = vector.extract_strided_slice %get3A_10 {offsets = [0, 0], sizes = [1000, 1], strides = [1, 1]} : vector<1000x128xf32> to vector<1000x1xf32>
    %add3A_12 = arith.addf %add3A_5, %slice3A_11 : vector<1000x1xf32>
    %rsqrt3A = math.rsqrt %add3A_12 : vector<1000x1xf32>
    %get3A_13 = arith.constant 0 : index
    %get3A_14 = arith.constant 0 : index
    %get3A_15 = arith.constant 0 : index
    %get3A_16 = vector.load %arg1[%get3A_13, %get3A_14, %get3A_15] : memref<4x1000x128xf32, #tpu.memory_space<vmem>>, vector<1x1000x128xf32>
    %get3A_17 = vector.shape_cast %get3A_16 : vector<1x1000x128xf32> to vector<1000x128xf32>
    %get3A_18 = arith.constant 2 : index
    %get3A_19 = arith.constant 0 : index
    %get3A_20 = arith.constant 0 : index
    %get3A_21 = vector.load %arg1[%get3A_18, %get3A_19, %get3A_20] : memref<4x1000x128xf32, #tpu.memory_space<vmem>>, vector<1x1000x128xf32>
    %get3A_22 = vector.shape_cast %get3A_21 : vector<1x1000x128xf32> to vector<1000x128xf32>
    %add3A_23 = arith.addf %get3A_17, %get3A_22 : vector<1000x128xf32>
    %get3A_24 = arith.constant 0 : index
    %get3A_25 = arith.constant 0 : index
    %get3A_26 = vector.load %arg2[%get3A_24, %get3A_25] : memref<1000x128xf32, #tpu.memory_space<vmem>>, vector<1000x128xf32>
    %add3A_27 = arith.addf %add3A_23, %get3A_26 : vector<1000x128xf32>
    %mul3A = vector.broadcast %rsqrt3A : vector<1000x1xf32> to vector<1000x128xf32>
    %mul3A_28 = arith.mulf %mul3A, %add3A_27 : vector<1000x128xf32>
    %get3A_29 = arith.constant 1 : index
    %get3A_30 = arith.constant 0 : index
    %get3A_31 = arith.constant 0 : index
    %get3A_32 = vector.load %arg1[%get3A_29, %get3A_30, %get3A_31] : memref<4x1000x128xf32, #tpu.memory_space<vmem>>, vector<1x1000x128xf32>
    %get3A_33 = vector.shape_cast %get3A_32 : vector<1x1000x128xf32> to vector<1000x128xf32>
    %get3A_34 = arith.constant 3 : index
    %get3A_35 = arith.constant 0 : index
    %get3A_36 = arith.constant 0 : index
    %get3A_37 = vector.load %arg1[%get3A_34, %get3A_35, %get3A_36] : memref<4x1000x128xf32, #tpu.memory_space<vmem>>, vector<1x1000x128xf32>
    %get3A_38 = vector.shape_cast %get3A_37 : vector<1x1000x128xf32> to vector<1000x128xf32>
    %add3A_39 = arith.addf %get3A_33, %get3A_38 : vector<1000x128xf32>
    %get3A_40 = arith.constant 0 : index
    %get3A_41 = arith.constant 0 : index
    %get3A_42 = vector.load %arg3[%get3A_40, %get3A_41] : memref<1000x128xf32, #tpu.memory_space<vmem>>, vector<1000x128xf32>
    %add3A_43 = arith.addf %add3A_39, %get3A_42 : vector<1000x128xf32>
    %mul3A_44 = vector.broadcast %rsqrt3A : vector<1000x1xf32> to vector<1000x128xf32>
    %mul3A_45 = arith.mulf %mul3A_44, %add3A_43 : vector<1000x128xf32>
    %concatenate3A = tpu.concatenate %mul3A_28, %mul3A_45 in 1 : vector<1000x128xf32>, vector<1000x128xf32> -> vector<1000x256xf32>
    %get3A_46 = arith.constant 0 : index
    %get3A_47 = arith.constant 0 : index
    %get3A_48 = vector.load %arg5[%get3A_46, %get3A_47] : memref<256x512xf32, #tpu.memory_space<vmem>>, vector<256x512xf32>
    %dot_general3A = arith.constant dense<0.000000e+00> : vector<1000x512xf32>
    %dot_general3A_49 = tpu.matmul %concatenate3A, %get3A_48, %dot_general3A {dimension_numbers = #tpu.dot_dimension_numbers<[1], [0], [0], [1], [0, 0, 1, 1], [], []>, transpose_lhs_hint = false} : vector<1000x256xf32>, vector<256x512xf32>, vector<1000x512xf32> -> vector<1000x512xf32>
    %get3A_50 = arith.constant 0 : index
    %get3A_51 = arith.constant 0 : index
    %get3A_52 = vector.load %arg6[%get3A_50, %get3A_51] : memref<1x512xf32, #tpu.memory_space<vmem>>, vector<1x512xf32>
    %add3A_53 = vector.broadcast %get3A_52 : vector<1x512xf32> to vector<1000x512xf32>
    %add3A_54 = arith.addf %dot_general3A_49, %add3A_53 : vector<1000x512xf32>
    %max3A = arith.constant 0.000000e+00 : f32
    %max3A_55 = vector.broadcast %max3A : f32 to vector<1000x512xf32>
    %max3A_56 = arith.maximumf %add3A_54, %max3A_55 : vector<1000x512xf32>
    %mul3A_57 = vector.broadcast %rsqrt3A : vector<1000x1xf32> to vector<1000x512xf32>
    %mul3A_58 = arith.mulf %mul3A_57, %max3A_56 : vector<1000x512xf32>
    %slice3A_59 = vector.extract_strided_slice %mul3A_58 {offsets = [0, 0], sizes = [1000, 128], strides = [1, 1]} : vector<1000x512xf32> to vector<1000x128xf32>
    %swap3A = arith.constant 0 : index
    %swap3A_60 = arith.constant 0 : index
    %swap3A_61 = vector.load %arg7[%swap3A, %swap3A_60] : memref<1000x128xf32, #tpu.memory_space<vmem>>, vector<1000x128xf32>
    tpu.vector_store %arg7[%swap3A, %swap3A_60], %slice3A_59 {strides = array<i32>} : memref<1000x128xf32, #tpu.memory_space<vmem>>, vector<1000x128xf32>,
    %slice3A_62 = vector.extract_strided_slice %mul3A_58 {offsets = [0, 128], sizes = [1000, 128], strides = [1, 1]} : vector<1000x512xf32> to vector<1000x128xf32>
    %swap3A_63 = arith.constant 0 : index
    %swap3A_64 = arith.constant 0 : index
    %swap3A_65 = vector.load %arg8[%swap3A_63, %swap3A_64] : memref<1000x128xf32, #tpu.memory_space<vmem>>, vector<1000x128xf32>
    tpu.vector_store %arg8[%swap3A_63, %swap3A_64], %slice3A_62 {strides = array<i32>} : memref<1000x128xf32, #tpu.memory_space<vmem>>, vector<1000x128xf32>,
    %slice3A_66 = vector.extract_strided_slice %mul3A_58 {offsets = [0, 256], sizes = [1000, 128], strides = [1, 1]} : vector<1000x512xf32> to vector<1000x128xf32>
    %swap3A_67 = arith.constant 0 : index
    %swap3A_68 = arith.constant 0 : index
    %swap3A_69 = vector.load %arg9[%swap3A_67, %swap3A_68] : memref<1000x128xf32, #tpu.memory_space<vmem>>, vector<1000x128xf32>
    tpu.vector_store %arg9[%swap3A_67, %swap3A_68], %slice3A_66 {strides = array<i32>} : memref<1000x128xf32, #tpu.memory_space<vmem>>, vector<1000x128xf32>,
    %slice3A_70 = vector.extract_strided_slice %mul3A_58 {offsets = [0, 384], sizes = [1000, 128], strides = [1, 1]} : vector<1000x512xf32> to vector<1000x128xf32>
    %swap3A_71 = arith.constant 0 : index
    %swap3A_72 = arith.constant 0 : index
    %swap3A_73 = vector.load %arg10[%swap3A_71, %swap3A_72] : memref<1000x128xf32, #tpu.memory_space<vmem>>, vector<1000x128xf32>
    tpu.vector_store %arg10[%swap3A_71, %swap3A_72], %slice3A_70 {strides = array<i32>} : memref<1000x128xf32, #tpu.memory_space<vmem>>, vector<1000x128xf32>,
    return
  }
  func.func @transform_0(%arg0: i32) -> (i32, i32, i32) {
    %c0_i32 = arith.constant 0 : i32
    %c0_i32_0 = arith.constant 0 : i32
    %c0_i32_1 = arith.constant 0 : i32
    return %c0_i32, %arg0, %c0_i32_0 : i32, i32, i32
  }
  func.func @transform_1(%arg0: i32) -> (i32, i32) {
    %c0_i32 = arith.constant 0 : i32
    %c0_i32_0 = arith.constant 0 : i32
    return %arg0, %c0_i32 : i32, i32
  }
  func.func @transform_2(%arg0: i32) -> (i32, i32) {
    %c0_i32 = arith.constant 0 : i32
    %c0_i32_0 = arith.constant 0 : i32
    return %arg0, %c0_i32 : i32, i32
  }
  func.func @transform_3(%arg0: i32) -> (i32, i32, i32) {
    %c0_i32 = arith.constant 0 : i32
    %c0_i32_0 = arith.constant 0 : i32
    %c0_i32_1 = arith.constant 0 : i32
    return %c0_i32, %arg0, %c0_i32_0 : i32, i32, i32
  }
  func.func @transform_4(%arg0: i32) -> (i32, i32) {
    %c0_i32 = arith.constant 0 : i32
    %c0_i32_0 = arith.constant 0 : i32
    %c0_i32_1 = arith.constant 0 : i32
    return %c0_i32, %c0_i32_0 : i32, i32
  }
  func.func @transform_5(%arg0: i32) -> (i32, i32) {
    %c0_i32 = arith.constant 0 : i32
    %c0_i32_0 = arith.constant 0 : i32
    %c0_i32_1 = arith.constant 0 : i32
    return %c0_i32, %c0_i32_0 : i32, i32
  }
  func.func @transform_6(%arg0: i32) -> (i32, i32) {
    %c0_i32 = arith.constant 0 : i32
    %c0_i32_0 = arith.constant 0 : i32
    return %arg0, %c0_i32 : i32, i32
  }
  func.func @transform_7(%arg0: i32) -> (i32, i32) {
    %c0_i32 = arith.constant 0 : i32
    %c0_i32_0 = arith.constant 0 : i32
    return %arg0, %c0_i32 : i32, i32
  }
  func.func @transform_8(%arg0: i32) -> (i32, i32) {
    %c0_i32 = arith.constant 0 : i32
    %c0_i32_0 = arith.constant 0 : i32
    return %arg0, %c0_i32 : i32, i32
  }
  func.func @transform_9(%arg0: i32) -> (i32, i32) {
    %c0_i32 = arith.constant 0 : i32
    %c0_i32_0 = arith.constant 0 : i32
    return %arg0, %c0_i32 : i32, i32
  }
}

module attributes {stable_mosaic.version = 14 : i64} {
  func.func @_k2_body(%arg0: i32, %arg1: memref<8x1000x128xf32, #tpu.memory_space<vmem>>, %arg2: memref<1000x128xf32, #tpu.memory_space<vmem>>, %arg3: memref<1000x128xf32, #tpu.memory_space<vmem>>, %arg4: memref<1000x128xf32, #tpu.memory_space<vmem>>, %arg5: memref<1000x128xf32, #tpu.memory_space<vmem>>, %arg6: memref<2x1000x128xf32, #tpu.memory_space<vmem>>, %arg7: memref<512x512xf32, #tpu.memory_space<vmem>>, %arg8: memref<1x512xf32, #tpu.memory_space<vmem>>, %arg9: memref<512x128xf32, #tpu.memory_space<vmem>>, %arg10: memref<1x128xf32, #tpu.memory_space<vmem>>, %arg11: memref<1000x128xf32, #tpu.memory_space<vmem>>) attributes {dimension_semantics = [#tpu.dimension_semantics<arbitrary>], iteration_bounds = array<i64: 10>, scalar_prefetch = 0 : i64, scratch_operands = 0 : i64, tpu.core_type = #tpu.core_type<tc>, window_params = [{transform_indices = @transform_0, window_bounds = array<i64: 8, 1000, 128>}, {transform_indices = @transform_1, window_bounds = array<i64: 1000, 128>}, {transform_indices = @transform_2, window_bounds = array<i64: 1000, 128>}, {transform_indices = @transform_3, window_bounds = array<i64: 1000, 128>}, {transform_indices = @transform_4, window_bounds = array<i64: 1000, 128>}, {transform_indices = @transform_5, window_bounds = array<i64: 2, 1000, 128>}, {pipeline_mode = #tpu.pipeline_mode<synchronous>, transform_indices = @transform_6, window_bounds = array<i64: 512, 512>}, {pipeline_mode = #tpu.pipeline_mode<synchronous>, transform_indices = @transform_7, window_bounds = array<i64: 1, 512>}, {pipeline_mode = #tpu.pipeline_mode<synchronous>, transform_indices = @transform_8, window_bounds = array<i64: 512, 128>}, {pipeline_mode = #tpu.pipeline_mode<synchronous>, transform_indices = @transform_9, window_bounds = array<i64: 1, 128>}, {transform_indices = @transform_10, window_bounds = array<i64: 1000, 128>}]} {
    %get3A = arith.constant 0 : index
    %get3A_0 = arith.constant 0 : index
    %get3A_1 = arith.constant 0 : index
    %get3A_2 = vector.load %arg6[%get3A, %get3A_0, %get3A_1] : memref<2x1000x128xf32, #tpu.memory_space<vmem>>, vector<1x1000x128xf32>
    %get3A_3 = vector.shape_cast %get3A_2 : vector<1x1000x128xf32> to vector<1000x128xf32>
    %slice3A = vector.extract_strided_slice %get3A_3 {offsets = [0, 0], sizes = [1000, 1], strides = [1, 1]} : vector<1000x128xf32> to vector<1000x1xf32>
    %add3A = arith.constant 1.000000e+00 : f32
    %add3A_4 = vector.broadcast %add3A : f32 to vector<1000x1xf32>
    %add3A_5 = arith.addf %add3A_4, %slice3A : vector<1000x1xf32>
    %get3A_6 = arith.constant 1 : index
    %get3A_7 = arith.constant 0 : index
    %get3A_8 = arith.constant 0 : index
    %get3A_9 = vector.load %arg6[%get3A_6, %get3A_7, %get3A_8] : memref<2x1000x128xf32, #tpu.memory_space<vmem>>, vector<1x1000x128xf32>
    %get3A_10 = vector.shape_cast %get3A_9 : vector<1x1000x128xf32> to vector<1000x128xf32>
    %slice3A_11 = vector.extract_strided_slice %get3A_10 {offsets = [0, 0], sizes = [1000, 1], strides = [1, 1]} : vector<1000x128xf32> to vector<1000x1xf32>
    %add3A_12 = arith.addf %add3A_5, %slice3A_11 : vector<1000x1xf32>
    %rsqrt3A = math.rsqrt %add3A_12 : vector<1000x1xf32>
    %get3A_13 = arith.constant 0 : index
    %get3A_14 = arith.constant 0 : index
    %get3A_15 = arith.constant 0 : index
    %get3A_16 = vector.load %arg1[%get3A_13, %get3A_14, %get3A_15] : memref<8x1000x128xf32, #tpu.memory_space<vmem>>, vector<1x1000x128xf32>
    %get3A_17 = vector.shape_cast %get3A_16 : vector<1x1000x128xf32> to vector<1000x128xf32>
    %get3A_18 = arith.constant 4 : index
    %get3A_19 = arith.constant 0 : index
    %get3A_20 = arith.constant 0 : index
    %get3A_21 = vector.load %arg1[%get3A_18, %get3A_19, %get3A_20] : memref<8x1000x128xf32, #tpu.memory_space<vmem>>, vector<1x1000x128xf32>
    %get3A_22 = vector.shape_cast %get3A_21 : vector<1x1000x128xf32> to vector<1000x128xf32>
    %add3A_23 = arith.addf %get3A_17, %get3A_22 : vector<1000x128xf32>
    %get3A_24 = arith.constant 0 : index
    %get3A_25 = arith.constant 0 : index
    %get3A_26 = vector.load %arg2[%get3A_24, %get3A_25] : memref<1000x128xf32, #tpu.memory_space<vmem>>, vector<1000x128xf32>
    %add3A_27 = arith.addf %add3A_23, %get3A_26 : vector<1000x128xf32>
    %mul3A = vector.broadcast %rsqrt3A : vector<1000x1xf32> to vector<1000x128xf32>
    %mul3A_28 = arith.mulf %mul3A, %add3A_27 : vector<1000x128xf32>
    %get3A_29 = arith.constant 1 : index
    %get3A_30 = arith.constant 0 : index
    %get3A_31 = arith.constant 0 : index
    %get3A_32 = vector.load %arg1[%get3A_29, %get3A_30, %get3A_31] : memref<8x1000x128xf32, #tpu.memory_space<vmem>>, vector<1x1000x128xf32>
    %get3A_33 = vector.shape_cast %get3A_32 : vector<1x1000x128xf32> to vector<1000x128xf32>
    %get3A_34 = arith.constant 5 : index
    %get3A_35 = arith.constant 0 : index
    %get3A_36 = arith.constant 0 : index
    %get3A_37 = vector.load %arg1[%get3A_34, %get3A_35, %get3A_36] : memref<8x1000x128xf32, #tpu.memory_space<vmem>>, vector<1x1000x128xf32>
    %get3A_38 = vector.shape_cast %get3A_37 : vector<1x1000x128xf32> to vector<1000x128xf32>
    %add3A_39 = arith.addf %get3A_33, %get3A_38 : vector<1000x128xf32>
    %get3A_40 = arith.constant 0 : index
    %get3A_41 = arith.constant 0 : index
    %get3A_42 = vector.load %arg3[%get3A_40, %get3A_41] : memref<1000x128xf32, #tpu.memory_space<vmem>>, vector<1000x128xf32>
    %add3A_43 = arith.addf %add3A_39, %get3A_42 : vector<1000x128xf32>
    %mul3A_44 = vector.broadcast %rsqrt3A : vector<1000x1xf32> to vector<1000x128xf32>
    %mul3A_45 = arith.mulf %mul3A_44, %add3A_43 : vector<1000x128xf32>
    %get3A_46 = arith.constant 2 : index
    %get3A_47 = arith.constant 0 : index
    %get3A_48 = arith.constant 0 : index
    %get3A_49 = vector.load %arg1[%get3A_46, %get3A_47, %get3A_48] : memref<8x1000x128xf32, #tpu.memory_space<vmem>>, vector<1x1000x128xf32>
    %get3A_50 = vector.shape_cast %get3A_49 : vector<1x1000x128xf32> to vector<1000x128xf32>
    %get3A_51 = arith.constant 6 : index
    %get3A_52 = arith.constant 0 : index
    %get3A_53 = arith.constant 0 : index
    %get3A_54 = vector.load %arg1[%get3A_51, %get3A_52, %get3A_53] : memref<8x1000x128xf32, #tpu.memory_space<vmem>>, vector<1x1000x128xf32>
    %get3A_55 = vector.shape_cast %get3A_54 : vector<1x1000x128xf32> to vector<1000x128xf32>
    %add3A_56 = arith.addf %get3A_50, %get3A_55 : vector<1000x128xf32>
    %get3A_57 = arith.constant 0 : index
    %get3A_58 = arith.constant 0 : index
    %get3A_59 = vector.load %arg4[%get3A_57, %get3A_58] : memref<1000x128xf32, #tpu.memory_space<vmem>>, vector<1000x128xf32>
    %add3A_60 = arith.addf %add3A_56, %get3A_59 : vector<1000x128xf32>
    %mul3A_61 = vector.broadcast %rsqrt3A : vector<1000x1xf32> to vector<1000x128xf32>
    %mul3A_62 = arith.mulf %mul3A_61, %add3A_60 : vector<1000x128xf32>
    %get3A_63 = arith.constant 3 : index
    %get3A_64 = arith.constant 0 : index
    %get3A_65 = arith.constant 0 : index
    %get3A_66 = vector.load %arg1[%get3A_63, %get3A_64, %get3A_65] : memref<8x1000x128xf32, #tpu.memory_space<vmem>>, vector<1x1000x128xf32>
    %get3A_67 = vector.shape_cast %get3A_66 : vector<1x1000x128xf32> to vector<1000x128xf32>
    %get3A_68 = arith.constant 7 : index
    %get3A_69 = arith.constant 0 : index
    %get3A_70 = arith.constant 0 : index
    %get3A_71 = vector.load %arg1[%get3A_68, %get3A_69, %get3A_70] : memref<8x1000x128xf32, #tpu.memory_space<vmem>>, vector<1x1000x128xf32>
    %get3A_72 = vector.shape_cast %get3A_71 : vector<1x1000x128xf32> to vector<1000x128xf32>
    %add3A_73 = arith.addf %get3A_67, %get3A_72 : vector<1000x128xf32>
    %get3A_74 = arith.constant 0 : index
    %get3A_75 = arith.constant 0 : index
    %get3A_76 = vector.load %arg5[%get3A_74, %get3A_75] : memref<1000x128xf32, #tpu.memory_space<vmem>>, vector<1000x128xf32>
    %add3A_77 = arith.addf %add3A_73, %get3A_76 : vector<1000x128xf32>
    %mul3A_78 = vector.broadcast %rsqrt3A : vector<1000x1xf32> to vector<1000x128xf32>
    %mul3A_79 = arith.mulf %mul3A_78, %add3A_77 : vector<1000x128xf32>
    %concatenate3A = tpu.concatenate %mul3A_28, %mul3A_45, %mul3A_62, %mul3A_79 in 1 : vector<1000x128xf32>, vector<1000x128xf32>, vector<1000x128xf32>, vector<1000x128xf32> -> vector<1000x512xf32>
    %get3A_80 = arith.constant 0 : index
    %get3A_81 = arith.constant 0 : index
    %get3A_82 = vector.load %arg7[%get3A_80, %get3A_81] : memref<512x512xf32, #tpu.memory_space<vmem>>, vector<512x512xf32>
    %dot_general3A = arith.constant dense<0.000000e+00> : vector<1000x512xf32>
    %dot_general3A_83 = tpu.matmul %concatenate3A, %get3A_82, %dot_general3A {dimension_numbers = #tpu.dot_dimension_numbers<[1], [0], [0], [1], [0, 0, 1, 1], [], []>, transpose_lhs_hint = false} : vector<1000x512xf32>, vector<512x512xf32>, vector<1000x512xf32> -> vector<1000x512xf32>
    %get3A_84 = arith.constant 0 : index
    %get3A_85 = arith.constant 0 : index
    %get3A_86 = vector.load %arg8[%get3A_84, %get3A_85] : memref<1x512xf32, #tpu.memory_space<vmem>>, vector<1x512xf32>
    %add3A_87 = vector.broadcast %get3A_86 : vector<1x512xf32> to vector<1000x512xf32>
    %add3A_88 = arith.addf %dot_general3A_83, %add3A_87 : vector<1000x512xf32>
    %max3A = arith.constant 0.000000e+00 : f32
    %max3A_89 = vector.broadcast %max3A : f32 to vector<1000x512xf32>
    %max3A_90 = arith.maximumf %add3A_88, %max3A_89 : vector<1000x512xf32>
    %get3A_91 = arith.constant 0 : index
    %get3A_92 = arith.constant 0 : index
    %get3A_93 = vector.load %arg9[%get3A_91, %get3A_92] : memref<512x128xf32, #tpu.memory_space<vmem>>, vector<512x128xf32>
    %dot_general3A_94 = arith.constant dense<0.000000e+00> : vector<1000x128xf32>
    %dot_general3A_95 = tpu.matmul %max3A_90, %get3A_93, %dot_general3A_94 {dimension_numbers = #tpu.dot_dimension_numbers<[1], [0], [0], [1], [0, 0, 1, 1], [], []>, transpose_lhs_hint = false} : vector<1000x512xf32>, vector<512x128xf32>, vector<1000x128xf32> -> vector<1000x128xf32>
    %get3A_96 = arith.constant 0 : index
    %get3A_97 = arith.constant 0 : index
    %get3A_98 = vector.load %arg10[%get3A_96, %get3A_97] : memref<1x128xf32, #tpu.memory_space<vmem>>, vector<1x128xf32>
    %add3A_99 = vector.broadcast %get3A_98 : vector<1x128xf32> to vector<1000x128xf32>
    %add3A_100 = arith.addf %dot_general3A_95, %add3A_99 : vector<1000x128xf32>
    %swap3A = arith.constant 0 : index
    %swap3A_101 = arith.constant 0 : index
    %swap3A_102 = vector.load %arg11[%swap3A, %swap3A_101] : memref<1000x128xf32, #tpu.memory_space<vmem>>, vector<1000x128xf32>
    tpu.vector_store %arg11[%swap3A, %swap3A_101], %add3A_100 {strides = array<i32>} : memref<1000x128xf32, #tpu.memory_space<vmem>>, vector<1000x128xf32>,
    return
  }
  func.func @transform_0(%arg0: i32) -> (i32, i32, i32) {
    %c0_i32 = arith.constant 0 : i32
    %c0_i32_0 = arith.constant 0 : i32
    %c0_i32_1 = arith.constant 0 : i32
    return %c0_i32, %arg0, %c0_i32_0 : i32, i32, i32
  }
  func.func @transform_1(%arg0: i32) -> (i32, i32) {
    %c0_i32 = arith.constant 0 : i32
    %c0_i32_0 = arith.constant 0 : i32
    return %arg0, %c0_i32 : i32, i32
  }
  func.func @transform_2(%arg0: i32) -> (i32, i32) {
    %c0_i32 = arith.constant 0 : i32
    %c0_i32_0 = arith.constant 0 : i32
    return %arg0, %c0_i32 : i32, i32
  }
  func.func @transform_3(%arg0: i32) -> (i32, i32) {
    %c0_i32 = arith.constant 0 : i32
    %c0_i32_0 = arith.constant 0 : i32
    return %arg0, %c0_i32 : i32, i32
  }
  func.func @transform_4(%arg0: i32) -> (i32, i32) {
    %c0_i32 = arith.constant 0 : i32
    %c0_i32_0 = arith.constant 0 : i32
    return %arg0, %c0_i32 : i32, i32
  }
  func.func @transform_5(%arg0: i32) -> (i32, i32, i32) {
    %c0_i32 = arith.constant 0 : i32
    %c0_i32_0 = arith.constant 0 : i32
    %c0_i32_1 = arith.constant 0 : i32
    return %c0_i32, %arg0, %c0_i32_0 : i32, i32, i32
  }
  func.func @transform_6(%arg0: i32) -> (i32, i32) {
    %c0_i32 = arith.constant 0 : i32
    %c0_i32_0 = arith.constant 0 : i32
    %c0_i32_1 = arith.constant 0 : i32
    return %c0_i32, %c0_i32_0 : i32, i32
  }
  func.func @transform_7(%arg0: i32) -> (i32, i32) {
    %c0_i32 = arith.constant 0 : i32
    %c0_i32_0 = arith.constant 0 : i32
    %c0_i32_1 = arith.constant 0 : i32
    return %c0_i32, %c0_i32_0 : i32, i32
  }
  func.func @transform_8(%arg0: i32) -> (i32, i32) {
    %c0_i32 = arith.constant 0 : i32
    %c0_i32_0 = arith.constant 0 : i32
    %c0_i32_1 = arith.constant 0 : i32
    return %c0_i32, %c0_i32_0 : i32, i32
  }
  func.func @transform_9(%arg0: i32) -> (i32, i32) {
    %c0_i32 = arith.constant 0 : i32
    %c0_i32_0 = arith.constant 0 : i32
    %c0_i32_1 = arith.constant 0 : i32
    return %c0_i32, %c0_i32_0 : i32, i32
  }
  func.func @transform_10(%arg0: i32) -> (i32, i32) {
    %c0_i32 = arith.constant 0 : i32
    %c0_i32_0 = arith.constant 0 : i32
    return %arg0, %c0_i32 : i32, i32
  }
}

</mosaic_0001>

<sc_bundles>
// kernel: kernel.11.cloned.1.call-start
scs
__scs_entry_jumppad:
0x0: {  	(pc) =	sbr.rel $0x88, $3  }
0x1: {  	(tag) =	ssettag $0x0;
	lr =	simm.s32 $0x1  }
0x2: {  	[smem:$0x3F99] =	sst lr;
	_ =	strace $0xD0000000  }
0x3: {  	_ = 	snop  }
0x4: {  	_ = 	snop  }
0x5: {  	_ = 	snop  }
0x6: {  	_ = 	snop  }
0x7: {  	_ = 	snop  }
__scs_overlays_trampoline_lowered:
0x8: {  	[smem:$0x3FA8] =	sst s0  }
0x9: {  	[smem:$0x3FA9] =	sst s1  }
0xa: {  	[smem:$0x3FAA] =	sst s2  }
0xb: {  	[smem:$0x3FAB] =	sst s3  }
0xc: {  	[smem:$0x3FAC] =	sst s4  }
0xd: {  	[smem:$0x3FAD] =	sst s5  }
0xe: {  	[smem:$0x3FAE] =	sst s6  }
0xf: {  	[smem:$0x3FAF] =	sst s7  }
0x10: {  	[smem:$0x3FB0] =	sst s8  }
0x11: {  	[smem:$0x3FB1] =	sst s9;
	s0 =	simm.s32 @!p0 $0x0  }
0x12: {  	s1 =	sld [smem:$0x3F97];
	s0 =	simm.s32 @p0 $0x1  }
0x13: {  	[smem:$0x3FB2] =	sst s0;
	s0 =	simm.s32 @!p1 $0x0  }
0x14: {  	s2 =	sld [smem:$0x3F96];
	s0 =	simm.s32 @p1 $0x1  }
0x15: {  	[smem:$0x3FB3] =	sst s0;
	s0 =	simm.s32 @!p2 $0x0  }
0x16: {  	s3 =	sld [smem:$0x3FDB];
	s0 =	simm.s32 @p2 $0x1  }
0x17: {  	s4 =	simm.s32 $0x1BF5;
	[smem:$0x3FB5] =	sst s0  }
0x18: {  	s0 =	sld [smem:$0x3F98];
	_ =	swait.ge [sflag:s4], $0x0  }
0x19: {  	s7 =	sld [smem:$0x3F99]  }
0x1a: {  	s8 =	sadd.s32 $0xFFFFE003, lr  }
0x1b: {  	s9 =	sadd.s32 $0xFFFFFEF7, lr;
	s5 =	simm.s32 $0xFFFFFFFF;
	p2 =	slt.u32 s8, $0xFFFFF086  }
0x1c: {  	p1 =	slt.u32 s9, $0xF7A;
	s5 =	simm.s32 @!p2 $0x0  }
0x1d: {  	s5 =	simm.s32 @p1 $0x1;
	p0 =	seq.s32 s7, s2  }
0x1e: {  	s7 =	smul.u32 @!p0 $0xF7A, s2;
	p2 =	seq.s32 @!p0 s5, $0x0  }
0x1f: {  	s9 =	smul.u32 $0xF7A, s1;
	s8 =	simm.s32 @!p0 $0x1BF5;
	p2 =	por !p2, p0  }
0x20: {  	[sflag:s8] =	ssyncset.s32 @!p0 $0xFFFFF086;
	s6 =	sadd.s32 @!p0 s3, s7;
	s7 =	simm.s32 @!p0 $0x108  }
0x21: {  	s3 =	sadd.s32 s3, s9;
	s6 =	sadd.s32 @!p0 $0x88, s6;
	s7 =	simm.s32 @p2 $0x1082  }
0x22: {  	[simem:s7], [sflag:s8] =	dma.local @!p0 [hbm:s6], $0xF7A  }
0x23: {  	s9 =	sor.u32 $0xD0000000, s2;
	s6 =	simm.s32 $0x108;
	_ =	swait.ge @!p0 [sflag:s8], $0x0  }
0x24: {  	s3 =	sadd.s32 $0x88, s3;
	s6 =	simm.s32 @!p1 $0x1082;
	[sflag:s4] =	ssyncset.s32 $0xFFFFF086  }
0x25: {  	[simem:s6], [sflag:s4] =	dma.local [hbm:s3], $0xF7A  }
0x26: {  	[smem:$0x3F99] =	sst s1;
	(tag) =	ssettag s2;
	_ =	strace s9  }
0x27: {  	s1 =	sld [smem:$0x3FA9]  }
0x28: {  	s2 =	sld [smem:$0x3FAA]  }
0x29: {  	s4 =	sld [smem:$0x3FAC]  }
0x2a: {  	p0 =	seq.s32 s5, $0x0;
	s5 =	sld [smem:$0x3FAD]  }
0x2b: {  	s6 =	sld [smem:$0x3FAE]  }
0x2c: {  	s7 =	sld [smem:$0x3FAF]  }
0x2d: {  	s3 =	simm.s32 $0x108;
	s8 =	sld [smem:$0x3FB0]  }
0x2e: {  	s3 =	simm.s32 @!p0 $0x1082;
	s9 =	sld [smem:$0x3FB1]  }
0x2f: {  	lr =	sadd.s32 s0, s3;
	s0 =	sld [smem:$0x3FA8]  }
0x30: {  	s3 =	sld [smem:$0x3FAB]  }
0x31: {  	[smem:$0x3FB4] =	sst s10  }
0x32: {  	s10 =	sld [smem:$0x3FB2];
	_ =	sdelay $0x3  }
0x33: {  	p0 =	seq.s32 s10, $0x1;
	s10 =	sld [smem:$0x3FB4];
	_ =	sdelay $0x3  }
0x34: {  	[smem:$0x3FB4] =	sst s10  }
0x35: {  	s10 =	sld [smem:$0x3FB3];
	_ =	sdelay $0x3  }
0x36: {  	p1 =	seq.s32 s10, $0x1;
	s10 =	sld [smem:$0x3FB4];
	_ =	sdelay $0x3  }
0x37: {  	[smem:$0x3FB4] =	sst s10  }
0x38: {  	s10 =	sld [smem:$0x3FB5]  }
0x39: {  	_ = 	snop;
	(pc) =	sbr.ind lr, $3  }
0x3a: {  	_ = 	snop  }
0x3b: {  	_ = 	snop  }
0x3c: {  	p2 =	seq.s32 s10, $0x1;
	s10 =	sld [smem:$0x3FB4]  }
0x3d: {  	_ =	shalt  }
0x3e: {  	_ =	shalt  }
0x3f: {  	_ =	shalt  }
0x40: {  	_ =	shalt  }
0x41: {  	_ =	shalt  }
0x42: {  	_ =	shalt  }
0x43: {  	_ =	shalt  }
0x44: {  	_ =	shalt  }
0x45: {  	_ =	shalt  }
0x46: {  	_ =	shalt  }
0x47: {  	_ =	shalt  }
0x48: {  	_ =	shalt  }
0x49: {  	_ =	shalt  }
0x4a: {  	_ =	shalt  }
0x4b: {  	_ =	shalt  }
0x4c: {  	_ =	shalt  }
0x4d: {  	_ =	shalt  }
0x4e: {  	_ =	shalt  }
0x4f: {  	_ =	shalt  }
0x50: {  	_ =	shalt  }
0x51: {  	_ =	shalt  }
0x52: {  	_ =	shalt  }
0x53: {  	_ =	shalt  }
0x54: {  	_ =	shalt  }
0x55: {  	_ =	shalt  }
0x56: {  	_ =	shalt  }
0x57: {  	_ =	shalt  }
0x58: {  	_ =	shalt  }
0x59: {  	_ =	shalt  }
0x5a: {  	_ =	shalt  }
0x5b: {  	_ =	shalt  }
0x5c: {  	_ =	shalt  }
0x5d: {  	_ =	shalt  }
0x5e: {  	_ =	shalt  }
0x5f: {  	_ =	shalt  }
0x60: {  	_ =	shalt  }
0x61: {  	_ =	shalt  }
0x62: {  	_ =	shalt  }
0x63: {  	_ =	shalt  }
0x64: {  	_ =	shalt  }
0x65: {  	_ =	shalt  }
0x66: {  	_ =	shalt  }
0x67: {  	_ =	shalt  }
0x68: {  	_ =	shalt  }
0x69: {  	_ =	shalt  }
0x6a: {  	_ =	shalt  }
0x6b: {  	_ =	shalt  }
0x6c: {  	_ =	shalt  }
0x6d: {  	_ =	shalt  }
0x6e: {  	_ =	shalt  }
0x6f: {  	_ =	shalt  }
0x70: {  	_ =	shalt  }
0x71: {  	_ =	shalt  }
0x72: {  	_ =	shalt  }
0x73: {  	_ =	shalt  }
0x74: {  	_ =	shalt  }
0x75: {  	_ =	shalt  }
0x76: {  	_ =	shalt  }
0x77: {  	_ =	shalt  }
0x78: {  	_ =	shalt  }
0x79: {  	_ =	shalt  }
0x7a: {  	_ =	shalt  }
0x7b: {  	_ =	shalt  }
0x7c: {  	_ =	shalt  }
0x7d: {  	_ =	shalt  }
0x7e: {  	_ =	shalt  }
0x7f: {  	_ =	shalt  }
0x80: {  	_ =	shalt  }
0x81: {  	_ =	shalt  }
0x82: {  	_ =	shalt  }
0x83: {  	_ =	shalt  }
0x84: {  	_ =	shalt  }
0x85: {  	_ =	shalt  }
0x86: {  	_ =	shalt  }
0x87: {  	_ =	shalt  }
.Lfunc_end0:
.L_simem_size_0:
called_computation.1_lowered:
.L_overlay_start_0:
0x88: {  	s2 =	sld [smem:$0x3FD9]  }
0x89: {  	s3 =	sld [smem:$0x3FFE];
	_ =	sdelay $0x1  }
0x8a: {  	s1 =	srdreg.scid  }
0x8b: {  	s0 =	sand.u32 $0x1, s1  }
0x8c: {  	s17 =	sshll.u32 s0, $0xA;
	s2 =	sadd.s32 s3, s2  }
0x8d: {  	s2 =	sadd.s32 s2, s17  }
0x8e: {  	[smem:$0x3FC0] =	sst s2  }
0x8f: {  	_ = 	snop  }
0x90: {  	s2 =	sld [smem:$0x3FD0];
	(tm) =	ssettm $0x1  }
0x91: {  	s18 =	sld [smem:$0x3FFB];
	_ =	sdelay $0x3  }
0x92: {  	_ =	strace s18  }
0x93: {  	s3 =	sld [smem:$0x3FFC];
	_ =	sdelay $0x3  }
0x94: {  	_ =	strace s3  }
0x95: {  	s3 =	sld [smem:$0x3FFD];
	_ =	sdelay $0x3  }
0x96: {  	_ =	strace s3  }
0x97: {  	_ =	strace $0x8FFFFFFF  }
0x98: {  	s19 =	sld [smem:$0x3FDB];
	_ =	sdelay $0x1  }
0x99: {  	s4 =	simm.s32 $_scs_section_size  }
0x9a: {  	s5 =	simm.s32 $_size__tile_overlayer_lowered;
	s6 =	simm.s32 $_tile_overlayer_lowered  }
0x9b: {  	s22 =	simm.s32 $0x1BFF;
	s21 =	sshll.u32 s6, $0x1;
	s3 =	sadd.s32 s4, s19  }
0x9c: {  	s7 =	simm.s32 $0x0;
	s20 =	sshll.u32 s5, $0x1;
	s5 =	sadd.s32 s21, s3  }
0x9d: {  	[timem:s7], [sflag:s22] =	dma.local [hbm:s5], s20  }
0x9e: {  	_ =	swait.ge [sflag:s22], s20  }
0x9f: {  	s4 =	ssub.s32 $0x0, s20;
	[sflag:s22] =	ssyncset.done $0x0  }
0xa0: {  	[sflag:s22] =	ssyncadd.s32 s4;
	_ =	sdelay $0x1  }
0xa1: {  	s23 =	simm.s32 $0x1B8B  }
0xa2: {  	_ =	swait.ge [sflag:s23], $0x1  }
0xa3: {  	[sflag:s23] =	ssyncset.done $0x0  }
0xa4: {  	s25 =	simm.s32 $0x1B8E;
	s24 =	sld [smem:$0x3FFE];
	[sflag:s23] =	ssyncadd.s32 $0xFFFFFFFF  }
0xa5: {  	s26 =	simm.s32 $execute0_lowered;
	[smem:$0x3FD2] =	sst s25  }
0xa6: {  	s5 =	sshll.u32 s26, $0x1;
	_ =	strace $0x80000049;
	[dreg:$0x1] =	wrdreg $0xFFFFFFFF  }
0xa7: {  	s28 =	simm.s32 $_size_execute0_lowered;
	s3 =	sadd.s32 s3, s5;
	[dreg:$0x0] =	wrdreg $0x0  }
0xa8: {  	s5 =	sshll.u32 s28, $0x1;
	[dreg:$0x2] =	wrdreg s3  }
0xa9: {  	[dreg:$0x3] =	wrdreg s5  }
0xaa: {  	[dreg:$0x4] =	wrdreg $0xC0  }
0xab: {  	_ =	task [dreg:s7], $0x5FFFF  }
0xac: {  	[dreg:$0x1] =	wrdreg $0xFFFFFFFF  }
0xad: {  	[dreg:$0x0] =	wrdreg $0x60  }
0xae: {  	[dreg:$0x2] =	wrdreg s2  }
0xaf: {  	[dreg:$0x3] =	wrdreg s24  }
0xb0: {  	[dreg:$0x4] =	wrdreg $0xA0000  }
0xb1: {  	[dreg:$0x5] =	wrdreg $0x9  }
0xb2: {  	_ =	task.clear_ibuf [dreg:s7], $0x6FFFF;
	_ =	strace $0x90000049  }
0xb3: {  	s29 =	simm.s32 $0x9;
	_ =	strace $0x8000004B  }
0xb4: {  	_ =	swait.ge [sflag:s29], $0x1  }
0xb5: {  	[sflag:s29] =	ssyncadd.s32 $0xFFFFFFFF  }
0xb6: {  	_ =	strace $0x9000004B  }
0xb7: {  	_ =	sfence  }
0xb8: {  	s30 =	sld [smem:$0x0];
	_ =	sdelay $0x2  }
0xb9: {  	s31 =	sshll.u32 s1, $0xD;
	s1 =	sshrl.u32 s1, $0x2  }
0xba: {  	s3 =	sand.u32 $0x4000, s31;
	s1 =	sadd.s32 s1, s30  }
0xbb: {  	s0 =	sor.u32 s3, s0;
	s1 =	sshll.u32 s1, $0x11  }
0xbc: {  	s0 =	sor.u32 s1, s0  }
0xbd: {  	s0 =	sadd.s32 $0x8F2B, s0  }
0xbe: {  	[sflag:s0] =	ssyncadd.remote.s32 $0x1  }
0xbf: {  	_ =	sfence.sel $0xFFFF  }
0xc0: {  	[dreg:$0x0] =	wrdreg $0xFFFFFFFF;
	(pc) =	sbr.abs _section_cstart, $3  }
0xc1: {  	[dreg:$0x1] =	wrdreg $0xFFFFFFFF  }
0xc2: {  	_ =	task.clear_ibuf [dreg:s7], $0x2FFFF;
	_ =	strace $0x9FFFFFFF  }
0xc3: {  	(tm) =	ssettm $0x7FFFFFFF  }
tec
execute0_lowered:
.L_overlay_start_1:
0x0: {  	(tag) =	ssettag $0x1  }
0x1: {  	s1 =	rddreg [dreg:$0x0]  }
0x2: {  	s0 =	rddreg [dreg:$0x1]  }
0x3: {  	s3 =	rddreg [dreg:$0x2];
	s5 =	simm.s32 $0x0;
	s2 =	srdreg.scid  }
0x4: {  	s8 =	stileid.u32;
	s28 =	simm.s32 $0x32;
	s29 =	simm.s32 $0x8400  }
0x5: {  	s30 =	simm.s32 $0x1;
	s31 =	simm.s32 $0x2;
	s6 =	smul.u32 $0x280, s8  }
0x6: {  	s2 =	sand.u32 $0x1, s2;
	s4 =	sshll.u32 s8, $0x1;
	s22 =	smul.u32 $0x50000, s8  }
0x7: {  	[smem:$0x7FF] =	sst s5;
	s4 =	sor.u32 s2, s4;
	s7 =	smul.u32 $0x5000, s2  }
0x8: {  	s5 =	sadd.s32 $0x6D400, s0;
	s2 =	ssub.s32 $0x2, s2;
	s4 =	smul.u32 $0x680, s4  }
0x9: {  	_ =	strace $0x8000004A;
	s23 =	sshrl.u32 s2, $0x1;
	s6 =	sadd.s32 s6, s7  }
0xa: {  	s7 =	sshrl.u32 s22, $0x2;
	s2 =	ssub.s32 s2, s23;
	s4 =	sadd.s32 s4, s0  }
0xb: {  	s6 =	sshll.u32 s6, $0x4;
	s7 =	sadd.s32 s7, s3;
	s26 =	smax.u32 s2, $0x1  }
0xc: {  	s2 =	simm.s32 $0x6580;
	s0 =	sadd.s32 s6, s0;
	s24 =	sadd.s32 $0x60400, s4  }
0xd: {  	s4 =	sadd.s32 $0x3400, s4;
	s9 =	sadd.s32 $0x1900, s7;
	s10 =	sadd.s32 $0x3200, s7  }
0xe: {  	s11 =	sadd.s32 $0x4B00, s7;
	s12 =	sadd.s32 $0x6400, s7;
	s13 =	sadd.s32 $0x7D00, s7  }
0xf: {  	s14 =	sadd.s32 $0x9600, s7;
	s15 =	sadd.s32 $0xAF00, s7;
	s16 =	sadd.s32 $0xC800, s7  }
0x10: {  	s17 =	sadd.s32 $0xE100, s7;
	s18 =	sadd.s32 $0xFA00, s7;
	[dreg:$0x8] =	wrdreg s26  }
0x11: {  	s19 =	sadd.s32 $0x11300, s7;
	s20 =	sadd.s32 $0x12C00, s7;
	[dreg:$0x4] =	wrdreg s24  }
0x12: {  	s26 =	simm.s32 $0x6800;
	[dreg:$0x5] =	wrdreg s4;
	s25 =	sadd.s32 $0x94600, s0  }
0x13: {  	s0 =	sadd.s32 $0xBC600, s0;
	s24 =	simm.s32 $0x3;
	[dreg:$0x6] =	wrdreg s25  }
0x14: {  	v0 =	vimm.f32 $0.0e+00;
	s4 =	simm.s32 $0x0;
	[dreg:$0x7] =	wrdreg s0;
	s25 =	simm.s32 $0x3180  }
.LBB2_1:
0x15: {  	s0 =	simm.s32 $0x0;
	s6 =	rddreg [dreg:$0x4]  }
0x16: {  	[tilespmem:s0], [sflag:$0x3] =	stream.linear.gather [hbm4b:s6+s0], $0x3200, $0x38;
	[tilespmem:$0x1E000] =	vst v63  }
0x17: {  	_ =	swait.ge [sflag:s24], $0x3200  }
0x18: {  	[sflag:s24] =	ssyncset.done $0x0  }
0x19: {  	s8 =	simm.s32 $0x3400;
	s23 =	rddreg [dreg:$0x5];
	[sflag:s24] =	ssyncadd.s32 $0xFFFFCE00  }
0x1a: {  	[tilespmem:s8], [sflag:$0x3] =	stream.linear.gather [hbm4b:s23+s0], $0x3200, $0x38;
	[tilespmem:$0x1E000] =	vst v63  }
0x1b: {  	_ =	swait.ge [sflag:s24], $0x3200  }
0x1c: {  	[sflag:s24] =	ssyncset.done $0x0  }
0x1d: {  	s6 =	simm.s32 $0x0;
	s8 =	simm.s32 $0x200;
	[sflag:s24] =	ssyncadd.s32 $0xFFFFCE00  }
.LBB2_2:
0x1e: {  	p0 =	sne.s32 s8, $0x6200;
	[tilespmem:s6+$0x6870] =	vst v0  }
0x1f: {  	[tilespmem:s6+$0x6800] =	vst v0  }
0x20: {  	[tilespmem:s6+$0x6810] =	vst v0  }
.Ltmp0:
0x21: {  	[tilespmem:s6+$0x6820] =	vst v0;
	(pc) =	sbr.rel @p0 .LBB2_2-.Ltmp0, $4  }
0x22: {  	[tilespmem:s6+$0x6830] =	vst v0  }
0x23: {  	[tilespmem:s6+$0x6840] =	vst v0  }
0x24: {  	[tilespmem:s6+$0x6850] =	vst v0  }
0x25: {  	[tilespmem:s6+$0x6860] =	vst v0;
	s6 =	sshra.s32 s8, $0x2;
	s8 =	sadd.s32 $0x200, s8  }
0x26: {  	[tilespmem:s6+$0x6870] =	vst v0  }
0x27: {  	[tilespmem:s6+$0x6800] =	vst v0  }
0x28: {  	[tilespmem:s6+$0x6810] =	vst v0  }
0x29: {  	[tilespmem:s6+$0x6820] =	vst v0  }
0x2a: {  	[tilespmem:s6+$0x6830] =	vst v0  }
0x2b: {  	[tilespmem:s6+$0x6840] =	vst v0  }
0x2c: {  	[tilespmem:s6+$0x6850] =	vst v0  }
0x2d: {  	[tilespmem:s6+$0x6860] =	vst v0  }
0x2e: {  	[spmem:s7] =	stream.linear.scatter [tilespmem:s26], [sflag:$0x3], $0x1900, $0x38;
	[tilespmem:$0x1E000] =	vst v63  }
0x2f: {  	_ =	swait.ge [sflag:s24], $0x1900  }
0x30: {  	[sflag:s24] =	ssyncset.done $0x0  }
0x31: {  	[sflag:s24] =	ssyncadd.s32 $0xFFFFE700  }
0x32: {  	[spmem:s9] =	stream.linear.scatter [tilespmem:s26], [sflag:$0x3], $0x1900, $0x38;
	[tilespmem:$0x1E000] =	vst v63  }
0x33: {  	_ =	swait.ge [sflag:s24], $0x1900  }
0x34: {  	[sflag:s24] =	ssyncset.done $0x0  }
0x35: {  	[sflag:s24] =	ssyncadd.s32 $0xFFFFE700  }
0x36: {  	[spmem:s10] =	stream.linear.scatter [tilespmem:s26], [sflag:$0x3], $0x1900, $0x38;
	[tilespmem:$0x1E000] =	vst v63  }
0x37: {  	_ =	swait.ge [sflag:s24], $0x1900  }
0x38: {  	[sflag:s24] =	ssyncset.done $0x0  }
0x39: {  	[sflag:s24] =	ssyncadd.s32 $0xFFFFE700  }
0x3a: {  	[spmem:s11] =	stream.linear.scatter [tilespmem:s26], [sflag:$0x3], $0x1900, $0x38;
	[tilespmem:$0x1E000] =	vst v63  }
0x3b: {  	_ =	swait.ge [sflag:s24], $0x1900  }
0x3c: {  	[sflag:s24] =	ssyncset.done $0x0  }
0x3d: {  	[sflag:s24] =	ssyncadd.s32 $0xFFFFE700  }
0x3e: {  	[spmem:s12] =	stream.linear.scatter [tilespmem:s26], [sflag:$0x3], $0x1900, $0x38;
	[tilespmem:$0x1E000] =	vst v63  }
0x3f: {  	_ =	swait.ge [sflag:s24], $0x1900  }
0x40: {  	[sflag:s24] =	ssyncset.done $0x0  }
0x41: {  	[sflag:s24] =	ssyncadd.s32 $0xFFFFE700  }
0x42: {  	[spmem:s13] =	stream.linear.scatter [tilespmem:s26], [sflag:$0x3], $0x1900, $0x38;
	[tilespmem:$0x1E000] =	vst v63  }
0x43: {  	_ =	swait.ge [sflag:s24], $0x1900  }
0x44: {  	[sflag:s24] =	ssyncset.done $0x0  }
0x45: {  	[sflag:s24] =	ssyncadd.s32 $0xFFFFE700  }
0x46: {  	[spmem:s14] =	stream.linear.scatter [tilespmem:s26], [sflag:$0x3], $0x1900, $0x38;
	[tilespmem:$0x1E000] =	vst v63  }
0x47: {  	_ =	swait.ge [sflag:s24], $0x1900  }
0x48: {  	[sflag:s24] =	ssyncset.done $0x0  }
0x49: {  	[sflag:s24] =	ssyncadd.s32 $0xFFFFE700  }
0x4a: {  	[spmem:s15] =	stream.linear.scatter [tilespmem:s26], [sflag:$0x3], $0x1900, $0x38;
	[tilespmem:$0x1E000] =	vst v63  }
0x4b: {  	_ =	swait.ge [sflag:s24], $0x1900  }
0x4c: {  	[sflag:s24] =	ssyncset.done $0x0  }
0x4d: {  	[sflag:s24] =	ssyncadd.s32 $0xFFFFE700  }
0x4e: {  	[spmem:s16] =	stream.linear.scatter [tilespmem:s26], [sflag:$0x3], $0x1900, $0x38;
	[tilespmem:$0x1E000] =	vst v63  }
0x4f: {  	_ =	swait.ge [sflag:s24], $0x1900  }
0x50: {  	[sflag:s24] =	ssyncset.done $0x0  }
0x51: {  	[sflag:s24] =	ssyncadd.s32 $0xFFFFE700  }
0x52: {  	[spmem:s17] =	stream.linear.scatter [tilespmem:s26], [sflag:$0x3], $0x1900, $0x38;
	[tilespmem:$0x1E000] =	vst v63  }
0x53: {  	_ =	swait.ge [sflag:s24], $0x1900  }
0x54: {  	[sflag:s24] =	ssyncset.done $0x0  }
0x55: {  	[sflag:s24] =	ssyncadd.s32 $0xFFFFE700  }
0x56: {  	[spmem:s18] =	stream.linear.scatter [tilespmem:s26], [sflag:$0x3], $0x1900, $0x38;
	[tilespmem:$0x1E000] =	vst v63  }
0x57: {  	_ =	swait.ge [sflag:s24], $0x1900  }
0x58: {  	[sflag:s24] =	ssyncset.done $0x0  }
0x59: {  	[sflag:s24] =	ssyncadd.s32 $0xFFFFE700  }
0x5a: {  	[spmem:s19] =	stream.linear.scatter [tilespmem:s26], [sflag:$0x3], $0x1900, $0x38;
	[tilespmem:$0x1E000] =	vst v63  }
0x5b: {  	_ =	swait.ge [sflag:s24], $0x1900  }
0x5c: {  	[sflag:s24] =	ssyncset.done $0x0  }
0x5d: {  	[sflag:s24] =	ssyncadd.s32 $0xFFFFE700  }
0x5e: {  	[spmem:s20] =	stream.linear.scatter [tilespmem:s26], [sflag:$0x3], $0x1400, $0x38;
	[tilespmem:$0x1E000] =	vst v63  }
0x5f: {  	_ =	swait.ge [sflag:s24], $0x1400  }
0x60: {  	[sflag:s24] =	ssyncset.done $0x0  }
0x61: {  	[sflag:s24] =	ssyncadd.s32 $0xFFFFEC00  }
0x62: {  	s0 =	simm.s32 $0x0;
	[bflag:$0x0] =	sbarrier.arrive $0xFFFF  }
0x63: {  	[tilespmem:s26], [sflag:$0x1] =	stream.indirect.gather [hbm4b:s1+s28], $0x80, s0, s28, $0xb8;
	[tilespmem:$0x1E000] =	vst v63  }
0x64: {  	s8 =	simm.s32 $0x80  }
0x65: {  	[tilespmem:s29], [sflag:$0x2] =	stream.indirect.gather [hbm4b:s1+s28], $0x80, s8, s28, $0xb8;
	[tilespmem:$0x1E000] =	vst v63  }
0x66: {  	_ =	swait.ge [sflag:s30], $0x1900  }
0x67: {  	[sflag:s30] =	ssyncset.done $0x0  }
0x68: {  	s21 =	simm.s32 $0x3400;
	[sflag:s30] =	ssyncadd.s32 $0xFFFFE700  }
0x69: {  	[spmem:s3] =	stream.indirect.scatter.add.f32 [tilespmem:s26], [sflag:$0x3], $0x80, s21, s28, $0xb8;
	[tilespmem:$0x1E000] =	vst v63  }
0x6a: {  	_ =	swait.ge [sflag:s24], $0x1900  }
0x6b: {  	[sflag:s24] =	ssyncset.done $0x0  }
0x6c: {  	s22 =	simm.s32 $0x100;
	[sflag:s24] =	ssyncadd.s32 $0xFFFFE700  }
0x6d: {  	[tilespmem:s26], [sflag:$0x1] =	stream.indirect.gather [hbm4b:s1+s28], $0x80, s22, s28, $0xb8;
	[tilespmem:$0x1E000] =	vst v63  }
0x6e: {  	_ =	swait.ge [sflag:s31], $0x1900  }
0x6f: {  	[sflag:s31] =	ssyncset.done $0x0  }
0x70: {  	s23 =	simm.s32 $0x3480;
	[sflag:s31] =	ssyncadd.s32 $0xFFFFE700  }
0x71: {  	[spmem:s3] =	stream.indirect.scatter.add.f32 [tilespmem:s29], [sflag:$0x3], $0x80, s23, s28, $0xb8;
	[tilespmem:$0x1E000] =	vst v63  }
0x72: {  	_ =	swait.ge [sflag:s24], $0x1900  }
0x73: {  	s6 =	simm.s32 $0x100;
	s8 =	simm.s32 $0x800;
	[sflag:s24] =	ssyncset.done $0x0  }
.LBB2_4:
0x74: {  	s21 =	sadd.s32 $0x80, s6  }
0x75: {  	[sflag:s24] =	ssyncadd.s32 $0xFFFFE700;
	s22 =	smov.u32 s8;
	s23 =	sadd.s32 $0x400, s8  }
0x76: {  	[tilespmem:s29], [sflag:$0x2] =	stream.indirect.gather [hbm4b:s1+s28], $0x80, s21, s28, $0xb8;
	[tilespmem:$0x1E000] =	vst v63  }
0x77: {  	p0 =	sne.s32 s8, $0xC000;
	_ =	swait.ge [sflag:s30], $0x1900  }
0x78: {  	[sflag:s30] =	ssyncset.done $0x0  }
0x79: {  	s8 =	sadd.s32 $0x3400, s6;
	[sflag:s30] =	ssyncadd.s32 $0xFFFFE700  }
0x7a: {  	[spmem:s3] =	stream.indirect.scatter.add.f32 [tilespmem:s26], [sflag:$0x3], $0x80, s8, s28, $0xb8;
	[tilespmem:$0x1E000] =	vst v63  }
0x7b: {  	_ =	swait.ge [sflag:s24], $0x1900  }
0x7c: {  	[sflag:s24] =	ssyncset.done $0x0  }
0x7d: {  	s8 =	sadd.s32 $0x100, s6;
	[sflag:s24] =	ssyncadd.s32 $0xFFFFE700  }
0x7e: {  	[tilespmem:s26], [sflag:$0x1] =	stream.indirect.gather [hbm4b:s1+s28], $0x80, s8, s28, $0xb8;
	[tilespmem:$0x1E000] =	vst v63  }
0x7f: {  	_ =	swait.ge [sflag:s31], $0x1900  }
.Ltmp1:
0x80: {  	[sflag:s31] =	ssyncset.done $0x0;
	(pc) =	sbr.rel @p0 .LBB2_4-.Ltmp1, $4  }
0x81: {  	s6 =	sadd.s32 $0x3480, s6;
	[sflag:s31] =	ssyncadd.s32 $0xFFFFE700  }
0x82: {  	[spmem:s3] =	stream.indirect.scatter.add.f32 [tilespmem:s29], [sflag:$0x3], $0x80, s6, s28, $0xb8;
	[tilespmem:$0x1E000] =	vst v63  }
0x83: {  	_ =	swait.ge [sflag:s24], $0x1900  }
0x84: {  	s8 =	smov.u32 s23;
	s6 =	sshra.s32 s22, $0x2;
	[sflag:s24] =	ssyncset.done $0x0  }
0x85: {  	s8 =	sadd.s32 $0x80, s6;
	[sflag:s24] =	ssyncadd.s32 $0xFFFFE700  }
0x86: {  	[tilespmem:s29], [sflag:$0x2] =	stream.indirect.gather [hbm4b:s1+s28], $0x80, s8, s28, $0xb8;
	[tilespmem:$0x1E000] =	vst v63  }
0x87: {  	_ =	swait.ge [sflag:s30], $0x1900  }
0x88: {  	[sflag:s30] =	ssyncset.done $0x0  }
0x89: {  	s23 =	sadd.s32 $0x3400, s6;
	[sflag:s30] =	ssyncadd.s32 $0xFFFFE700  }
0x8a: {  	[spmem:s3] =	stream.indirect.scatter.add.f32 [tilespmem:s26], [sflag:$0x3], $0x80, s23, s28, $0xb8;
	[tilespmem:$0x1E000] =	vst v63  }
0x8b: {  	_ =	swait.ge [sflag:s24], $0x1900  }
0x8c: {  	[sflag:s24] =	ssyncset.done $0x0  }
0x8d: {  	s0 =	sadd.s32 $0x100, s6;
	[sflag:s24] =	ssyncadd.s32 $0xFFFFE700  }
0x8e: {  	[tilespmem:s26], [sflag:$0x1] =	stream.indirect.gather [hbm4b:s1+s28], $0x80, s0, s28, $0xb8;
	[tilespmem:$0x1E000] =	vst v63  }
0x8f: {  	_ =	swait.ge [sflag:s31], $0x1900  }
0x90: {  	[sflag:s31] =	ssyncset.done $0x0  }
0x91: {  	s21 =	sadd.s32 $0x3480, s6;
	[sflag:s31] =	ssyncadd.s32 $0xFFFFE700  }
0x92: {  	[spmem:s3] =	stream.indirect.scatter.add.f32 [tilespmem:s29], [sflag:$0x3], $0x80, s21, s28, $0xb8;
	[tilespmem:$0x1E000] =	vst v63  }
0x93: {  	_ =	swait.ge [sflag:s24], $0x1900  }
0x94: {  	[sflag:s24] =	ssyncset.done $0x0  }
0x95: {  	[sflag:s24] =	ssyncadd.s32 $0xFFFFE700  }
0x96: {  	[tilespmem:s29], [sflag:$0x2] =	stream.indirect.gather [hbm4b:s1+s28], $0x80, s25, s28, $0xb8;
	[tilespmem:$0x1E000] =	vst v63  }
0x97: {  	_ =	swait.ge [sflag:s30], $0x1900  }
0x98: {  	[sflag:s30] =	ssyncset.done $0x0  }
0x99: {  	s0 =	simm.s32 $0x6500;
	[sflag:s30] =	ssyncadd.s32 $0xFFFFE700  }
0x9a: {  	[spmem:s3] =	stream.indirect.scatter.add.f32 [tilespmem:s26], [sflag:$0x3], $0x80, s0, s28, $0xb8;
	[tilespmem:$0x1E000] =	vst v63  }
0x9b: {  	_ =	swait.ge [sflag:s24], $0x1900  }
0x9c: {  	[sflag:s24] =	ssyncset.done $0x0  }
0x9d: {  	[sflag:s24] =	ssyncadd.s32 $0xFFFFE700  }
0x9e: {  	_ =	swait.ge [sflag:s31], $0x1900  }
0x9f: {  	[sflag:s31] =	ssyncset.done $0x0  }
0xa0: {  	[sflag:s31] =	ssyncadd.s32 $0xFFFFE700  }
0xa1: {  	[spmem:s3] =	stream.indirect.scatter.add.f32 [tilespmem:s29], [sflag:$0x3], $0x80, s2, s28, $0xb8;
	[tilespmem:$0x1E000] =	vst v63  }
0xa2: {  	_ =	swait.ge [sflag:s24], $0x1900  }
0xa3: {  	[sflag:s24] =	ssyncset.done $0x0  }
0xa4: {  	s22 =	stileid.u32;
	[sflag:s24] =	ssyncadd.s32 $0xFFFFE700  }
0xa5: {  	s23 =	sshll.u32 s22, $0x6;
	[bflag:$0x0] =	sbarrier.arrive $0xFFFF  }
0xa6: {  	s8 =	sshrl.u32 s7, $0x3;
	s6 =	sor.u32 $0x1C03, s23;
	s25 =	rddreg [dreg:$0x6]  }
0xa7: {  	[hbm:s25], [sflag:s6] =	dma.local [spmem:s8], $0x2800  }
0xa8: {  	_ =	swait.ge [sflag:s24], $0x2800  }
0xa9: {  	[sflag:s24] =	ssyncset.done $0x0  }
0xaa: {  	s22 =	simm.s32 $0x200;
	s21 =	simm.s32 $0x0;
	[sflag:s24] =	ssyncadd.s32 $0xFFFFD800  }
.LBB2_6:
0xab: {  	p0 =	sne.s32 s22, $0x6200;
	[tilespmem:s21+$0x6870] =	vst v0  }
0xac: {  	[tilespmem:s21+$0x6800] =	vst v0  }
0xad: {  	[tilespmem:s21+$0x6810] =	vst v0  }
.Ltmp2:
0xae: {  	[tilespmem:s21+$0x6820] =	vst v0;
	(pc) =	sbr.rel @p0 .LBB2_6-.Ltmp2, $4  }
0xaf: {  	[tilespmem:s21+$0x6830] =	vst v0  }
0xb0: {  	[tilespmem:s21+$0x6840] =	vst v0  }
0xb1: {  	[tilespmem:s21+$0x6850] =	vst v0  }
0xb2: {  	[tilespmem:s21+$0x6860] =	vst v0;
	s21 =	sshra.s32 s22, $0x2;
	s22 =	sadd.s32 $0x200, s22  }
0xb3: {  	[tilespmem:s21+$0x6870] =	vst v0  }
0xb4: {  	[tilespmem:s21+$0x6800] =	vst v0  }
0xb5: {  	[tilespmem:s21+$0x6810] =	vst v0  }
0xb6: {  	[tilespmem:s21+$0x6820] =	vst v0  }
0xb7: {  	[tilespmem:s21+$0x6830] =	vst v0  }
0xb8: {  	[tilespmem:s21+$0x6840] =	vst v0  }
0xb9: {  	[tilespmem:s21+$0x6850] =	vst v0  }
0xba: {  	[tilespmem:s21+$0x6860] =	vst v0  }
0xbb: {  	[spmem:s7] =	stream.linear.scatter [tilespmem:s26], [sflag:$0x3], $0x1900, $0x38;
	[tilespmem:$0x1E000] =	vst v63  }
0xbc: {  	_ =	swait.ge [sflag:s24], $0x1900  }
0xbd: {  	[sflag:s24] =	ssyncset.done $0x0  }
0xbe: {  	[sflag:s24] =	ssyncadd.s32 $0xFFFFE700  }
0xbf: {  	[spmem:s9] =	stream.linear.scatter [tilespmem:s26], [sflag:$0x3], $0x1900, $0x38;
	[tilespmem:$0x1E000] =	vst v63  }
0xc0: {  	_ =	swait.ge [sflag:s24], $0x1900  }
0xc1: {  	[sflag:s24] =	ssyncset.done $0x0  }
0xc2: {  	[sflag:s24] =	ssyncadd.s32 $0xFFFFE700  }
0xc3: {  	[spmem:s10] =	stream.linear.scatter [tilespmem:s26], [sflag:$0x3], $0x1900, $0x38;
	[tilespmem:$0x1E000] =	vst v63  }
0xc4: {  	_ =	swait.ge [sflag:s24], $0x1900  }
0xc5: {  	[sflag:s24] =	ssyncset.done $0x0  }
0xc6: {  	[sflag:s24] =	ssyncadd.s32 $0xFFFFE700  }
0xc7: {  	[spmem:s11] =	stream.linear.scatter [tilespmem:s26], [sflag:$0x3], $0x1900, $0x38;
	[tilespmem:$0x1E000] =	vst v63  }
0xc8: {  	_ =	swait.ge [sflag:s24], $0x1900  }
0xc9: {  	[sflag:s24] =	ssyncset.done $0x0  }
0xca: {  	[sflag:s24] =	ssyncadd.s32 $0xFFFFE700  }
0xcb: {  	[spmem:s12] =	stream.linear.scatter [tilespmem:s26], [sflag:$0x3], $0x1900, $0x38;
	[tilespmem:$0x1E000] =	vst v63  }
0xcc: {  	_ =	swait.ge [sflag:s24], $0x1900  }
0xcd: {  	[sflag:s24] =	ssyncset.done $0x0  }
0xce: {  	[sflag:s24] =	ssyncadd.s32 $0xFFFFE700  }
0xcf: {  	[spmem:s13] =	stream.linear.scatter [tilespmem:s26], [sflag:$0x3], $0x1900, $0x38;
	[tilespmem:$0x1E000] =	vst v63  }
0xd0: {  	_ =	swait.ge [sflag:s24], $0x1900  }
0xd1: {  	[sflag:s24] =	ssyncset.done $0x0  }
0xd2: {  	[sflag:s24] =	ssyncadd.s32 $0xFFFFE700  }
0xd3: {  	[spmem:s14] =	stream.linear.scatter [tilespmem:s26], [sflag:$0x3], $0x1900, $0x38;
	[tilespmem:$0x1E000] =	vst v63  }
0xd4: {  	_ =	swait.ge [sflag:s24], $0x1900  }
0xd5: {  	[sflag:s24] =	ssyncset.done $0x0  }
0xd6: {  	[sflag:s24] =	ssyncadd.s32 $0xFFFFE700  }
0xd7: {  	[spmem:s15] =	stream.linear.scatter [tilespmem:s26], [sflag:$0x3], $0x1900, $0x38;
	[tilespmem:$0x1E000] =	vst v63  }
0xd8: {  	_ =	swait.ge [sflag:s24], $0x1900  }
0xd9: {  	[sflag:s24] =	ssyncset.done $0x0  }
0xda: {  	[sflag:s24] =	ssyncadd.s32 $0xFFFFE700  }
0xdb: {  	[spmem:s16] =	stream.linear.scatter [tilespmem:s26], [sflag:$0x3], $0x1900, $0x38;
	[tilespmem:$0x1E000] =	vst v63  }
0xdc: {  	_ =	swait.ge [sflag:s24], $0x1900  }
0xdd: {  	[sflag:s24] =	ssyncset.done $0x0  }
0xde: {  	[sflag:s24] =	ssyncadd.s32 $0xFFFFE700  }
0xdf: {  	[spmem:s17] =	stream.linear.scatter [tilespmem:s26], [sflag:$0x3], $0x1900, $0x38;
	[tilespmem:$0x1E000] =	vst v63  }
0xe0: {  	_ =	swait.ge [sflag:s24], $0x1900  }
0xe1: {  	[sflag:s24] =	ssyncset.done $0x0  }
0xe2: {  	[sflag:s24] =	ssyncadd.s32 $0xFFFFE700  }
0xe3: {  	[spmem:s18] =	stream.linear.scatter [tilespmem:s26], [sflag:$0x3], $0x1900, $0x38;
	[tilespmem:$0x1E000] =	vst v63  }
0xe4: {  	_ =	swait.ge [sflag:s24], $0x1900  }
0xe5: {  	[sflag:s24] =	ssyncset.done $0x0  }
0xe6: {  	[sflag:s24] =	ssyncadd.s32 $0xFFFFE700  }
0xe7: {  	[spmem:s19] =	stream.linear.scatter [tilespmem:s26], [sflag:$0x3], $0x1900, $0x38;
	[tilespmem:$0x1E000] =	vst v63  }
0xe8: {  	_ =	swait.ge [sflag:s24], $0x1900  }
0xe9: {  	[sflag:s24] =	ssyncset.done $0x0  }
0xea: {  	[sflag:s24] =	ssyncadd.s32 $0xFFFFE700  }
0xeb: {  	[spmem:s20] =	stream.linear.scatter [tilespmem:s26], [sflag:$0x3], $0x1400, $0x38;
	[tilespmem:$0x1E000] =	vst v63  }
0xec: {  	_ =	swait.ge [sflag:s24], $0x1400  }
0xed: {  	[sflag:s24] =	ssyncset.done $0x0  }
0xee: {  	[sflag:s24] =	ssyncadd.s32 $0xFFFFEC00  }
0xef: {  	s25 =	simm.s32 $0x0;
	[bflag:$0x0] =	sbarrier.arrive $0xFFFF  }
0xf0: {  	[tilespmem:s26], [sflag:$0x1] =	stream.indirect.gather [hbm4b:s5+s28], $0x80, s25, s28, $0xb8;
	[tilespmem:$0x1E000] =	vst v63  }
0xf1: {  	s0 =	simm.s32 $0x80  }
0xf2: {  	[tilespmem:s29], [sflag:$0x2] =	stream.indirect.gather [hbm4b:s5+s28], $0x80, s0, s28, $0xb8;
	[tilespmem:$0x1E000] =	vst v63  }
0xf3: {  	_ =	swait.ge [sflag:s30], $0x1900  }
0xf4: {  	[sflag:s30] =	ssyncset.done $0x0  }
0xf5: {  	s22 =	simm.s32 $0x3400;
	[sflag:s30] =	ssyncadd.s32 $0xFFFFE700  }
0xf6: {  	[spmem:s3] =	stream.indirect.scatter.add.f32 [tilespmem:s26], [sflag:$0x3], $0x80, s22, s28, $0xb8;
	[tilespmem:$0x1E000] =	vst v63  }
0xf7: {  	_ =	swait.ge [sflag:s24], $0x1900  }
0xf8: {  	[sflag:s24] =	ssyncset.done $0x0  }
0xf9: {  	s23 =	simm.s32 $0x100;
	[sflag:s24] =	ssyncadd.s32 $0xFFFFE700  }
0xfa: {  	[tilespmem:s26], [sflag:$0x1] =	stream.indirect.gather [hbm4b:s5+s28], $0x80, s23, s28, $0xb8;
	[tilespmem:$0x1E000] =	vst v63  }
0xfb: {  	_ =	swait.ge [sflag:s31], $0x1900  }
0xfc: {  	[sflag:s31] =	ssyncset.done $0x0  }
0xfd: {  	s25 =	simm.s32 $0x3480;
	[sflag:s31] =	ssyncadd.s32 $0xFFFFE700  }
0xfe: {  	[spmem:s3] =	stream.indirect.scatter.add.f32 [tilespmem:s29], [sflag:$0x3], $0x80, s25, s28, $0xb8;
	[tilespmem:$0x1E000] =	vst v63  }
0xff: {  	_ =	swait.ge [sflag:s24], $0x1900  }
0x100: {  	s21 =	simm.s32 $0x100;
	s22 =	simm.s32 $0x800;
	[sflag:s24] =	ssyncset.done $0x0  }
.LBB2_8:
0x101: {  	s23 =	sadd.s32 $0x80, s21  }
0x102: {  	[sflag:s24] =	ssyncadd.s32 $0xFFFFE700;
	s0 =	smov.u32 s22;
	s25 =	sadd.s32 $0x400, s22  }
0x103: {  	[tilespmem:s29], [sflag:$0x2] =	stream.indirect.gather [hbm4b:s5+s28], $0x80, s23, s28, $0xb8;
	[tilespmem:$0x1E000] =	vst v63  }
0x104: {  	p0 =	sne.s32 s22, $0xC000;
	_ =	swait.ge [sflag:s30], $0x1900  }
0x105: {  	[sflag:s30] =	ssyncset.done $0x0  }
0x106: {  	s22 =	sadd.s32 $0x3400, s21;
	[sflag:s30] =	ssyncadd.s32 $0xFFFFE700  }
0x107: {  	[spmem:s3] =	stream.indirect.scatter.add.f32 [tilespmem:s26], [sflag:$0x3], $0x80, s22, s28, $0xb8;
	[tilespmem:$0x1E000] =	vst v63  }
0x108: {  	_ =	swait.ge [sflag:s24], $0x1900  }
0x109: {  	[sflag:s24] =	ssyncset.done $0x0  }
0x10a: {  	s22 =	sadd.s32 $0x100, s21;
	[sflag:s24] =	ssyncadd.s32 $0xFFFFE700  }
0x10b: {  	[tilespmem:s26], [sflag:$0x1] =	stream.indirect.gather [hbm4b:s5+s28], $0x80, s22, s28, $0xb8;
	[tilespmem:$0x1E000] =	vst v63  }
0x10c: {  	_ =	swait.ge [sflag:s31], $0x1900  }
.Ltmp3:
0x10d: {  	[sflag:s31] =	ssyncset.done $0x0;
	(pc) =	sbr.rel @p0 .LBB2_8-.Ltmp3, $4  }
0x10e: {  	s21 =	sadd.s32 $0x3480, s21;
	[sflag:s31] =	ssyncadd.s32 $0xFFFFE700  }
0x10f: {  	[spmem:s3] =	stream.indirect.scatter.add.f32 [tilespmem:s29], [sflag:$0x3], $0x80, s21, s28, $0xb8;
	[tilespmem:$0x1E000] =	vst v63  }
0x110: {  	_ =	swait.ge [sflag:s24], $0x1900  }
0x111: {  	s22 =	smov.u32 s25;
	s21 =	sshra.s32 s0, $0x2;
	[sflag:s24] =	ssyncset.done $0x0  }
0x112: {  	s0 =	sadd.s32 $0x80, s21;
	[sflag:s24] =	ssyncadd.s32 $0xFFFFE700  }
0x113: {  	[tilespmem:s29], [sflag:$0x2] =	stream.indirect.gather [hbm4b:s5+s28], $0x80, s0, s28, $0xb8;
	[tilespmem:$0x1E000] =	vst v63  }
0x114: {  	_ =	swait.ge [sflag:s30], $0x1900  }
0x115: {  	[sflag:s30] =	ssyncset.done $0x0  }
0x116: {  	s22 =	sadd.s32 $0x3400, s21;
	[sflag:s30] =	ssyncadd.s32 $0xFFFFE700  }
0x117: {  	[spmem:s3] =	stream.indirect.scatter.add.f32 [tilespmem:s26], [sflag:$0x3], $0x80, s22, s28, $0xb8;
	[tilespmem:$0x1E000] =	vst v63  }
0x118: {  	_ =	swait.ge [sflag:s24], $0x1900  }
0x119: {  	[sflag:s24] =	ssyncset.done $0x0  }
0x11a: {  	s23 =	sadd.s32 $0x100, s21;
	[sflag:s24] =	ssyncadd.s32 $0xFFFFE700  }
0x11b: {  	[tilespmem:s26], [sflag:$0x1] =	stream.indirect.gather [hbm4b:s5+s28], $0x80, s23, s28, $0xb8;
	[tilespmem:$0x1E000] =	vst v63  }
0x11c: {  	_ =	swait.ge [sflag:s31], $0x1900  }
0x11d: {  	[sflag:s31] =	ssyncset.done $0x0  }
0x11e: {  	s25 =	sadd.s32 $0x3480, s21;
	[sflag:s31] =	ssyncadd.s32 $0xFFFFE700  }
0x11f: {  	[spmem:s3] =	stream.indirect.scatter.add.f32 [tilespmem:s29], [sflag:$0x3], $0x80, s25, s28, $0xb8;
	[tilespmem:$0x1E000] =	vst v63  }
0x120: {  	_ =	swait.ge [sflag:s24], $0x1900  }
0x121: {  	[sflag:s24] =	ssyncset.done $0x0  }
0x122: {  	s25 =	simm.s32 $0x3180;
	[sflag:s24] =	ssyncadd.s32 $0xFFFFE700  }
0x123: {  	[tilespmem:s29], [sflag:$0x2] =	stream.indirect.gather [hbm4b:s5+s28], $0x80, s25, s28, $0xb8;
	[tilespmem:$0x1E000] =	vst v63  }
0x124: {  	_ =	swait.ge [sflag:s30], $0x1900  }
0x125: {  	[sflag:s30] =	ssyncset.done $0x0  }
0x126: {  	s21 =	simm.s32 $0x6500;
	[sflag:s30] =	ssyncadd.s32 $0xFFFFE700  }
0x127: {  	[spmem:s3] =	stream.indirect.scatter.add.f32 [tilespmem:s26], [sflag:$0x3], $0x80, s21, s28, $0xb8;
	[tilespmem:$0x1E000] =	vst v63  }
0x128: {  	_ =	swait.ge [sflag:s24], $0x1900  }
0x129: {  	[sflag:s24] =	ssyncset.done $0x0  }
0x12a: {  	[sflag:s24] =	ssyncadd.s32 $0xFFFFE700  }
0x12b: {  	_ =	swait.ge [sflag:s31], $0x1900  }
0x12c: {  	[sflag:s31] =	ssyncset.done $0x0  }
0x12d: {  	[sflag:s31] =	ssyncadd.s32 $0xFFFFE700  }
0x12e: {  	[spmem:s3] =	stream.indirect.scatter.add.f32 [tilespmem:s29], [sflag:$0x3], $0x80, s2, s28, $0xb8;
	[tilespmem:$0x1E000] =	vst v63  }
0x12f: {  	_ =	swait.ge [sflag:s24], $0x1900  }
0x130: {  	[sflag:s24] =	ssyncset.done $0x0  }
0x131: {  	[sflag:s24] =	ssyncadd.s32 $0xFFFFE700  }
0x132: {  	[bflag:$0x0] =	sbarrier.arrive $0xFFFF  }
0x133: {  	s22 =	rddreg [dreg:$0x7]  }
0x134: {  	[hbm:s22], [sflag:s6] =	dma.local [spmem:s8], $0x2800  }
0x135: {  	_ =	swait.ge [sflag:s24], $0x2800  }
0x136: {  	s4 =	sadd.s32 $0x1, s4;
	s23 =	rddreg [dreg:$0x8]  }
0x137: {  	p0 =	sne.s32 s4, s23  }
.Ltmp4:
0x138: {  	_ = 	snop;
	(pc) =	sbr.rel @p0 .LBB2_1-.Ltmp4, $3  }
0x139: {  	_ =	sdelay $0x1  }
0x13a: {  	[sflag:s24] =	ssyncset.done $0x0  }
0x13b: {  	[sflag:s24] =	ssyncadd.s32 $0xFFFFD800  }
0x13c: {  	_ =	sfence.sel $0x180000  }
0x13d: {  	[bflag:$0x0] =	sbarrier.arrive $0xFFFF  }
0x13e: {  	_ =	strace $0x9000004A  }
0x13f: {  	s0 =	stileid.u32;
	[bflag:$0x2] =	sbarrier.arrive $0xFFFF  }
0x140: {  	p0 =	sne.s32 s0, $0x0;
	s0 =	rddreg [dreg:$0x3]  }
0x141: {  	s0 =	sadd.s32 @!p0 $0x100000, s0  }
0x142: {  	[sflag:s0] =	ssyncadd.tile.s32 @!p0 $0x1;
	_ =	shalt  }
.Lfunc_end2:
_tile_overlayer_lowered:
.L_overlay_start_2:
0x143: {  	(tag) =	ssettag $0x2  }
0x144: {  	s0 =	rddreg [dreg:$0x0];
	s2 =	stileid.u32  }
0x145: {  	s1 =	rddreg [dreg:$0x1];
	p0 =	sne.s32 s2, $0x0  }
0x146: {  	s3 =	rddreg [dreg:$0x2];
	[bflag:$0x3] =	sbarrier.arrive $0xFFFF;
	s2 =	simm.s32 @!p0 $0x1C03  }
0x147: {  	[timem:s3], [sflag:s2] =	dma.local @!p0 [hbm:s0], s1  }
0x148: {  	s0 =	simm.s32 @!p0 $0x3  }
0x149: {  	_ =	swait.ge @!p0 [sflag:s0], s1  }
0x14a: {  	s1 =	ssub.s32 @!p0 $0x0, s1;
	[sflag:s0] =	ssyncset.done @!p0 $0x0  }
0x14b: {  	[sflag:s0] =	ssyncadd.s32 @!p0 s1  }
0x14c: {  	[bflag:$0x3] =	sbarrier.arrive $0xFFFF  }
0x14d: {  	_ =	shalt  }

// kernel: kernel.14.cloned.1.call-start
scs
__scs_entry_jumppad:
0x0: {  	(pc) =	sbr.rel $0x88, $3  }
0x1: {  	(tag) =	ssettag $0x0;
	lr =	simm.s32 $0x1  }
0x2: {  	[smem:$0x3F99] =	sst lr;
	_ =	strace $0xD0000000  }
0x3: {  	_ = 	snop  }
0x4: {  	_ = 	snop  }
0x5: {  	_ = 	snop  }
0x6: {  	_ = 	snop  }
0x7: {  	_ = 	snop  }
__scs_overlays_trampoline_lowered:
0x8: {  	[smem:$0x3FA8] =	sst s0  }
0x9: {  	[smem:$0x3FA9] =	sst s1  }
0xa: {  	[smem:$0x3FAA] =	sst s2  }
0xb: {  	[smem:$0x3FAB] =	sst s3  }
0xc: {  	[smem:$0x3FAC] =	sst s4  }
0xd: {  	[smem:$0x3FAD] =	sst s5  }
0xe: {  	[smem:$0x3FAE] =	sst s6  }
0xf: {  	[smem:$0x3FAF] =	sst s7  }
0x10: {  	[smem:$0x3FB0] =	sst s8  }
0x11: {  	[smem:$0x3FB1] =	sst s9;
	s0 =	simm.s32 @!p0 $0x0  }
0x12: {  	s1 =	sld [smem:$0x3F97];
	s0 =	simm.s32 @p0 $0x1  }
0x13: {  	[smem:$0x3FB2] =	sst s0;
	s0 =	simm.s32 @!p1 $0x0  }
0x14: {  	s2 =	sld [smem:$0x3F96];
	s0 =	simm.s32 @p1 $0x1  }
0x15: {  	[smem:$0x3FB3] =	sst s0;
	s0 =	simm.s32 @!p2 $0x0  }
0x16: {  	s3 =	sld [smem:$0x3FDB];
	s0 =	simm.s32 @p2 $0x1  }
0x17: {  	s4 =	simm.s32 $0x1BF5;
	[smem:$0x3FB5] =	sst s0  }
0x18: {  	s0 =	sld [smem:$0x3F98];
	_ =	swait.ge [sflag:s4], $0x0  }
0x19: {  	s7 =	sld [smem:$0x3F99]  }
0x1a: {  	s8 =	sadd.s32 $0xFFFFE003, lr  }
0x1b: {  	s9 =	sadd.s32 $0xFFFFFEF7, lr;
	s5 =	simm.s32 $0xFFFFFFFF;
	p2 =	slt.u32 s8, $0xFFFFF086  }
0x1c: {  	p1 =	slt.u32 s9, $0xF7A;
	s5 =	simm.s32 @!p2 $0x0  }
0x1d: {  	s5 =	simm.s32 @p1 $0x1;
	p0 =	seq.s32 s7, s2  }
0x1e: {  	s7 =	smul.u32 @!p0 $0xF7A, s2;
	p2 =	seq.s32 @!p0 s5, $0x0  }
0x1f: {  	s9 =	smul.u32 $0xF7A, s1;
	s8 =	simm.s32 @!p0 $0x1BF5;
	p2 =	por !p2, p0  }
0x20: {  	[sflag:s8] =	ssyncset.s32 @!p0 $0xFFFFF086;
	s6 =	sadd.s32 @!p0 s3, s7;
	s7 =	simm.s32 @!p0 $0x108  }
0x21: {  	s3 =	sadd.s32 s3, s9;
	s6 =	sadd.s32 @!p0 $0x88, s6;
	s7 =	simm.s32 @p2 $0x1082  }
0x22: {  	[simem:s7], [sflag:s8] =	dma.local @!p0 [hbm:s6], $0xF7A  }
0x23: {  	s9 =	sor.u32 $0xD0000000, s2;
	s6 =	simm.s32 $0x108;
	_ =	swait.ge @!p0 [sflag:s8], $0x0  }
0x24: {  	s3 =	sadd.s32 $0x88, s3;
	s6 =	simm.s32 @!p1 $0x1082;
	[sflag:s4] =	ssyncset.s32 $0xFFFFF086  }
0x25: {  	[simem:s6], [sflag:s4] =	dma.local [hbm:s3], $0xF7A  }
0x26: {  	[smem:$0x3F99] =	sst s1;
	(tag) =	ssettag s2;
	_ =	strace s9  }
0x27: {  	s1 =	sld [smem:$0x3FA9]  }
0x28: {  	s2 =	sld [smem:$0x3FAA]  }
0x29: {  	s4 =	sld [smem:$0x3FAC]  }
0x2a: {  	p0 =	seq.s32 s5, $0x0;
	s5 =	sld [smem:$0x3FAD]  }
0x2b: {  	s6 =	sld [smem:$0x3FAE]  }
0x2c: {  	s7 =	sld [smem:$0x3FAF]  }
0x2d: {  	s3 =	simm.s32 $0x108;
	s8 =	sld [smem:$0x3FB0]  }
0x2e: {  	s3 =	simm.s32 @!p0 $0x1082;
	s9 =	sld [smem:$0x3FB1]  }
0x2f: {  	lr =	sadd.s32 s0, s3;
	s0 =	sld [smem:$0x3FA8]  }
0x30: {  	s3 =	sld [smem:$0x3FAB]  }
0x31: {  	[smem:$0x3FB4] =	sst s10  }
0x32: {  	s10 =	sld [smem:$0x3FB2];
	_ =	sdelay $0x3  }
0x33: {  	p0 =	seq.s32 s10, $0x1;
	s10 =	sld [smem:$0x3FB4];
	_ =	sdelay $0x3  }
0x34: {  	[smem:$0x3FB4] =	sst s10  }
0x35: {  	s10 =	sld [smem:$0x3FB3];
	_ =	sdelay $0x3  }
0x36: {  	p1 =	seq.s32 s10, $0x1;
	s10 =	sld [smem:$0x3FB4];
	_ =	sdelay $0x3  }
0x37: {  	[smem:$0x3FB4] =	sst s10  }
0x38: {  	s10 =	sld [smem:$0x3FB5]  }
0x39: {  	_ = 	snop;
	(pc) =	sbr.ind lr, $3  }
0x3a: {  	_ = 	snop  }
0x3b: {  	_ = 	snop  }
0x3c: {  	p2 =	seq.s32 s10, $0x1;
	s10 =	sld [smem:$0x3FB4]  }
0x3d: {  	_ =	shalt  }
0x3e: {  	_ =	shalt  }
0x3f: {  	_ =	shalt  }
0x40: {  	_ =	shalt  }
0x41: {  	_ =	shalt  }
0x42: {  	_ =	shalt  }
0x43: {  	_ =	shalt  }
0x44: {  	_ =	shalt  }
0x45: {  	_ =	shalt  }
0x46: {  	_ =	shalt  }
0x47: {  	_ =	shalt  }
0x48: {  	_ =	shalt  }
0x49: {  	_ =	shalt  }
0x4a: {  	_ =	shalt  }
0x4b: {  	_ =	shalt  }
0x4c: {  	_ =	shalt  }
0x4d: {  	_ =	shalt  }
0x4e: {  	_ =	shalt  }
0x4f: {  	_ =	shalt  }
0x50: {  	_ =	shalt  }
0x51: {  	_ =	shalt  }
0x52: {  	_ =	shalt  }
0x53: {  	_ =	shalt  }
0x54: {  	_ =	shalt  }
0x55: {  	_ =	shalt  }
0x56: {  	_ =	shalt  }
0x57: {  	_ =	shalt  }
0x58: {  	_ =	shalt  }
0x59: {  	_ =	shalt  }
0x5a: {  	_ =	shalt  }
0x5b: {  	_ =	shalt  }
0x5c: {  	_ =	shalt  }
0x5d: {  	_ =	shalt  }
0x5e: {  	_ =	shalt  }
0x5f: {  	_ =	shalt  }
0x60: {  	_ =	shalt  }
0x61: {  	_ =	shalt  }
0x62: {  	_ =	shalt  }
0x63: {  	_ =	shalt  }
0x64: {  	_ =	shalt  }
0x65: {  	_ =	shalt  }
0x66: {  	_ =	shalt  }
0x67: {  	_ =	shalt  }
0x68: {  	_ =	shalt  }
0x69: {  	_ =	shalt  }
0x6a: {  	_ =	shalt  }
0x6b: {  	_ =	shalt  }
0x6c: {  	_ =	shalt  }
0x6d: {  	_ =	shalt  }
0x6e: {  	_ =	shalt  }
0x6f: {  	_ =	shalt  }
0x70: {  	_ =	shalt  }
0x71: {  	_ =	shalt  }
0x72: {  	_ =	shalt  }
0x73: {  	_ =	shalt  }
0x74: {  	_ =	shalt  }
0x75: {  	_ =	shalt  }
0x76: {  	_ =	shalt  }
0x77: {  	_ =	shalt  }
0x78: {  	_ =	shalt  }
0x79: {  	_ =	shalt  }
0x7a: {  	_ =	shalt  }
0x7b: {  	_ =	shalt  }
0x7c: {  	_ =	shalt  }
0x7d: {  	_ =	shalt  }
0x7e: {  	_ =	shalt  }
0x7f: {  	_ =	shalt  }
0x80: {  	_ =	shalt  }
0x81: {  	_ =	shalt  }
0x82: {  	_ =	shalt  }
0x83: {  	_ =	shalt  }
0x84: {  	_ =	shalt  }
0x85: {  	_ =	shalt  }
0x86: {  	_ =	shalt  }
0x87: {  	_ =	shalt  }
.Lfunc_end0:
.L_simem_size_0:
called_computation.2_lowered:
.L_overlay_start_0:
0x88: {  	s2 =	sld [smem:$0x3FD9]  }
0x89: {  	s3 =	sld [smem:$0x3FFE];
	_ =	sdelay $0x1  }
0x8a: {  	s1 =	srdreg.scid  }
0x8b: {  	s0 =	sand.u32 $0x1, s1  }
0x8c: {  	s17 =	sshll.u32 s0, $0xA;
	s2 =	sadd.s32 s3, s2  }
0x8d: {  	s2 =	sadd.s32 s2, s17  }
0x8e: {  	[smem:$0x3FC0] =	sst s2  }
0x8f: {  	_ = 	snop  }
0x90: {  	s2 =	sld [smem:$0x3FD0];
	(tm) =	ssettm $0x1  }
0x91: {  	s18 =	sld [smem:$0x3FFB];
	_ =	sdelay $0x3  }
0x92: {  	_ =	strace s18  }
0x93: {  	s3 =	sld [smem:$0x3FFC];
	_ =	sdelay $0x3  }
0x94: {  	_ =	strace s3  }
0x95: {  	s3 =	sld [smem:$0x3FFD];
	_ =	sdelay $0x3  }
0x96: {  	_ =	strace s3  }
0x97: {  	_ =	strace $0x8FFFFFFF  }
0x98: {  	s19 =	sld [smem:$0x3FDB];
	_ =	sdelay $0x1  }
0x99: {  	s4 =	simm.s32 $_scs_section_size  }
0x9a: {  	s5 =	simm.s32 $_size__tile_overlayer_lowered;
	s6 =	simm.s32 $_tile_overlayer_lowered  }
0x9b: {  	s22 =	simm.s32 $0x1BFF;
	s21 =	sshll.u32 s6, $0x1;
	s3 =	sadd.s32 s4, s19  }
0x9c: {  	s7 =	simm.s32 $0x0;
	s20 =	sshll.u32 s5, $0x1;
	s5 =	sadd.s32 s21, s3  }
0x9d: {  	[timem:s7], [sflag:s22] =	dma.local [hbm:s5], s20  }
0x9e: {  	_ =	swait.ge [sflag:s22], s20  }
0x9f: {  	s4 =	ssub.s32 $0x0, s20;
	[sflag:s22] =	ssyncset.done $0x0  }
0xa0: {  	[sflag:s22] =	ssyncadd.s32 s4;
	_ =	sdelay $0x1  }
0xa1: {  	s23 =	simm.s32 $0x1B8B  }
0xa2: {  	_ =	swait.ge [sflag:s23], $0x1  }
0xa3: {  	[sflag:s23] =	ssyncset.done $0x0  }
0xa4: {  	s25 =	simm.s32 $0x1B8E;
	s24 =	sld [smem:$0x3FFE];
	[sflag:s23] =	ssyncadd.s32 $0xFFFFFFFF  }
0xa5: {  	s26 =	simm.s32 $execute0_lowered;
	[smem:$0x3FD2] =	sst s25  }
0xa6: {  	s5 =	sshll.u32 s26, $0x1;
	_ =	strace $0x8000004C;
	[dreg:$0x1] =	wrdreg $0xFFFFFFFF  }
0xa7: {  	s28 =	simm.s32 $_size_execute0_lowered;
	s3 =	sadd.s32 s3, s5;
	[dreg:$0x0] =	wrdreg $0x0  }
0xa8: {  	s5 =	sshll.u32 s28, $0x1;
	[dreg:$0x2] =	wrdreg s3  }
0xa9: {  	[dreg:$0x3] =	wrdreg s5  }
0xaa: {  	[dreg:$0x4] =	wrdreg $0xC0  }
0xab: {  	_ =	task [dreg:s7], $0x5FFFF  }
0xac: {  	[dreg:$0x1] =	wrdreg $0xFFFFFFFF  }
0xad: {  	[dreg:$0x0] =	wrdreg $0x60  }
0xae: {  	[dreg:$0x2] =	wrdreg s2  }
0xaf: {  	[dreg:$0x3] =	wrdreg s24  }
0xb0: {  	[dreg:$0x4] =	wrdreg $0xA0000  }
0xb1: {  	[dreg:$0x5] =	wrdreg $0x9  }
0xb2: {  	_ =	task.clear_ibuf [dreg:s7], $0x6FFFF;
	_ =	strace $0x9000004C  }
0xb3: {  	s29 =	simm.s32 $0x9;
	_ =	strace $0x8000004E  }
0xb4: {  	_ =	swait.ge [sflag:s29], $0x1  }
0xb5: {  	[sflag:s29] =	ssyncadd.s32 $0xFFFFFFFF  }
0xb6: {  	_ =	strace $0x9000004E  }
0xb7: {  	_ =	sfence  }
0xb8: {  	s30 =	sld [smem:$0x0];
	_ =	sdelay $0x2  }
0xb9: {  	s31 =	sshll.u32 s1, $0xD;
	s1 =	sshrl.u32 s1, $0x2  }
0xba: {  	s3 =	sand.u32 $0x4000, s31;
	s1 =	sadd.s32 s1, s30  }
0xbb: {  	s0 =	sor.u32 s3, s0;
	s1 =	sshll.u32 s1, $0x11  }
0xbc: {  	s0 =	sor.u32 s1, s0  }
0xbd: {  	s0 =	sadd.s32 $0x8F2B, s0  }
0xbe: {  	[sflag:s0] =	ssyncadd.remote.s32 $0x1  }
0xbf: {  	_ =	sfence.sel $0xFFFF  }
0xc0: {  	[dreg:$0x0] =	wrdreg $0xFFFFFFFF;
	(pc) =	sbr.abs _section_cstart, $3  }
0xc1: {  	[dreg:$0x1] =	wrdreg $0xFFFFFFFF  }
0xc2: {  	_ =	task.clear_ibuf [dreg:s7], $0x2FFFF;
	_ =	strace $0x9FFFFFFF  }
0xc3: {  	(tm) =	ssettm $0x7FFFFFFF  }
tec
execute0_lowered:
.L_overlay_start_1:
0x0: {  	(tag) =	ssettag $0x1  }
0x1: {  	s1 =	rddreg [dreg:$0x0]  }
0x2: {  	s0 =	rddreg [dreg:$0x1]  }
0x3: {  	s3 =	rddreg [dreg:$0x2];
	s5 =	simm.s32 $0x0  }
0x4: {  	s2 =	srdreg.scid;
	s9 =	stileid.u32;
	s29 =	simm.s32 $0x3  }
0x5: {  	s31 =	simm.s32 $0x6800;
	s30 =	simm.s32 $0x8400;
	s2 =	sand.u32 $0x1, s2  }
0x6: {  	s4 =	sshll.u32 s9, $0x1;
	s7 =	smul.u32 $0x280, s9;
	[smem:$0x7FF] =	sst s5  }
0x7: {  	s5 =	sadd.s32 $0x6D400, s0;
	s6 =	sadd.s32 $0x94600, s0;
	s9 =	smul.u32 $0x50000, s9  }
0x8: {  	s4 =	sor.u32 s2, s4;
	s8 =	smul.u32 $0xA000, s2;
	_ =	strace $0x8000004D  }
0x9: {  	s2 =	ssub.s32 $0x2, s2;
	s4 =	smul.u32 $0x680, s4;
	s20 =	sshrl.u32 s9, $0x2  }
0xa: {  	s10 =	sshrl.u32 s2, $0x1;
	s8 =	sadd.s32 s7, s8;
	s7 =	sadd.s32 $0xBB800, s0  }
0xb: {  	s9 =	sadd.s32 s20, s3;
	s2 =	ssub.s32 s2, s10;
	s4 =	sadd.s32 s4, s0  }
0xc: {  	s8 =	sshll.u32 s8, $0x4;
	s22 =	sadd.s32 $0x1900, s9;
	s12 =	sadd.s32 $0x3200, s9  }
0xd: {  	s13 =	sadd.s32 $0x4B00, s9;
	s14 =	sadd.s32 $0x6400, s9;
	s15 =	sadd.s32 $0x7D00, s9  }
0xe: {  	s16 =	sadd.s32 $0x9600, s9;
	s17 =	sadd.s32 $0xAF00, s9;
	s18 =	sadd.s32 $0xC800, s9  }
0xf: {  	s19 =	sadd.s32 $0xE100, s9;
	s26 =	smax.u32 s2, $0x1;
	[dreg:$0x6] =	wrdreg s22  }
0x10: {  	s20 =	sadd.s32 $0xFA00, s9;
	s21 =	sadd.s32 $0x60400, s4;
	[dreg:$0xb] =	wrdreg s26  }
0x11: {  	s0 =	sadd.s32 s8, s0;
	s4 =	sadd.s32 $0x3400, s4;
	[dreg:$0x4] =	wrdreg s21  }
0x12: {  	s28 =	sadd.s32 $0x12C00, s9;
	[dreg:$0x5] =	wrdreg s4;
	s23 =	sadd.s32 $0xE2A00, s0  }
0x13: {  	s2 =	simm.s32 $0x1;
	s24 =	sadd.s32 $0x10AA00, s0;
	[dreg:$0x7] =	wrdreg s23  }
0x14: {  	s26 =	sadd.s32 $0x11300, s9;
	s25 =	sadd.s32 $0x132A00, s0;
	[dreg:$0x8] =	wrdreg s24  }
0x15: {  	s22 =	simm.s32 $0x0;
	s0 =	sadd.s32 $0x15AA00, s0;
	[dreg:$0x9] =	wrdreg s25  }
0x16: {  	v0 =	vimm.f32 $0.0e+00;
	s4 =	simm.s32 $0x2;
	[dreg:$0xa] =	wrdreg s0;
	s0 =	simm.s32 $0x32  }
.LBB2_1:
0x17: {  	s8 =	simm.s32 $0x0;
	s10 =	rddreg [dreg:$0x4]  }
0x18: {  	[tilespmem:s8], [sflag:$0x3] =	stream.linear.gather [hbm4b:s10+s8], $0x3200, $0x38;
	[tilespmem:$0x1E000] =	vst v63  }
0x19: {  	_ =	swait.ge [sflag:s29], $0x3200  }
0x1a: {  	[sflag:s29] =	ssyncset.done $0x0  }
0x1b: {  	s11 =	simm.s32 $0x3400;
	s25 =	rddreg [dreg:$0x5];
	[sflag:s29] =	ssyncadd.s32 $0xFFFFCE00  }
0x1c: {  	[tilespmem:s11], [sflag:$0x3] =	stream.linear.gather [hbm4b:s25+s8], $0x3200, $0x38;
	[tilespmem:$0x1E000] =	vst v63  }
0x1d: {  	_ =	swait.ge [sflag:s29], $0x3200  }
0x1e: {  	[sflag:s29] =	ssyncset.done $0x0  }
0x1f: {  	s23 =	simm.s32 $0x0;
	s24 =	simm.s32 $0x200;
	[sflag:s29] =	ssyncadd.s32 $0xFFFFCE00  }
.LBB2_2:
0x20: {  	p0 =	sne.s32 s24, $0x6200;
	[tilespmem:s23+$0x6870] =	vst v0  }
0x21: {  	[tilespmem:s23+$0x6800] =	vst v0  }
0x22: {  	[tilespmem:s23+$0x6810] =	vst v0  }
.Ltmp0:
0x23: {  	[tilespmem:s23+$0x6820] =	vst v0;
	(pc) =	sbr.rel @p0 .LBB2_2-.Ltmp0, $4  }
0x24: {  	[tilespmem:s23+$0x6830] =	vst v0  }
0x25: {  	[tilespmem:s23+$0x6840] =	vst v0  }
0x26: {  	[tilespmem:s23+$0x6850] =	vst v0  }
0x27: {  	[tilespmem:s23+$0x6860] =	vst v0;
	s23 =	sshra.s32 s24, $0x2;
	s24 =	sadd.s32 $0x200, s24  }
0x28: {  	[tilespmem:s23+$0x6870] =	vst v0  }
0x29: {  	[tilespmem:s23+$0x6800] =	vst v0  }
0x2a: {  	[tilespmem:s23+$0x6810] =	vst v0  }
0x2b: {  	[tilespmem:s23+$0x6820] =	vst v0  }
0x2c: {  	[tilespmem:s23+$0x6830] =	vst v0  }
0x2d: {  	[tilespmem:s23+$0x6840] =	vst v0  }
0x2e: {  	[tilespmem:s23+$0x6850] =	vst v0  }
0x2f: {  	[tilespmem:s23+$0x6860] =	vst v0  }
0x30: {  	[spmem:s9] =	stream.linear.scatter [tilespmem:s31], [sflag:$0x3], $0x1900, $0x38;
	[tilespmem:$0x1E000] =	vst v63  }
0x31: {  	_ =	swait.ge [sflag:s29], $0x1900  }
0x32: {  	[sflag:s29] =	ssyncset.done $0x0  }
0x33: {  	s8 =	rddreg [dreg:$0x6];
	[sflag:s29] =	ssyncadd.s32 $0xFFFFE700  }
0x34: {  	[spmem:s8] =	stream.linear.scatter [tilespmem:s31], [sflag:$0x3], $0x1900, $0x38;
	[tilespmem:$0x1E000] =	vst v63  }
0x35: {  	_ =	swait.ge [sflag:s29], $0x1900  }
0x36: {  	[sflag:s29] =	ssyncset.done $0x0  }
0x37: {  	[sflag:s29] =	ssyncadd.s32 $0xFFFFE700  }
0x38: {  	[spmem:s12] =	stream.linear.scatter [tilespmem:s31], [sflag:$0x3], $0x1900, $0x38;
	[tilespmem:$0x1E000] =	vst v63  }
0x39: {  	_ =	swait.ge [sflag:s29], $0x1900  }
0x3a: {  	[sflag:s29] =	ssyncset.done $0x0  }
0x3b: {  	[sflag:s29] =	ssyncadd.s32 $0xFFFFE700  }
0x3c: {  	[spmem:s13] =	stream.linear.scatter [tilespmem:s31], [sflag:$0x3], $0x1900, $0x38;
	[tilespmem:$0x1E000] =	vst v63  }
0x3d: {  	_ =	swait.ge [sflag:s29], $0x1900  }
0x3e: {  	[sflag:s29] =	ssyncset.done $0x0  }
0x3f: {  	[sflag:s29] =	ssyncadd.s32 $0xFFFFE700  }
0x40: {  	[spmem:s14] =	stream.linear.scatter [tilespmem:s31], [sflag:$0x3], $0x1900, $0x38;
	[tilespmem:$0x1E000] =	vst v63  }
0x41: {  	_ =	swait.ge [sflag:s29], $0x1900  }
0x42: {  	[sflag:s29] =	ssyncset.done $0x0  }
0x43: {  	[sflag:s29] =	ssyncadd.s32 $0xFFFFE700  }
0x44: {  	[spmem:s15] =	stream.linear.scatter [tilespmem:s31], [sflag:$0x3], $0x1900, $0x38;
	[tilespmem:$0x1E000] =	vst v63  }
0x45: {  	_ =	swait.ge [sflag:s29], $0x1900  }
0x46: {  	[sflag:s29] =	ssyncset.done $0x0  }
0x47: {  	[sflag:s29] =	ssyncadd.s32 $0xFFFFE700  }
0x48: {  	[spmem:s16] =	stream.linear.scatter [tilespmem:s31], [sflag:$0x3], $0x1900, $0x38;
	[tilespmem:$0x1E000] =	vst v63  }
0x49: {  	_ =	swait.ge [sflag:s29], $0x1900  }
0x4a: {  	[sflag:s29] =	ssyncset.done $0x0  }
0x4b: {  	[sflag:s29] =	ssyncadd.s32 $0xFFFFE700  }
0x4c: {  	[spmem:s17] =	stream.linear.scatter [tilespmem:s31], [sflag:$0x3], $0x1900, $0x38;
	[tilespmem:$0x1E000] =	vst v63  }
0x4d: {  	_ =	swait.ge [sflag:s29], $0x1900  }
0x4e: {  	[sflag:s29] =	ssyncset.done $0x0  }
0x4f: {  	[sflag:s29] =	ssyncadd.s32 $0xFFFFE700  }
0x50: {  	[spmem:s18] =	stream.linear.scatter [tilespmem:s31], [sflag:$0x3], $0x1900, $0x38;
	[tilespmem:$0x1E000] =	vst v63  }
0x51: {  	_ =	swait.ge [sflag:s29], $0x1900  }
0x52: {  	[sflag:s29] =	ssyncset.done $0x0  }
0x53: {  	[sflag:s29] =	ssyncadd.s32 $0xFFFFE700  }
0x54: {  	[spmem:s19] =	stream.linear.scatter [tilespmem:s31], [sflag:$0x3], $0x1900, $0x38;
	[tilespmem:$0x1E000] =	vst v63  }
0x55: {  	_ =	swait.ge [sflag:s29], $0x1900  }
0x56: {  	[sflag:s29] =	ssyncset.done $0x0  }
0x57: {  	[sflag:s29] =	ssyncadd.s32 $0xFFFFE700  }
0x58: {  	[spmem:s20] =	stream.linear.scatter [tilespmem:s31], [sflag:$0x3], $0x1900, $0x38;
	[tilespmem:$0x1E000] =	vst v63  }
0x59: {  	_ =	swait.ge [sflag:s29], $0x1900  }
0x5a: {  	[sflag:s29] =	ssyncset.done $0x0  }
0x5b: {  	[sflag:s29] =	ssyncadd.s32 $0xFFFFE700  }
0x5c: {  	[spmem:s26] =	stream.linear.scatter [tilespmem:s31], [sflag:$0x3], $0x1900, $0x38;
	[tilespmem:$0x1E000] =	vst v63  }
0x5d: {  	_ =	swait.ge [sflag:s29], $0x1900  }
0x5e: {  	[sflag:s29] =	ssyncset.done $0x0  }
0x5f: {  	[sflag:s29] =	ssyncadd.s32 $0xFFFFE700  }
0x60: {  	[spmem:s28] =	stream.linear.scatter [tilespmem:s31], [sflag:$0x3], $0x1400, $0x38;
	[tilespmem:$0x1E000] =	vst v63  }
0x61: {  	_ =	swait.ge [sflag:s29], $0x1400  }
0x62: {  	[sflag:s29] =	ssyncset.done $0x0  }
0x63: {  	[sflag:s29] =	ssyncadd.s32 $0xFFFFEC00  }
0x64: {  	s11 =	simm.s32 $0x0;
	[bflag:$0x0] =	sbarrier.arrive $0xFFFF  }
0x65: {  	[tilespmem:s31], [sflag:$0x1] =	stream.indirect.gather [hbm4b:s1+s0], $0x80, s11, s0, $0xb8;
	[tilespmem:$0x1E000] =	vst v63  }
0x66: {  	s21 =	simm.s32 $0x80  }
0x67: {  	[tilespmem:s30], [sflag:$0x2] =	stream.indirect.gather [hbm4b:s1+s0], $0x80, s21, s0, $0xb8;
	[tilespmem:$0x1E000] =	vst v63  }
0x68: {  	_ =	swait.ge [sflag:s2], $0x1900  }
0x69: {  	[sflag:s2] =	ssyncset.done $0x0  }
0x6a: {  	s23 =	simm.s32 $0x3400;
	[sflag:s2] =	ssyncadd.s32 $0xFFFFE700  }
0x6b: {  	[spmem:s3] =	stream.indirect.scatter.add.f32 [tilespmem:s31], [sflag:$0x3], $0x80, s23, s0, $0xb8;
	[tilespmem:$0x1E000] =	vst v63  }
0x6c: {  	_ =	swait.ge [sflag:s29], $0x1900  }
0x6d: {  	[sflag:s29] =	ssyncset.done $0x0  }
0x6e: {  	s24 =	simm.s32 $0x100;
	[sflag:s29] =	ssyncadd.s32 $0xFFFFE700  }
0x6f: {  	[tilespmem:s31], [sflag:$0x1] =	stream.indirect.gather [hbm4b:s1+s0], $0x80, s24, s0, $0xb8;
	[tilespmem:$0x1E000] =	vst v63  }
0x70: {  	_ =	swait.ge [sflag:s4], $0x1900  }
0x71: {  	[sflag:s4] =	ssyncset.done $0x0  }
0x72: {  	s25 =	simm.s32 $0x3480;
	[sflag:s4] =	ssyncadd.s32 $0xFFFFE700  }
0x73: {  	[spmem:s3] =	stream.indirect.scatter.add.f32 [tilespmem:s30], [sflag:$0x3], $0x80, s25, s0, $0xb8;
	[tilespmem:$0x1E000] =	vst v63  }
0x74: {  	_ =	swait.ge [sflag:s29], $0x1900  }
0x75: {  	s8 =	simm.s32 $0x800;
	s23 =	simm.s32 $0x100;
	[sflag:s29] =	ssyncset.done $0x0  }
.LBB2_4:
0x76: {  	s24 =	sadd.s32 $0x80, s23  }
0x77: {  	[sflag:s29] =	ssyncadd.s32 $0xFFFFE700;
	s25 =	smov.u32 s8;
	s10 =	sadd.s32 $0x400, s8  }
0x78: {  	[tilespmem:s30], [sflag:$0x2] =	stream.indirect.gather [hbm4b:s1+s0], $0x80, s24, s0, $0xb8;
	[tilespmem:$0x1E000] =	vst v63  }
0x79: {  	p0 =	sne.s32 s8, $0xC000;
	_ =	swait.ge [sflag:s2], $0x1900  }
0x7a: {  	[sflag:s2] =	ssyncset.done $0x0  }
0x7b: {  	s8 =	sadd.s32 $0x3400, s23;
	[sflag:s2] =	ssyncadd.s32 $0xFFFFE700  }
0x7c: {  	[spmem:s3] =	stream.indirect.scatter.add.f32 [tilespmem:s31], [sflag:$0x3], $0x80, s8, s0, $0xb8;
	[tilespmem:$0x1E000] =	vst v63  }
0x7d: {  	_ =	swait.ge [sflag:s29], $0x1900  }
0x7e: {  	[sflag:s29] =	ssyncset.done $0x0  }
0x7f: {  	s8 =	sadd.s32 $0x100, s23;
	[sflag:s29] =	ssyncadd.s32 $0xFFFFE700  }
0x80: {  	[tilespmem:s31], [sflag:$0x1] =	stream.indirect.gather [hbm4b:s1+s0], $0x80, s8, s0, $0xb8;
	[tilespmem:$0x1E000] =	vst v63  }
0x81: {  	_ =	swait.ge [sflag:s4], $0x1900  }
.Ltmp1:
0x82: {  	[sflag:s4] =	ssyncset.done $0x0;
	(pc) =	sbr.rel @p0 .LBB2_4-.Ltmp1, $4  }
0x83: {  	s8 =	sadd.s32 $0x3480, s23;
	[sflag:s4] =	ssyncadd.s32 $0xFFFFE700  }
0x84: {  	[spmem:s3] =	stream.indirect.scatter.add.f32 [tilespmem:s30], [sflag:$0x3], $0x80, s8, s0, $0xb8;
	[tilespmem:$0x1E000] =	vst v63  }
0x85: {  	_ =	swait.ge [sflag:s29], $0x1900  }
0x86: {  	s23 =	sshra.s32 s25, $0x2;
	s8 =	smov.u32 s10;
	[sflag:s29] =	ssyncset.done $0x0  }
0x87: {  	s8 =	sadd.s32 $0x80, s23;
	[sflag:s29] =	ssyncadd.s32 $0xFFFFE700  }
0x88: {  	[tilespmem:s30], [sflag:$0x2] =	stream.indirect.gather [hbm4b:s1+s0], $0x80, s8, s0, $0xb8;
	[tilespmem:$0x1E000] =	vst v63  }
0x89: {  	_ =	swait.ge [sflag:s2], $0x1900  }
0x8a: {  	[sflag:s2] =	ssyncset.done $0x0  }
0x8b: {  	s24 =	sadd.s32 $0x3400, s23;
	[sflag:s2] =	ssyncadd.s32 $0xFFFFE700  }
0x8c: {  	[spmem:s3] =	stream.indirect.scatter.add.f32 [tilespmem:s31], [sflag:$0x3], $0x80, s24, s0, $0xb8;
	[tilespmem:$0x1E000] =	vst v63  }
0x8d: {  	_ =	swait.ge [sflag:s29], $0x1900  }
0x8e: {  	[sflag:s29] =	ssyncset.done $0x0  }
0x8f: {  	s25 =	sadd.s32 $0x100, s23;
	[sflag:s29] =	ssyncadd.s32 $0xFFFFE700  }
0x90: {  	[tilespmem:s31], [sflag:$0x1] =	stream.indirect.gather [hbm4b:s1+s0], $0x80, s25, s0, $0xb8;
	[tilespmem:$0x1E000] =	vst v63  }
0x91: {  	_ =	swait.ge [sflag:s4], $0x1900  }
0x92: {  	[sflag:s4] =	ssyncset.done $0x0  }
0x93: {  	s10 =	sadd.s32 $0x3480, s23;
	[sflag:s4] =	ssyncadd.s32 $0xFFFFE700  }
0x94: {  	[spmem:s3] =	stream.indirect.scatter.add.f32 [tilespmem:s30], [sflag:$0x3], $0x80, s10, s0, $0xb8;
	[tilespmem:$0x1E000] =	vst v63  }
0x95: {  	_ =	swait.ge [sflag:s29], $0x1900  }
0x96: {  	[sflag:s29] =	ssyncset.done $0x0  }
0x97: {  	s11 =	simm.s32 $0x3180;
	[sflag:s29] =	ssyncadd.s32 $0xFFFFE700  }
0x98: {  	[tilespmem:s30], [sflag:$0x2] =	stream.indirect.gather [hbm4b:s1+s0], $0x80, s11, s0, $0xb8;
	[tilespmem:$0x1E000] =	vst v63  }
0x99: {  	_ =	swait.ge [sflag:s2], $0x1900  }
0x9a: {  	[sflag:s2] =	ssyncset.done $0x0  }
0x9b: {  	s21 =	simm.s32 $0x6500;
	[sflag:s2] =	ssyncadd.s32 $0xFFFFE700  }
0x9c: {  	[spmem:s3] =	stream.indirect.scatter.add.f32 [tilespmem:s31], [sflag:$0x3], $0x80, s21, s0, $0xb8;
	[tilespmem:$0x1E000] =	vst v63  }
0x9d: {  	_ =	swait.ge [sflag:s29], $0x1900  }
0x9e: {  	[sflag:s29] =	ssyncset.done $0x0  }
0x9f: {  	[sflag:s29] =	ssyncadd.s32 $0xFFFFE700  }
0xa0: {  	_ =	swait.ge [sflag:s4], $0x1900  }
0xa1: {  	[sflag:s4] =	ssyncset.done $0x0  }
0xa2: {  	s23 =	simm.s32 $0x6580;
	[sflag:s4] =	ssyncadd.s32 $0xFFFFE700  }
0xa3: {  	[spmem:s3] =	stream.indirect.scatter.add.f32 [tilespmem:s30], [sflag:$0x3], $0x80, s23, s0, $0xb8;
	[tilespmem:$0x1E000] =	vst v63  }
0xa4: {  	_ =	swait.ge [sflag:s29], $0x1900  }
0xa5: {  	[sflag:s29] =	ssyncset.done $0x0  }
0xa6: {  	s24 =	stileid.u32;
	[sflag:s29] =	ssyncadd.s32 $0xFFFFE700  }
0xa7: {  	s8 =	sshll.u32 s24, $0x6;
	[bflag:$0x0] =	sbarrier.arrive $0xFFFF  }
0xa8: {  	s24 =	sshrl.u32 s9, $0x3;
	s23 =	sor.u32 $0x1C03, s8;
	s25 =	rddreg [dreg:$0x7]  }
0xa9: {  	[hbm:s25], [sflag:s23] =	dma.local [spmem:s24], $0x2800  }
0xaa: {  	_ =	swait.ge [sflag:s29], $0x2800  }
0xab: {  	[sflag:s29] =	ssyncset.done $0x0  }
0xac: {  	s8 =	simm.s32 $0x200;
	s25 =	simm.s32 $0x0;
	[sflag:s29] =	ssyncadd.s32 $0xFFFFD800  }
.LBB2_6:
0xad: {  	p0 =	sne.s32 s8, $0x6200;
	[tilespmem:s25+$0x6870] =	vst v0  }
0xae: {  	[tilespmem:s25+$0x6800] =	vst v0  }
0xaf: {  	[tilespmem:s25+$0x6810] =	vst v0  }
.Ltmp2:
0xb0: {  	[tilespmem:s25+$0x6820] =	vst v0;
	(pc) =	sbr.rel @p0 .LBB2_6-.Ltmp2, $4  }
0xb1: {  	[tilespmem:s25+$0x6830] =	vst v0  }
0xb2: {  	[tilespmem:s25+$0x6840] =	vst v0  }
0xb3: {  	[tilespmem:s25+$0x6850] =	vst v0  }
0xb4: {  	[tilespmem:s25+$0x6860] =	vst v0;
	s25 =	sshra.s32 s8, $0x2;
	s8 =	sadd.s32 $0x200, s8  }
0xb5: {  	[tilespmem:s25+$0x6870] =	vst v0  }
0xb6: {  	[tilespmem:s25+$0x6800] =	vst v0  }
0xb7: {  	[tilespmem:s25+$0x6810] =	vst v0  }
0xb8: {  	[tilespmem:s25+$0x6820] =	vst v0  }
0xb9: {  	[tilespmem:s25+$0x6830] =	vst v0  }
0xba: {  	[tilespmem:s25+$0x6840] =	vst v0  }
0xbb: {  	[tilespmem:s25+$0x6850] =	vst v0  }
0xbc: {  	[tilespmem:s25+$0x6860] =	vst v0  }
0xbd: {  	[spmem:s9] =	stream.linear.scatter [tilespmem:s31], [sflag:$0x3], $0x1900, $0x38;
	[tilespmem:$0x1E000] =	vst v63  }
0xbe: {  	_ =	swait.ge [sflag:s29], $0x1900  }
0xbf: {  	[sflag:s29] =	ssyncset.done $0x0  }
0xc0: {  	s8 =	rddreg [dreg:$0x6];
	[sflag:s29] =	ssyncadd.s32 $0xFFFFE700  }
0xc1: {  	[spmem:s8] =	stream.linear.scatter [tilespmem:s31], [sflag:$0x3], $0x1900, $0x38;
	[tilespmem:$0x1E000] =	vst v63  }
0xc2: {  	_ =	swait.ge [sflag:s29], $0x1900  }
0xc3: {  	[sflag:s29] =	ssyncset.done $0x0  }
0xc4: {  	[sflag:s29] =	ssyncadd.s32 $0xFFFFE700  }
0xc5: {  	[spmem:s12] =	stream.linear.scatter [tilespmem:s31], [sflag:$0x3], $0x1900, $0x38;
	[tilespmem:$0x1E000] =	vst v63  }
0xc6: {  	_ =	swait.ge [sflag:s29], $0x1900  }
0xc7: {  	[sflag:s29] =	ssyncset.done $0x0  }
0xc8: {  	[sflag:s29] =	ssyncadd.s32 $0xFFFFE700  }
0xc9: {  	[spmem:s13] =	stream.linear.scatter [tilespmem:s31], [sflag:$0x3], $0x1900, $0x38;
	[tilespmem:$0x1E000] =	vst v63  }
0xca: {  	_ =	swait.ge [sflag:s29], $0x1900  }
0xcb: {  	[sflag:s29] =	ssyncset.done $0x0  }
0xcc: {  	[sflag:s29] =	ssyncadd.s32 $0xFFFFE700  }
0xcd: {  	[spmem:s14] =	stream.linear.scatter [tilespmem:s31], [sflag:$0x3], $0x1900, $0x38;
	[tilespmem:$0x1E000] =	vst v63  }
0xce: {  	_ =	swait.ge [sflag:s29], $0x1900  }
0xcf: {  	[sflag:s29] =	ssyncset.done $0x0  }
0xd0: {  	[sflag:s29] =	ssyncadd.s32 $0xFFFFE700  }
0xd1: {  	[spmem:s15] =	stream.linear.scatter [tilespmem:s31], [sflag:$0x3], $0x1900, $0x38;
	[tilespmem:$0x1E000] =	vst v63  }
0xd2: {  	_ =	swait.ge [sflag:s29], $0x1900  }
0xd3: {  	[sflag:s29] =	ssyncset.done $0x0  }
0xd4: {  	[sflag:s29] =	ssyncadd.s32 $0xFFFFE700  }
0xd5: {  	[spmem:s16] =	stream.linear.scatter [tilespmem:s31], [sflag:$0x3], $0x1900, $0x38;
	[tilespmem:$0x1E000] =	vst v63  }
0xd6: {  	_ =	swait.ge [sflag:s29], $0x1900  }
0xd7: {  	[sflag:s29] =	ssyncset.done $0x0  }
0xd8: {  	[sflag:s29] =	ssyncadd.s32 $0xFFFFE700  }
0xd9: {  	[spmem:s17] =	stream.linear.scatter [tilespmem:s31], [sflag:$0x3], $0x1900, $0x38;
	[tilespmem:$0x1E000] =	vst v63  }
0xda: {  	_ =	swait.ge [sflag:s29], $0x1900  }
0xdb: {  	[sflag:s29] =	ssyncset.done $0x0  }
0xdc: {  	[sflag:s29] =	ssyncadd.s32 $0xFFFFE700  }
0xdd: {  	[spmem:s18] =	stream.linear.scatter [tilespmem:s31], [sflag:$0x3], $0x1900, $0x38;
	[tilespmem:$0x1E000] =	vst v63  }
0xde: {  	_ =	swait.ge [sflag:s29], $0x1900  }
0xdf: {  	[sflag:s29] =	ssyncset.done $0x0  }
0xe0: {  	[sflag:s29] =	ssyncadd.s32 $0xFFFFE700  }
0xe1: {  	[spmem:s19] =	stream.linear.scatter [tilespmem:s31], [sflag:$0x3], $0x1900, $0x38;
	[tilespmem:$0x1E000] =	vst v63  }
0xe2: {  	_ =	swait.ge [sflag:s29], $0x1900  }
0xe3: {  	[sflag:s29] =	ssyncset.done $0x0  }
0xe4: {  	[sflag:s29] =	ssyncadd.s32 $0xFFFFE700  }
0xe5: {  	[spmem:s20] =	stream.linear.scatter [tilespmem:s31], [sflag:$0x3], $0x1900, $0x38;
	[tilespmem:$0x1E000] =	vst v63  }
0xe6: {  	_ =	swait.ge [sflag:s29], $0x1900  }
0xe7: {  	[sflag:s29] =	ssyncset.done $0x0  }
0xe8: {  	[sflag:s29] =	ssyncadd.s32 $0xFFFFE700  }
0xe9: {  	[spmem:s26] =	stream.linear.scatter [tilespmem:s31], [sflag:$0x3], $0x1900, $0x38;
	[tilespmem:$0x1E000] =	vst v63  }
0xea: {  	_ =	swait.ge [sflag:s29], $0x1900  }
0xeb: {  	[sflag:s29] =	ssyncset.done $0x0  }
0xec: {  	[sflag:s29] =	ssyncadd.s32 $0xFFFFE700  }
0xed: {  	[spmem:s28] =	stream.linear.scatter [tilespmem:s31], [sflag:$0x3], $0x1400, $0x38;
	[tilespmem:$0x1E000] =	vst v63  }
0xee: {  	_ =	swait.ge [sflag:s29], $0x1400  }
0xef: {  	[sflag:s29] =	ssyncset.done $0x0  }
0xf0: {  	[sflag:s29] =	ssyncadd.s32 $0xFFFFEC00  }
0xf1: {  	s25 =	simm.s32 $0x0;
	[bflag:$0x0] =	sbarrier.arrive $0xFFFF  }
0xf2: {  	[tilespmem:s31], [sflag:$0x1] =	stream.indirect.gather [hbm4b:s5+s0], $0x80, s25, s0, $0xb8;
	[tilespmem:$0x1E000] =	vst v63  }
0xf3: {  	s10 =	simm.s32 $0x80  }
0xf4: {  	[tilespmem:s30], [sflag:$0x2] =	stream.indirect.gather [hbm4b:s5+s0], $0x80, s10, s0, $0xb8;
	[tilespmem:$0x1E000] =	vst v63  }
0xf5: {  	_ =	swait.ge [sflag:s2], $0x1900  }
0xf6: {  	[sflag:s2] =	ssyncset.done $0x0  }
0xf7: {  	s11 =	simm.s32 $0x3400;
	[sflag:s2] =	ssyncadd.s32 $0xFFFFE700  }
0xf8: {  	[spmem:s3] =	stream.indirect.scatter.add.f32 [tilespmem:s31], [sflag:$0x3], $0x80, s11, s0, $0xb8;
	[tilespmem:$0x1E000] =	vst v63  }
0xf9: {  	_ =	swait.ge [sflag:s29], $0x1900  }
0xfa: {  	[sflag:s29] =	ssyncset.done $0x0  }
0xfb: {  	s21 =	simm.s32 $0x100;
	[sflag:s29] =	ssyncadd.s32 $0xFFFFE700  }
0xfc: {  	[tilespmem:s31], [sflag:$0x1] =	stream.indirect.gather [hbm4b:s5+s0], $0x80, s21, s0, $0xb8;
	[tilespmem:$0x1E000] =	vst v63  }
0xfd: {  	_ =	swait.ge [sflag:s4], $0x1900  }
0xfe: {  	[sflag:s4] =	ssyncset.done $0x0  }
0xff: {  	s25 =	simm.s32 $0x3480;
	[sflag:s4] =	ssyncadd.s32 $0xFFFFE700  }
0x100: {  	[spmem:s3] =	stream.indirect.scatter.add.f32 [tilespmem:s30], [sflag:$0x3], $0x80, s25, s0, $0xb8;
	[tilespmem:$0x1E000] =	vst v63  }
0x101: {  	_ =	swait.ge [sflag:s29], $0x1900  }
0x102: {  	s8 =	simm.s32 $0x800;
	s25 =	simm.s32 $0x100;
	[sflag:s29] =	ssyncset.done $0x0  }
.LBB2_8:
0x103: {  	s10 =	sadd.s32 $0x80, s25  }
0x104: {  	[sflag:s29] =	ssyncadd.s32 $0xFFFFE700;
	s21 =	smov.u32 s8;
	s11 =	sadd.s32 $0x400, s8  }
0x105: {  	[tilespmem:s30], [sflag:$0x2] =	stream.indirect.gather [hbm4b:s5+s0], $0x80, s10, s0, $0xb8;
	[tilespmem:$0x1E000] =	vst v63  }
0x106: {  	p0 =	sne.s32 s8, $0xC000;
	_ =	swait.ge [sflag:s2], $0x1900  }
0x107: {  	[sflag:s2] =	ssyncset.done $0x0  }
0x108: {  	s8 =	sadd.s32 $0x3400, s25;
	[sflag:s2] =	ssyncadd.s32 $0xFFFFE700  }
0x109: {  	[spmem:s3] =	stream.indirect.scatter.add.f32 [tilespmem:s31], [sflag:$0x3], $0x80, s8, s0, $0xb8;
	[tilespmem:$0x1E000] =	vst v63  }
0x10a: {  	_ =	swait.ge [sflag:s29], $0x1900  }
0x10b: {  	[sflag:s29] =	ssyncset.done $0x0  }
0x10c: {  	s8 =	sadd.s32 $0x100, s25;
	[sflag:s29] =	ssyncadd.s32 $0xFFFFE700  }
0x10d: {  	[tilespmem:s31], [sflag:$0x1] =	stream.indirect.gather [hbm4b:s5+s0], $0x80, s8, s0, $0xb8;
	[tilespmem:$0x1E000] =	vst v63  }
0x10e: {  	_ =	swait.ge [sflag:s4], $0x1900  }
.Ltmp3:
0x10f: {  	[sflag:s4] =	ssyncset.done $0x0;
	(pc) =	sbr.rel @p0 .LBB2_8-.Ltmp3, $4  }
0x110: {  	s8 =	sadd.s32 $0x3480, s25;
	[sflag:s4] =	ssyncadd.s32 $0xFFFFE700  }
0x111: {  	[spmem:s3] =	stream.indirect.scatter.add.f32 [tilespmem:s30], [sflag:$0x3], $0x80, s8, s0, $0xb8;
	[tilespmem:$0x1E000] =	vst v63  }
0x112: {  	_ =	swait.ge [sflag:s29], $0x1900  }
0x113: {  	s25 =	sshra.s32 s21, $0x2;
	s8 =	smov.u32 s11;
	[sflag:s29] =	ssyncset.done $0x0  }
0x114: {  	s8 =	sadd.s32 $0x80, s25;
	[sflag:s29] =	ssyncadd.s32 $0xFFFFE700  }
0x115: {  	[tilespmem:s30], [sflag:$0x2] =	stream.indirect.gather [hbm4b:s5+s0], $0x80, s8, s0, $0xb8;
	[tilespmem:$0x1E000] =	vst v63  }
0x116: {  	_ =	swait.ge [sflag:s2], $0x1900  }
0x117: {  	[sflag:s2] =	ssyncset.done $0x0  }
0x118: {  	s11 =	sadd.s32 $0x3400, s25;
	[sflag:s2] =	ssyncadd.s32 $0xFFFFE700  }
0x119: {  	[spmem:s3] =	stream.indirect.scatter.add.f32 [tilespmem:s31], [sflag:$0x3], $0x80, s11, s0, $0xb8;
	[tilespmem:$0x1E000] =	vst v63  }
0x11a: {  	_ =	swait.ge [sflag:s29], $0x1900  }
0x11b: {  	[sflag:s29] =	ssyncset.done $0x0  }
0x11c: {  	s21 =	sadd.s32 $0x100, s25;
	[sflag:s29] =	ssyncadd.s32 $0xFFFFE700  }
0x11d: {  	[tilespmem:s31], [sflag:$0x1] =	stream.indirect.gather [hbm4b:s5+s0], $0x80, s21, s0, $0xb8;
	[tilespmem:$0x1E000] =	vst v63  }
0x11e: {  	_ =	swait.ge [sflag:s4], $0x1900  }
0x11f: {  	[sflag:s4] =	ssyncset.done $0x0  }
0x120: {  	s25 =	sadd.s32 $0x3480, s25;
	[sflag:s4] =	ssyncadd.s32 $0xFFFFE700  }
0x121: {  	[spmem:s3] =	stream.indirect.scatter.add.f32 [tilespmem:s30], [sflag:$0x3], $0x80, s25, s0, $0xb8;
	[tilespmem:$0x1E000] =	vst v63  }
0x122: {  	_ =	swait.ge [sflag:s29], $0x1900  }
0x123: {  	[sflag:s29] =	ssyncset.done $0x0  }
0x124: {  	s10 =	simm.s32 $0x3180;
	[sflag:s29] =	ssyncadd.s32 $0xFFFFE700  }
0x125: {  	[tilespmem:s30], [sflag:$0x2] =	stream.indirect.gather [hbm4b:s5+s0], $0x80, s10, s0, $0xb8;
	[tilespmem:$0x1E000] =	vst v63  }
0x126: {  	_ =	swait.ge [sflag:s2], $0x1900  }
0x127: {  	[sflag:s2] =	ssyncset.done $0x0  }
0x128: {  	s11 =	simm.s32 $0x6500;
	[sflag:s2] =	ssyncadd.s32 $0xFFFFE700  }
0x129: {  	[spmem:s3] =	stream.indirect.scatter.add.f32 [tilespmem:s31], [sflag:$0x3], $0x80, s11, s0, $0xb8;
	[tilespmem:$0x1E000] =	vst v63  }
0x12a: {  	_ =	swait.ge [sflag:s29], $0x1900  }
0x12b: {  	[sflag:s29] =	ssyncset.done $0x0  }
0x12c: {  	[sflag:s29] =	ssyncadd.s32 $0xFFFFE700  }
0x12d: {  	_ =	swait.ge [sflag:s4], $0x1900  }
0x12e: {  	[sflag:s4] =	ssyncset.done $0x0  }
0x12f: {  	s21 =	simm.s32 $0x6580;
	[sflag:s4] =	ssyncadd.s32 $0xFFFFE700  }
0x130: {  	[spmem:s3] =	stream.indirect.scatter.add.f32 [tilespmem:s30], [sflag:$0x3], $0x80, s21, s0, $0xb8;
	[tilespmem:$0x1E000] =	vst v63  }
0x131: {  	_ =	swait.ge [sflag:s29], $0x1900  }
0x132: {  	[sflag:s29] =	ssyncset.done $0x0  }
0x133: {  	[sflag:s29] =	ssyncadd.s32 $0xFFFFE700  }
0x134: {  	[bflag:$0x0] =	sbarrier.arrive $0xFFFF  }
0x135: {  	s25 =	rddreg [dreg:$0x8]  }
0x136: {  	[hbm:s25], [sflag:s23] =	dma.local [spmem:s24], $0x2800  }
0x137: {  	_ =	swait.ge [sflag:s29], $0x2800  }
0x138: {  	[sflag:s29] =	ssyncset.done $0x0  }
0x139: {  	s8 =	simm.s32 $0x200;
	s25 =	simm.s32 $0x0;
	[sflag:s29] =	ssyncadd.s32 $0xFFFFD800  }
.LBB2_10:
0x13a: {  	p0 =	sne.s32 s8, $0x6200;
	[tilespmem:s25+$0x6870] =	vst v0  }
0x13b: {  	[tilespmem:s25+$0x6800] =	vst v0  }
0x13c: {  	[tilespmem:s25+$0x6810] =	vst v0  }
.Ltmp4:
0x13d: {  	[tilespmem:s25+$0x6820] =	vst v0;
	(pc) =	sbr.rel @p0 .LBB2_10-.Ltmp4, $4  }
0x13e: {  	[tilespmem:s25+$0x6830] =	vst v0  }
0x13f: {  	[tilespmem:s25+$0x6840] =	vst v0  }
0x140: {  	[tilespmem:s25+$0x6850] =	vst v0  }
0x141: {  	[tilespmem:s25+$0x6860] =	vst v0;
	s25 =	sshra.s32 s8, $0x2;
	s8 =	sadd.s32 $0x200, s8  }
0x142: {  	[tilespmem:s25+$0x6870] =	vst v0  }
0x143: {  	[tilespmem:s25+$0x6800] =	vst v0  }
0x144: {  	[tilespmem:s25+$0x6810] =	vst v0  }
0x145: {  	[tilespmem:s25+$0x6820] =	vst v0  }
0x146: {  	[tilespmem:s25+$0x6830] =	vst v0  }
0x147: {  	[tilespmem:s25+$0x6840] =	vst v0  }
0x148: {  	[tilespmem:s25+$0x6850] =	vst v0  }
0x149: {  	[tilespmem:s25+$0x6860] =	vst v0  }
0x14a: {  	[spmem:s9] =	stream.linear.scatter [tilespmem:s31], [sflag:$0x3], $0x1900, $0x38;
	[tilespmem:$0x1E000] =	vst v63  }
0x14b: {  	_ =	swait.ge [sflag:s29], $0x1900  }
0x14c: {  	[sflag:s29] =	ssyncset.done $0x0  }
0x14d: {  	s8 =	rddreg [dreg:$0x6];
	[sflag:s29] =	ssyncadd.s32 $0xFFFFE700  }
0x14e: {  	[spmem:s8] =	stream.linear.scatter [tilespmem:s31], [sflag:$0x3], $0x1900, $0x38;
	[tilespmem:$0x1E000] =	vst v63  }
0x14f: {  	_ =	swait.ge [sflag:s29], $0x1900  }
0x150: {  	[sflag:s29] =	ssyncset.done $0x0  }
0x151: {  	[sflag:s29] =	ssyncadd.s32 $0xFFFFE700  }
0x152: {  	[spmem:s12] =	stream.linear.scatter [tilespmem:s31], [sflag:$0x3], $0x1900, $0x38;
	[tilespmem:$0x1E000] =	vst v63  }
0x153: {  	_ =	swait.ge [sflag:s29], $0x1900  }
0x154: {  	[sflag:s29] =	ssyncset.done $0x0  }
0x155: {  	[sflag:s29] =	ssyncadd.s32 $0xFFFFE700  }
0x156: {  	[spmem:s13] =	stream.linear.scatter [tilespmem:s31], [sflag:$0x3], $0x1900, $0x38;
	[tilespmem:$0x1E000] =	vst v63  }
0x157: {  	_ =	swait.ge [sflag:s29], $0x1900  }
0x158: {  	[sflag:s29] =	ssyncset.done $0x0  }
0x159: {  	[sflag:s29] =	ssyncadd.s32 $0xFFFFE700  }
0x15a: {  	[spmem:s14] =	stream.linear.scatter [tilespmem:s31], [sflag:$0x3], $0x1900, $0x38;
	[tilespmem:$0x1E000] =	vst v63  }
0x15b: {  	_ =	swait.ge [sflag:s29], $0x1900  }
0x15c: {  	[sflag:s29] =	ssyncset.done $0x0  }
0x15d: {  	[sflag:s29] =	ssyncadd.s32 $0xFFFFE700  }
0x15e: {  	[spmem:s15] =	stream.linear.scatter [tilespmem:s31], [sflag:$0x3], $0x1900, $0x38;
	[tilespmem:$0x1E000] =	vst v63  }
0x15f: {  	_ =	swait.ge [sflag:s29], $0x1900  }
0x160: {  	[sflag:s29] =	ssyncset.done $0x0  }
0x161: {  	[sflag:s29] =	ssyncadd.s32 $0xFFFFE700  }
0x162: {  	[spmem:s16] =	stream.linear.scatter [tilespmem:s31], [sflag:$0x3], $0x1900, $0x38;
	[tilespmem:$0x1E000] =	vst v63  }
0x163: {  	_ =	swait.ge [sflag:s29], $0x1900  }
0x164: {  	[sflag:s29] =	ssyncset.done $0x0  }
0x165: {  	[sflag:s29] =	ssyncadd.s32 $0xFFFFE700  }
0x166: {  	[spmem:s17] =	stream.linear.scatter [tilespmem:s31], [sflag:$0x3], $0x1900, $0x38;
	[tilespmem:$0x1E000] =	vst v63  }
0x167: {  	_ =	swait.ge [sflag:s29], $0x1900  }
0x168: {  	[sflag:s29] =	ssyncset.done $0x0  }
0x169: {  	[sflag:s29] =	ssyncadd.s32 $0xFFFFE700  }
0x16a: {  	[spmem:s18] =	stream.linear.scatter [tilespmem:s31], [sflag:$0x3], $0x1900, $0x38;
	[tilespmem:$0x1E000] =	vst v63  }
0x16b: {  	_ =	swait.ge [sflag:s29], $0x1900  }
0x16c: {  	[sflag:s29] =	ssyncset.done $0x0  }
0x16d: {  	[sflag:s29] =	ssyncadd.s32 $0xFFFFE700  }
0x16e: {  	[spmem:s19] =	stream.linear.scatter [tilespmem:s31], [sflag:$0x3], $0x1900, $0x38;
	[tilespmem:$0x1E000] =	vst v63  }
0x16f: {  	_ =	swait.ge [sflag:s29], $0x1900  }
0x170: {  	[sflag:s29] =	ssyncset.done $0x0  }
0x171: {  	[sflag:s29] =	ssyncadd.s32 $0xFFFFE700  }
0x172: {  	[spmem:s20] =	stream.linear.scatter [tilespmem:s31], [sflag:$0x3], $0x1900, $0x38;
	[tilespmem:$0x1E000] =	vst v63  }
0x173: {  	_ =	swait.ge [sflag:s29], $0x1900  }
0x174: {  	[sflag:s29] =	ssyncset.done $0x0  }
0x175: {  	[sflag:s29] =	ssyncadd.s32 $0xFFFFE700  }
0x176: {  	[spmem:s26] =	stream.linear.scatter [tilespmem:s31], [sflag:$0x3], $0x1900, $0x38;
	[tilespmem:$0x1E000] =	vst v63  }
0x177: {  	_ =	swait.ge [sflag:s29], $0x1900  }
0x178: {  	[sflag:s29] =	ssyncset.done $0x0  }
0x179: {  	[sflag:s29] =	ssyncadd.s32 $0xFFFFE700  }
0x17a: {  	[spmem:s28] =	stream.linear.scatter [tilespmem:s31], [sflag:$0x3], $0x1400, $0x38;
	[tilespmem:$0x1E000] =	vst v63  }
0x17b: {  	_ =	swait.ge [sflag:s29], $0x1400  }
0x17c: {  	[sflag:s29] =	ssyncset.done $0x0  }
0x17d: {  	[sflag:s29] =	ssyncadd.s32 $0xFFFFEC00  }
0x17e: {  	s25 =	simm.s32 $0x0;
	[bflag:$0x0] =	sbarrier.arrive $0xFFFF  }
0x17f: {  	[tilespmem:s31], [sflag:$0x1] =	stream.indirect.gather [hbm4b:s6+s0], $0x80, s25, s0, $0xb8;
	[tilespmem:$0x1E000] =	vst v63  }
0x180: {  	s10 =	simm.s32 $0x80  }
0x181: {  	[tilespmem:s30], [sflag:$0x2] =	stream.indirect.gather [hbm4b:s6+s0], $0x80, s10, s0, $0xb8;
	[tilespmem:$0x1E000] =	vst v63  }
0x182: {  	_ =	swait.ge [sflag:s2], $0x1900  }
0x183: {  	[sflag:s2] =	ssyncset.done $0x0  }
0x184: {  	s11 =	simm.s32 $0x3400;
	[sflag:s2] =	ssyncadd.s32 $0xFFFFE700  }
0x185: {  	[spmem:s3] =	stream.indirect.scatter.add.f32 [tilespmem:s31], [sflag:$0x3], $0x80, s11, s0, $0xb8;
	[tilespmem:$0x1E000] =	vst v63  }
0x186: {  	_ =	swait.ge [sflag:s29], $0x1900  }
0x187: {  	[sflag:s29] =	ssyncset.done $0x0  }
0x188: {  	s21 =	simm.s32 $0x100;
	[sflag:s29] =	ssyncadd.s32 $0xFFFFE700  }
0x189: {  	[tilespmem:s31], [sflag:$0x1] =	stream.indirect.gather [hbm4b:s6+s0], $0x80, s21, s0, $0xb8;
	[tilespmem:$0x1E000] =	vst v63  }
0x18a: {  	_ =	swait.ge [sflag:s4], $0x1900  }
0x18b: {  	[sflag:s4] =	ssyncset.done $0x0  }
0x18c: {  	s25 =	simm.s32 $0x3480;
	[sflag:s4] =	ssyncadd.s32 $0xFFFFE700  }
0x18d: {  	[spmem:s3] =	stream.indirect.scatter.add.f32 [tilespmem:s30], [sflag:$0x3], $0x80, s25, s0, $0xb8;
	[tilespmem:$0x1E000] =	vst v63  }
0x18e: {  	_ =	swait.ge [sflag:s29], $0x1900  }
0x18f: {  	s8 =	simm.s32 $0x800;
	s25 =	simm.s32 $0x100;
	[sflag:s29] =	ssyncset.done $0x0  }
.LBB2_12:
0x190: {  	s10 =	sadd.s32 $0x80, s25  }
0x191: {  	[sflag:s29] =	ssyncadd.s32 $0xFFFFE700;
	s11 =	smov.u32 s8;
	s21 =	sadd.s32 $0x400, s8  }
0x192: {  	[tilespmem:s30], [sflag:$0x2] =	stream.indirect.gather [hbm4b:s6+s0], $0x80, s10, s0, $0xb8;
	[tilespmem:$0x1E000] =	vst v63  }
0x193: {  	p0 =	sne.s32 s8, $0xC000;
	_ =	swait.ge [sflag:s2], $0x1900  }
0x194: {  	[sflag:s2] =	ssyncset.done $0x0  }
0x195: {  	s8 =	sadd.s32 $0x3400, s25;
	[sflag:s2] =	ssyncadd.s32 $0xFFFFE700  }
0x196: {  	[spmem:s3] =	stream.indirect.scatter.add.f32 [tilespmem:s31], [sflag:$0x3], $0x80, s8, s0, $0xb8;
	[tilespmem:$0x1E000] =	vst v63  }
0x197: {  	_ =	swait.ge [sflag:s29], $0x1900  }
0x198: {  	[sflag:s29] =	ssyncset.done $0x0  }
0x199: {  	s8 =	sadd.s32 $0x100, s25;
	[sflag:s29] =	ssyncadd.s32 $0xFFFFE700  }
0x19a: {  	[tilespmem:s31], [sflag:$0x1] =	stream.indirect.gather [hbm4b:s6+s0], $0x80, s8, s0, $0xb8;
	[tilespmem:$0x1E000] =	vst v63  }
0x19b: {  	_ =	swait.ge [sflag:s4], $0x1900  }
.Ltmp5:
0x19c: {  	[sflag:s4] =	ssyncset.done $0x0;
	(pc) =	sbr.rel @p0 .LBB2_12-.Ltmp5, $4  }
0x19d: {  	s8 =	sadd.s32 $0x3480, s25;
	[sflag:s4] =	ssyncadd.s32 $0xFFFFE700  }
0x19e: {  	[spmem:s3] =	stream.indirect.scatter.add.f32 [tilespmem:s30], [sflag:$0x3], $0x80, s8, s0, $0xb8;
	[tilespmem:$0x1E000] =	vst v63  }
0x19f: {  	_ =	swait.ge [sflag:s29], $0x1900  }
0x1a0: {  	s25 =	sshra.s32 s11, $0x2;
	s8 =	smov.u32 s21;
	[sflag:s29] =	ssyncset.done $0x0  }
0x1a1: {  	s8 =	sadd.s32 $0x80, s25;
	[sflag:s29] =	ssyncadd.s32 $0xFFFFE700  }
0x1a2: {  	[tilespmem:s30], [sflag:$0x2] =	stream.indirect.gather [hbm4b:s6+s0], $0x80, s8, s0, $0xb8;
	[tilespmem:$0x1E000] =	vst v63  }
0x1a3: {  	_ =	swait.ge [sflag:s2], $0x1900  }
0x1a4: {  	[sflag:s2] =	ssyncset.done $0x0  }
0x1a5: {  	s11 =	sadd.s32 $0x3400, s25;
	[sflag:s2] =	ssyncadd.s32 $0xFFFFE700  }
0x1a6: {  	[spmem:s3] =	stream.indirect.scatter.add.f32 [tilespmem:s31], [sflag:$0x3], $0x80, s11, s0, $0xb8;
	[tilespmem:$0x1E000] =	vst v63  }
0x1a7: {  	_ =	swait.ge [sflag:s29], $0x1900  }
0x1a8: {  	[sflag:s29] =	ssyncset.done $0x0  }
0x1a9: {  	s21 =	sadd.s32 $0x100, s25;
	[sflag:s29] =	ssyncadd.s32 $0xFFFFE700  }
0x1aa: {  	[tilespmem:s31], [sflag:$0x1] =	stream.indirect.gather [hbm4b:s6+s0], $0x80, s21, s0, $0xb8;
	[tilespmem:$0x1E000] =	vst v63  }
0x1ab: {  	_ =	swait.ge [sflag:s4], $0x1900  }
0x1ac: {  	[sflag:s4] =	ssyncset.done $0x0  }
0x1ad: {  	s25 =	sadd.s32 $0x3480, s25;
	[sflag:s4] =	ssyncadd.s32 $0xFFFFE700  }
0x1ae: {  	[spmem:s3] =	stream.indirect.scatter.add.f32 [tilespmem:s30], [sflag:$0x3], $0x80, s25, s0, $0xb8;
	[tilespmem:$0x1E000] =	vst v63  }
0x1af: {  	_ =	swait.ge [sflag:s29], $0x1900  }
0x1b0: {  	[sflag:s29] =	ssyncset.done $0x0  }
0x1b1: {  	s10 =	simm.s32 $0x3180;
	[sflag:s29] =	ssyncadd.s32 $0xFFFFE700  }
0x1b2: {  	[tilespmem:s30], [sflag:$0x2] =	stream.indirect.gather [hbm4b:s6+s0], $0x80, s10, s0, $0xb8;
	[tilespmem:$0x1E000] =	vst v63  }
0x1b3: {  	_ =	swait.ge [sflag:s2], $0x1900  }
0x1b4: {  	[sflag:s2] =	ssyncset.done $0x0  }
0x1b5: {  	s11 =	simm.s32 $0x6500;
	[sflag:s2] =	ssyncadd.s32 $0xFFFFE700  }
0x1b6: {  	[spmem:s3] =	stream.indirect.scatter.add.f32 [tilespmem:s31], [sflag:$0x3], $0x80, s11, s0, $0xb8;
	[tilespmem:$0x1E000] =	vst v63  }
0x1b7: {  	_ =	swait.ge [sflag:s29], $0x1900  }
0x1b8: {  	[sflag:s29] =	ssyncset.done $0x0  }
0x1b9: {  	[sflag:s29] =	ssyncadd.s32 $0xFFFFE700  }
0x1ba: {  	_ =	swait.ge [sflag:s4], $0x1900  }
0x1bb: {  	[sflag:s4] =	ssyncset.done $0x0  }
0x1bc: {  	s21 =	simm.s32 $0x6580;
	[sflag:s4] =	ssyncadd.s32 $0xFFFFE700  }
0x1bd: {  	[spmem:s3] =	stream.indirect.scatter.add.f32 [tilespmem:s30], [sflag:$0x3], $0x80, s21, s0, $0xb8;
	[tilespmem:$0x1E000] =	vst v63  }
0x1be: {  	_ =	swait.ge [sflag:s29], $0x1900  }
0x1bf: {  	[sflag:s29] =	ssyncset.done $0x0  }
0x1c0: {  	[sflag:s29] =	ssyncadd.s32 $0xFFFFE700  }
0x1c1: {  	[bflag:$0x0] =	sbarrier.arrive $0xFFFF  }
0x1c2: {  	s25 =	rddreg [dreg:$0x9]  }
0x1c3: {  	[hbm:s25], [sflag:s23] =	dma.local [spmem:s24], $0x2800  }
0x1c4: {  	_ =	swait.ge [sflag:s29], $0x2800  }
0x1c5: {  	[sflag:s29] =	ssyncset.done $0x0  }
0x1c6: {  	s8 =	simm.s32 $0x200;
	s25 =	simm.s32 $0x0;
	[sflag:s29] =	ssyncadd.s32 $0xFFFFD800  }
.LBB2_14:
0x1c7: {  	p0 =	sne.s32 s8, $0x6200;
	[tilespmem:s25+$0x6870] =	vst v0  }
0x1c8: {  	[tilespmem:s25+$0x6800] =	vst v0  }
0x1c9: {  	[tilespmem:s25+$0x6810] =	vst v0  }
.Ltmp6:
0x1ca: {  	[tilespmem:s25+$0x6820] =	vst v0;
	(pc) =	sbr.rel @p0 .LBB2_14-.Ltmp6, $4  }
0x1cb: {  	[tilespmem:s25+$0x6830] =	vst v0  }
0x1cc: {  	[tilespmem:s25+$0x6840] =	vst v0  }
0x1cd: {  	[tilespmem:s25+$0x6850] =	vst v0  }
0x1ce: {  	[tilespmem:s25+$0x6860] =	vst v0;
	s25 =	sshra.s32 s8, $0x2;
	s8 =	sadd.s32 $0x200, s8  }
0x1cf: {  	[tilespmem:s25+$0x6870] =	vst v0  }
0x1d0: {  	[tilespmem:s25+$0x6800] =	vst v0  }
0x1d1: {  	[tilespmem:s25+$0x6810] =	vst v0  }
0x1d2: {  	[tilespmem:s25+$0x6820] =	vst v0  }
0x1d3: {  	[tilespmem:s25+$0x6830] =	vst v0  }
0x1d4: {  	[tilespmem:s25+$0x6840] =	vst v0  }
0x1d5: {  	[tilespmem:s25+$0x6850] =	vst v0  }
0x1d6: {  	[tilespmem:s25+$0x6860] =	vst v0  }
0x1d7: {  	[spmem:s9] =	stream.linear.scatter [tilespmem:s31], [sflag:$0x3], $0x1900, $0x38;
	[tilespmem:$0x1E000] =	vst v63  }
0x1d8: {  	_ =	swait.ge [sflag:s29], $0x1900  }
0x1d9: {  	[sflag:s29] =	ssyncset.done $0x0  }
0x1da: {  	s8 =	rddreg [dreg:$0x6];
	[sflag:s29] =	ssyncadd.s32 $0xFFFFE700  }
0x1db: {  	[spmem:s8] =	stream.linear.scatter [tilespmem:s31], [sflag:$0x3], $0x1900, $0x38;
	[tilespmem:$0x1E000] =	vst v63  }
0x1dc: {  	_ =	swait.ge [sflag:s29], $0x1900  }
0x1dd: {  	[sflag:s29] =	ssyncset.done $0x0  }
0x1de: {  	[sflag:s29] =	ssyncadd.s32 $0xFFFFE700  }
0x1df: {  	[spmem:s12] =	stream.linear.scatter [tilespmem:s31], [sflag:$0x3], $0x1900, $0x38;
	[tilespmem:$0x1E000] =	vst v63  }
0x1e0: {  	_ =	swait.ge [sflag:s29], $0x1900  }
0x1e1: {  	[sflag:s29] =	ssyncset.done $0x0  }
0x1e2: {  	[sflag:s29] =	ssyncadd.s32 $0xFFFFE700  }
0x1e3: {  	[spmem:s13] =	stream.linear.scatter [tilespmem:s31], [sflag:$0x3], $0x1900, $0x38;
	[tilespmem:$0x1E000] =	vst v63  }
0x1e4: {  	_ =	swait.ge [sflag:s29], $0x1900  }
0x1e5: {  	[sflag:s29] =	ssyncset.done $0x0  }
0x1e6: {  	[sflag:s29] =	ssyncadd.s32 $0xFFFFE700  }
0x1e7: {  	[spmem:s14] =	stream.linear.scatter [tilespmem:s31], [sflag:$0x3], $0x1900, $0x38;
	[tilespmem:$0x1E000] =	vst v63  }
0x1e8: {  	_ =	swait.ge [sflag:s29], $0x1900  }
0x1e9: {  	[sflag:s29] =	ssyncset.done $0x0  }
0x1ea: {  	[sflag:s29] =	ssyncadd.s32 $0xFFFFE700  }
0x1eb: {  	[spmem:s15] =	stream.linear.scatter [tilespmem:s31], [sflag:$0x3], $0x1900, $0x38;
	[tilespmem:$0x1E000] =	vst v63  }
0x1ec: {  	_ =	swait.ge [sflag:s29], $0x1900  }
0x1ed: {  	[sflag:s29] =	ssyncset.done $0x0  }
0x1ee: {  	[sflag:s29] =	ssyncadd.s32 $0xFFFFE700  }
0x1ef: {  	[spmem:s16] =	stream.linear.scatter [tilespmem:s31], [sflag:$0x3], $0x1900, $0x38;
	[tilespmem:$0x1E000] =	vst v63  }
0x1f0: {  	_ =	swait.ge [sflag:s29], $0x1900  }
0x1f1: {  	[sflag:s29] =	ssyncset.done $0x0  }
0x1f2: {  	[sflag:s29] =	ssyncadd.s32 $0xFFFFE700  }
0x1f3: {  	[spmem:s17] =	stream.linear.scatter [tilespmem:s31], [sflag:$0x3], $0x1900, $0x38;
	[tilespmem:$0x1E000] =	vst v63  }
0x1f4: {  	_ =	swait.ge [sflag:s29], $0x1900  }
0x1f5: {  	[sflag:s29] =	ssyncset.done $0x0  }
0x1f6: {  	[sflag:s29] =	ssyncadd.s32 $0xFFFFE700  }
0x1f7: {  	[spmem:s18] =	stream.linear.scatter [tilespmem:s31], [sflag:$0x3], $0x1900, $0x38;
	[tilespmem:$0x1E000] =	vst v63  }
0x1f8: {  	_ =	swait.ge [sflag:s29], $0x1900  }
0x1f9: {  	[sflag:s29] =	ssyncset.done $0x0  }
0x1fa: {  	[sflag:s29] =	ssyncadd.s32 $0xFFFFE700  }
0x1fb: {  	[spmem:s19] =	stream.linear.scatter [tilespmem:s31], [sflag:$0x3], $0x1900, $0x38;
	[tilespmem:$0x1E000] =	vst v63  }
0x1fc: {  	_ =	swait.ge [sflag:s29], $0x1900  }
0x1fd: {  	[sflag:s29] =	ssyncset.done $0x0  }
0x1fe: {  	[sflag:s29] =	ssyncadd.s32 $0xFFFFE700  }
0x1ff: {  	[spmem:s20] =	stream.linear.scatter [tilespmem:s31], [sflag:$0x3], $0x1900, $0x38;
	[tilespmem:$0x1E000] =	vst v63  }
0x200: {  	_ =	swait.ge [sflag:s29], $0x1900  }
0x201: {  	[sflag:s29] =	ssyncset.done $0x0  }
0x202: {  	[sflag:s29] =	ssyncadd.s32 $0xFFFFE700  }
0x203: {  	[spmem:s26] =	stream.linear.scatter [tilespmem:s31], [sflag:$0x3], $0x1900, $0x38;
	[tilespmem:$0x1E000] =	vst v63  }
0x204: {  	_ =	swait.ge [sflag:s29], $0x1900  }
0x205: {  	[sflag:s29] =	ssyncset.done $0x0  }
0x206: {  	[sflag:s29] =	ssyncadd.s32 $0xFFFFE700  }
0x207: {  	[spmem:s28] =	stream.linear.scatter [tilespmem:s31], [sflag:$0x3], $0x1400, $0x38;
	[tilespmem:$0x1E000] =	vst v63  }
0x208: {  	_ =	swait.ge [sflag:s29], $0x1400  }
0x209: {  	[sflag:s29] =	ssyncset.done $0x0  }
0x20a: {  	[sflag:s29] =	ssyncadd.s32 $0xFFFFEC00  }
0x20b: {  	s25 =	simm.s32 $0x0;
	[bflag:$0x0] =	sbarrier.arrive $0xFFFF  }
0x20c: {  	[tilespmem:s31], [sflag:$0x1] =	stream.indirect.gather [hbm4b:s7+s0], $0x80, s25, s0, $0xb8;
	[tilespmem:$0x1E000] =	vst v63  }
0x20d: {  	s10 =	simm.s32 $0x80  }
0x20e: {  	[tilespmem:s30], [sflag:$0x2] =	stream.indirect.gather [hbm4b:s7+s0], $0x80, s10, s0, $0xb8;
	[tilespmem:$0x1E000] =	vst v63  }
0x20f: {  	_ =	swait.ge [sflag:s2], $0x1900  }
0x210: {  	[sflag:s2] =	ssyncset.done $0x0  }
0x211: {  	s11 =	simm.s32 $0x3400;
	[sflag:s2] =	ssyncadd.s32 $0xFFFFE700  }
0x212: {  	[spmem:s3] =	stream.indirect.scatter.add.f32 [tilespmem:s31], [sflag:$0x3], $0x80, s11, s0, $0xb8;
	[tilespmem:$0x1E000] =	vst v63  }
0x213: {  	_ =	swait.ge [sflag:s29], $0x1900  }
0x214: {  	[sflag:s29] =	ssyncset.done $0x0  }
0x215: {  	s21 =	simm.s32 $0x100;
	[sflag:s29] =	ssyncadd.s32 $0xFFFFE700  }
0x216: {  	[tilespmem:s31], [sflag:$0x1] =	stream.indirect.gather [hbm4b:s7+s0], $0x80, s21, s0, $0xb8;
	[tilespmem:$0x1E000] =	vst v63  }
0x217: {  	_ =	swait.ge [sflag:s4], $0x1900  }
0x218: {  	[sflag:s4] =	ssyncset.done $0x0  }
0x219: {  	s25 =	simm.s32 $0x3480;
	[sflag:s4] =	ssyncadd.s32 $0xFFFFE700  }
0x21a: {  	[spmem:s3] =	stream.indirect.scatter.add.f32 [tilespmem:s30], [sflag:$0x3], $0x80, s25, s0, $0xb8;
	[tilespmem:$0x1E000] =	vst v63  }
0x21b: {  	_ =	swait.ge [sflag:s29], $0x1900  }
0x21c: {  	s8 =	simm.s32 $0x800;
	s25 =	simm.s32 $0x100;
	[sflag:s29] =	ssyncset.done $0x0  }
.LBB2_16:
0x21d: {  	s10 =	sadd.s32 $0x80, s25  }
0x21e: {  	[sflag:s29] =	ssyncadd.s32 $0xFFFFE700;
	s11 =	smov.u32 s8;
	s21 =	sadd.s32 $0x400, s8  }
0x21f: {  	[tilespmem:s30], [sflag:$0x2] =	stream.indirect.gather [hbm4b:s7+s0], $0x80, s10, s0, $0xb8;
	[tilespmem:$0x1E000] =	vst v63  }
0x220: {  	p0 =	sne.s32 s8, $0xC000;
	_ =	swait.ge [sflag:s2], $0x1900  }
0x221: {  	[sflag:s2] =	ssyncset.done $0x0  }
0x222: {  	s8 =	sadd.s32 $0x3400, s25;
	[sflag:s2] =	ssyncadd.s32 $0xFFFFE700  }
0x223: {  	[spmem:s3] =	stream.indirect.scatter.add.f32 [tilespmem:s31], [sflag:$0x3], $0x80, s8, s0, $0xb8;
	[tilespmem:$0x1E000] =	vst v63  }
0x224: {  	_ =	swait.ge [sflag:s29], $0x1900  }
0x225: {  	[sflag:s29] =	ssyncset.done $0x0  }
0x226: {  	s8 =	sadd.s32 $0x100, s25;
	[sflag:s29] =	ssyncadd.s32 $0xFFFFE700  }
0x227: {  	[tilespmem:s31], [sflag:$0x1] =	stream.indirect.gather [hbm4b:s7+s0], $0x80, s8, s0, $0xb8;
	[tilespmem:$0x1E000] =	vst v63  }
0x228: {  	_ =	swait.ge [sflag:s4], $0x1900  }
.Ltmp7:
0x229: {  	[sflag:s4] =	ssyncset.done $0x0;
	(pc) =	sbr.rel @p0 .LBB2_16-.Ltmp7, $4  }
0x22a: {  	s8 =	sadd.s32 $0x3480, s25;
	[sflag:s4] =	ssyncadd.s32 $0xFFFFE700  }
0x22b: {  	[spmem:s3] =	stream.indirect.scatter.add.f32 [tilespmem:s30], [sflag:$0x3], $0x80, s8, s0, $0xb8;
	[tilespmem:$0x1E000] =	vst v63  }
0x22c: {  	_ =	swait.ge [sflag:s29], $0x1900  }
0x22d: {  	s25 =	sshra.s32 s11, $0x2;
	s8 =	smov.u32 s21;
	[sflag:s29] =	ssyncset.done $0x0  }
0x22e: {  	s8 =	sadd.s32 $0x80, s25;
	[sflag:s29] =	ssyncadd.s32 $0xFFFFE700  }
0x22f: {  	[tilespmem:s30], [sflag:$0x2] =	stream.indirect.gather [hbm4b:s7+s0], $0x80, s8, s0, $0xb8;
	[tilespmem:$0x1E000] =	vst v63  }
0x230: {  	_ =	swait.ge [sflag:s2], $0x1900  }
0x231: {  	[sflag:s2] =	ssyncset.done $0x0  }
0x232: {  	s10 =	sadd.s32 $0x3400, s25;
	[sflag:s2] =	ssyncadd.s32 $0xFFFFE700  }
0x233: {  	[spmem:s3] =	stream.indirect.scatter.add.f32 [tilespmem:s31], [sflag:$0x3], $0x80, s10, s0, $0xb8;
	[tilespmem:$0x1E000] =	vst v63  }
0x234: {  	_ =	swait.ge [sflag:s29], $0x1900  }
0x235: {  	[sflag:s29] =	ssyncset.done $0x0  }
0x236: {  	s11 =	sadd.s32 $0x100, s25;
	[sflag:s29] =	ssyncadd.s32 $0xFFFFE700  }
0x237: {  	[tilespmem:s31], [sflag:$0x1] =	stream.indirect.gather [hbm4b:s7+s0], $0x80, s11, s0, $0xb8;
	[tilespmem:$0x1E000] =	vst v63  }
0x238: {  	_ =	swait.ge [sflag:s4], $0x1900  }
0x239: {  	[sflag:s4] =	ssyncset.done $0x0  }
0x23a: {  	s21 =	sadd.s32 $0x3480, s25;
	[sflag:s4] =	ssyncadd.s32 $0xFFFFE700  }
0x23b: {  	[spmem:s3] =	stream.indirect.scatter.add.f32 [tilespmem:s30], [sflag:$0x3], $0x80, s21, s0, $0xb8;
	[tilespmem:$0x1E000] =	vst v63  }
0x23c: {  	_ =	swait.ge [sflag:s29], $0x1900  }
0x23d: {  	[sflag:s29] =	ssyncset.done $0x0  }
0x23e: {  	s25 =	simm.s32 $0x3180;
	[sflag:s29] =	ssyncadd.s32 $0xFFFFE700  }
0x23f: {  	[tilespmem:s30], [sflag:$0x2] =	stream.indirect.gather [hbm4b:s7+s0], $0x80, s25, s0, $0xb8;
	[tilespmem:$0x1E000] =	vst v63  }
0x240: {  	_ =	swait.ge [sflag:s2], $0x1900  }
0x241: {  	[sflag:s2] =	ssyncset.done $0x0  }
0x242: {  	s10 =	simm.s32 $0x6500;
	[sflag:s2] =	ssyncadd.s32 $0xFFFFE700  }
0x243: {  	[spmem:s3] =	stream.indirect.scatter.add.f32 [tilespmem:s31], [sflag:$0x3], $0x80, s10, s0, $0xb8;
	[tilespmem:$0x1E000] =	vst v63  }
0x244: {  	_ =	swait.ge [sflag:s29], $0x1900  }
0x245: {  	[sflag:s29] =	ssyncset.done $0x0  }
0x246: {  	[sflag:s29] =	ssyncadd.s32 $0xFFFFE700  }
0x247: {  	_ =	swait.ge [sflag:s4], $0x1900  }
0x248: {  	[sflag:s4] =	ssyncset.done $0x0  }
0x249: {  	s11 =	simm.s32 $0x6580;
	[sflag:s4] =	ssyncadd.s32 $0xFFFFE700  }
0x24a: {  	[spmem:s3] =	stream.indirect.scatter.add.f32 [tilespmem:s30], [sflag:$0x3], $0x80, s11, s0, $0xb8;
	[tilespmem:$0x1E000] =	vst v63  }
0x24b: {  	_ =	swait.ge [sflag:s29], $0x1900  }
0x24c: {  	[sflag:s29] =	ssyncset.done $0x0  }
0x24d: {  	[sflag:s29] =	ssyncadd.s32 $0xFFFFE700  }
0x24e: {  	[bflag:$0x0] =	sbarrier.arrive $0xFFFF  }
0x24f: {  	s21 =	rddreg [dreg:$0xa]  }
0x250: {  	[hbm:s21], [sflag:s23] =	dma.local [spmem:s24], $0x2800  }
0x251: {  	_ =	swait.ge [sflag:s29], $0x2800  }
0x252: {  	s22 =	sadd.s32 $0x1, s22;
	s25 =	rddreg [dreg:$0xb]  }
0x253: {  	p0 =	sne.s32 s22, s25  }
.Ltmp8:
0x254: {  	_ = 	snop;
	(pc) =	sbr.rel @p0 .LBB2_1-.Ltmp8, $3  }
0x255: {  	_ =	sdelay $0x1  }
0x256: {  	[sflag:s29] =	ssyncset.done $0x0  }
0x257: {  	[sflag:s29] =	ssyncadd.s32 $0xFFFFD800  }
0x258: {  	_ =	sfence.sel $0x180000  }
0x259: {  	[bflag:$0x0] =	sbarrier.arrive $0xFFFF  }
0x25a: {  	_ =	strace $0x9000004D  }
0x25b: {  	s0 =	stileid.u32;
	[bflag:$0x2] =	sbarrier.arrive $0xFFFF  }
0x25c: {  	p0 =	sne.s32 s0, $0x0;
	s0 =	rddreg [dreg:$0x3]  }
0x25d: {  	s0 =	sadd.s32 @!p0 $0x100000, s0  }
0x25e: {  	[sflag:s0] =	ssyncadd.tile.s32 @!p0 $0x1;
	_ =	shalt  }
.Lfunc_end2:
_tile_overlayer_lowered:
.L_overlay_start_2:
0x25f: {  	(tag) =	ssettag $0x2  }
0x260: {  	s0 =	rddreg [dreg:$0x0];
	s2 =	stileid.u32  }
0x261: {  	s1 =	rddreg [dreg:$0x1];
	p0 =	sne.s32 s2, $0x0  }
0x262: {  	s3 =	rddreg [dreg:$0x2];
	[bflag:$0x3] =	sbarrier.arrive $0xFFFF;
	s2 =	simm.s32 @!p0 $0x1C03  }
0x263: {  	[timem:s3], [sflag:s2] =	dma.local @!p0 [hbm:s0], s1  }
0x264: {  	s0 =	simm.s32 @!p0 $0x3  }
0x265: {  	_ =	swait.ge @!p0 [sflag:s0], s1  }
0x266: {  	s1 =	ssub.s32 @!p0 $0x0, s1;
	[sflag:s0] =	ssyncset.done @!p0 $0x0  }
0x267: {  	[sflag:s0] =	ssyncadd.s32 @!p0 s1  }
0x268: {  	[bflag:$0x3] =	sbarrier.arrive $0xFFFF  }
0x269: {  	_ =	shalt  }

// kernel: kernel.8.cloned.1.call-start
scs
__scs_entry_jumppad:
0x0: {  	(pc) =	sbr.rel $0x88, $3  }
0x1: {  	(tag) =	ssettag $0x0;
	lr =	simm.s32 $0x1  }
0x2: {  	[smem:$0x3F99] =	sst lr;
	_ =	strace $0xD0000000  }
0x3: {  	_ = 	snop  }
0x4: {  	_ = 	snop  }
0x5: {  	_ = 	snop  }
0x6: {  	_ = 	snop  }
0x7: {  	_ = 	snop  }
__scs_overlays_trampoline_lowered:
0x8: {  	[smem:$0x3FA8] =	sst s0  }
0x9: {  	[smem:$0x3FA9] =	sst s1  }
0xa: {  	[smem:$0x3FAA] =	sst s2  }
0xb: {  	[smem:$0x3FAB] =	sst s3  }
0xc: {  	[smem:$0x3FAC] =	sst s4  }
0xd: {  	[smem:$0x3FAD] =	sst s5  }
0xe: {  	[smem:$0x3FAE] =	sst s6  }
0xf: {  	[smem:$0x3FAF] =	sst s7  }
0x10: {  	[smem:$0x3FB0] =	sst s8  }
0x11: {  	[smem:$0x3FB1] =	sst s9;
	s0 =	simm.s32 @!p0 $0x0  }
0x12: {  	s1 =	sld [smem:$0x3F97];
	s0 =	simm.s32 @p0 $0x1  }
0x13: {  	[smem:$0x3FB2] =	sst s0;
	s0 =	simm.s32 @!p1 $0x0  }
0x14: {  	s2 =	sld [smem:$0x3F96];
	s0 =	simm.s32 @p1 $0x1  }
0x15: {  	[smem:$0x3FB3] =	sst s0;
	s0 =	simm.s32 @!p2 $0x0  }
0x16: {  	s3 =	sld [smem:$0x3FDB];
	s0 =	simm.s32 @p2 $0x1  }
0x17: {  	s4 =	simm.s32 $0x1BF5;
	[smem:$0x3FB5] =	sst s0  }
0x18: {  	s0 =	sld [smem:$0x3F98];
	_ =	swait.ge [sflag:s4], $0x0  }
0x19: {  	s7 =	sld [smem:$0x3F99]  }
0x1a: {  	s8 =	sadd.s32 $0xFFFFE003, lr  }
0x1b: {  	s9 =	sadd.s32 $0xFFFFFEF7, lr;
	s5 =	simm.s32 $0xFFFFFFFF;
	p2 =	slt.u32 s8, $0xFFFFF086  }
0x1c: {  	p1 =	slt.u32 s9, $0xF7A;
	s5 =	simm.s32 @!p2 $0x0  }
0x1d: {  	s5 =	simm.s32 @p1 $0x1;
	p0 =	seq.s32 s7, s2  }
0x1e: {  	s7 =	smul.u32 @!p0 $0xF7A, s2;
	p2 =	seq.s32 @!p0 s5, $0x0  }
0x1f: {  	s9 =	smul.u32 $0xF7A, s1;
	s8 =	simm.s32 @!p0 $0x1BF5;
	p2 =	por !p2, p0  }
0x20: {  	[sflag:s8] =	ssyncset.s32 @!p0 $0xFFFFF086;
	s6 =	sadd.s32 @!p0 s3, s7;
	s7 =	simm.s32 @!p0 $0x108  }
0x21: {  	s3 =	sadd.s32 s3, s9;
	s6 =	sadd.s32 @!p0 $0x88, s6;
	s7 =	simm.s32 @p2 $0x1082  }
0x22: {  	[simem:s7], [sflag:s8] =	dma.local @!p0 [hbm:s6], $0xF7A  }
0x23: {  	s9 =	sor.u32 $0xD0000000, s2;
	s6 =	simm.s32 $0x108;
	_ =	swait.ge @!p0 [sflag:s8], $0x0  }
0x24: {  	s3 =	sadd.s32 $0x88, s3;
	s6 =	simm.s32 @!p1 $0x1082;
	[sflag:s4] =	ssyncset.s32 $0xFFFFF086  }
0x25: {  	[simem:s6], [sflag:s4] =	dma.local [hbm:s3], $0xF7A  }
0x26: {  	[smem:$0x3F99] =	sst s1;
	(tag) =	ssettag s2;
	_ =	strace s9  }
0x27: {  	s1 =	sld [smem:$0x3FA9]  }
0x28: {  	s2 =	sld [smem:$0x3FAA]  }
0x29: {  	s4 =	sld [smem:$0x3FAC]  }
0x2a: {  	p0 =	seq.s32 s5, $0x0;
	s5 =	sld [smem:$0x3FAD]  }
0x2b: {  	s6 =	sld [smem:$0x3FAE]  }
0x2c: {  	s7 =	sld [smem:$0x3FAF]  }
0x2d: {  	s3 =	simm.s32 $0x108;
	s8 =	sld [smem:$0x3FB0]  }
0x2e: {  	s3 =	simm.s32 @!p0 $0x1082;
	s9 =	sld [smem:$0x3FB1]  }
0x2f: {  	lr =	sadd.s32 s0, s3;
	s0 =	sld [smem:$0x3FA8]  }
0x30: {  	s3 =	sld [smem:$0x3FAB]  }
0x31: {  	[smem:$0x3FB4] =	sst s10  }
0x32: {  	s10 =	sld [smem:$0x3FB2];
	_ =	sdelay $0x3  }
0x33: {  	p0 =	seq.s32 s10, $0x1;
	s10 =	sld [smem:$0x3FB4];
	_ =	sdelay $0x3  }
0x34: {  	[smem:$0x3FB4] =	sst s10  }
0x35: {  	s10 =	sld [smem:$0x3FB3];
	_ =	sdelay $0x3  }
0x36: {  	p1 =	seq.s32 s10, $0x1;
	s10 =	sld [smem:$0x3FB4];
	_ =	sdelay $0x3  }
0x37: {  	[smem:$0x3FB4] =	sst s10  }
0x38: {  	s10 =	sld [smem:$0x3FB5]  }
0x39: {  	_ = 	snop;
	(pc) =	sbr.ind lr, $3  }
0x3a: {  	_ = 	snop  }
0x3b: {  	_ = 	snop  }
0x3c: {  	p2 =	seq.s32 s10, $0x1;
	s10 =	sld [smem:$0x3FB4]  }
0x3d: {  	_ =	shalt  }
0x3e: {  	_ =	shalt  }
0x3f: {  	_ =	shalt  }
0x40: {  	_ =	shalt  }
0x41: {  	_ =	shalt  }
0x42: {  	_ =	shalt  }
0x43: {  	_ =	shalt  }
0x44: {  	_ =	shalt  }
0x45: {  	_ =	shalt  }
0x46: {  	_ =	shalt  }
0x47: {  	_ =	shalt  }
0x48: {  	_ =	shalt  }
0x49: {  	_ =	shalt  }
0x4a: {  	_ =	shalt  }
0x4b: {  	_ =	shalt  }
0x4c: {  	_ =	shalt  }
0x4d: {  	_ =	shalt  }
0x4e: {  	_ =	shalt  }
0x4f: {  	_ =	shalt  }
0x50: {  	_ =	shalt  }
0x51: {  	_ =	shalt  }
0x52: {  	_ =	shalt  }
0x53: {  	_ =	shalt  }
0x54: {  	_ =	shalt  }
0x55: {  	_ =	shalt  }
0x56: {  	_ =	shalt  }
0x57: {  	_ =	shalt  }
0x58: {  	_ =	shalt  }
0x59: {  	_ =	shalt  }
0x5a: {  	_ =	shalt  }
0x5b: {  	_ =	shalt  }
0x5c: {  	_ =	shalt  }
0x5d: {  	_ =	shalt  }
0x5e: {  	_ =	shalt  }
0x5f: {  	_ =	shalt  }
0x60: {  	_ =	shalt  }
0x61: {  	_ =	shalt  }
0x62: {  	_ =	shalt  }
0x63: {  	_ =	shalt  }
0x64: {  	_ =	shalt  }
0x65: {  	_ =	shalt  }
0x66: {  	_ =	shalt  }
0x67: {  	_ =	shalt  }
0x68: {  	_ =	shalt  }
0x69: {  	_ =	shalt  }
0x6a: {  	_ =	shalt  }
0x6b: {  	_ =	shalt  }
0x6c: {  	_ =	shalt  }
0x6d: {  	_ =	shalt  }
0x6e: {  	_ =	shalt  }
0x6f: {  	_ =	shalt  }
0x70: {  	_ =	shalt  }
0x71: {  	_ =	shalt  }
0x72: {  	_ =	shalt  }
0x73: {  	_ =	shalt  }
0x74: {  	_ =	shalt  }
0x75: {  	_ =	shalt  }
0x76: {  	_ =	shalt  }
0x77: {  	_ =	shalt  }
0x78: {  	_ =	shalt  }
0x79: {  	_ =	shalt  }
0x7a: {  	_ =	shalt  }
0x7b: {  	_ =	shalt  }
0x7c: {  	_ =	shalt  }
0x7d: {  	_ =	shalt  }
0x7e: {  	_ =	shalt  }
0x7f: {  	_ =	shalt  }
0x80: {  	_ =	shalt  }
0x81: {  	_ =	shalt  }
0x82: {  	_ =	shalt  }
0x83: {  	_ =	shalt  }
0x84: {  	_ =	shalt  }
0x85: {  	_ =	shalt  }
0x86: {  	_ =	shalt  }
0x87: {  	_ =	shalt  }
.Lfunc_end0:
.L_simem_size_0:
called_computation_lowered:
.L_overlay_start_0:
0x88: {  	s2 =	sld [smem:$0x3FD9]  }
0x89: {  	s3 =	sld [smem:$0x3FFE];
	_ =	sdelay $0x1  }
0x8a: {  	s1 =	srdreg.scid  }
0x8b: {  	s0 =	sand.u32 $0x1, s1  }
0x8c: {  	s16 =	sshll.u32 s0, $0xA;
	s2 =	sadd.s32 s3, s2  }
0x8d: {  	s2 =	sadd.s32 s2, s16  }
0x8e: {  	[smem:$0x3FC0] =	sst s2  }
0x8f: {  	_ = 	snop  }
0x90: {  	(tm) =	ssettm $0x1  }
0x91: {  	s17 =	sld [smem:$0x3FFB];
	_ =	sdelay $0x3  }
0x92: {  	_ =	strace s17  }
0x93: {  	s2 =	sld [smem:$0x3FFC];
	_ =	sdelay $0x3  }
0x94: {  	_ =	strace s2  }
0x95: {  	s2 =	sld [smem:$0x3FFD];
	_ =	sdelay $0x3  }
0x96: {  	_ =	strace s2  }
0x97: {  	_ =	strace $0x8FFFFFFF  }
0x98: {  	s18 =	sld [smem:$0x3FDB];
	_ =	sdelay $0x1  }
0x99: {  	s19 =	simm.s32 $_scs_section_size  }
0x9a: {  	s4 =	simm.s32 $_size__tile_overlayer_lowered;
	s5 =	simm.s32 $_tile_overlayer_lowered  }
0x9b: {  	s22 =	simm.s32 $0x1BFF;
	s21 =	sshll.u32 s5, $0x1;
	s2 =	sadd.s32 s19, s18  }
0x9c: {  	s6 =	simm.s32 $0x0;
	s20 =	sshll.u32 s4, $0x1;
	s4 =	sadd.s32 s21, s2  }
0x9d: {  	[timem:s6], [sflag:s22] =	dma.local [hbm:s4], s20  }
0x9e: {  	_ =	swait.ge [sflag:s22], s20  }
0x9f: {  	s3 =	ssub.s32 $0x0, s20;
	[sflag:s22] =	ssyncset.done $0x0  }
0xa0: {  	[sflag:s22] =	ssyncadd.s32 s3;
	_ =	sdelay $0x1  }
0xa1: {  	s23 =	simm.s32 $0x1B8B  }
0xa2: {  	_ =	swait.ge [sflag:s23], $0x1  }
0xa3: {  	[sflag:s23] =	ssyncset.done $0x0  }
0xa4: {  	s25 =	simm.s32 $0x1B8E;
	s24 =	sld [smem:$0x3FFE];
	[sflag:s23] =	ssyncadd.s32 $0xFFFFFFFF  }
0xa5: {  	s26 =	simm.s32 $execute0_lowered;
	[smem:$0x3FD2] =	sst s25  }
0xa6: {  	s4 =	sshll.u32 s26, $0x1;
	_ =	strace $0x80000046;
	[dreg:$0x1] =	wrdreg $0xFFFFFFFF  }
0xa7: {  	s28 =	simm.s32 $_size_execute0_lowered;
	s2 =	sadd.s32 s2, s4;
	[dreg:$0x0] =	wrdreg $0x0  }
0xa8: {  	s4 =	sshll.u32 s28, $0x1;
	[dreg:$0x2] =	wrdreg s2  }
0xa9: {  	[dreg:$0x3] =	wrdreg s4  }
0xaa: {  	[dreg:$0x4] =	wrdreg $0xC0  }
0xab: {  	_ =	task [dreg:s6], $0x5FFFF  }
0xac: {  	[dreg:$0x1] =	wrdreg $0xFFFFFFFF  }
0xad: {  	[dreg:$0x0] =	wrdreg $0x60  }
0xae: {  	[dreg:$0x2] =	wrdreg s24  }
0xaf: {  	[dreg:$0x3] =	wrdreg $0x50000  }
0xb0: {  	[dreg:$0x4] =	wrdreg $0x9  }
0xb1: {  	_ =	task.clear_ibuf [dreg:s6], $0x5FFFF;
	_ =	strace $0x90000046  }
0xb2: {  	s29 =	simm.s32 $0x9;
	_ =	strace $0x80000048  }
0xb3: {  	_ =	swait.ge [sflag:s29], $0x1  }
0xb4: {  	[sflag:s29] =	ssyncadd.s32 $0xFFFFFFFF  }
0xb5: {  	_ =	strace $0x90000048  }
0xb6: {  	_ =	sfence  }
0xb7: {  	s30 =	sld [smem:$0x0];
	_ =	sdelay $0x2  }
0xb8: {  	s31 =	sshll.u32 s1, $0xD;
	s1 =	sshrl.u32 s1, $0x2  }
0xb9: {  	s3 =	sand.u32 $0x4000, s31;
	s1 =	sadd.s32 s1, s30  }
0xba: {  	s0 =	sor.u32 s3, s0;
	s1 =	sshll.u32 s1, $0x11  }
0xbb: {  	s0 =	sor.u32 s1, s0  }
0xbc: {  	s0 =	sadd.s32 $0x8F2B, s0  }
0xbd: {  	[sflag:s0] =	ssyncadd.remote.s32 $0x1  }
0xbe: {  	_ =	sfence.sel $0xFFFF  }
0xbf: {  	[dreg:$0x0] =	wrdreg $0xFFFFFFFF;
	(pc) =	sbr.abs _section_cstart, $3  }
0xc0: {  	[dreg:$0x1] =	wrdreg $0xFFFFFFFF  }
0xc1: {  	_ =	task.clear_ibuf [dreg:s6], $0x2FFFF;
	_ =	strace $0x9FFFFFFF  }
0xc2: {  	(tm) =	ssettm $0x7FFFFFFF  }
0xc3: {  	_ =	shalt  }
tec
execute0_lowered:
.L_overlay_start_1:
0x0: {  	(tag) =	ssettag $0x1  }
0x1: {  	s1 =	srdreg.scid;
	s5 =	rddreg [dreg:$0x0]  }
0x2: {  	s0 =	stileid.u32;
	s2 =	rddreg [dreg:$0x1];
	s3 =	simm.s32 $0x0  }
0x3: {  	s20 =	simm.s32 $0x3400;
	s21 =	simm.s32 $0x1;
	s7 =	smul.u32 $0x2800, s0  }
0x4: {  	s4 =	sand.u32 $0x1, s1;
	s28 =	sshll.u32 s0, $0x1;
	s9 =	smul.u32 $0x50000, s0  }
0x5: {  	s22 =	simm.s32 $0x32;
	s1 =	sor.u32 s4, s28;
	s8 =	smul.u32 $0x28000, s4  }
0x6: {  	[smem:$0x7FF] =	sst s3;
	s4 =	ssub.s32 $0x2, s4;
	s6 =	smul.u32 $0x680, s1  }
0x7: {  	s1 =	rddreg [dreg:$0x2];
	_ =	strace $0x80000047;
	s30 =	sshrl.u32 s4, $0x1  }
0x8: {  	s31 =	sshrl.u32 s9, $0x2;
	s29 =	sadd.s32 s7, s8;
	s19 =	ssub.s32 s4, s30  }
0x9: {  	s4 =	sadd.s32 s31, s2;
	s17 =	sadd.s32 s6, s5;
	s18 =	sadd.s32 s29, s5  }
0xa: {  	s5 =	sadd.s32 $0x1900, s4;
	s6 =	sadd.s32 $0x3200, s4;
	s7 =	sadd.s32 $0x4B00, s4  }
0xb: {  	s8 =	sadd.s32 $0x6400, s4;
	s9 =	sadd.s32 $0x7D00, s4;
	s10 =	sadd.s32 $0x9600, s4  }
0xc: {  	s11 =	sadd.s32 $0xAF00, s4;
	s12 =	sadd.s32 $0xC800, s4;
	s13 =	sadd.s32 $0xE100, s4  }
0xd: {  	s14 =	sadd.s32 $0xFA00, s4;
	s15 =	sadd.s32 $0x11300, s4;
	s16 =	sadd.s32 $0x12C00, s4  }
0xe: {  	v0 =	vimm.f32 $0.0e+00;
	v1 =	vimm.f32 $1.000000000e+00;
	s19 =	smax.u32 s19, $0x1;
	s17 =	sadd.s32 $0x3400, s17;
	s18 =	sadd.s32 $0x10400, s18  }
.LBB2_1:
0xf: {  	s23 =	simm.s32 $0x0;
	s24 =	simm.s32 $0x200  }
.LBB2_2:
0x10: {  	p0 =	sne.s32 s24, $0x6200;
	[tilespmem:s23+$0x3470] =	vst v0  }
0x11: {  	[tilespmem:s23+$0x3400] =	vst v0  }
0x12: {  	[tilespmem:s23+$0x3410] =	vst v0  }
.Ltmp0:
0x13: {  	[tilespmem:s23+$0x3420] =	vst v0;
	(pc) =	sbr.rel @p0 .LBB2_2-.Ltmp0, $4  }
0x14: {  	[tilespmem:s23+$0x3430] =	vst v0  }
0x15: {  	[tilespmem:s23+$0x3440] =	vst v0  }
0x16: {  	[tilespmem:s23+$0x3450] =	vst v0  }
0x17: {  	[tilespmem:s23+$0x3460] =	vst v0;
	s23 =	sshra.s32 s24, $0x2;
	s24 =	sadd.s32 $0x200, s24  }
0x18: {  	[tilespmem:s23+$0x3470] =	vst v0  }
0x19: {  	[tilespmem:s23+$0x3400] =	vst v0  }
0x1a: {  	[tilespmem:s23+$0x3410] =	vst v0  }
0x1b: {  	[tilespmem:s23+$0x3420] =	vst v0  }
0x1c: {  	[tilespmem:s23+$0x3430] =	vst v0  }
0x1d: {  	[tilespmem:s23+$0x3440] =	vst v0  }
0x1e: {  	[tilespmem:s23+$0x3450] =	vst v0  }
0x1f: {  	[tilespmem:s23+$0x3460] =	vst v0  }
0x20: {  	[spmem:s4] =	stream.linear.scatter [tilespmem:s20], [sflag:$0x1], $0x1900, $0x38;
	[tilespmem:$0x19000] =	vst v63  }
0x21: {  	_ =	swait.ge [sflag:s21], $0x1900  }
0x22: {  	[sflag:s21] =	ssyncset.done $0x0  }
0x23: {  	[sflag:s21] =	ssyncadd.s32 $0xFFFFE700  }
0x24: {  	[spmem:s5] =	stream.linear.scatter [tilespmem:s20], [sflag:$0x1], $0x1900, $0x38;
	[tilespmem:$0x19000] =	vst v63  }
0x25: {  	_ =	swait.ge [sflag:s21], $0x1900  }
0x26: {  	[sflag:s21] =	ssyncset.done $0x0  }
0x27: {  	[sflag:s21] =	ssyncadd.s32 $0xFFFFE700  }
0x28: {  	[spmem:s6] =	stream.linear.scatter [tilespmem:s20], [sflag:$0x1], $0x1900, $0x38;
	[tilespmem:$0x19000] =	vst v63  }
0x29: {  	_ =	swait.ge [sflag:s21], $0x1900  }
0x2a: {  	[sflag:s21] =	ssyncset.done $0x0  }
0x2b: {  	[sflag:s21] =	ssyncadd.s32 $0xFFFFE700  }
0x2c: {  	[spmem:s7] =	stream.linear.scatter [tilespmem:s20], [sflag:$0x1], $0x1900, $0x38;
	[tilespmem:$0x19000] =	vst v63  }
0x2d: {  	_ =	swait.ge [sflag:s21], $0x1900  }
0x2e: {  	[sflag:s21] =	ssyncset.done $0x0  }
0x2f: {  	[sflag:s21] =	ssyncadd.s32 $0xFFFFE700  }
0x30: {  	[spmem:s8] =	stream.linear.scatter [tilespmem:s20], [sflag:$0x1], $0x1900, $0x38;
	[tilespmem:$0x19000] =	vst v63  }
0x31: {  	_ =	swait.ge [sflag:s21], $0x1900  }
0x32: {  	[sflag:s21] =	ssyncset.done $0x0  }
0x33: {  	[sflag:s21] =	ssyncadd.s32 $0xFFFFE700  }
0x34: {  	[spmem:s9] =	stream.linear.scatter [tilespmem:s20], [sflag:$0x1], $0x1900, $0x38;
	[tilespmem:$0x19000] =	vst v63  }
0x35: {  	_ =	swait.ge [sflag:s21], $0x1900  }
0x36: {  	[sflag:s21] =	ssyncset.done $0x0  }
0x37: {  	[sflag:s21] =	ssyncadd.s32 $0xFFFFE700  }
0x38: {  	[spmem:s10] =	stream.linear.scatter [tilespmem:s20], [sflag:$0x1], $0x1900, $0x38;
	[tilespmem:$0x19000] =	vst v63  }
0x39: {  	_ =	swait.ge [sflag:s21], $0x1900  }
0x3a: {  	[sflag:s21] =	ssyncset.done $0x0  }
0x3b: {  	[sflag:s21] =	ssyncadd.s32 $0xFFFFE700  }
0x3c: {  	[spmem:s11] =	stream.linear.scatter [tilespmem:s20], [sflag:$0x1], $0x1900, $0x38;
	[tilespmem:$0x19000] =	vst v63  }
0x3d: {  	_ =	swait.ge [sflag:s21], $0x1900  }
0x3e: {  	[sflag:s21] =	ssyncset.done $0x0  }
0x3f: {  	[sflag:s21] =	ssyncadd.s32 $0xFFFFE700  }
0x40: {  	[spmem:s12] =	stream.linear.scatter [tilespmem:s20], [sflag:$0x1], $0x1900, $0x38;
	[tilespmem:$0x19000] =	vst v63  }
0x41: {  	_ =	swait.ge [sflag:s21], $0x1900  }
0x42: {  	[sflag:s21] =	ssyncset.done $0x0  }
0x43: {  	[sflag:s21] =	ssyncadd.s32 $0xFFFFE700  }
0x44: {  	[spmem:s13] =	stream.linear.scatter [tilespmem:s20], [sflag:$0x1], $0x1900, $0x38;
	[tilespmem:$0x19000] =	vst v63  }
0x45: {  	_ =	swait.ge [sflag:s21], $0x1900  }
0x46: {  	[sflag:s21] =	ssyncset.done $0x0  }
0x47: {  	[sflag:s21] =	ssyncadd.s32 $0xFFFFE700  }
0x48: {  	[spmem:s14] =	stream.linear.scatter [tilespmem:s20], [sflag:$0x1], $0x1900, $0x38;
	[tilespmem:$0x19000] =	vst v63  }
0x49: {  	_ =	swait.ge [sflag:s21], $0x1900  }
0x4a: {  	[sflag:s21] =	ssyncset.done $0x0  }
0x4b: {  	[sflag:s21] =	ssyncadd.s32 $0xFFFFE700  }
0x4c: {  	[spmem:s15] =	stream.linear.scatter [tilespmem:s20], [sflag:$0x1], $0x1900, $0x38;
	[tilespmem:$0x19000] =	vst v63  }
0x4d: {  	_ =	swait.ge [sflag:s21], $0x1900  }
0x4e: {  	[sflag:s21] =	ssyncset.done $0x0  }
0x4f: {  	[sflag:s21] =	ssyncadd.s32 $0xFFFFE700  }
0x50: {  	[spmem:s16] =	stream.linear.scatter [tilespmem:s20], [sflag:$0x1], $0x1400, $0x38;
	[tilespmem:$0x19000] =	vst v63  }
0x51: {  	_ =	swait.ge [sflag:s21], $0x1400  }
0x52: {  	[sflag:s21] =	ssyncset.done $0x0  }
0x53: {  	s23 =	simm.s32 $0x0;
	s24 =	simm.s32 $0x200;
	[sflag:s21] =	ssyncadd.s32 $0xFFFFEC00  }
.LBB2_4:
0x54: {  	p0 =	sne.s32 s24, $0x6200;
	[tilespmem:s23+$0x3470] =	vst v1  }
0x55: {  	[tilespmem:s23+$0x3400] =	vst v1  }
0x56: {  	[tilespmem:s23+$0x3410] =	vst v1  }
.Ltmp1:
0x57: {  	[tilespmem:s23+$0x3420] =	vst v1;
	(pc) =	sbr.rel @p0 .LBB2_4-.Ltmp1, $4  }
0x58: {  	[tilespmem:s23+$0x3430] =	vst v1  }
0x59: {  	[tilespmem:s23+$0x3440] =	vst v1  }
0x5a: {  	[tilespmem:s23+$0x3450] =	vst v1  }
0x5b: {  	[tilespmem:s23+$0x3460] =	vst v1;
	s23 =	sshra.s32 s24, $0x2;
	s24 =	sadd.s32 $0x200, s24  }
0x5c: {  	[tilespmem:s23+$0x3470] =	vst v1  }
0x5d: {  	[tilespmem:s23+$0x3400] =	vst v1  }
0x5e: {  	[tilespmem:s23+$0x3410] =	vst v1  }
0x5f: {  	[tilespmem:s23+$0x3420] =	vst v1  }
0x60: {  	[tilespmem:s23+$0x3430] =	vst v1  }
0x61: {  	[tilespmem:s23+$0x3440] =	vst v1  }
0x62: {  	[tilespmem:s23+$0x3450] =	vst v1  }
0x63: {  	[tilespmem:s23+$0x3460] =	vst v1  }
0x64: {  	s30 =	simm.s32 $0x0;
	[bflag:$0x0] =	sbarrier.arrive $0xFFFF  }
0x65: {  	[tilespmem:s30], [sflag:$0x1] =	stream.linear.gather [hbm4b:s17+s30], $0x3200, $0x38;
	[tilespmem:$0x19000] =	vst v63  }
0x66: {  	_ =	swait.ge [sflag:s21], $0x3200  }
0x67: {  	[sflag:s21] =	ssyncset.done $0x0  }
0x68: {  	s31 =	simm.s32 $0x0;
	[sflag:s21] =	ssyncadd.s32 $0xFFFFCE00  }
0x69: {  	[spmem:s2] =	stream.indirect.scatter.add.f32 [tilespmem:s20], [sflag:$0x1], $0x80, s31, s22, $0xb8;
	[tilespmem:$0x19000] =	vst v63  }
0x6a: {  	_ =	swait.ge [sflag:s21], $0x1900  }
0x6b: {  	s23 =	simm.s32 $0x200;
	[sflag:s21] =	ssyncset.done $0x0  }
.LBB2_6:
0x6c: {  	s24 =	sshra.s32 s23, $0x2;
	[sflag:s21] =	ssyncadd.s32 $0xFFFFE700;
	p0 =	sne.s32 s23, $0xC600  }
0x6d: {  	[spmem:s2] =	stream.indirect.scatter.add.f32 [tilespmem:s20], [sflag:$0x1], $0x80, s24, s22, $0xb8;
	[tilespmem:$0x19000] =	vst v63  }
.Ltmp2:
0x6e: {  	_ = 	snop;
	(pc) =	sbr.rel @p0 .LBB2_6-.Ltmp2, $4  }
0x6f: {  	_ = 	snop  }
0x70: {  	s23 =	sadd.s32 $0x200, s23  }
0x71: {  	_ =	swait.ge [sflag:s21], $0x1900  }
0x72: {  	[sflag:s21] =	ssyncset.done $0x0  }
0x73: {  	[sflag:s21] =	ssyncadd.s32 $0xFFFFE700;
	s3 =	sadd.s32 $0x1, s3  }
0x74: {  	s23 =	sshll.u32 s0, $0x6;
	s24 =	sshrl.u32 s4, $0x3;
	p0 =	sne.s32 s3, s19  }
.Ltmp3:
0x75: {  	[bflag:$0x0] =	sbarrier.arrive $0xFFFF;
	s23 =	sor.u32 $0x1C01, s23;
	(pc) =	sbr.rel @p0 .LBB2_1-.Ltmp3, $4  }
0x76: {  	[hbm:s18], [sflag:s23] =	dma.local [spmem:s24], $0x2800  }
0x77: {  	_ =	swait.ge [sflag:s21], $0x2800  }
0x78: {  	[sflag:s21] =	ssyncset.done $0x0  }
0x79: {  	[sflag:s21] =	ssyncadd.s32 $0xFFFFD800  }
0x7a: {  	_ =	sfence.sel $0x180000  }
0x7b: {  	[bflag:$0x0] =	sbarrier.arrive $0xFFFF  }
0x7c: {  	p0 =	sne.s32 s0, $0x0;
	_ =	strace $0x90000047  }
0x7d: {  	s0 =	sadd.s32 @!p0 $0x100000, s1;
	[bflag:$0x2] =	sbarrier.arrive $0xFFFF  }
0x7e: {  	[sflag:s0] =	ssyncadd.tile.s32 @!p0 $0x1;
	_ =	shalt  }
.Lfunc_end2:
_tile_overlayer_lowered:
.L_overlay_start_2:
0x7f: {  	(tag) =	ssettag $0x2  }
0x80: {  	s0 =	rddreg [dreg:$0x0];
	s2 =	stileid.u32  }
0x81: {  	s1 =	rddreg [dreg:$0x1];
	p0 =	sne.s32 s2, $0x0  }
0x82: {  	s3 =	rddreg [dreg:$0x2];
	[bflag:$0x3] =	sbarrier.arrive $0xFFFF;
	s2 =	simm.s32 @!p0 $0x1C01  }
0x83: {  	[timem:s3], [sflag:s2] =	dma.local @!p0 [hbm:s0], s1  }
0x84: {  	s0 =	simm.s32 @!p0 $0x1  }
0x85: {  	_ =	swait.ge @!p0 [sflag:s0], s1  }
0x86: {  	s1 =	ssub.s32 @!p0 $0x0, s1;
	[sflag:s0] =	ssyncset.done @!p0 $0x0  }
0x87: {  	[sflag:s0] =	ssyncadd.s32 @!p0 s1  }
0x88: {  	[bflag:$0x3] =	sbarrier.arrive $0xFFFF  }
0x89: {  	_ =	shalt  }

</sc_bundles>
